<compile_context>
chip_gen: v7x
topology: tpu7x:2x2x1
jax: 0.10.2.dev20260603
libtpu: 0.0.44.dev20260713+nightly
codegen_flags: <defaults>
</compile_context>

<pallas_src>
import functools

import jax
import jax.numpy as jnp
from jax import lax
from jax.experimental import pallas as pl
from jax.experimental.pallas import tpu as pltpu
from jax.experimental.pallas import tpu_sc as plsc

_N = 10000
_E = 320000
_DIN = 128
_DH = 64
_DOUT = 128

_NC = 2
_NS = 16
_NW = _NC * _NS

_CHUNK = 128
_NB = 8
_LA = 4
_K = 80
_EPAD = _NW * _K * _CHUNK
_NACC = 10240
_RPT = _NACC // _NS
_ZR = 128



def _matmul_body(x_ref, w_ref, o_ref):
    o_ref[...] = jnp.dot(x_ref[...], w_ref[...],
                         preferred_element_type=jnp.float32
                         ).astype(jnp.bfloat16)


def _mid_body(p_ref, parts_ref, b1_ref, w2_ref, b2_ref, w3_ref, o_ref):
    z = jnp.maximum(
        p_ref[...].astype(jnp.float32)
        + parts_ref[0, 0:_N, :].astype(jnp.float32)
        + parts_ref[1, 0:_N, :].astype(jnp.float32)
        + b1_ref[...], 0.0)
    h = jnp.maximum(
        jnp.dot(z, w2_ref[...], preferred_element_type=jnp.float32)
        + b2_ref[...], 0.0)
    o_ref[...] = jnp.dot(h, w3_ref[...], preferred_element_type=jnp.float32
                         ).astype(jnp.bfloat16)


def _out_body(p_ref, parts_ref, b3_ref, w4_ref, b4_ref, o_ref):
    z = jnp.maximum(
        p_ref[...].astype(jnp.float32)
        + parts_ref[0, 0:_N, :].astype(jnp.float32)
        + parts_ref[1, 0:_N, :].astype(jnp.float32)
        + b3_ref[...], 0.0)
    o = jnp.dot(z, w4_ref[...], preferred_element_type=jnp.float32) + b4_ref[...]
    s = o - jnp.max(o, axis=1, keepdims=True)
    o_ref[...] = s - jnp.log(jnp.sum(jnp.exp(s), axis=1, keepdims=True))


_matmul = pl.pallas_call(
    _matmul_body,
    out_shape=jax.ShapeDtypeStruct((_N, _DH), jnp.bfloat16),
)

_mid = pl.pallas_call(
    _mid_body,
    out_shape=jax.ShapeDtypeStruct((_N, _DH), jnp.bfloat16),
)

_out = pl.pallas_call(
    _out_body,
    out_shape=jax.ShapeDtypeStruct((_N, _DOUT), jnp.float32),
)



def _make_segsum():
    mesh = plsc.VectorSubcoreMesh(core_axis_name="c", subcore_axis_name="s")

    @functools.partial(
        pl.kernel,
        mesh=mesh,
        compiler_params=pltpu.CompilerParams(use_tc_tiling_on_sc=False),
        out_type=jax.ShapeDtypeStruct((_NC, _NACC, _DH), jnp.bfloat16),
        scratch_types=[
            pltpu.VMEM((2, _K, _CHUNK), jnp.int32),
            pltpu.VMEM((_NB, _CHUNK, _DH), jnp.bfloat16),
            pltpu.VMEM_SHARED((_NACC, _DH), jnp.bfloat16),
        ] + [pltpu.SemaphoreType.DMA] * (2 * _NB),
    )
    def segsum(p_hbm, edge_hbm, out_hbm, idx_v, rows_v, acc, *sems):
        cid = lax.axis_index("c")
        sid = lax.axis_index("s")
        wid = cid * _NS + sid
        sem_g = sems[:_NB]
        sem_s = sems[_NB:]

        src_v = None
        dst_v = None

        def start_gather(j, b):
            pltpu.async_copy(p_hbm.at[src_v.at[j]], rows_v.at[b], sem_g[b])

        def wait_gather(j, b):
            pltpu.make_async_copy(
                p_hbm.at[src_v.at[j]], rows_v.at[b], sem_g[b]).wait()

        def start_scatter(j, b):
            pltpu.async_copy(rows_v.at[b], acc.at[dst_v.at[j]], sem_s[b],
                             add=True)

        def wait_scatter(j, b):
            pltpu.make_async_copy(
                rows_v.at[b], acc.at[dst_v.at[j]], sem_s[b]).wait()

        pltpu.sync_copy(edge_hbm.at[wid], idx_v)
        src_v = idx_v.at[0]
        dst_v = idx_v.at[1]

        for u in range(_LA):
            start_gather(u, u)

        def zrow(r, carry):
            for c in range(_DH // 32):
                rows_v[_NB - 1, r, pl.ds(c * 32, 32)] = jnp.zeros(
                    (32,), jnp.bfloat16)
            return carry
        lax.fori_loop(0, _ZR, zrow, 0)
        base = sid * _RPT
        for t in range(_RPT // _ZR):
            pltpu.sync_copy(rows_v.at[_NB - 1],
                            acc.at[pl.ds(base + t * _ZR, _ZR)])
        plsc.subcore_barrier()

        for u in range(_LA):
            wait_gather(u, u)
            start_scatter(u, u)
            start_gather(u + _LA, (u + _LA) % _NB)

        def body(it, carry):
            j0 = _LA + 8 * it
            for u in range(8):
                j = j0 + u
                b = (_LA + u) % _NB
                wait_gather(j, b)
                start_scatter(j, b)
                wait_scatter(j - _LA, u % _NB)
                start_gather(j + _LA, u % _NB)
            return carry

        lax.fori_loop(0, (_K - 2 * _LA) // 8, body, 0)

        for u in range(_LA):
            j = _K - _LA + u
            wait_gather(j, (_LA + u) % _NB)
            start_scatter(j, (_LA + u) % _NB)
            wait_scatter(j - _LA, u % _NB)
        for u in range(_LA):
            wait_scatter(_K - _LA + u, (_LA + u) % _NB)
        plsc.subcore_barrier()

        pltpu.sync_copy(acc.at[pl.ds(base, _RPT)],
                        out_hbm.at[cid, pl.ds(base, _RPT)])

    return segsum


_segsum = _make_segsum()



def kernel(x, edge_index, W1, b1, W2, b2, W3, b3, W4, b4):
    src = edge_index[0].astype(jnp.int32)
    dst = edge_index[1].astype(jnp.int32)
    npad = _EPAD - _E
    pad_src = jnp.arange(npad, dtype=jnp.int32) % _N
    pad_dst = _N + (jnp.arange(npad, dtype=jnp.int32) % (_NACC - _N))
    edges = jnp.stack([
        jnp.concatenate([src, pad_src]).reshape(_NW, _K, _CHUNK),
        jnp.concatenate([dst, pad_dst]).reshape(_NW, _K, _CHUNK),
    ], axis=1)

    b1r = b1.reshape(1, _DH)
    b2r = b2.reshape(1, _DH)
    b3r = b3.reshape(1, _DH)
    b4r = b4.reshape(1, _DOUT)

    p1 = _matmul(x, W1)
    parts1 = _segsum(p1, edges)
    p2 = _mid(p1, parts1, b1r, W2, b2r, W3)
    parts2 = _segsum(p2, edges)
    return _out(p2, parts2, b3r, W4, b4r)

# --- scband reference (transcript-rebuilt; emitter-appended) ---
"""Pipeline reference for scband-gin-44324062494962 (READ-ONLY COPY).

The authoritative reference and input builder live on the scoring server;
editing this copy changes nothing except your own understanding.
"""

import jax, jax.numpy as jnp
import numpy as np

N_NODES = 10000
N_EDGES = 320000
D_IN = 128
D_HID = 64
D_OUT = 128


def setup_inputs(seed: int = 0) -> dict:
    key = jax.random.key(seed)
    ks = [jax.random.fold_in(key, i) for i in range(12)]
    x = jax.random.normal(ks[0], (N_NODES, D_IN), dtype=jnp.float32)
    edge_index = jax.random.randint(ks[1], (2, N_EDGES), 0, N_NODES, dtype=jnp.int64)
    def lin(k, fan_in, fan_out):
        bound = 1.0 / np.sqrt(fan_in)
        kw, kb = jax.random.fold_in(k, 0), jax.random.fold_in(k, 1)
        W = jax.random.uniform(kw, (fan_in, fan_out), jnp.float32, -bound, bound)
        b = jax.random.uniform(kb, (fan_out,), jnp.float32, -bound, bound)
        return W, b
    W1, b1 = lin(ks[2], D_IN, D_HID)
    W2, b2 = lin(ks[3], D_HID, D_HID)
    W3, b3 = lin(ks[4], D_HID, D_HID)
    W4, b4 = lin(ks[5], D_HID, D_OUT)
    return {"x": x, "edge_index": edge_index, "W1": W1, "b1": b1, "W2": W2, "b2": b2, "W3": W3, "b3": b3, "W4": W4, "b4": b4}


def _gin_conv(h, src, dst, Wa, ba, Wb, bb):
    # GINConv with eps=0: mlp((1+eps)*x + sum_{j in N(i)} x_j)
    msgs = jnp.take(h, src, axis=0)
    agg = jax.ops.segment_sum(msgs, dst, num_segments=N_NODES)
    z = h + agg
    z = jnp.maximum(z @ Wa + ba, 0.0)
    z = z @ Wb + bb
    return z


def reference(x, edge_index, W1, b1, W2, b2, W3, b3, W4, b4):
    src = edge_index[0]
    dst = edge_index[1]
    h = _gin_conv(x, src, dst, W1, b1, W2, b2)
    h = jnp.maximum(h, 0.0)
    # dropout is identity in eval mode
    h = _gin_conv(h, src, dst, W3, b3, W4, b4)
    return jax.nn.log_softmax(h, axis=1)

if __name__ == "__main__":
    import jax
    _d = setup_inputs()
    print(jax.jit(kernel)(*tuple(_d.values())))

</pallas_src>

<mosaic_0001>
#map = affine_map<(d0, d1) -> (0, 0)>
#map1 = affine_map<(d0, d1) -> (0, 0, 0, 0)>
#map2 = affine_map<(d0, d1) -> (0, 0, 0)>
module attributes {stable_mosaic.version = 14 : i64} {
  func.func @segsum(%arg0: i32, %arg1: i32, %arg2: memref<10000x64xbf16, #tpu.memory_space<hbm>>, %arg3: memref<32x2x80x128xi32, #tpu.memory_space<hbm>>, %arg4: memref<2x10240x64xbf16, #tpu.memory_space<hbm>>, %arg5: memref<2x80x128xi32, #tpu.memory_space<vmem>>, %arg6: memref<8x128x64xbf16, #tpu.memory_space<vmem>>, %arg7: memref<10240x64xbf16, #tpu.memory_space<vmem_shared>>, %arg8: memref<!tpu.dma_semaphore, #tpu.memory_space<semaphore_mem>>, %arg9: memref<!tpu.dma_semaphore, #tpu.memory_space<semaphore_mem>>, %arg10: memref<!tpu.dma_semaphore, #tpu.memory_space<semaphore_mem>>, %arg11: memref<!tpu.dma_semaphore, #tpu.memory_space<semaphore_mem>>, %arg12: memref<!tpu.dma_semaphore, #tpu.memory_space<semaphore_mem>>, %arg13: memref<!tpu.dma_semaphore, #tpu.memory_space<semaphore_mem>>, %arg14: memref<!tpu.dma_semaphore, #tpu.memory_space<semaphore_mem>>, %arg15: memref<!tpu.dma_semaphore, #tpu.memory_space<semaphore_mem>>, %arg16: memref<!tpu.dma_semaphore, #tpu.memory_space<semaphore_mem>>, %arg17: memref<!tpu.dma_semaphore, #tpu.memory_space<semaphore_mem>>, %arg18: memref<!tpu.dma_semaphore, #tpu.memory_space<semaphore_mem>>, %arg19: memref<!tpu.dma_semaphore, #tpu.memory_space<semaphore_mem>>, %arg20: memref<!tpu.dma_semaphore, #tpu.memory_space<semaphore_mem>>, %arg21: memref<!tpu.dma_semaphore, #tpu.memory_space<semaphore_mem>>, %arg22: memref<!tpu.dma_semaphore, #tpu.memory_space<semaphore_mem>>, %arg23: memref<!tpu.dma_semaphore, #tpu.memory_space<semaphore_mem>>) attributes {dimension_semantics = [#tpu.dimension_semantics<core_parallel>, #tpu.dimension_semantics<subcore_parallel>], iteration_bounds = array<i64: 2, 16>, scalar_prefetch = 0 : i64, scratch_operands = 19 : i64, tpu.core_type = #tpu.core_type<sc_vector_subcore>, window_params = [{transform_indices = #map}, {transform_indices = #map1}, {transform_indices = #map2}]} {
    %mul3A = arith.constant 16 : i32
    %mul3A_0 = arith.muli %arg0, %mul3A : i32
    %add3A = arith.addi %mul3A_0, %arg1 : i32
    "tpu.region"() ({
      %run_scoped3A_573 = tpu.sem_alloc : memref<!tpu.dma_semaphore, #tpu.memory_space<semaphore_mem>>
      %dma_start3A_574 = arith.constant 0 : i32
      %dma_start3A_575 = arith.constant 0 : i32
      %dma_start3A_576 = arith.constant 0 : i32
      %dma_start3A_577 = tpu.memref_slice %arg3[%add3A, %dma_start3A_574, %dma_start3A_575, %dma_start3A_576] : memref<32x2x80x128xi32, #tpu.memory_space<hbm>> -> memref<1x2x80x128xi32, #tpu.memory_space<hbm>>
      %dma_start3A_578 = tpu.memref_squeeze %dma_start3A_577 : memref<1x2x80x128xi32, #tpu.memory_space<hbm>> -> memref<2x80x128xi32, #tpu.memory_space<hbm>>
      %dma_start3A_579 = arith.constant 0 : i32
      %dma_start3A_580 = arith.constant 0 : i32
      %dma_start3A_581 = arith.constant 0 : i32
      %dma_start3A_582 = tpu.memref_slice %arg3[%add3A, %dma_start3A_579, %dma_start3A_580, %dma_start3A_581] : memref<32x2x80x128xi32, #tpu.memory_space<hbm>> -> memref<1x2x80x128xi32, #tpu.memory_space<hbm>>
      %dma_start3A_583 = tpu.memref_squeeze %dma_start3A_582 : memref<1x2x80x128xi32, #tpu.memory_space<hbm>> -> memref<2x80x128xi32, #tpu.memory_space<hbm>>
      tpu.enqueue_dma source(%dma_start3A_583 : memref<2x80x128xi32, #tpu.memory_space<hbm>>) target(%arg5 : memref<2x80x128xi32, #tpu.memory_space<vmem>>) target_semaphore(%run_scoped3A_573 : memref<!tpu.dma_semaphore, #tpu.memory_space<semaphore_mem>>)
      %dma_wait3A_584 = arith.constant 0 : i32
      %dma_wait3A_585 = arith.constant 0 : i32
      %dma_wait3A_586 = arith.constant 0 : i32
      %dma_wait3A_587 = tpu.memref_slice %arg3[%add3A, %dma_wait3A_584, %dma_wait3A_585, %dma_wait3A_586] : memref<32x2x80x128xi32, #tpu.memory_space<hbm>> -> memref<1x2x80x128xi32, #tpu.memory_space<hbm>>
      %dma_wait3A_588 = tpu.memref_squeeze %dma_wait3A_587 : memref<1x2x80x128xi32, #tpu.memory_space<hbm>> -> memref<2x80x128xi32, #tpu.memory_space<hbm>>
      %dma_wait3A_589 = arith.constant 0 : i32
      %dma_wait3A_590 = arith.constant 0 : i32
      %dma_wait3A_591 = arith.constant 0 : i32
      %dma_wait3A_592 = tpu.memref_slice %arg3[%add3A, %dma_wait3A_589, %dma_wait3A_590, %dma_wait3A_591] : memref<32x2x80x128xi32, #tpu.memory_space<hbm>> -> memref<1x2x80x128xi32, #tpu.memory_space<hbm>>
      %dma_wait3A_593 = tpu.memref_squeeze %dma_wait3A_592 : memref<1x2x80x128xi32, #tpu.memory_space<hbm>> -> memref<2x80x128xi32, #tpu.memory_space<hbm>>
      tpu.wait_dma2 semaphore(%run_scoped3A_573 : memref<!tpu.dma_semaphore, #tpu.memory_space<semaphore_mem>>) src(%dma_wait3A_593 : memref<2x80x128xi32, #tpu.memory_space<hbm>>) dst(%arg5 : memref<2x80x128xi32, #tpu.memory_space<vmem>>)
      tpu.yield
    }) : () -> ()
    %dma_start3A = arith.constant 0 : i32
    %dma_start3A_1 = arith.constant 0 : i32
    %dma_start3A_2 = arith.constant 0 : i32
    %dma_start3A_3 = arith.constant 0 : i32
    %dma_start3A_4 = arith.constant 0 : i32
    %dma_start3A_5 = tpu.memref_slice %arg6[%dma_start3A_2, %dma_start3A_3, %dma_start3A_4] : memref<8x128x64xbf16, #tpu.memory_space<vmem>> -> memref<1x128x64xbf16, #tpu.memory_space<vmem>>
    %dma_start3A_6 = tpu.memref_squeeze %dma_start3A_5 : memref<1x128x64xbf16, #tpu.memory_space<vmem>> -> memref<128x64xbf16, #tpu.memory_space<vmem>>
    %dma_start3A_7 = arith.constant 0 : i32
    %dma_start3A_8 = arith.constant 0 : i32
    %dma_start3A_9 = tpu.memref_slice %arg5[%dma_start3A, %dma_start3A_7, %dma_start3A_8] : memref<2x80x128xi32, #tpu.memory_space<vmem>> -> memref<1x80x128xi32, #tpu.memory_space<vmem>>
    %dma_start3A_10 = tpu.memref_squeeze %dma_start3A_9 : memref<1x80x128xi32, #tpu.memory_space<vmem>> -> memref<80x128xi32, #tpu.memory_space<vmem>>
    %dma_start3A_11 = arith.constant 0 : i32
    %dma_start3A_12 = tpu.memref_slice %dma_start3A_10[%dma_start3A_1, %dma_start3A_11] : memref<80x128xi32, #tpu.memory_space<vmem>> -> memref<1x128xi32, #tpu.memory_space<vmem>>
    %dma_start3A_13 = tpu.memref_squeeze %dma_start3A_12 : memref<1x128xi32, #tpu.memory_space<vmem>> -> memref<128xi32, #tpu.memory_space<vmem>>
    %dma_start3A_14 = arith.constant 0 : i32
    %dma_start3A_15 = arith.constant 0 : i32
    %dma_start3A_16 = tpu.memref_slice %arg2[%dma_start3A_14, %dma_start3A_15] : memref<10000x64xbf16, #tpu.memory_space<hbm>> -> memref<10000x64xbf16, #tpu.memory_space<hbm>>
    tpu.enqueue_indirect_dma source(%dma_start3A_16 : memref<10000x64xbf16, #tpu.memory_space<hbm>>) target(%dma_start3A_6 : memref<128x64xbf16, #tpu.memory_space<vmem>>) offsets(%dma_start3A_13 : memref<128xi32, #tpu.memory_space<vmem>>) semaphore(%arg8 : memref<!tpu.dma_semaphore, #tpu.memory_space<semaphore_mem>>)
    %dma_start3A_17 = arith.constant 0 : i32
    %dma_start3A_18 = arith.constant 1 : i32
    %dma_start3A_19 = arith.constant 1 : i32
    %dma_start3A_20 = arith.constant 0 : i32
    %dma_start3A_21 = arith.constant 0 : i32
    %dma_start3A_22 = tpu.memref_slice %arg6[%dma_start3A_19, %dma_start3A_20, %dma_start3A_21] : memref<8x128x64xbf16, #tpu.memory_space<vmem>> -> memref<1x128x64xbf16, #tpu.memory_space<vmem>>
    %dma_start3A_23 = tpu.memref_squeeze %dma_start3A_22 : memref<1x128x64xbf16, #tpu.memory_space<vmem>> -> memref<128x64xbf16, #tpu.memory_space<vmem>>
    %dma_start3A_24 = arith.constant 0 : i32
    %dma_start3A_25 = arith.constant 0 : i32
    %dma_start3A_26 = tpu.memref_slice %arg5[%dma_start3A_17, %dma_start3A_24, %dma_start3A_25] : memref<2x80x128xi32, #tpu.memory_space<vmem>> -> memref<1x80x128xi32, #tpu.memory_space<vmem>>
    %dma_start3A_27 = tpu.memref_squeeze %dma_start3A_26 : memref<1x80x128xi32, #tpu.memory_space<vmem>> -> memref<80x128xi32, #tpu.memory_space<vmem>>
    %dma_start3A_28 = arith.constant 0 : i32
    %dma_start3A_29 = tpu.memref_slice %dma_start3A_27[%dma_start3A_18, %dma_start3A_28] : memref<80x128xi32, #tpu.memory_space<vmem>> -> memref<1x128xi32, #tpu.memory_space<vmem>>
    %dma_start3A_30 = tpu.memref_squeeze %dma_start3A_29 : memref<1x128xi32, #tpu.memory_space<vmem>> -> memref<128xi32, #tpu.memory_space<vmem>>
    %dma_start3A_31 = arith.constant 0 : i32
    %dma_start3A_32 = arith.constant 0 : i32
    %dma_start3A_33 = tpu.memref_slice %arg2[%dma_start3A_31, %dma_start3A_32] : memref<10000x64xbf16, #tpu.memory_space<hbm>> -> memref<10000x64xbf16, #tpu.memory_space<hbm>>
    tpu.enqueue_indirect_dma source(%dma_start3A_33 : memref<10000x64xbf16, #tpu.memory_space<hbm>>) target(%dma_start3A_23 : memref<128x64xbf16, #tpu.memory_space<vmem>>) offsets(%dma_start3A_30 : memref<128xi32, #tpu.memory_space<vmem>>) semaphore(%arg9 : memref<!tpu.dma_semaphore, #tpu.memory_space<semaphore_mem>>)
    %dma_start3A_34 = arith.constant 0 : i32
    %dma_start3A_35 = arith.constant 2 : i32
    %dma_start3A_36 = arith.constant 2 : i32
    %dma_start3A_37 = arith.constant 0 : i32
    %dma_start3A_38 = arith.constant 0 : i32
    %dma_start3A_39 = tpu.memref_slice %arg6[%dma_start3A_36, %dma_start3A_37, %dma_start3A_38] : memref<8x128x64xbf16, #tpu.memory_space<vmem>> -> memref<1x128x64xbf16, #tpu.memory_space<vmem>>
    %dma_start3A_40 = tpu.memref_squeeze %dma_start3A_39 : memref<1x128x64xbf16, #tpu.memory_space<vmem>> -> memref<128x64xbf16, #tpu.memory_space<vmem>>
    %dma_start3A_41 = arith.constant 0 : i32
    %dma_start3A_42 = arith.constant 0 : i32
    %dma_start3A_43 = tpu.memref_slice %arg5[%dma_start3A_34, %dma_start3A_41, %dma_start3A_42] : memref<2x80x128xi32, #tpu.memory_space<vmem>> -> memref<1x80x128xi32, #tpu.memory_space<vmem>>
    %dma_start3A_44 = tpu.memref_squeeze %dma_start3A_43 : memref<1x80x128xi32, #tpu.memory_space<vmem>> -> memref<80x128xi32, #tpu.memory_space<vmem>>
    %dma_start3A_45 = arith.constant 0 : i32
    %dma_start3A_46 = tpu.memref_slice %dma_start3A_44[%dma_start3A_35, %dma_start3A_45] : memref<80x128xi32, #tpu.memory_space<vmem>> -> memref<1x128xi32, #tpu.memory_space<vmem>>
    %dma_start3A_47 = tpu.memref_squeeze %dma_start3A_46 : memref<1x128xi32, #tpu.memory_space<vmem>> -> memref<128xi32, #tpu.memory_space<vmem>>
    %dma_start3A_48 = arith.constant 0 : i32
    %dma_start3A_49 = arith.constant 0 : i32
    %dma_start3A_50 = tpu.memref_slice %arg2[%dma_start3A_48, %dma_start3A_49] : memref<10000x64xbf16, #tpu.memory_space<hbm>> -> memref<10000x64xbf16, #tpu.memory_space<hbm>>
    tpu.enqueue_indirect_dma source(%dma_start3A_50 : memref<10000x64xbf16, #tpu.memory_space<hbm>>) target(%dma_start3A_40 : memref<128x64xbf16, #tpu.memory_space<vmem>>) offsets(%dma_start3A_47 : memref<128xi32, #tpu.memory_space<vmem>>) semaphore(%arg10 : memref<!tpu.dma_semaphore, #tpu.memory_space<semaphore_mem>>)
    %dma_start3A_51 = arith.constant 0 : i32
    %dma_start3A_52 = arith.constant 3 : i32
    %dma_start3A_53 = arith.constant 3 : i32
    %dma_start3A_54 = arith.constant 0 : i32
    %dma_start3A_55 = arith.constant 0 : i32
    %dma_start3A_56 = tpu.memref_slice %arg6[%dma_start3A_53, %dma_start3A_54, %dma_start3A_55] : memref<8x128x64xbf16, #tpu.memory_space<vmem>> -> memref<1x128x64xbf16, #tpu.memory_space<vmem>>
    %dma_start3A_57 = tpu.memref_squeeze %dma_start3A_56 : memref<1x128x64xbf16, #tpu.memory_space<vmem>> -> memref<128x64xbf16, #tpu.memory_space<vmem>>
    %dma_start3A_58 = arith.constant 0 : i32
    %dma_start3A_59 = arith.constant 0 : i32
    %dma_start3A_60 = tpu.memref_slice %arg5[%dma_start3A_51, %dma_start3A_58, %dma_start3A_59] : memref<2x80x128xi32, #tpu.memory_space<vmem>> -> memref<1x80x128xi32, #tpu.memory_space<vmem>>
    %dma_start3A_61 = tpu.memref_squeeze %dma_start3A_60 : memref<1x80x128xi32, #tpu.memory_space<vmem>> -> memref<80x128xi32, #tpu.memory_space<vmem>>
    %dma_start3A_62 = arith.constant 0 : i32
    %dma_start3A_63 = tpu.memref_slice %dma_start3A_61[%dma_start3A_52, %dma_start3A_62] : memref<80x128xi32, #tpu.memory_space<vmem>> -> memref<1x128xi32, #tpu.memory_space<vmem>>
    %dma_start3A_64 = tpu.memref_squeeze %dma_start3A_63 : memref<1x128xi32, #tpu.memory_space<vmem>> -> memref<128xi32, #tpu.memory_space<vmem>>
    %dma_start3A_65 = arith.constant 0 : i32
    %dma_start3A_66 = arith.constant 0 : i32
    %dma_start3A_67 = tpu.memref_slice %arg2[%dma_start3A_65, %dma_start3A_66] : memref<10000x64xbf16, #tpu.memory_space<hbm>> -> memref<10000x64xbf16, #tpu.memory_space<hbm>>
    tpu.enqueue_indirect_dma source(%dma_start3A_67 : memref<10000x64xbf16, #tpu.memory_space<hbm>>) target(%dma_start3A_57 : memref<128x64xbf16, #tpu.memory_space<vmem>>) offsets(%dma_start3A_64 : memref<128xi32, #tpu.memory_space<vmem>>) semaphore(%arg11 : memref<!tpu.dma_semaphore, #tpu.memory_space<semaphore_mem>>)
    %scan3A = arith.constant 0 : i32
    %scan3A_68 = arith.constant 0 : i32
    %scan3A_69 = arith.constant 128 : i32
    %scan3A_70 = arith.addi %scan3A_68, %scan3A_69 : i32
    %scan3A_71 = arith.constant 1 : i32
    scf.for %scan3A_573 = %scan3A_68 to %scan3A_70 step %scan3A_71  : i32 {
      %broadcast_in_dim3A = arith.constant 0.000000e+00 : bf16
      %broadcast_in_dim3A_574 = vector.broadcast %broadcast_in_dim3A : bf16 to vector<32xbf16>
      %swap3A = arith.constant 7 : i32
      %swap3A_575 = arith.index_cast %swap3A : i32 to index
      %swap3A_576 = arith.index_cast %scan3A_573 : i32 to index
      %swap3A_577 = arith.constant 0 : index
      %swap3A_578 = tpu.vector_load %arg6[%swap3A_575, %swap3A_576, %swap3A_577] {strides = array<i32>} : memref<8x128x64xbf16, #tpu.memory_space<vmem>>, vector<1x1x32xbf16>,
      %swap3A_579 = vector.shape_cast %swap3A_578 : vector<1x1x32xbf16> to vector<32xbf16>
      %swap3A_580 = vector.shape_cast %broadcast_in_dim3A_574 : vector<32xbf16> to vector<1x1x32xbf16>
      tpu.vector_store %arg6[%swap3A_575, %swap3A_576, %swap3A_577], %swap3A_580 {strides = array<i32>} : memref<8x128x64xbf16, #tpu.memory_space<vmem>>, vector<1x1x32xbf16>,
      %broadcast_in_dim3A_581 = arith.constant 0.000000e+00 : bf16
      %broadcast_in_dim3A_582 = vector.broadcast %broadcast_in_dim3A_581 : bf16 to vector<32xbf16>
      %swap3A_583 = arith.constant 7 : i32
      %swap3A_584 = arith.index_cast %swap3A_583 : i32 to index
      %swap3A_585 = arith.index_cast %scan3A_573 : i32 to index
      %swap3A_586 = arith.constant 32 : index
      %swap3A_587 = tpu.vector_load %arg6[%swap3A_584, %swap3A_585, %swap3A_586] {strides = array<i32>} : memref<8x128x64xbf16, #tpu.memory_space<vmem>>, vector<1x1x32xbf16>,
      %swap3A_588 = vector.shape_cast %swap3A_587 : vector<1x1x32xbf16> to vector<32xbf16>
      %swap3A_589 = vector.shape_cast %broadcast_in_dim3A_582 : vector<32xbf16> to vector<1x1x32xbf16>
      tpu.vector_store %arg6[%swap3A_584, %swap3A_585, %swap3A_586], %swap3A_589 {strides = array<i32>} : memref<8x128x64xbf16, #tpu.memory_space<vmem>>, vector<1x1x32xbf16>,
    }
    %scan3A_72 = arith.constant 128 : i32
    %mul3A_73 = arith.constant 640 : i32
    %mul3A_74 = arith.muli %arg1, %mul3A_73 : i32
    %add3A_75 = arith.constant 0 : i32
    %add3A_76 = arith.addi %mul3A_74, %add3A_75 : i32
    %run_scoped3A = arith.constant 7 : i32
    "tpu.region"() ({
      %run_scoped3A_573 = tpu.sem_alloc : memref<!tpu.dma_semaphore, #tpu.memory_space<semaphore_mem>>
      %dma_start3A_574 = arith.constant 0 : i32
      %dma_start3A_575 = arith.constant 0 : i32
      %dma_start3A_576 = tpu.memref_slice %arg6[%run_scoped3A, %dma_start3A_574, %dma_start3A_575] : memref<8x128x64xbf16, #tpu.memory_space<vmem>> -> memref<1x128x64xbf16, #tpu.memory_space<vmem>>
      %dma_start3A_577 = tpu.memref_squeeze %dma_start3A_576 : memref<1x128x64xbf16, #tpu.memory_space<vmem>> -> memref<128x64xbf16, #tpu.memory_space<vmem>>
      %dma_start3A_578 = arith.constant 0 : i32
      %dma_start3A_579 = tpu.memref_slice %arg7[%add3A_76, %dma_start3A_578] : memref<10240x64xbf16, #tpu.memory_space<vmem_shared>> -> memref<128x64xbf16, #tpu.memory_space<vmem_shared>>
      %dma_start3A_580 = arith.constant 0 : i32
      %dma_start3A_581 = tpu.memref_slice %arg7[%add3A_76, %dma_start3A_580] : memref<10240x64xbf16, #tpu.memory_space<vmem_shared>> -> memref<128x64xbf16, #tpu.memory_space<vmem_shared>>
      %dma_start3A_582 = arith.constant 0 : i32
      %dma_start3A_583 = arith.constant 0 : i32
      %dma_start3A_584 = tpu.memref_slice %arg6[%run_scoped3A, %dma_start3A_582, %dma_start3A_583] : memref<8x128x64xbf16, #tpu.memory_space<vmem>> -> memref<1x128x64xbf16, #tpu.memory_space<vmem>>
      %dma_start3A_585 = tpu.memref_squeeze %dma_start3A_584 : memref<1x128x64xbf16, #tpu.memory_space<vmem>> -> memref<128x64xbf16, #tpu.memory_space<vmem>>
      tpu.enqueue_dma source(%dma_start3A_585 : memref<128x64xbf16, #tpu.memory_space<vmem>>) target(%dma_start3A_581 : memref<128x64xbf16, #tpu.memory_space<vmem_shared>>) target_semaphore(%run_scoped3A_573 : memref<!tpu.dma_semaphore, #tpu.memory_space<semaphore_mem>>)
      %dma_wait3A_586 = arith.constant 0 : i32
      %dma_wait3A_587 = arith.constant 0 : i32
      %dma_wait3A_588 = tpu.memref_slice %arg6[%run_scoped3A, %dma_wait3A_586, %dma_wait3A_587] : memref<8x128x64xbf16, #tpu.memory_space<vmem>> -> memref<1x128x64xbf16, #tpu.memory_space<vmem>>
      %dma_wait3A_589 = tpu.memref_squeeze %dma_wait3A_588 : memref<1x128x64xbf16, #tpu.memory_space<vmem>> -> memref<128x64xbf16, #tpu.memory_space<vmem>>
      %dma_wait3A_590 = arith.constant 0 : i32
      %dma_wait3A_591 = tpu.memref_slice %arg7[%add3A_76, %dma_wait3A_590] : memref<10240x64xbf16, #tpu.memory_space<vmem_shared>> -> memref<128x64xbf16, #tpu.memory_space<vmem_shared>>
      %dma_wait3A_592 = arith.constant 0 : i32
      %dma_wait3A_593 = tpu.memref_slice %arg7[%add3A_76, %dma_wait3A_592] : memref<10240x64xbf16, #tpu.memory_space<vmem_shared>> -> memref<128x64xbf16, #tpu.memory_space<vmem_shared>>
      %dma_wait3A_594 = arith.constant 0 : i32
      %dma_wait3A_595 = arith.constant 0 : i32
      %dma_wait3A_596 = tpu.memref_slice %arg6[%run_scoped3A, %dma_wait3A_594, %dma_wait3A_595] : memref<8x128x64xbf16, #tpu.memory_space<vmem>> -> memref<1x128x64xbf16, #tpu.memory_space<vmem>>
      %dma_wait3A_597 = tpu.memref_squeeze %dma_wait3A_596 : memref<1x128x64xbf16, #tpu.memory_space<vmem>> -> memref<128x64xbf16, #tpu.memory_space<vmem>>
      tpu.wait_dma2 semaphore(%run_scoped3A_573 : memref<!tpu.dma_semaphore, #tpu.memory_space<semaphore_mem>>) src(%dma_wait3A_597 : memref<128x64xbf16, #tpu.memory_space<vmem>>) dst(%dma_wait3A_593 : memref<128x64xbf16, #tpu.memory_space<vmem_shared>>)
      tpu.yield
    }) : () -> ()
    %add3A_77 = arith.constant 128 : i32
    %add3A_78 = arith.addi %mul3A_74, %add3A_77 : i32
    %run_scoped3A_79 = arith.constant 7 : i32
    "tpu.region"() ({
      %run_scoped3A_573 = tpu.sem_alloc : memref<!tpu.dma_semaphore, #tpu.memory_space<semaphore_mem>>
      %dma_start3A_574 = arith.constant 0 : i32
      %dma_start3A_575 = arith.constant 0 : i32
      %dma_start3A_576 = tpu.memref_slice %arg6[%run_scoped3A_79, %dma_start3A_574, %dma_start3A_575] : memref<8x128x64xbf16, #tpu.memory_space<vmem>> -> memref<1x128x64xbf16, #tpu.memory_space<vmem>>
      %dma_start3A_577 = tpu.memref_squeeze %dma_start3A_576 : memref<1x128x64xbf16, #tpu.memory_space<vmem>> -> memref<128x64xbf16, #tpu.memory_space<vmem>>
      %dma_start3A_578 = arith.constant 0 : i32
      %dma_start3A_579 = tpu.memref_slice %arg7[%add3A_78, %dma_start3A_578] : memref<10240x64xbf16, #tpu.memory_space<vmem_shared>> -> memref<128x64xbf16, #tpu.memory_space<vmem_shared>>
      %dma_start3A_580 = arith.constant 0 : i32
      %dma_start3A_581 = tpu.memref_slice %arg7[%add3A_78, %dma_start3A_580] : memref<10240x64xbf16, #tpu.memory_space<vmem_shared>> -> memref<128x64xbf16, #tpu.memory_space<vmem_shared>>
      %dma_start3A_582 = arith.constant 0 : i32
      %dma_start3A_583 = arith.constant 0 : i32
      %dma_start3A_584 = tpu.memref_slice %arg6[%run_scoped3A_79, %dma_start3A_582, %dma_start3A_583] : memref<8x128x64xbf16, #tpu.memory_space<vmem>> -> memref<1x128x64xbf16, #tpu.memory_space<vmem>>
      %dma_start3A_585 = tpu.memref_squeeze %dma_start3A_584 : memref<1x128x64xbf16, #tpu.memory_space<vmem>> -> memref<128x64xbf16, #tpu.memory_space<vmem>>
      tpu.enqueue_dma source(%dma_start3A_585 : memref<128x64xbf16, #tpu.memory_space<vmem>>) target(%dma_start3A_581 : memref<128x64xbf16, #tpu.memory_space<vmem_shared>>) target_semaphore(%run_scoped3A_573 : memref<!tpu.dma_semaphore, #tpu.memory_space<semaphore_mem>>)
      %dma_wait3A_586 = arith.constant 0 : i32
      %dma_wait3A_587 = arith.constant 0 : i32
      %dma_wait3A_588 = tpu.memref_slice %arg6[%run_scoped3A_79, %dma_wait3A_586, %dma_wait3A_587] : memref<8x128x64xbf16, #tpu.memory_space<vmem>> -> memref<1x128x64xbf16, #tpu.memory_space<vmem>>
      %dma_wait3A_589 = tpu.memref_squeeze %dma_wait3A_588 : memref<1x128x64xbf16, #tpu.memory_space<vmem>> -> memref<128x64xbf16, #tpu.memory_space<vmem>>
      %dma_wait3A_590 = arith.constant 0 : i32
      %dma_wait3A_591 = tpu.memref_slice %arg7[%add3A_78, %dma_wait3A_590] : memref<10240x64xbf16, #tpu.memory_space<vmem_shared>> -> memref<128x64xbf16, #tpu.memory_space<vmem_shared>>
      %dma_wait3A_592 = arith.constant 0 : i32
      %dma_wait3A_593 = tpu.memref_slice %arg7[%add3A_78, %dma_wait3A_592] : memref<10240x64xbf16, #tpu.memory_space<vmem_shared>> -> memref<128x64xbf16, #tpu.memory_space<vmem_shared>>
      %dma_wait3A_594 = arith.constant 0 : i32
      %dma_wait3A_595 = arith.constant 0 : i32
      %dma_wait3A_596 = tpu.memref_slice %arg6[%run_scoped3A_79, %dma_wait3A_594, %dma_wait3A_595] : memref<8x128x64xbf16, #tpu.memory_space<vmem>> -> memref<1x128x64xbf16, #tpu.memory_space<vmem>>
      %dma_wait3A_597 = tpu.memref_squeeze %dma_wait3A_596 : memref<1x128x64xbf16, #tpu.memory_space<vmem>> -> memref<128x64xbf16, #tpu.memory_space<vmem>>
      tpu.wait_dma2 semaphore(%run_scoped3A_573 : memref<!tpu.dma_semaphore, #tpu.memory_space<semaphore_mem>>) src(%dma_wait3A_597 : memref<128x64xbf16, #tpu.memory_space<vmem>>) dst(%dma_wait3A_593 : memref<128x64xbf16, #tpu.memory_space<vmem_shared>>)
      tpu.yield
    }) : () -> ()
    %add3A_80 = arith.constant 256 : i32
    %add3A_81 = arith.addi %mul3A_74, %add3A_80 : i32
    %run_scoped3A_82 = arith.constant 7 : i32
    "tpu.region"() ({
      %run_scoped3A_573 = tpu.sem_alloc : memref<!tpu.dma_semaphore, #tpu.memory_space<semaphore_mem>>
      %dma_start3A_574 = arith.constant 0 : i32
      %dma_start3A_575 = arith.constant 0 : i32
      %dma_start3A_576 = tpu.memref_slice %arg6[%run_scoped3A_82, %dma_start3A_574, %dma_start3A_575] : memref<8x128x64xbf16, #tpu.memory_space<vmem>> -> memref<1x128x64xbf16, #tpu.memory_space<vmem>>
      %dma_start3A_577 = tpu.memref_squeeze %dma_start3A_576 : memref<1x128x64xbf16, #tpu.memory_space<vmem>> -> memref<128x64xbf16, #tpu.memory_space<vmem>>
      %dma_start3A_578 = arith.constant 0 : i32
      %dma_start3A_579 = tpu.memref_slice %arg7[%add3A_81, %dma_start3A_578] : memref<10240x64xbf16, #tpu.memory_space<vmem_shared>> -> memref<128x64xbf16, #tpu.memory_space<vmem_shared>>
      %dma_start3A_580 = arith.constant 0 : i32
      %dma_start3A_581 = tpu.memref_slice %arg7[%add3A_81, %dma_start3A_580] : memref<10240x64xbf16, #tpu.memory_space<vmem_shared>> -> memref<128x64xbf16, #tpu.memory_space<vmem_shared>>
      %dma_start3A_582 = arith.constant 0 : i32
      %dma_start3A_583 = arith.constant 0 : i32
      %dma_start3A_584 = tpu.memref_slice %arg6[%run_scoped3A_82, %dma_start3A_582, %dma_start3A_583] : memref<8x128x64xbf16, #tpu.memory_space<vmem>> -> memref<1x128x64xbf16, #tpu.memory_space<vmem>>
      %dma_start3A_585 = tpu.memref_squeeze %dma_start3A_584 : memref<1x128x64xbf16, #tpu.memory_space<vmem>> -> memref<128x64xbf16, #tpu.memory_space<vmem>>
      tpu.enqueue_dma source(%dma_start3A_585 : memref<128x64xbf16, #tpu.memory_space<vmem>>) target(%dma_start3A_581 : memref<128x64xbf16, #tpu.memory_space<vmem_shared>>) target_semaphore(%run_scoped3A_573 : memref<!tpu.dma_semaphore, #tpu.memory_space<semaphore_mem>>)
      %dma_wait3A_586 = arith.constant 0 : i32
      %dma_wait3A_587 = arith.constant 0 : i32
      %dma_wait3A_588 = tpu.memref_slice %arg6[%run_scoped3A_82, %dma_wait3A_586, %dma_wait3A_587] : memref<8x128x64xbf16, #tpu.memory_space<vmem>> -> memref<1x128x64xbf16, #tpu.memory_space<vmem>>
      %dma_wait3A_589 = tpu.memref_squeeze %dma_wait3A_588 : memref<1x128x64xbf16, #tpu.memory_space<vmem>> -> memref<128x64xbf16, #tpu.memory_space<vmem>>
      %dma_wait3A_590 = arith.constant 0 : i32
      %dma_wait3A_591 = tpu.memref_slice %arg7[%add3A_81, %dma_wait3A_590] : memref<10240x64xbf16, #tpu.memory_space<vmem_shared>> -> memref<128x64xbf16, #tpu.memory_space<vmem_shared>>
      %dma_wait3A_592 = arith.constant 0 : i32
      %dma_wait3A_593 = tpu.memref_slice %arg7[%add3A_81, %dma_wait3A_592] : memref<10240x64xbf16, #tpu.memory_space<vmem_shared>> -> memref<128x64xbf16, #tpu.memory_space<vmem_shared>>
      %dma_wait3A_594 = arith.constant 0 : i32
      %dma_wait3A_595 = arith.constant 0 : i32
      %dma_wait3A_596 = tpu.memref_slice %arg6[%run_scoped3A_82, %dma_wait3A_594, %dma_wait3A_595] : memref<8x128x64xbf16, #tpu.memory_space<vmem>> -> memref<1x128x64xbf16, #tpu.memory_space<vmem>>
      %dma_wait3A_597 = tpu.memref_squeeze %dma_wait3A_596 : memref<1x128x64xbf16, #tpu.memory_space<vmem>> -> memref<128x64xbf16, #tpu.memory_space<vmem>>
      tpu.wait_dma2 semaphore(%run_scoped3A_573 : memref<!tpu.dma_semaphore, #tpu.memory_space<semaphore_mem>>) src(%dma_wait3A_597 : memref<128x64xbf16, #tpu.memory_space<vmem>>) dst(%dma_wait3A_593 : memref<128x64xbf16, #tpu.memory_space<vmem_shared>>)
      tpu.yield
    }) : () -> ()
    %add3A_83 = arith.constant 384 : i32
    %add3A_84 = arith.addi %mul3A_74, %add3A_83 : i32
    %run_scoped3A_85 = arith.constant 7 : i32
    "tpu.region"() ({
      %run_scoped3A_573 = tpu.sem_alloc : memref<!tpu.dma_semaphore, #tpu.memory_space<semaphore_mem>>
      %dma_start3A_574 = arith.constant 0 : i32
      %dma_start3A_575 = arith.constant 0 : i32
      %dma_start3A_576 = tpu.memref_slice %arg6[%run_scoped3A_85, %dma_start3A_574, %dma_start3A_575] : memref<8x128x64xbf16, #tpu.memory_space<vmem>> -> memref<1x128x64xbf16, #tpu.memory_space<vmem>>
      %dma_start3A_577 = tpu.memref_squeeze %dma_start3A_576 : memref<1x128x64xbf16, #tpu.memory_space<vmem>> -> memref<128x64xbf16, #tpu.memory_space<vmem>>
      %dma_start3A_578 = arith.constant 0 : i32
      %dma_start3A_579 = tpu.memref_slice %arg7[%add3A_84, %dma_start3A_578] : memref<10240x64xbf16, #tpu.memory_space<vmem_shared>> -> memref<128x64xbf16, #tpu.memory_space<vmem_shared>>
      %dma_start3A_580 = arith.constant 0 : i32
      %dma_start3A_581 = tpu.memref_slice %arg7[%add3A_84, %dma_start3A_580] : memref<10240x64xbf16, #tpu.memory_space<vmem_shared>> -> memref<128x64xbf16, #tpu.memory_space<vmem_shared>>
      %dma_start3A_582 = arith.constant 0 : i32
      %dma_start3A_583 = arith.constant 0 : i32
      %dma_start3A_584 = tpu.memref_slice %arg6[%run_scoped3A_85, %dma_start3A_582, %dma_start3A_583] : memref<8x128x64xbf16, #tpu.memory_space<vmem>> -> memref<1x128x64xbf16, #tpu.memory_space<vmem>>
      %dma_start3A_585 = tpu.memref_squeeze %dma_start3A_584 : memref<1x128x64xbf16, #tpu.memory_space<vmem>> -> memref<128x64xbf16, #tpu.memory_space<vmem>>
      tpu.enqueue_dma source(%dma_start3A_585 : memref<128x64xbf16, #tpu.memory_space<vmem>>) target(%dma_start3A_581 : memref<128x64xbf16, #tpu.memory_space<vmem_shared>>) target_semaphore(%run_scoped3A_573 : memref<!tpu.dma_semaphore, #tpu.memory_space<semaphore_mem>>)
      %dma_wait3A_586 = arith.constant 0 : i32
      %dma_wait3A_587 = arith.constant 0 : i32
      %dma_wait3A_588 = tpu.memref_slice %arg6[%run_scoped3A_85, %dma_wait3A_586, %dma_wait3A_587] : memref<8x128x64xbf16, #tpu.memory_space<vmem>> -> memref<1x128x64xbf16, #tpu.memory_space<vmem>>
      %dma_wait3A_589 = tpu.memref_squeeze %dma_wait3A_588 : memref<1x128x64xbf16, #tpu.memory_space<vmem>> -> memref<128x64xbf16, #tpu.memory_space<vmem>>
      %dma_wait3A_590 = arith.constant 0 : i32
      %dma_wait3A_591 = tpu.memref_slice %arg7[%add3A_84, %dma_wait3A_590] : memref<10240x64xbf16, #tpu.memory_space<vmem_shared>> -> memref<128x64xbf16, #tpu.memory_space<vmem_shared>>
      %dma_wait3A_592 = arith.constant 0 : i32
      %dma_wait3A_593 = tpu.memref_slice %arg7[%add3A_84, %dma_wait3A_592] : memref<10240x64xbf16, #tpu.memory_space<vmem_shared>> -> memref<128x64xbf16, #tpu.memory_space<vmem_shared>>
      %dma_wait3A_594 = arith.constant 0 : i32
      %dma_wait3A_595 = arith.constant 0 : i32
      %dma_wait3A_596 = tpu.memref_slice %arg6[%run_scoped3A_85, %dma_wait3A_594, %dma_wait3A_595] : memref<8x128x64xbf16, #tpu.memory_space<vmem>> -> memref<1x128x64xbf16, #tpu.memory_space<vmem>>
      %dma_wait3A_597 = tpu.memref_squeeze %dma_wait3A_596 : memref<1x128x64xbf16, #tpu.memory_space<vmem>> -> memref<128x64xbf16, #tpu.memory_space<vmem>>
      tpu.wait_dma2 semaphore(%run_scoped3A_573 : memref<!tpu.dma_semaphore, #tpu.memory_space<semaphore_mem>>) src(%dma_wait3A_597 : memref<128x64xbf16, #tpu.memory_space<vmem>>) dst(%dma_wait3A_593 : memref<128x64xbf16, #tpu.memory_space<vmem_shared>>)
      tpu.yield
    }) : () -> ()
    %add3A_86 = arith.constant 512 : i32
    %add3A_87 = arith.addi %mul3A_74, %add3A_86 : i32
    %run_scoped3A_88 = arith.constant 7 : i32
    "tpu.region"() ({
      %run_scoped3A_573 = tpu.sem_alloc : memref<!tpu.dma_semaphore, #tpu.memory_space<semaphore_mem>>
      %dma_start3A_574 = arith.constant 0 : i32
      %dma_start3A_575 = arith.constant 0 : i32
      %dma_start3A_576 = tpu.memref_slice %arg6[%run_scoped3A_88, %dma_start3A_574, %dma_start3A_575] : memref<8x128x64xbf16, #tpu.memory_space<vmem>> -> memref<1x128x64xbf16, #tpu.memory_space<vmem>>
      %dma_start3A_577 = tpu.memref_squeeze %dma_start3A_576 : memref<1x128x64xbf16, #tpu.memory_space<vmem>> -> memref<128x64xbf16, #tpu.memory_space<vmem>>
      %dma_start3A_578 = arith.constant 0 : i32
      %dma_start3A_579 = tpu.memref_slice %arg7[%add3A_87, %dma_start3A_578] : memref<10240x64xbf16, #tpu.memory_space<vmem_shared>> -> memref<128x64xbf16, #tpu.memory_space<vmem_shared>>
      %dma_start3A_580 = arith.constant 0 : i32
      %dma_start3A_581 = tpu.memref_slice %arg7[%add3A_87, %dma_start3A_580] : memref<10240x64xbf16, #tpu.memory_space<vmem_shared>> -> memref<128x64xbf16, #tpu.memory_space<vmem_shared>>
      %dma_start3A_582 = arith.constant 0 : i32
      %dma_start3A_583 = arith.constant 0 : i32
      %dma_start3A_584 = tpu.memref_slice %arg6[%run_scoped3A_88, %dma_start3A_582, %dma_start3A_583] : memref<8x128x64xbf16, #tpu.memory_space<vmem>> -> memref<1x128x64xbf16, #tpu.memory_space<vmem>>
      %dma_start3A_585 = tpu.memref_squeeze %dma_start3A_584 : memref<1x128x64xbf16, #tpu.memory_space<vmem>> -> memref<128x64xbf16, #tpu.memory_space<vmem>>
      tpu.enqueue_dma source(%dma_start3A_585 : memref<128x64xbf16, #tpu.memory_space<vmem>>) target(%dma_start3A_581 : memref<128x64xbf16, #tpu.memory_space<vmem_shared>>) target_semaphore(%run_scoped3A_573 : memref<!tpu.dma_semaphore, #tpu.memory_space<semaphore_mem>>)
      %dma_wait3A_586 = arith.constant 0 : i32
      %dma_wait3A_587 = arith.constant 0 : i32
      %dma_wait3A_588 = tpu.memref_slice %arg6[%run_scoped3A_88, %dma_wait3A_586, %dma_wait3A_587] : memref<8x128x64xbf16, #tpu.memory_space<vmem>> -> memref<1x128x64xbf16, #tpu.memory_space<vmem>>
      %dma_wait3A_589 = tpu.memref_squeeze %dma_wait3A_588 : memref<1x128x64xbf16, #tpu.memory_space<vmem>> -> memref<128x64xbf16, #tpu.memory_space<vmem>>
      %dma_wait3A_590 = arith.constant 0 : i32
      %dma_wait3A_591 = tpu.memref_slice %arg7[%add3A_87, %dma_wait3A_590] : memref<10240x64xbf16, #tpu.memory_space<vmem_shared>> -> memref<128x64xbf16, #tpu.memory_space<vmem_shared>>
      %dma_wait3A_592 = arith.constant 0 : i32
      %dma_wait3A_593 = tpu.memref_slice %arg7[%add3A_87, %dma_wait3A_592] : memref<10240x64xbf16, #tpu.memory_space<vmem_shared>> -> memref<128x64xbf16, #tpu.memory_space<vmem_shared>>
      %dma_wait3A_594 = arith.constant 0 : i32
      %dma_wait3A_595 = arith.constant 0 : i32
      %dma_wait3A_596 = tpu.memref_slice %arg6[%run_scoped3A_88, %dma_wait3A_594, %dma_wait3A_595] : memref<8x128x64xbf16, #tpu.memory_space<vmem>> -> memref<1x128x64xbf16, #tpu.memory_space<vmem>>
      %dma_wait3A_597 = tpu.memref_squeeze %dma_wait3A_596 : memref<1x128x64xbf16, #tpu.memory_space<vmem>> -> memref<128x64xbf16, #tpu.memory_space<vmem>>
      tpu.wait_dma2 semaphore(%run_scoped3A_573 : memref<!tpu.dma_semaphore, #tpu.memory_space<semaphore_mem>>) src(%dma_wait3A_597 : memref<128x64xbf16, #tpu.memory_space<vmem>>) dst(%dma_wait3A_593 : memref<128x64xbf16, #tpu.memory_space<vmem_shared>>)
      tpu.yield
    }) : () -> ()
    %barrier3A = arith.constant 0 : index
    tpu.barrier barrier_id(%barrier3A)
    %dma_wait3A = arith.constant 0 : i32
    %dma_wait3A_89 = arith.constant 0 : i32
    %dma_wait3A_90 = arith.constant 0 : i32
    %dma_wait3A_91 = arith.constant 0 : i32
    %dma_wait3A_92 = arith.constant 0 : i32
    %dma_wait3A_93 = tpu.memref_slice %arg6[%dma_wait3A_90, %dma_wait3A_91, %dma_wait3A_92] : memref<8x128x64xbf16, #tpu.memory_space<vmem>> -> memref<1x128x64xbf16, #tpu.memory_space<vmem>>
    %dma_wait3A_94 = tpu.memref_squeeze %dma_wait3A_93 : memref<1x128x64xbf16, #tpu.memory_space<vmem>> -> memref<128x64xbf16, #tpu.memory_space<vmem>>
    %dma_wait3A_95 = arith.constant 0 : i32
    %dma_wait3A_96 = arith.constant 0 : i32
    %dma_wait3A_97 = tpu.memref_slice %arg5[%dma_wait3A, %dma_wait3A_95, %dma_wait3A_96] : memref<2x80x128xi32, #tpu.memory_space<vmem>> -> memref<1x80x128xi32, #tpu.memory_space<vmem>>
    %dma_wait3A_98 = tpu.memref_squeeze %dma_wait3A_97 : memref<1x80x128xi32, #tpu.memory_space<vmem>> -> memref<80x128xi32, #tpu.memory_space<vmem>>
    %dma_wait3A_99 = arith.constant 0 : i32
    %dma_wait3A_100 = tpu.memref_slice %dma_wait3A_98[%dma_wait3A_89, %dma_wait3A_99] : memref<80x128xi32, #tpu.memory_space<vmem>> -> memref<1x128xi32, #tpu.memory_space<vmem>>
    %dma_wait3A_101 = tpu.memref_squeeze %dma_wait3A_100 : memref<1x128xi32, #tpu.memory_space<vmem>> -> memref<128xi32, #tpu.memory_space<vmem>>
    %dma_wait3A_102 = arith.constant 0 : i32
    %dma_wait3A_103 = arith.constant 0 : i32
    %dma_wait3A_104 = tpu.memref_slice %arg2[%dma_wait3A_102, %dma_wait3A_103] : memref<10000x64xbf16, #tpu.memory_space<hbm>> -> memref<10000x64xbf16, #tpu.memory_space<hbm>>
    tpu.wait_indirect_dma semaphore(%arg8 : memref<!tpu.dma_semaphore, #tpu.memory_space<semaphore_mem>>) src(%dma_wait3A_104 : memref<10000x64xbf16, #tpu.memory_space<hbm>>) dst(%dma_wait3A_94 : memref<128x64xbf16, #tpu.memory_space<vmem>>)
    %dma_start3A_105 = arith.constant 0 : i32
    %dma_start3A_106 = arith.constant 1 : i32
    %dma_start3A_107 = arith.constant 0 : i32
    %dma_start3A_108 = arith.constant 0 : i32
    %dma_start3A_109 = arith.constant 0 : i32
    %dma_start3A_110 = tpu.memref_slice %arg6[%dma_start3A_105, %dma_start3A_108, %dma_start3A_109] : memref<8x128x64xbf16, #tpu.memory_space<vmem>> -> memref<1x128x64xbf16, #tpu.memory_space<vmem>>
    %dma_start3A_111 = tpu.memref_squeeze %dma_start3A_110 : memref<1x128x64xbf16, #tpu.memory_space<vmem>> -> memref<128x64xbf16, #tpu.memory_space<vmem>>
    %dma_start3A_112 = arith.constant 0 : i32
    %dma_start3A_113 = arith.constant 0 : i32
    %dma_start3A_114 = tpu.memref_slice %arg5[%dma_start3A_106, %dma_start3A_112, %dma_start3A_113] : memref<2x80x128xi32, #tpu.memory_space<vmem>> -> memref<1x80x128xi32, #tpu.memory_space<vmem>>
    %dma_start3A_115 = tpu.memref_squeeze %dma_start3A_114 : memref<1x80x128xi32, #tpu.memory_space<vmem>> -> memref<80x128xi32, #tpu.memory_space<vmem>>
    %dma_start3A_116 = arith.constant 0 : i32
    %dma_start3A_117 = tpu.memref_slice %dma_start3A_115[%dma_start3A_107, %dma_start3A_116] : memref<80x128xi32, #tpu.memory_space<vmem>> -> memref<1x128xi32, #tpu.memory_space<vmem>>
    %dma_start3A_118 = tpu.memref_squeeze %dma_start3A_117 : memref<1x128xi32, #tpu.memory_space<vmem>> -> memref<128xi32, #tpu.memory_space<vmem>>
    %dma_start3A_119 = arith.constant 0 : i32
    %dma_start3A_120 = arith.constant 0 : i32
    %dma_start3A_121 = tpu.memref_slice %arg7[%dma_start3A_119, %dma_start3A_120] : memref<10240x64xbf16, #tpu.memory_space<vmem_shared>> -> memref<10240x64xbf16, #tpu.memory_space<vmem_shared>>
    tpu.enqueue_indirect_dma source(%dma_start3A_111 : memref<128x64xbf16, #tpu.memory_space<vmem>>) target(%dma_start3A_121 : memref<10240x64xbf16, #tpu.memory_space<vmem_shared>>) offsets(%dma_start3A_118 : memref<128xi32, #tpu.memory_space<vmem>>) semaphore(%arg16 : memref<!tpu.dma_semaphore, #tpu.memory_space<semaphore_mem>>) {add = true}
    %dma_start3A_122 = arith.constant 0 : i32
    %dma_start3A_123 = arith.constant 4 : i32
    %dma_start3A_124 = arith.constant 4 : i32
    %dma_start3A_125 = arith.constant 0 : i32
    %dma_start3A_126 = arith.constant 0 : i32
    %dma_start3A_127 = tpu.memref_slice %arg6[%dma_start3A_124, %dma_start3A_125, %dma_start3A_126] : memref<8x128x64xbf16, #tpu.memory_space<vmem>> -> memref<1x128x64xbf16, #tpu.memory_space<vmem>>
    %dma_start3A_128 = tpu.memref_squeeze %dma_start3A_127 : memref<1x128x64xbf16, #tpu.memory_space<vmem>> -> memref<128x64xbf16, #tpu.memory_space<vmem>>
    %dma_start3A_129 = arith.constant 0 : i32
    %dma_start3A_130 = arith.constant 0 : i32
    %dma_start3A_131 = tpu.memref_slice %arg5[%dma_start3A_122, %dma_start3A_129, %dma_start3A_130] : memref<2x80x128xi32, #tpu.memory_space<vmem>> -> memref<1x80x128xi32, #tpu.memory_space<vmem>>
    %dma_start3A_132 = tpu.memref_squeeze %dma_start3A_131 : memref<1x80x128xi32, #tpu.memory_space<vmem>> -> memref<80x128xi32, #tpu.memory_space<vmem>>
    %dma_start3A_133 = arith.constant 0 : i32
    %dma_start3A_134 = tpu.memref_slice %dma_start3A_132[%dma_start3A_123, %dma_start3A_133] : memref<80x128xi32, #tpu.memory_space<vmem>> -> memref<1x128xi32, #tpu.memory_space<vmem>>
    %dma_start3A_135 = tpu.memref_squeeze %dma_start3A_134 : memref<1x128xi32, #tpu.memory_space<vmem>> -> memref<128xi32, #tpu.memory_space<vmem>>
    %dma_start3A_136 = arith.constant 0 : i32
    %dma_start3A_137 = arith.constant 0 : i32
    %dma_start3A_138 = tpu.memref_slice %arg2[%dma_start3A_136, %dma_start3A_137] : memref<10000x64xbf16, #tpu.memory_space<hbm>> -> memref<10000x64xbf16, #tpu.memory_space<hbm>>
    tpu.enqueue_indirect_dma source(%dma_start3A_138 : memref<10000x64xbf16, #tpu.memory_space<hbm>>) target(%dma_start3A_128 : memref<128x64xbf16, #tpu.memory_space<vmem>>) offsets(%dma_start3A_135 : memref<128xi32, #tpu.memory_space<vmem>>) semaphore(%arg12 : memref<!tpu.dma_semaphore, #tpu.memory_space<semaphore_mem>>)
    %dma_wait3A_139 = arith.constant 0 : i32
    %dma_wait3A_140 = arith.constant 1 : i32
    %dma_wait3A_141 = arith.constant 1 : i32
    %dma_wait3A_142 = arith.constant 0 : i32
    %dma_wait3A_143 = arith.constant 0 : i32
    %dma_wait3A_144 = tpu.memref_slice %arg6[%dma_wait3A_141, %dma_wait3A_142, %dma_wait3A_143] : memref<8x128x64xbf16, #tpu.memory_space<vmem>> -> memref<1x128x64xbf16, #tpu.memory_space<vmem>>
    %dma_wait3A_145 = tpu.memref_squeeze %dma_wait3A_144 : memref<1x128x64xbf16, #tpu.memory_space<vmem>> -> memref<128x64xbf16, #tpu.memory_space<vmem>>
    %dma_wait3A_146 = arith.constant 0 : i32
    %dma_wait3A_147 = arith.constant 0 : i32
    %dma_wait3A_148 = tpu.memref_slice %arg5[%dma_wait3A_139, %dma_wait3A_146, %dma_wait3A_147] : memref<2x80x128xi32, #tpu.memory_space<vmem>> -> memref<1x80x128xi32, #tpu.memory_space<vmem>>
    %dma_wait3A_149 = tpu.memref_squeeze %dma_wait3A_148 : memref<1x80x128xi32, #tpu.memory_space<vmem>> -> memref<80x128xi32, #tpu.memory_space<vmem>>
    %dma_wait3A_150 = arith.constant 0 : i32
    %dma_wait3A_151 = tpu.memref_slice %dma_wait3A_149[%dma_wait3A_140, %dma_wait3A_150] : memref<80x128xi32, #tpu.memory_space<vmem>> -> memref<1x128xi32, #tpu.memory_space<vmem>>
    %dma_wait3A_152 = tpu.memref_squeeze %dma_wait3A_151 : memref<1x128xi32, #tpu.memory_space<vmem>> -> memref<128xi32, #tpu.memory_space<vmem>>
    %dma_wait3A_153 = arith.constant 0 : i32
    %dma_wait3A_154 = arith.constant 0 : i32
    %dma_wait3A_155 = tpu.memref_slice %arg2[%dma_wait3A_153, %dma_wait3A_154] : memref<10000x64xbf16, #tpu.memory_space<hbm>> -> memref<10000x64xbf16, #tpu.memory_space<hbm>>
    tpu.wait_indirect_dma semaphore(%arg9 : memref<!tpu.dma_semaphore, #tpu.memory_space<semaphore_mem>>) src(%dma_wait3A_155 : memref<10000x64xbf16, #tpu.memory_space<hbm>>) dst(%dma_wait3A_145 : memref<128x64xbf16, #tpu.memory_space<vmem>>)
    %dma_start3A_156 = arith.constant 1 : i32
    %dma_start3A_157 = arith.constant 1 : i32
    %dma_start3A_158 = arith.constant 1 : i32
    %dma_start3A_159 = arith.constant 0 : i32
    %dma_start3A_160 = arith.constant 0 : i32
    %dma_start3A_161 = tpu.memref_slice %arg6[%dma_start3A_156, %dma_start3A_159, %dma_start3A_160] : memref<8x128x64xbf16, #tpu.memory_space<vmem>> -> memref<1x128x64xbf16, #tpu.memory_space<vmem>>
    %dma_start3A_162 = tpu.memref_squeeze %dma_start3A_161 : memref<1x128x64xbf16, #tpu.memory_space<vmem>> -> memref<128x64xbf16, #tpu.memory_space<vmem>>
    %dma_start3A_163 = arith.constant 0 : i32
    %dma_start3A_164 = arith.constant 0 : i32
    %dma_start3A_165 = tpu.memref_slice %arg5[%dma_start3A_157, %dma_start3A_163, %dma_start3A_164] : memref<2x80x128xi32, #tpu.memory_space<vmem>> -> memref<1x80x128xi32, #tpu.memory_space<vmem>>
    %dma_start3A_166 = tpu.memref_squeeze %dma_start3A_165 : memref<1x80x128xi32, #tpu.memory_space<vmem>> -> memref<80x128xi32, #tpu.memory_space<vmem>>
    %dma_start3A_167 = arith.constant 0 : i32
    %dma_start3A_168 = tpu.memref_slice %dma_start3A_166[%dma_start3A_158, %dma_start3A_167] : memref<80x128xi32, #tpu.memory_space<vmem>> -> memref<1x128xi32, #tpu.memory_space<vmem>>
    %dma_start3A_169 = tpu.memref_squeeze %dma_start3A_168 : memref<1x128xi32, #tpu.memory_space<vmem>> -> memref<128xi32, #tpu.memory_space<vmem>>
    %dma_start3A_170 = arith.constant 0 : i32
    %dma_start3A_171 = arith.constant 0 : i32
    %dma_start3A_172 = tpu.memref_slice %arg7[%dma_start3A_170, %dma_start3A_171] : memref<10240x64xbf16, #tpu.memory_space<vmem_shared>> -> memref<10240x64xbf16, #tpu.memory_space<vmem_shared>>
    tpu.enqueue_indirect_dma source(%dma_start3A_162 : memref<128x64xbf16, #tpu.memory_space<vmem>>) target(%dma_start3A_172 : memref<10240x64xbf16, #tpu.memory_space<vmem_shared>>) offsets(%dma_start3A_169 : memref<128xi32, #tpu.memory_space<vmem>>) semaphore(%arg17 : memref<!tpu.dma_semaphore, #tpu.memory_space<semaphore_mem>>) {add = true}
    %dma_start3A_173 = arith.constant 0 : i32
    %dma_start3A_174 = arith.constant 5 : i32
    %dma_start3A_175 = arith.constant 5 : i32
    %dma_start3A_176 = arith.constant 0 : i32
    %dma_start3A_177 = arith.constant 0 : i32
    %dma_start3A_178 = tpu.memref_slice %arg6[%dma_start3A_175, %dma_start3A_176, %dma_start3A_177] : memref<8x128x64xbf16, #tpu.memory_space<vmem>> -> memref<1x128x64xbf16, #tpu.memory_space<vmem>>
    %dma_start3A_179 = tpu.memref_squeeze %dma_start3A_178 : memref<1x128x64xbf16, #tpu.memory_space<vmem>> -> memref<128x64xbf16, #tpu.memory_space<vmem>>
    %dma_start3A_180 = arith.constant 0 : i32
    %dma_start3A_181 = arith.constant 0 : i32
    %dma_start3A_182 = tpu.memref_slice %arg5[%dma_start3A_173, %dma_start3A_180, %dma_start3A_181] : memref<2x80x128xi32, #tpu.memory_space<vmem>> -> memref<1x80x128xi32, #tpu.memory_space<vmem>>
    %dma_start3A_183 = tpu.memref_squeeze %dma_start3A_182 : memref<1x80x128xi32, #tpu.memory_space<vmem>> -> memref<80x128xi32, #tpu.memory_space<vmem>>
    %dma_start3A_184 = arith.constant 0 : i32
    %dma_start3A_185 = tpu.memref_slice %dma_start3A_183[%dma_start3A_174, %dma_start3A_184] : memref<80x128xi32, #tpu.memory_space<vmem>> -> memref<1x128xi32, #tpu.memory_space<vmem>>
    %dma_start3A_186 = tpu.memref_squeeze %dma_start3A_185 : memref<1x128xi32, #tpu.memory_space<vmem>> -> memref<128xi32, #tpu.memory_space<vmem>>
    %dma_start3A_187 = arith.constant 0 : i32
    %dma_start3A_188 = arith.constant 0 : i32
    %dma_start3A_189 = tpu.memref_slice %arg2[%dma_start3A_187, %dma_start3A_188] : memref<10000x64xbf16, #tpu.memory_space<hbm>> -> memref<10000x64xbf16, #tpu.memory_space<hbm>>
    tpu.enqueue_indirect_dma source(%dma_start3A_189 : memref<10000x64xbf16, #tpu.memory_space<hbm>>) target(%dma_start3A_179 : memref<128x64xbf16, #tpu.memory_space<vmem>>) offsets(%dma_start3A_186 : memref<128xi32, #tpu.memory_space<vmem>>) semaphore(%arg13 : memref<!tpu.dma_semaphore, #tpu.memory_space<semaphore_mem>>)
    %dma_wait3A_190 = arith.constant 0 : i32
    %dma_wait3A_191 = arith.constant 2 : i32
    %dma_wait3A_192 = arith.constant 2 : i32
    %dma_wait3A_193 = arith.constant 0 : i32
    %dma_wait3A_194 = arith.constant 0 : i32
    %dma_wait3A_195 = tpu.memref_slice %arg6[%dma_wait3A_192, %dma_wait3A_193, %dma_wait3A_194] : memref<8x128x64xbf16, #tpu.memory_space<vmem>> -> memref<1x128x64xbf16, #tpu.memory_space<vmem>>
    %dma_wait3A_196 = tpu.memref_squeeze %dma_wait3A_195 : memref<1x128x64xbf16, #tpu.memory_space<vmem>> -> memref<128x64xbf16, #tpu.memory_space<vmem>>
    %dma_wait3A_197 = arith.constant 0 : i32
    %dma_wait3A_198 = arith.constant 0 : i32
    %dma_wait3A_199 = tpu.memref_slice %arg5[%dma_wait3A_190, %dma_wait3A_197, %dma_wait3A_198] : memref<2x80x128xi32, #tpu.memory_space<vmem>> -> memref<1x80x128xi32, #tpu.memory_space<vmem>>
    %dma_wait3A_200 = tpu.memref_squeeze %dma_wait3A_199 : memref<1x80x128xi32, #tpu.memory_space<vmem>> -> memref<80x128xi32, #tpu.memory_space<vmem>>
    %dma_wait3A_201 = arith.constant 0 : i32
    %dma_wait3A_202 = tpu.memref_slice %dma_wait3A_200[%dma_wait3A_191, %dma_wait3A_201] : memref<80x128xi32, #tpu.memory_space<vmem>> -> memref<1x128xi32, #tpu.memory_space<vmem>>
    %dma_wait3A_203 = tpu.memref_squeeze %dma_wait3A_202 : memref<1x128xi32, #tpu.memory_space<vmem>> -> memref<128xi32, #tpu.memory_space<vmem>>
    %dma_wait3A_204 = arith.constant 0 : i32
    %dma_wait3A_205 = arith.constant 0 : i32
    %dma_wait3A_206 = tpu.memref_slice %arg2[%dma_wait3A_204, %dma_wait3A_205] : memref<10000x64xbf16, #tpu.memory_space<hbm>> -> memref<10000x64xbf16, #tpu.memory_space<hbm>>
    tpu.wait_indirect_dma semaphore(%arg10 : memref<!tpu.dma_semaphore, #tpu.memory_space<semaphore_mem>>) src(%dma_wait3A_206 : memref<10000x64xbf16, #tpu.memory_space<hbm>>) dst(%dma_wait3A_196 : memref<128x64xbf16, #tpu.memory_space<vmem>>)
    %dma_start3A_207 = arith.constant 2 : i32
    %dma_start3A_208 = arith.constant 1 : i32
    %dma_start3A_209 = arith.constant 2 : i32
    %dma_start3A_210 = arith.constant 0 : i32
    %dma_start3A_211 = arith.constant 0 : i32
    %dma_start3A_212 = tpu.memref_slice %arg6[%dma_start3A_207, %dma_start3A_210, %dma_start3A_211] : memref<8x128x64xbf16, #tpu.memory_space<vmem>> -> memref<1x128x64xbf16, #tpu.memory_space<vmem>>
    %dma_start3A_213 = tpu.memref_squeeze %dma_start3A_212 : memref<1x128x64xbf16, #tpu.memory_space<vmem>> -> memref<128x64xbf16, #tpu.memory_space<vmem>>
    %dma_start3A_214 = arith.constant 0 : i32
    %dma_start3A_215 = arith.constant 0 : i32
    %dma_start3A_216 = tpu.memref_slice %arg5[%dma_start3A_208, %dma_start3A_214, %dma_start3A_215] : memref<2x80x128xi32, #tpu.memory_space<vmem>> -> memref<1x80x128xi32, #tpu.memory_space<vmem>>
    %dma_start3A_217 = tpu.memref_squeeze %dma_start3A_216 : memref<1x80x128xi32, #tpu.memory_space<vmem>> -> memref<80x128xi32, #tpu.memory_space<vmem>>
    %dma_start3A_218 = arith.constant 0 : i32
    %dma_start3A_219 = tpu.memref_slice %dma_start3A_217[%dma_start3A_209, %dma_start3A_218] : memref<80x128xi32, #tpu.memory_space<vmem>> -> memref<1x128xi32, #tpu.memory_space<vmem>>
    %dma_start3A_220 = tpu.memref_squeeze %dma_start3A_219 : memref<1x128xi32, #tpu.memory_space<vmem>> -> memref<128xi32, #tpu.memory_space<vmem>>
    %dma_start3A_221 = arith.constant 0 : i32
    %dma_start3A_222 = arith.constant 0 : i32
    %dma_start3A_223 = tpu.memref_slice %arg7[%dma_start3A_221, %dma_start3A_222] : memref<10240x64xbf16, #tpu.memory_space<vmem_shared>> -> memref<10240x64xbf16, #tpu.memory_space<vmem_shared>>
    tpu.enqueue_indirect_dma source(%dma_start3A_213 : memref<128x64xbf16, #tpu.memory_space<vmem>>) target(%dma_start3A_223 : memref<10240x64xbf16, #tpu.memory_space<vmem_shared>>) offsets(%dma_start3A_220 : memref<128xi32, #tpu.memory_space<vmem>>) semaphore(%arg18 : memref<!tpu.dma_semaphore, #tpu.memory_space<semaphore_mem>>) {add = true}
    %dma_start3A_224 = arith.constant 0 : i32
    %dma_start3A_225 = arith.constant 6 : i32
    %dma_start3A_226 = arith.constant 6 : i32
    %dma_start3A_227 = arith.constant 0 : i32
    %dma_start3A_228 = arith.constant 0 : i32
    %dma_start3A_229 = tpu.memref_slice %arg6[%dma_start3A_226, %dma_start3A_227, %dma_start3A_228] : memref<8x128x64xbf16, #tpu.memory_space<vmem>> -> memref<1x128x64xbf16, #tpu.memory_space<vmem>>
    %dma_start3A_230 = tpu.memref_squeeze %dma_start3A_229 : memref<1x128x64xbf16, #tpu.memory_space<vmem>> -> memref<128x64xbf16, #tpu.memory_space<vmem>>
    %dma_start3A_231 = arith.constant 0 : i32
    %dma_start3A_232 = arith.constant 0 : i32
    %dma_start3A_233 = tpu.memref_slice %arg5[%dma_start3A_224, %dma_start3A_231, %dma_start3A_232] : memref<2x80x128xi32, #tpu.memory_space<vmem>> -> memref<1x80x128xi32, #tpu.memory_space<vmem>>
    %dma_start3A_234 = tpu.memref_squeeze %dma_start3A_233 : memref<1x80x128xi32, #tpu.memory_space<vmem>> -> memref<80x128xi32, #tpu.memory_space<vmem>>
    %dma_start3A_235 = arith.constant 0 : i32
    %dma_start3A_236 = tpu.memref_slice %dma_start3A_234[%dma_start3A_225, %dma_start3A_235] : memref<80x128xi32, #tpu.memory_space<vmem>> -> memref<1x128xi32, #tpu.memory_space<vmem>>
    %dma_start3A_237 = tpu.memref_squeeze %dma_start3A_236 : memref<1x128xi32, #tpu.memory_space<vmem>> -> memref<128xi32, #tpu.memory_space<vmem>>
    %dma_start3A_238 = arith.constant 0 : i32
    %dma_start3A_239 = arith.constant 0 : i32
    %dma_start3A_240 = tpu.memref_slice %arg2[%dma_start3A_238, %dma_start3A_239] : memref<10000x64xbf16, #tpu.memory_space<hbm>> -> memref<10000x64xbf16, #tpu.memory_space<hbm>>
    tpu.enqueue_indirect_dma source(%dma_start3A_240 : memref<10000x64xbf16, #tpu.memory_space<hbm>>) target(%dma_start3A_230 : memref<128x64xbf16, #tpu.memory_space<vmem>>) offsets(%dma_start3A_237 : memref<128xi32, #tpu.memory_space<vmem>>) semaphore(%arg14 : memref<!tpu.dma_semaphore, #tpu.memory_space<semaphore_mem>>)
    %dma_wait3A_241 = arith.constant 0 : i32
    %dma_wait3A_242 = arith.constant 3 : i32
    %dma_wait3A_243 = arith.constant 3 : i32
    %dma_wait3A_244 = arith.constant 0 : i32
    %dma_wait3A_245 = arith.constant 0 : i32
    %dma_wait3A_246 = tpu.memref_slice %arg6[%dma_wait3A_243, %dma_wait3A_244, %dma_wait3A_245] : memref<8x128x64xbf16, #tpu.memory_space<vmem>> -> memref<1x128x64xbf16, #tpu.memory_space<vmem>>
    %dma_wait3A_247 = tpu.memref_squeeze %dma_wait3A_246 : memref<1x128x64xbf16, #tpu.memory_space<vmem>> -> memref<128x64xbf16, #tpu.memory_space<vmem>>
    %dma_wait3A_248 = arith.constant 0 : i32
    %dma_wait3A_249 = arith.constant 0 : i32
    %dma_wait3A_250 = tpu.memref_slice %arg5[%dma_wait3A_241, %dma_wait3A_248, %dma_wait3A_249] : memref<2x80x128xi32, #tpu.memory_space<vmem>> -> memref<1x80x128xi32, #tpu.memory_space<vmem>>
    %dma_wait3A_251 = tpu.memref_squeeze %dma_wait3A_250 : memref<1x80x128xi32, #tpu.memory_space<vmem>> -> memref<80x128xi32, #tpu.memory_space<vmem>>
    %dma_wait3A_252 = arith.constant 0 : i32
    %dma_wait3A_253 = tpu.memref_slice %dma_wait3A_251[%dma_wait3A_242, %dma_wait3A_252] : memref<80x128xi32, #tpu.memory_space<vmem>> -> memref<1x128xi32, #tpu.memory_space<vmem>>
    %dma_wait3A_254 = tpu.memref_squeeze %dma_wait3A_253 : memref<1x128xi32, #tpu.memory_space<vmem>> -> memref<128xi32, #tpu.memory_space<vmem>>
    %dma_wait3A_255 = arith.constant 0 : i32
    %dma_wait3A_256 = arith.constant 0 : i32
    %dma_wait3A_257 = tpu.memref_slice %arg2[%dma_wait3A_255, %dma_wait3A_256] : memref<10000x64xbf16, #tpu.memory_space<hbm>> -> memref<10000x64xbf16, #tpu.memory_space<hbm>>
    tpu.wait_indirect_dma semaphore(%arg11 : memref<!tpu.dma_semaphore, #tpu.memory_space<semaphore_mem>>) src(%dma_wait3A_257 : memref<10000x64xbf16, #tpu.memory_space<hbm>>) dst(%dma_wait3A_247 : memref<128x64xbf16, #tpu.memory_space<vmem>>)
    %dma_start3A_258 = arith.constant 3 : i32
    %dma_start3A_259 = arith.constant 1 : i32
    %dma_start3A_260 = arith.constant 3 : i32
    %dma_start3A_261 = arith.constant 0 : i32
    %dma_start3A_262 = arith.constant 0 : i32
    %dma_start3A_263 = tpu.memref_slice %arg6[%dma_start3A_258, %dma_start3A_261, %dma_start3A_262] : memref<8x128x64xbf16, #tpu.memory_space<vmem>> -> memref<1x128x64xbf16, #tpu.memory_space<vmem>>
    %dma_start3A_264 = tpu.memref_squeeze %dma_start3A_263 : memref<1x128x64xbf16, #tpu.memory_space<vmem>> -> memref<128x64xbf16, #tpu.memory_space<vmem>>
    %dma_start3A_265 = arith.constant 0 : i32
    %dma_start3A_266 = arith.constant 0 : i32
    %dma_start3A_267 = tpu.memref_slice %arg5[%dma_start3A_259, %dma_start3A_265, %dma_start3A_266] : memref<2x80x128xi32, #tpu.memory_space<vmem>> -> memref<1x80x128xi32, #tpu.memory_space<vmem>>
    %dma_start3A_268 = tpu.memref_squeeze %dma_start3A_267 : memref<1x80x128xi32, #tpu.memory_space<vmem>> -> memref<80x128xi32, #tpu.memory_space<vmem>>
    %dma_start3A_269 = arith.constant 0 : i32
    %dma_start3A_270 = tpu.memref_slice %dma_start3A_268[%dma_start3A_260, %dma_start3A_269] : memref<80x128xi32, #tpu.memory_space<vmem>> -> memref<1x128xi32, #tpu.memory_space<vmem>>
    %dma_start3A_271 = tpu.memref_squeeze %dma_start3A_270 : memref<1x128xi32, #tpu.memory_space<vmem>> -> memref<128xi32, #tpu.memory_space<vmem>>
    %dma_start3A_272 = arith.constant 0 : i32
    %dma_start3A_273 = arith.constant 0 : i32
    %dma_start3A_274 = tpu.memref_slice %arg7[%dma_start3A_272, %dma_start3A_273] : memref<10240x64xbf16, #tpu.memory_space<vmem_shared>> -> memref<10240x64xbf16, #tpu.memory_space<vmem_shared>>
    tpu.enqueue_indirect_dma source(%dma_start3A_264 : memref<128x64xbf16, #tpu.memory_space<vmem>>) target(%dma_start3A_274 : memref<10240x64xbf16, #tpu.memory_space<vmem_shared>>) offsets(%dma_start3A_271 : memref<128xi32, #tpu.memory_space<vmem>>) semaphore(%arg19 : memref<!tpu.dma_semaphore, #tpu.memory_space<semaphore_mem>>) {add = true}
    %dma_start3A_275 = arith.constant 0 : i32
    %dma_start3A_276 = arith.constant 7 : i32
    %dma_start3A_277 = arith.constant 7 : i32
    %dma_start3A_278 = arith.constant 0 : i32
    %dma_start3A_279 = arith.constant 0 : i32
    %dma_start3A_280 = tpu.memref_slice %arg6[%dma_start3A_277, %dma_start3A_278, %dma_start3A_279] : memref<8x128x64xbf16, #tpu.memory_space<vmem>> -> memref<1x128x64xbf16, #tpu.memory_space<vmem>>
    %dma_start3A_281 = tpu.memref_squeeze %dma_start3A_280 : memref<1x128x64xbf16, #tpu.memory_space<vmem>> -> memref<128x64xbf16, #tpu.memory_space<vmem>>
    %dma_start3A_282 = arith.constant 0 : i32
    %dma_start3A_283 = arith.constant 0 : i32
    %dma_start3A_284 = tpu.memref_slice %arg5[%dma_start3A_275, %dma_start3A_282, %dma_start3A_283] : memref<2x80x128xi32, #tpu.memory_space<vmem>> -> memref<1x80x128xi32, #tpu.memory_space<vmem>>
    %dma_start3A_285 = tpu.memref_squeeze %dma_start3A_284 : memref<1x80x128xi32, #tpu.memory_space<vmem>> -> memref<80x128xi32, #tpu.memory_space<vmem>>
    %dma_start3A_286 = arith.constant 0 : i32
    %dma_start3A_287 = tpu.memref_slice %dma_start3A_285[%dma_start3A_276, %dma_start3A_286] : memref<80x128xi32, #tpu.memory_space<vmem>> -> memref<1x128xi32, #tpu.memory_space<vmem>>
    %dma_start3A_288 = tpu.memref_squeeze %dma_start3A_287 : memref<1x128xi32, #tpu.memory_space<vmem>> -> memref<128xi32, #tpu.memory_space<vmem>>
    %dma_start3A_289 = arith.constant 0 : i32
    %dma_start3A_290 = arith.constant 0 : i32
    %dma_start3A_291 = tpu.memref_slice %arg2[%dma_start3A_289, %dma_start3A_290] : memref<10000x64xbf16, #tpu.memory_space<hbm>> -> memref<10000x64xbf16, #tpu.memory_space<hbm>>
    tpu.enqueue_indirect_dma source(%dma_start3A_291 : memref<10000x64xbf16, #tpu.memory_space<hbm>>) target(%dma_start3A_281 : memref<128x64xbf16, #tpu.memory_space<vmem>>) offsets(%dma_start3A_288 : memref<128xi32, #tpu.memory_space<vmem>>) semaphore(%arg15 : memref<!tpu.dma_semaphore, #tpu.memory_space<semaphore_mem>>)
    %scan3A_292 = arith.constant 0 : i32
    %scan3A_293 = arith.constant 0 : i32
    %scan3A_294 = arith.constant 1 : i32
    %scan3A_295 = arith.constant 0 : i32
    %scan3A_296 = arith.constant 9 : i32
    %scan3A_297 = arith.addi %scan3A_295, %scan3A_296 : i32
    %scan3A_298 = arith.constant 1 : i32
    scf.for %scan3A_573 = %scan3A_295 to %scan3A_297 step %scan3A_298  : i32 {
      %mul3A_574 = arith.constant 8 : i32
      %mul3A_575 = arith.muli %mul3A_574, %scan3A_573 : i32
      %add3A_576 = arith.constant 4 : i32
      %add3A_577 = arith.addi %add3A_576, %mul3A_575 : i32
      %add3A_578 = arith.constant 0 : i32
      %add3A_579 = arith.addi %add3A_577, %add3A_578 : i32
      %dma_wait3A_580 = arith.constant 4 : i32
      %dma_wait3A_581 = arith.constant 0 : i32
      %dma_wait3A_582 = arith.constant 0 : i32
      %dma_wait3A_583 = tpu.memref_slice %arg6[%dma_wait3A_580, %dma_wait3A_581, %dma_wait3A_582] : memref<8x128x64xbf16, #tpu.memory_space<vmem>> -> memref<1x128x64xbf16, #tpu.memory_space<vmem>>
      %dma_wait3A_584 = tpu.memref_squeeze %dma_wait3A_583 : memref<1x128x64xbf16, #tpu.memory_space<vmem>> -> memref<128x64xbf16, #tpu.memory_space<vmem>>
      %dma_wait3A_585 = arith.constant 0 : i32
      %dma_wait3A_586 = arith.constant 0 : i32
      %dma_wait3A_587 = tpu.memref_slice %arg5[%scan3A_293, %dma_wait3A_585, %dma_wait3A_586] : memref<2x80x128xi32, #tpu.memory_space<vmem>> -> memref<1x80x128xi32, #tpu.memory_space<vmem>>
      %dma_wait3A_588 = tpu.memref_squeeze %dma_wait3A_587 : memref<1x80x128xi32, #tpu.memory_space<vmem>> -> memref<80x128xi32, #tpu.memory_space<vmem>>
      %dma_wait3A_589 = arith.constant 0 : i32
      %dma_wait3A_590 = tpu.memref_slice %dma_wait3A_588[%add3A_579, %dma_wait3A_589] : memref<80x128xi32, #tpu.memory_space<vmem>> -> memref<1x128xi32, #tpu.memory_space<vmem>>
      %dma_wait3A_591 = tpu.memref_squeeze %dma_wait3A_590 : memref<1x128xi32, #tpu.memory_space<vmem>> -> memref<128xi32, #tpu.memory_space<vmem>>
      %dma_wait3A_592 = arith.constant 0 : i32
      %dma_wait3A_593 = arith.constant 0 : i32
      %dma_wait3A_594 = tpu.memref_slice %arg2[%dma_wait3A_592, %dma_wait3A_593] : memref<10000x64xbf16, #tpu.memory_space<hbm>> -> memref<10000x64xbf16, #tpu.memory_space<hbm>>
      tpu.wait_indirect_dma semaphore(%arg12 : memref<!tpu.dma_semaphore, #tpu.memory_space<semaphore_mem>>) src(%dma_wait3A_594 : memref<10000x64xbf16, #tpu.memory_space<hbm>>) dst(%dma_wait3A_584 : memref<128x64xbf16, #tpu.memory_space<vmem>>)
      %dma_start3A_595 = arith.constant 4 : i32
      %dma_start3A_596 = arith.constant 0 : i32
      %dma_start3A_597 = arith.constant 0 : i32
      %dma_start3A_598 = tpu.memref_slice %arg6[%dma_start3A_595, %dma_start3A_596, %dma_start3A_597] : memref<8x128x64xbf16, #tpu.memory_space<vmem>> -> memref<1x128x64xbf16, #tpu.memory_space<vmem>>
      %dma_start3A_599 = tpu.memref_squeeze %dma_start3A_598 : memref<1x128x64xbf16, #tpu.memory_space<vmem>> -> memref<128x64xbf16, #tpu.memory_space<vmem>>
      %dma_start3A_600 = arith.constant 0 : i32
      %dma_start3A_601 = arith.constant 0 : i32
      %dma_start3A_602 = tpu.memref_slice %arg5[%scan3A_294, %dma_start3A_600, %dma_start3A_601] : memref<2x80x128xi32, #tpu.memory_space<vmem>> -> memref<1x80x128xi32, #tpu.memory_space<vmem>>
      %dma_start3A_603 = tpu.memref_squeeze %dma_start3A_602 : memref<1x80x128xi32, #tpu.memory_space<vmem>> -> memref<80x128xi32, #tpu.memory_space<vmem>>
      %dma_start3A_604 = arith.constant 0 : i32
      %dma_start3A_605 = tpu.memref_slice %dma_start3A_603[%add3A_579, %dma_start3A_604] : memref<80x128xi32, #tpu.memory_space<vmem>> -> memref<1x128xi32, #tpu.memory_space<vmem>>
      %dma_start3A_606 = tpu.memref_squeeze %dma_start3A_605 : memref<1x128xi32, #tpu.memory_space<vmem>> -> memref<128xi32, #tpu.memory_space<vmem>>
      %dma_start3A_607 = arith.constant 0 : i32
      %dma_start3A_608 = arith.constant 0 : i32
      %dma_start3A_609 = tpu.memref_slice %arg7[%dma_start3A_607, %dma_start3A_608] : memref<10240x64xbf16, #tpu.memory_space<vmem_shared>> -> memref<10240x64xbf16, #tpu.memory_space<vmem_shared>>
      tpu.enqueue_indirect_dma source(%dma_start3A_599 : memref<128x64xbf16, #tpu.memory_space<vmem>>) target(%dma_start3A_609 : memref<10240x64xbf16, #tpu.memory_space<vmem_shared>>) offsets(%dma_start3A_606 : memref<128xi32, #tpu.memory_space<vmem>>) semaphore(%arg20 : memref<!tpu.dma_semaphore, #tpu.memory_space<semaphore_mem>>) {add = true}
      %sub3A = arith.constant 4 : i32
      %sub3A_610 = arith.subi %add3A_579, %sub3A : i32
      %dma_wait3A_611 = arith.constant 0 : i32
      %dma_wait3A_612 = arith.constant 0 : i32
      %dma_wait3A_613 = arith.constant 0 : i32
      %dma_wait3A_614 = tpu.memref_slice %arg6[%dma_wait3A_611, %dma_wait3A_612, %dma_wait3A_613] : memref<8x128x64xbf16, #tpu.memory_space<vmem>> -> memref<1x128x64xbf16, #tpu.memory_space<vmem>>
      %dma_wait3A_615 = tpu.memref_squeeze %dma_wait3A_614 : memref<1x128x64xbf16, #tpu.memory_space<vmem>> -> memref<128x64xbf16, #tpu.memory_space<vmem>>
      %dma_wait3A_616 = arith.constant 0 : i32
      %dma_wait3A_617 = arith.constant 0 : i32
      %dma_wait3A_618 = tpu.memref_slice %arg5[%scan3A_294, %dma_wait3A_616, %dma_wait3A_617] : memref<2x80x128xi32, #tpu.memory_space<vmem>> -> memref<1x80x128xi32, #tpu.memory_space<vmem>>
      %dma_wait3A_619 = tpu.memref_squeeze %dma_wait3A_618 : memref<1x80x128xi32, #tpu.memory_space<vmem>> -> memref<80x128xi32, #tpu.memory_space<vmem>>
      %dma_wait3A_620 = arith.constant 0 : i32
      %dma_wait3A_621 = tpu.memref_slice %dma_wait3A_619[%sub3A_610, %dma_wait3A_620] : memref<80x128xi32, #tpu.memory_space<vmem>> -> memref<1x128xi32, #tpu.memory_space<vmem>>
      %dma_wait3A_622 = tpu.memref_squeeze %dma_wait3A_621 : memref<1x128xi32, #tpu.memory_space<vmem>> -> memref<128xi32, #tpu.memory_space<vmem>>
      %dma_wait3A_623 = arith.constant 0 : i32
      %dma_wait3A_624 = arith.constant 0 : i32
      %dma_wait3A_625 = tpu.memref_slice %arg7[%dma_wait3A_623, %dma_wait3A_624] : memref<10240x64xbf16, #tpu.memory_space<vmem_shared>> -> memref<10240x64xbf16, #tpu.memory_space<vmem_shared>>
      tpu.wait_indirect_dma semaphore(%arg16 : memref<!tpu.dma_semaphore, #tpu.memory_space<semaphore_mem>>) src(%dma_wait3A_615 : memref<128x64xbf16, #tpu.memory_space<vmem>>) dst(%dma_wait3A_625 : memref<10240x64xbf16, #tpu.memory_space<vmem_shared>>)
      %add3A_626 = arith.constant 4 : i32
      %add3A_627 = arith.addi %add3A_579, %add3A_626 : i32
      %dma_start3A_628 = arith.constant 0 : i32
      %dma_start3A_629 = arith.constant 0 : i32
      %dma_start3A_630 = arith.constant 0 : i32
      %dma_start3A_631 = tpu.memref_slice %arg6[%dma_start3A_628, %dma_start3A_629, %dma_start3A_630] : memref<8x128x64xbf16, #tpu.memory_space<vmem>> -> memref<1x128x64xbf16, #tpu.memory_space<vmem>>
      %dma_start3A_632 = tpu.memref_squeeze %dma_start3A_631 : memref<1x128x64xbf16, #tpu.memory_space<vmem>> -> memref<128x64xbf16, #tpu.memory_space<vmem>>
      %dma_start3A_633 = arith.constant 0 : i32
      %dma_start3A_634 = arith.constant 0 : i32
      %dma_start3A_635 = tpu.memref_slice %arg5[%scan3A_293, %dma_start3A_633, %dma_start3A_634] : memref<2x80x128xi32, #tpu.memory_space<vmem>> -> memref<1x80x128xi32, #tpu.memory_space<vmem>>
      %dma_start3A_636 = tpu.memref_squeeze %dma_start3A_635 : memref<1x80x128xi32, #tpu.memory_space<vmem>> -> memref<80x128xi32, #tpu.memory_space<vmem>>
      %dma_start3A_637 = arith.constant 0 : i32
      %dma_start3A_638 = tpu.memref_slice %dma_start3A_636[%add3A_627, %dma_start3A_637] : memref<80x128xi32, #tpu.memory_space<vmem>> -> memref<1x128xi32, #tpu.memory_space<vmem>>
      %dma_start3A_639 = tpu.memref_squeeze %dma_start3A_638 : memref<1x128xi32, #tpu.memory_space<vmem>> -> memref<128xi32, #tpu.memory_space<vmem>>
      %dma_start3A_640 = arith.constant 0 : i32
      %dma_start3A_641 = arith.constant 0 : i32
      %dma_start3A_642 = tpu.memref_slice %arg2[%dma_start3A_640, %dma_start3A_641] : memref<10000x64xbf16, #tpu.memory_space<hbm>> -> memref<10000x64xbf16, #tpu.memory_space<hbm>>
      tpu.enqueue_indirect_dma source(%dma_start3A_642 : memref<10000x64xbf16, #tpu.memory_space<hbm>>) target(%dma_start3A_632 : memref<128x64xbf16, #tpu.memory_space<vmem>>) offsets(%dma_start3A_639 : memref<128xi32, #tpu.memory_space<vmem>>) semaphore(%arg8 : memref<!tpu.dma_semaphore, #tpu.memory_space<semaphore_mem>>)
      %add3A_643 = arith.constant 1 : i32
      %add3A_644 = arith.addi %add3A_577, %add3A_643 : i32
      %dma_wait3A_645 = arith.constant 5 : i32
      %dma_wait3A_646 = arith.constant 0 : i32
      %dma_wait3A_647 = arith.constant 0 : i32
      %dma_wait3A_648 = tpu.memref_slice %arg6[%dma_wait3A_645, %dma_wait3A_646, %dma_wait3A_647] : memref<8x128x64xbf16, #tpu.memory_space<vmem>> -> memref<1x128x64xbf16, #tpu.memory_space<vmem>>
      %dma_wait3A_649 = tpu.memref_squeeze %dma_wait3A_648 : memref<1x128x64xbf16, #tpu.memory_space<vmem>> -> memref<128x64xbf16, #tpu.memory_space<vmem>>
      %dma_wait3A_650 = arith.constant 0 : i32
      %dma_wait3A_651 = arith.constant 0 : i32
      %dma_wait3A_652 = tpu.memref_slice %arg5[%scan3A_293, %dma_wait3A_650, %dma_wait3A_651] : memref<2x80x128xi32, #tpu.memory_space<vmem>> -> memref<1x80x128xi32, #tpu.memory_space<vmem>>
      %dma_wait3A_653 = tpu.memref_squeeze %dma_wait3A_652 : memref<1x80x128xi32, #tpu.memory_space<vmem>> -> memref<80x128xi32, #tpu.memory_space<vmem>>
      %dma_wait3A_654 = arith.constant 0 : i32
      %dma_wait3A_655 = tpu.memref_slice %dma_wait3A_653[%add3A_644, %dma_wait3A_654] : memref<80x128xi32, #tpu.memory_space<vmem>> -> memref<1x128xi32, #tpu.memory_space<vmem>>
      %dma_wait3A_656 = tpu.memref_squeeze %dma_wait3A_655 : memref<1x128xi32, #tpu.memory_space<vmem>> -> memref<128xi32, #tpu.memory_space<vmem>>
      %dma_wait3A_657 = arith.constant 0 : i32
      %dma_wait3A_658 = arith.constant 0 : i32
      %dma_wait3A_659 = tpu.memref_slice %arg2[%dma_wait3A_657, %dma_wait3A_658] : memref<10000x64xbf16, #tpu.memory_space<hbm>> -> memref<10000x64xbf16, #tpu.memory_space<hbm>>
      tpu.wait_indirect_dma semaphore(%arg13 : memref<!tpu.dma_semaphore, #tpu.memory_space<semaphore_mem>>) src(%dma_wait3A_659 : memref<10000x64xbf16, #tpu.memory_space<hbm>>) dst(%dma_wait3A_649 : memref<128x64xbf16, #tpu.memory_space<vmem>>)
      %dma_start3A_660 = arith.constant 5 : i32
      %dma_start3A_661 = arith.constant 0 : i32
      %dma_start3A_662 = arith.constant 0 : i32
      %dma_start3A_663 = tpu.memref_slice %arg6[%dma_start3A_660, %dma_start3A_661, %dma_start3A_662] : memref<8x128x64xbf16, #tpu.memory_space<vmem>> -> memref<1x128x64xbf16, #tpu.memory_space<vmem>>
      %dma_start3A_664 = tpu.memref_squeeze %dma_start3A_663 : memref<1x128x64xbf16, #tpu.memory_space<vmem>> -> memref<128x64xbf16, #tpu.memory_space<vmem>>
      %dma_start3A_665 = arith.constant 0 : i32
      %dma_start3A_666 = arith.constant 0 : i32
      %dma_start3A_667 = tpu.memref_slice %arg5[%scan3A_294, %dma_start3A_665, %dma_start3A_666] : memref<2x80x128xi32, #tpu.memory_space<vmem>> -> memref<1x80x128xi32, #tpu.memory_space<vmem>>
      %dma_start3A_668 = tpu.memref_squeeze %dma_start3A_667 : memref<1x80x128xi32, #tpu.memory_space<vmem>> -> memref<80x128xi32, #tpu.memory_space<vmem>>
      %dma_start3A_669 = arith.constant 0 : i32
      %dma_start3A_670 = tpu.memref_slice %dma_start3A_668[%add3A_644, %dma_start3A_669] : memref<80x128xi32, #tpu.memory_space<vmem>> -> memref<1x128xi32, #tpu.memory_space<vmem>>
      %dma_start3A_671 = tpu.memref_squeeze %dma_start3A_670 : memref<1x128xi32, #tpu.memory_space<vmem>> -> memref<128xi32, #tpu.memory_space<vmem>>
      %dma_start3A_672 = arith.constant 0 : i32
      %dma_start3A_673 = arith.constant 0 : i32
      %dma_start3A_674 = tpu.memref_slice %arg7[%dma_start3A_672, %dma_start3A_673] : memref<10240x64xbf16, #tpu.memory_space<vmem_shared>> -> memref<10240x64xbf16, #tpu.memory_space<vmem_shared>>
      tpu.enqueue_indirect_dma source(%dma_start3A_664 : memref<128x64xbf16, #tpu.memory_space<vmem>>) target(%dma_start3A_674 : memref<10240x64xbf16, #tpu.memory_space<vmem_shared>>) offsets(%dma_start3A_671 : memref<128xi32, #tpu.memory_space<vmem>>) semaphore(%arg21 : memref<!tpu.dma_semaphore, #tpu.memory_space<semaphore_mem>>) {add = true}
      %sub3A_675 = arith.constant 4 : i32
      %sub3A_676 = arith.subi %add3A_644, %sub3A_675 : i32
      %dma_wait3A_677 = arith.constant 1 : i32
      %dma_wait3A_678 = arith.constant 0 : i32
      %dma_wait3A_679 = arith.constant 0 : i32
      %dma_wait3A_680 = tpu.memref_slice %arg6[%dma_wait3A_677, %dma_wait3A_678, %dma_wait3A_679] : memref<8x128x64xbf16, #tpu.memory_space<vmem>> -> memref<1x128x64xbf16, #tpu.memory_space<vmem>>
      %dma_wait3A_681 = tpu.memref_squeeze %dma_wait3A_680 : memref<1x128x64xbf16, #tpu.memory_space<vmem>> -> memref<128x64xbf16, #tpu.memory_space<vmem>>
      %dma_wait3A_682 = arith.constant 0 : i32
      %dma_wait3A_683 = arith.constant 0 : i32
      %dma_wait3A_684 = tpu.memref_slice %arg5[%scan3A_294, %dma_wait3A_682, %dma_wait3A_683] : memref<2x80x128xi32, #tpu.memory_space<vmem>> -> memref<1x80x128xi32, #tpu.memory_space<vmem>>
      %dma_wait3A_685 = tpu.memref_squeeze %dma_wait3A_684 : memref<1x80x128xi32, #tpu.memory_space<vmem>> -> memref<80x128xi32, #tpu.memory_space<vmem>>
      %dma_wait3A_686 = arith.constant 0 : i32
      %dma_wait3A_687 = tpu.memref_slice %dma_wait3A_685[%sub3A_676, %dma_wait3A_686] : memref<80x128xi32, #tpu.memory_space<vmem>> -> memref<1x128xi32, #tpu.memory_space<vmem>>
      %dma_wait3A_688 = tpu.memref_squeeze %dma_wait3A_687 : memref<1x128xi32, #tpu.memory_space<vmem>> -> memref<128xi32, #tpu.memory_space<vmem>>
      %dma_wait3A_689 = arith.constant 0 : i32
      %dma_wait3A_690 = arith.constant 0 : i32
      %dma_wait3A_691 = tpu.memref_slice %arg7[%dma_wait3A_689, %dma_wait3A_690] : memref<10240x64xbf16, #tpu.memory_space<vmem_shared>> -> memref<10240x64xbf16, #tpu.memory_space<vmem_shared>>
      tpu.wait_indirect_dma semaphore(%arg17 : memref<!tpu.dma_semaphore, #tpu.memory_space<semaphore_mem>>) src(%dma_wait3A_681 : memref<128x64xbf16, #tpu.memory_space<vmem>>) dst(%dma_wait3A_691 : memref<10240x64xbf16, #tpu.memory_space<vmem_shared>>)
      %add3A_692 = arith.constant 4 : i32
      %add3A_693 = arith.addi %add3A_644, %add3A_692 : i32
      %dma_start3A_694 = arith.constant 1 : i32
      %dma_start3A_695 = arith.constant 0 : i32
      %dma_start3A_696 = arith.constant 0 : i32
      %dma_start3A_697 = tpu.memref_slice %arg6[%dma_start3A_694, %dma_start3A_695, %dma_start3A_696] : memref<8x128x64xbf16, #tpu.memory_space<vmem>> -> memref<1x128x64xbf16, #tpu.memory_space<vmem>>
      %dma_start3A_698 = tpu.memref_squeeze %dma_start3A_697 : memref<1x128x64xbf16, #tpu.memory_space<vmem>> -> memref<128x64xbf16, #tpu.memory_space<vmem>>
      %dma_start3A_699 = arith.constant 0 : i32
      %dma_start3A_700 = arith.constant 0 : i32
      %dma_start3A_701 = tpu.memref_slice %arg5[%scan3A_293, %dma_start3A_699, %dma_start3A_700] : memref<2x80x128xi32, #tpu.memory_space<vmem>> -> memref<1x80x128xi32, #tpu.memory_space<vmem>>
      %dma_start3A_702 = tpu.memref_squeeze %dma_start3A_701 : memref<1x80x128xi32, #tpu.memory_space<vmem>> -> memref<80x128xi32, #tpu.memory_space<vmem>>
      %dma_start3A_703 = arith.constant 0 : i32
      %dma_start3A_704 = tpu.memref_slice %dma_start3A_702[%add3A_693, %dma_start3A_703] : memref<80x128xi32, #tpu.memory_space<vmem>> -> memref<1x128xi32, #tpu.memory_space<vmem>>
      %dma_start3A_705 = tpu.memref_squeeze %dma_start3A_704 : memref<1x128xi32, #tpu.memory_space<vmem>> -> memref<128xi32, #tpu.memory_space<vmem>>
      %dma_start3A_706 = arith.constant 0 : i32
      %dma_start3A_707 = arith.constant 0 : i32
      %dma_start3A_708 = tpu.memref_slice %arg2[%dma_start3A_706, %dma_start3A_707] : memref<10000x64xbf16, #tpu.memory_space<hbm>> -> memref<10000x64xbf16, #tpu.memory_space<hbm>>
      tpu.enqueue_indirect_dma source(%dma_start3A_708 : memref<10000x64xbf16, #tpu.memory_space<hbm>>) target(%dma_start3A_698 : memref<128x64xbf16, #tpu.memory_space<vmem>>) offsets(%dma_start3A_705 : memref<128xi32, #tpu.memory_space<vmem>>) semaphore(%arg9 : memref<!tpu.dma_semaphore, #tpu.memory_space<semaphore_mem>>)
      %add3A_709 = arith.constant 2 : i32
      %add3A_710 = arith.addi %add3A_577, %add3A_709 : i32
      %dma_wait3A_711 = arith.constant 6 : i32
      %dma_wait3A_712 = arith.constant 0 : i32
      %dma_wait3A_713 = arith.constant 0 : i32
      %dma_wait3A_714 = tpu.memref_slice %arg6[%dma_wait3A_711, %dma_wait3A_712, %dma_wait3A_713] : memref<8x128x64xbf16, #tpu.memory_space<vmem>> -> memref<1x128x64xbf16, #tpu.memory_space<vmem>>
      %dma_wait3A_715 = tpu.memref_squeeze %dma_wait3A_714 : memref<1x128x64xbf16, #tpu.memory_space<vmem>> -> memref<128x64xbf16, #tpu.memory_space<vmem>>
      %dma_wait3A_716 = arith.constant 0 : i32
      %dma_wait3A_717 = arith.constant 0 : i32
      %dma_wait3A_718 = tpu.memref_slice %arg5[%scan3A_293, %dma_wait3A_716, %dma_wait3A_717] : memref<2x80x128xi32, #tpu.memory_space<vmem>> -> memref<1x80x128xi32, #tpu.memory_space<vmem>>
      %dma_wait3A_719 = tpu.memref_squeeze %dma_wait3A_718 : memref<1x80x128xi32, #tpu.memory_space<vmem>> -> memref<80x128xi32, #tpu.memory_space<vmem>>
      %dma_wait3A_720 = arith.constant 0 : i32
      %dma_wait3A_721 = tpu.memref_slice %dma_wait3A_719[%add3A_710, %dma_wait3A_720] : memref<80x128xi32, #tpu.memory_space<vmem>> -> memref<1x128xi32, #tpu.memory_space<vmem>>
      %dma_wait3A_722 = tpu.memref_squeeze %dma_wait3A_721 : memref<1x128xi32, #tpu.memory_space<vmem>> -> memref<128xi32, #tpu.memory_space<vmem>>
      %dma_wait3A_723 = arith.constant 0 : i32
      %dma_wait3A_724 = arith.constant 0 : i32
      %dma_wait3A_725 = tpu.memref_slice %arg2[%dma_wait3A_723, %dma_wait3A_724] : memref<10000x64xbf16, #tpu.memory_space<hbm>> -> memref<10000x64xbf16, #tpu.memory_space<hbm>>
      tpu.wait_indirect_dma semaphore(%arg14 : memref<!tpu.dma_semaphore, #tpu.memory_space<semaphore_mem>>) src(%dma_wait3A_725 : memref<10000x64xbf16, #tpu.memory_space<hbm>>) dst(%dma_wait3A_715 : memref<128x64xbf16, #tpu.memory_space<vmem>>)
      %dma_start3A_726 = arith.constant 6 : i32
      %dma_start3A_727 = arith.constant 0 : i32
      %dma_start3A_728 = arith.constant 0 : i32
      %dma_start3A_729 = tpu.memref_slice %arg6[%dma_start3A_726, %dma_start3A_727, %dma_start3A_728] : memref<8x128x64xbf16, #tpu.memory_space<vmem>> -> memref<1x128x64xbf16, #tpu.memory_space<vmem>>
      %dma_start3A_730 = tpu.memref_squeeze %dma_start3A_729 : memref<1x128x64xbf16, #tpu.memory_space<vmem>> -> memref<128x64xbf16, #tpu.memory_space<vmem>>
      %dma_start3A_731 = arith.constant 0 : i32
      %dma_start3A_732 = arith.constant 0 : i32
      %dma_start3A_733 = tpu.memref_slice %arg5[%scan3A_294, %dma_start3A_731, %dma_start3A_732] : memref<2x80x128xi32, #tpu.memory_space<vmem>> -> memref<1x80x128xi32, #tpu.memory_space<vmem>>
      %dma_start3A_734 = tpu.memref_squeeze %dma_start3A_733 : memref<1x80x128xi32, #tpu.memory_space<vmem>> -> memref<80x128xi32, #tpu.memory_space<vmem>>
      %dma_start3A_735 = arith.constant 0 : i32
      %dma_start3A_736 = tpu.memref_slice %dma_start3A_734[%add3A_710, %dma_start3A_735] : memref<80x128xi32, #tpu.memory_space<vmem>> -> memref<1x128xi32, #tpu.memory_space<vmem>>
      %dma_start3A_737 = tpu.memref_squeeze %dma_start3A_736 : memref<1x128xi32, #tpu.memory_space<vmem>> -> memref<128xi32, #tpu.memory_space<vmem>>
      %dma_start3A_738 = arith.constant 0 : i32
      %dma_start3A_739 = arith.constant 0 : i32
      %dma_start3A_740 = tpu.memref_slice %arg7[%dma_start3A_738, %dma_start3A_739] : memref<10240x64xbf16, #tpu.memory_space<vmem_shared>> -> memref<10240x64xbf16, #tpu.memory_space<vmem_shared>>
      tpu.enqueue_indirect_dma source(%dma_start3A_730 : memref<128x64xbf16, #tpu.memory_space<vmem>>) target(%dma_start3A_740 : memref<10240x64xbf16, #tpu.memory_space<vmem_shared>>) offsets(%dma_start3A_737 : memref<128xi32, #tpu.memory_space<vmem>>) semaphore(%arg22 : memref<!tpu.dma_semaphore, #tpu.memory_space<semaphore_mem>>) {add = true}
      %sub3A_741 = arith.constant 4 : i32
      %sub3A_742 = arith.subi %add3A_710, %sub3A_741 : i32
      %dma_wait3A_743 = arith.constant 2 : i32
      %dma_wait3A_744 = arith.constant 0 : i32
      %dma_wait3A_745 = arith.constant 0 : i32
      %dma_wait3A_746 = tpu.memref_slice %arg6[%dma_wait3A_743, %dma_wait3A_744, %dma_wait3A_745] : memref<8x128x64xbf16, #tpu.memory_space<vmem>> -> memref<1x128x64xbf16, #tpu.memory_space<vmem>>
      %dma_wait3A_747 = tpu.memref_squeeze %dma_wait3A_746 : memref<1x128x64xbf16, #tpu.memory_space<vmem>> -> memref<128x64xbf16, #tpu.memory_space<vmem>>
      %dma_wait3A_748 = arith.constant 0 : i32
      %dma_wait3A_749 = arith.constant 0 : i32
      %dma_wait3A_750 = tpu.memref_slice %arg5[%scan3A_294, %dma_wait3A_748, %dma_wait3A_749] : memref<2x80x128xi32, #tpu.memory_space<vmem>> -> memref<1x80x128xi32, #tpu.memory_space<vmem>>
      %dma_wait3A_751 = tpu.memref_squeeze %dma_wait3A_750 : memref<1x80x128xi32, #tpu.memory_space<vmem>> -> memref<80x128xi32, #tpu.memory_space<vmem>>
      %dma_wait3A_752 = arith.constant 0 : i32
      %dma_wait3A_753 = tpu.memref_slice %dma_wait3A_751[%sub3A_742, %dma_wait3A_752] : memref<80x128xi32, #tpu.memory_space<vmem>> -> memref<1x128xi32, #tpu.memory_space<vmem>>
      %dma_wait3A_754 = tpu.memref_squeeze %dma_wait3A_753 : memref<1x128xi32, #tpu.memory_space<vmem>> -> memref<128xi32, #tpu.memory_space<vmem>>
      %dma_wait3A_755 = arith.constant 0 : i32
      %dma_wait3A_756 = arith.constant 0 : i32
      %dma_wait3A_757 = tpu.memref_slice %arg7[%dma_wait3A_755, %dma_wait3A_756] : memref<10240x64xbf16, #tpu.memory_space<vmem_shared>> -> memref<10240x64xbf16, #tpu.memory_space<vmem_shared>>
      tpu.wait_indirect_dma semaphore(%arg18 : memref<!tpu.dma_semaphore, #tpu.memory_space<semaphore_mem>>) src(%dma_wait3A_747 : memref<128x64xbf16, #tpu.memory_space<vmem>>) dst(%dma_wait3A_757 : memref<10240x64xbf16, #tpu.memory_space<vmem_shared>>)
      %add3A_758 = arith.constant 4 : i32
      %add3A_759 = arith.addi %add3A_710, %add3A_758 : i32
      %dma_start3A_760 = arith.constant 2 : i32
      %dma_start3A_761 = arith.constant 0 : i32
      %dma_start3A_762 = arith.constant 0 : i32
      %dma_start3A_763 = tpu.memref_slice %arg6[%dma_start3A_760, %dma_start3A_761, %dma_start3A_762] : memref<8x128x64xbf16, #tpu.memory_space<vmem>> -> memref<1x128x64xbf16, #tpu.memory_space<vmem>>
      %dma_start3A_764 = tpu.memref_squeeze %dma_start3A_763 : memref<1x128x64xbf16, #tpu.memory_space<vmem>> -> memref<128x64xbf16, #tpu.memory_space<vmem>>
      %dma_start3A_765 = arith.constant 0 : i32
      %dma_start3A_766 = arith.constant 0 : i32
      %dma_start3A_767 = tpu.memref_slice %arg5[%scan3A_293, %dma_start3A_765, %dma_start3A_766] : memref<2x80x128xi32, #tpu.memory_space<vmem>> -> memref<1x80x128xi32, #tpu.memory_space<vmem>>
      %dma_start3A_768 = tpu.memref_squeeze %dma_start3A_767 : memref<1x80x128xi32, #tpu.memory_space<vmem>> -> memref<80x128xi32, #tpu.memory_space<vmem>>
      %dma_start3A_769 = arith.constant 0 : i32
      %dma_start3A_770 = tpu.memref_slice %dma_start3A_768[%add3A_759, %dma_start3A_769] : memref<80x128xi32, #tpu.memory_space<vmem>> -> memref<1x128xi32, #tpu.memory_space<vmem>>
      %dma_start3A_771 = tpu.memref_squeeze %dma_start3A_770 : memref<1x128xi32, #tpu.memory_space<vmem>> -> memref<128xi32, #tpu.memory_space<vmem>>
      %dma_start3A_772 = arith.constant 0 : i32
      %dma_start3A_773 = arith.constant 0 : i32
      %dma_start3A_774 = tpu.memref_slice %arg2[%dma_start3A_772, %dma_start3A_773] : memref<10000x64xbf16, #tpu.memory_space<hbm>> -> memref<10000x64xbf16, #tpu.memory_space<hbm>>
      tpu.enqueue_indirect_dma source(%dma_start3A_774 : memref<10000x64xbf16, #tpu.memory_space<hbm>>) target(%dma_start3A_764 : memref<128x64xbf16, #tpu.memory_space<vmem>>) offsets(%dma_start3A_771 : memref<128xi32, #tpu.memory_space<vmem>>) semaphore(%arg10 : memref<!tpu.dma_semaphore, #tpu.memory_space<semaphore_mem>>)
      %add3A_775 = arith.constant 3 : i32
      %add3A_776 = arith.addi %add3A_577, %add3A_775 : i32
      %dma_wait3A_777 = arith.constant 7 : i32
      %dma_wait3A_778 = arith.constant 0 : i32
      %dma_wait3A_779 = arith.constant 0 : i32
      %dma_wait3A_780 = tpu.memref_slice %arg6[%dma_wait3A_777, %dma_wait3A_778, %dma_wait3A_779] : memref<8x128x64xbf16, #tpu.memory_space<vmem>> -> memref<1x128x64xbf16, #tpu.memory_space<vmem>>
      %dma_wait3A_781 = tpu.memref_squeeze %dma_wait3A_780 : memref<1x128x64xbf16, #tpu.memory_space<vmem>> -> memref<128x64xbf16, #tpu.memory_space<vmem>>
      %dma_wait3A_782 = arith.constant 0 : i32
      %dma_wait3A_783 = arith.constant 0 : i32
      %dma_wait3A_784 = tpu.memref_slice %arg5[%scan3A_293, %dma_wait3A_782, %dma_wait3A_783] : memref<2x80x128xi32, #tpu.memory_space<vmem>> -> memref<1x80x128xi32, #tpu.memory_space<vmem>>
      %dma_wait3A_785 = tpu.memref_squeeze %dma_wait3A_784 : memref<1x80x128xi32, #tpu.memory_space<vmem>> -> memref<80x128xi32, #tpu.memory_space<vmem>>
      %dma_wait3A_786 = arith.constant 0 : i32
      %dma_wait3A_787 = tpu.memref_slice %dma_wait3A_785[%add3A_776, %dma_wait3A_786] : memref<80x128xi32, #tpu.memory_space<vmem>> -> memref<1x128xi32, #tpu.memory_space<vmem>>
      %dma_wait3A_788 = tpu.memref_squeeze %dma_wait3A_787 : memref<1x128xi32, #tpu.memory_space<vmem>> -> memref<128xi32, #tpu.memory_space<vmem>>
      %dma_wait3A_789 = arith.constant 0 : i32
      %dma_wait3A_790 = arith.constant 0 : i32
      %dma_wait3A_791 = tpu.memref_slice %arg2[%dma_wait3A_789, %dma_wait3A_790] : memref<10000x64xbf16, #tpu.memory_space<hbm>> -> memref<10000x64xbf16, #tpu.memory_space<hbm>>
      tpu.wait_indirect_dma semaphore(%arg15 : memref<!tpu.dma_semaphore, #tpu.memory_space<semaphore_mem>>) src(%dma_wait3A_791 : memref<10000x64xbf16, #tpu.memory_space<hbm>>) dst(%dma_wait3A_781 : memref<128x64xbf16, #tpu.memory_space<vmem>>)
      %dma_start3A_792 = arith.constant 7 : i32
      %dma_start3A_793 = arith.constant 0 : i32
      %dma_start3A_794 = arith.constant 0 : i32
      %dma_start3A_795 = tpu.memref_slice %arg6[%dma_start3A_792, %dma_start3A_793, %dma_start3A_794] : memref<8x128x64xbf16, #tpu.memory_space<vmem>> -> memref<1x128x64xbf16, #tpu.memory_space<vmem>>
      %dma_start3A_796 = tpu.memref_squeeze %dma_start3A_795 : memref<1x128x64xbf16, #tpu.memory_space<vmem>> -> memref<128x64xbf16, #tpu.memory_space<vmem>>
      %dma_start3A_797 = arith.constant 0 : i32
      %dma_start3A_798 = arith.constant 0 : i32
      %dma_start3A_799 = tpu.memref_slice %arg5[%scan3A_294, %dma_start3A_797, %dma_start3A_798] : memref<2x80x128xi32, #tpu.memory_space<vmem>> -> memref<1x80x128xi32, #tpu.memory_space<vmem>>
      %dma_start3A_800 = tpu.memref_squeeze %dma_start3A_799 : memref<1x80x128xi32, #tpu.memory_space<vmem>> -> memref<80x128xi32, #tpu.memory_space<vmem>>
      %dma_start3A_801 = arith.constant 0 : i32
      %dma_start3A_802 = tpu.memref_slice %dma_start3A_800[%add3A_776, %dma_start3A_801] : memref<80x128xi32, #tpu.memory_space<vmem>> -> memref<1x128xi32, #tpu.memory_space<vmem>>
      %dma_start3A_803 = tpu.memref_squeeze %dma_start3A_802 : memref<1x128xi32, #tpu.memory_space<vmem>> -> memref<128xi32, #tpu.memory_space<vmem>>
      %dma_start3A_804 = arith.constant 0 : i32
      %dma_start3A_805 = arith.constant 0 : i32
      %dma_start3A_806 = tpu.memref_slice %arg7[%dma_start3A_804, %dma_start3A_805] : memref<10240x64xbf16, #tpu.memory_space<vmem_shared>> -> memref<10240x64xbf16, #tpu.memory_space<vmem_shared>>
      tpu.enqueue_indirect_dma source(%dma_start3A_796 : memref<128x64xbf16, #tpu.memory_space<vmem>>) target(%dma_start3A_806 : memref<10240x64xbf16, #tpu.memory_space<vmem_shared>>) offsets(%dma_start3A_803 : memref<128xi32, #tpu.memory_space<vmem>>) semaphore(%arg23 : memref<!tpu.dma_semaphore, #tpu.memory_space<semaphore_mem>>) {add = true}
      %sub3A_807 = arith.constant 4 : i32
      %sub3A_808 = arith.subi %add3A_776, %sub3A_807 : i32
      %dma_wait3A_809 = arith.constant 3 : i32
      %dma_wait3A_810 = arith.constant 0 : i32
      %dma_wait3A_811 = arith.constant 0 : i32
      %dma_wait3A_812 = tpu.memref_slice %arg6[%dma_wait3A_809, %dma_wait3A_810, %dma_wait3A_811] : memref<8x128x64xbf16, #tpu.memory_space<vmem>> -> memref<1x128x64xbf16, #tpu.memory_space<vmem>>
      %dma_wait3A_813 = tpu.memref_squeeze %dma_wait3A_812 : memref<1x128x64xbf16, #tpu.memory_space<vmem>> -> memref<128x64xbf16, #tpu.memory_space<vmem>>
      %dma_wait3A_814 = arith.constant 0 : i32
      %dma_wait3A_815 = arith.constant 0 : i32
      %dma_wait3A_816 = tpu.memref_slice %arg5[%scan3A_294, %dma_wait3A_814, %dma_wait3A_815] : memref<2x80x128xi32, #tpu.memory_space<vmem>> -> memref<1x80x128xi32, #tpu.memory_space<vmem>>
      %dma_wait3A_817 = tpu.memref_squeeze %dma_wait3A_816 : memref<1x80x128xi32, #tpu.memory_space<vmem>> -> memref<80x128xi32, #tpu.memory_space<vmem>>
      %dma_wait3A_818 = arith.constant 0 : i32
      %dma_wait3A_819 = tpu.memref_slice %dma_wait3A_817[%sub3A_808, %dma_wait3A_818] : memref<80x128xi32, #tpu.memory_space<vmem>> -> memref<1x128xi32, #tpu.memory_space<vmem>>
      %dma_wait3A_820 = tpu.memref_squeeze %dma_wait3A_819 : memref<1x128xi32, #tpu.memory_space<vmem>> -> memref<128xi32, #tpu.memory_space<vmem>>
      %dma_wait3A_821 = arith.constant 0 : i32
      %dma_wait3A_822 = arith.constant 0 : i32
      %dma_wait3A_823 = tpu.memref_slice %arg7[%dma_wait3A_821, %dma_wait3A_822] : memref<10240x64xbf16, #tpu.memory_space<vmem_shared>> -> memref<10240x64xbf16, #tpu.memory_space<vmem_shared>>
      tpu.wait_indirect_dma semaphore(%arg19 : memref<!tpu.dma_semaphore, #tpu.memory_space<semaphore_mem>>) src(%dma_wait3A_813 : memref<128x64xbf16, #tpu.memory_space<vmem>>) dst(%dma_wait3A_823 : memref<10240x64xbf16, #tpu.memory_space<vmem_shared>>)
      %add3A_824 = arith.constant 4 : i32
      %add3A_825 = arith.addi %add3A_776, %add3A_824 : i32
      %dma_start3A_826 = arith.constant 3 : i32
      %dma_start3A_827 = arith.constant 0 : i32
      %dma_start3A_828 = arith.constant 0 : i32
      %dma_start3A_829 = tpu.memref_slice %arg6[%dma_start3A_826, %dma_start3A_827, %dma_start3A_828] : memref<8x128x64xbf16, #tpu.memory_space<vmem>> -> memref<1x128x64xbf16, #tpu.memory_space<vmem>>
      %dma_start3A_830 = tpu.memref_squeeze %dma_start3A_829 : memref<1x128x64xbf16, #tpu.memory_space<vmem>> -> memref<128x64xbf16, #tpu.memory_space<vmem>>
      %dma_start3A_831 = arith.constant 0 : i32
      %dma_start3A_832 = arith.constant 0 : i32
      %dma_start3A_833 = tpu.memref_slice %arg5[%scan3A_293, %dma_start3A_831, %dma_start3A_832] : memref<2x80x128xi32, #tpu.memory_space<vmem>> -> memref<1x80x128xi32, #tpu.memory_space<vmem>>
      %dma_start3A_834 = tpu.memref_squeeze %dma_start3A_833 : memref<1x80x128xi32, #tpu.memory_space<vmem>> -> memref<80x128xi32, #tpu.memory_space<vmem>>
      %dma_start3A_835 = arith.constant 0 : i32
      %dma_start3A_836 = tpu.memref_slice %dma_start3A_834[%add3A_825, %dma_start3A_835] : memref<80x128xi32, #tpu.memory_space<vmem>> -> memref<1x128xi32, #tpu.memory_space<vmem>>
      %dma_start3A_837 = tpu.memref_squeeze %dma_start3A_836 : memref<1x128xi32, #tpu.memory_space<vmem>> -> memref<128xi32, #tpu.memory_space<vmem>>
      %dma_start3A_838 = arith.constant 0 : i32
      %dma_start3A_839 = arith.constant 0 : i32
      %dma_start3A_840 = tpu.memref_slice %arg2[%dma_start3A_838, %dma_start3A_839] : memref<10000x64xbf16, #tpu.memory_space<hbm>> -> memref<10000x64xbf16, #tpu.memory_space<hbm>>
      tpu.enqueue_indirect_dma source(%dma_start3A_840 : memref<10000x64xbf16, #tpu.memory_space<hbm>>) target(%dma_start3A_830 : memref<128x64xbf16, #tpu.memory_space<vmem>>) offsets(%dma_start3A_837 : memref<128xi32, #tpu.memory_space<vmem>>) semaphore(%arg11 : memref<!tpu.dma_semaphore, #tpu.memory_space<semaphore_mem>>)
      %add3A_841 = arith.constant 4 : i32
      %add3A_842 = arith.addi %add3A_577, %add3A_841 : i32
      %dma_wait3A_843 = arith.constant 0 : i32
      %dma_wait3A_844 = arith.constant 0 : i32
      %dma_wait3A_845 = arith.constant 0 : i32
      %dma_wait3A_846 = tpu.memref_slice %arg6[%dma_wait3A_843, %dma_wait3A_844, %dma_wait3A_845] : memref<8x128x64xbf16, #tpu.memory_space<vmem>> -> memref<1x128x64xbf16, #tpu.memory_space<vmem>>
      %dma_wait3A_847 = tpu.memref_squeeze %dma_wait3A_846 : memref<1x128x64xbf16, #tpu.memory_space<vmem>> -> memref<128x64xbf16, #tpu.memory_space<vmem>>
      %dma_wait3A_848 = arith.constant 0 : i32
      %dma_wait3A_849 = arith.constant 0 : i32
      %dma_wait3A_850 = tpu.memref_slice %arg5[%scan3A_293, %dma_wait3A_848, %dma_wait3A_849] : memref<2x80x128xi32, #tpu.memory_space<vmem>> -> memref<1x80x128xi32, #tpu.memory_space<vmem>>
      %dma_wait3A_851 = tpu.memref_squeeze %dma_wait3A_850 : memref<1x80x128xi32, #tpu.memory_space<vmem>> -> memref<80x128xi32, #tpu.memory_space<vmem>>
      %dma_wait3A_852 = arith.constant 0 : i32
      %dma_wait3A_853 = tpu.memref_slice %dma_wait3A_851[%add3A_842, %dma_wait3A_852] : memref<80x128xi32, #tpu.memory_space<vmem>> -> memref<1x128xi32, #tpu.memory_space<vmem>>
      %dma_wait3A_854 = tpu.memref_squeeze %dma_wait3A_853 : memref<1x128xi32, #tpu.memory_space<vmem>> -> memref<128xi32, #tpu.memory_space<vmem>>
      %dma_wait3A_855 = arith.constant 0 : i32
      %dma_wait3A_856 = arith.constant 0 : i32
      %dma_wait3A_857 = tpu.memref_slice %arg2[%dma_wait3A_855, %dma_wait3A_856] : memref<10000x64xbf16, #tpu.memory_space<hbm>> -> memref<10000x64xbf16, #tpu.memory_space<hbm>>
      tpu.wait_indirect_dma semaphore(%arg8 : memref<!tpu.dma_semaphore, #tpu.memory_space<semaphore_mem>>) src(%dma_wait3A_857 : memref<10000x64xbf16, #tpu.memory_space<hbm>>) dst(%dma_wait3A_847 : memref<128x64xbf16, #tpu.memory_space<vmem>>)
      %dma_start3A_858 = arith.constant 0 : i32
      %dma_start3A_859 = arith.constant 0 : i32
      %dma_start3A_860 = arith.constant 0 : i32
      %dma_start3A_861 = tpu.memref_slice %arg6[%dma_start3A_858, %dma_start3A_859, %dma_start3A_860] : memref<8x128x64xbf16, #tpu.memory_space<vmem>> -> memref<1x128x64xbf16, #tpu.memory_space<vmem>>
      %dma_start3A_862 = tpu.memref_squeeze %dma_start3A_861 : memref<1x128x64xbf16, #tpu.memory_space<vmem>> -> memref<128x64xbf16, #tpu.memory_space<vmem>>
      %dma_start3A_863 = arith.constant 0 : i32
      %dma_start3A_864 = arith.constant 0 : i32
      %dma_start3A_865 = tpu.memref_slice %arg5[%scan3A_294, %dma_start3A_863, %dma_start3A_864] : memref<2x80x128xi32, #tpu.memory_space<vmem>> -> memref<1x80x128xi32, #tpu.memory_space<vmem>>
      %dma_start3A_866 = tpu.memref_squeeze %dma_start3A_865 : memref<1x80x128xi32, #tpu.memory_space<vmem>> -> memref<80x128xi32, #tpu.memory_space<vmem>>
      %dma_start3A_867 = arith.constant 0 : i32
      %dma_start3A_868 = tpu.memref_slice %dma_start3A_866[%add3A_842, %dma_start3A_867] : memref<80x128xi32, #tpu.memory_space<vmem>> -> memref<1x128xi32, #tpu.memory_space<vmem>>
      %dma_start3A_869 = tpu.memref_squeeze %dma_start3A_868 : memref<1x128xi32, #tpu.memory_space<vmem>> -> memref<128xi32, #tpu.memory_space<vmem>>
      %dma_start3A_870 = arith.constant 0 : i32
      %dma_start3A_871 = arith.constant 0 : i32
      %dma_start3A_872 = tpu.memref_slice %arg7[%dma_start3A_870, %dma_start3A_871] : memref<10240x64xbf16, #tpu.memory_space<vmem_shared>> -> memref<10240x64xbf16, #tpu.memory_space<vmem_shared>>
      tpu.enqueue_indirect_dma source(%dma_start3A_862 : memref<128x64xbf16, #tpu.memory_space<vmem>>) target(%dma_start3A_872 : memref<10240x64xbf16, #tpu.memory_space<vmem_shared>>) offsets(%dma_start3A_869 : memref<128xi32, #tpu.memory_space<vmem>>) semaphore(%arg16 : memref<!tpu.dma_semaphore, #tpu.memory_space<semaphore_mem>>) {add = true}
      %sub3A_873 = arith.constant 4 : i32
      %sub3A_874 = arith.subi %add3A_842, %sub3A_873 : i32
      %dma_wait3A_875 = arith.constant 4 : i32
      %dma_wait3A_876 = arith.constant 0 : i32
      %dma_wait3A_877 = arith.constant 0 : i32
      %dma_wait3A_878 = tpu.memref_slice %arg6[%dma_wait3A_875, %dma_wait3A_876, %dma_wait3A_877] : memref<8x128x64xbf16, #tpu.memory_space<vmem>> -> memref<1x128x64xbf16, #tpu.memory_space<vmem>>
      %dma_wait3A_879 = tpu.memref_squeeze %dma_wait3A_878 : memref<1x128x64xbf16, #tpu.memory_space<vmem>> -> memref<128x64xbf16, #tpu.memory_space<vmem>>
      %dma_wait3A_880 = arith.constant 0 : i32
      %dma_wait3A_881 = arith.constant 0 : i32
      %dma_wait3A_882 = tpu.memref_slice %arg5[%scan3A_294, %dma_wait3A_880, %dma_wait3A_881] : memref<2x80x128xi32, #tpu.memory_space<vmem>> -> memref<1x80x128xi32, #tpu.memory_space<vmem>>
      %dma_wait3A_883 = tpu.memref_squeeze %dma_wait3A_882 : memref<1x80x128xi32, #tpu.memory_space<vmem>> -> memref<80x128xi32, #tpu.memory_space<vmem>>
      %dma_wait3A_884 = arith.constant 0 : i32
      %dma_wait3A_885 = tpu.memref_slice %dma_wait3A_883[%sub3A_874, %dma_wait3A_884] : memref<80x128xi32, #tpu.memory_space<vmem>> -> memref<1x128xi32, #tpu.memory_space<vmem>>
      %dma_wait3A_886 = tpu.memref_squeeze %dma_wait3A_885 : memref<1x128xi32, #tpu.memory_space<vmem>> -> memref<128xi32, #tpu.memory_space<vmem>>
      %dma_wait3A_887 = arith.constant 0 : i32
      %dma_wait3A_888 = arith.constant 0 : i32
      %dma_wait3A_889 = tpu.memref_slice %arg7[%dma_wait3A_887, %dma_wait3A_888] : memref<10240x64xbf16, #tpu.memory_space<vmem_shared>> -> memref<10240x64xbf16, #tpu.memory_space<vmem_shared>>
      tpu.wait_indirect_dma semaphore(%arg20 : memref<!tpu.dma_semaphore, #tpu.memory_space<semaphore_mem>>) src(%dma_wait3A_879 : memref<128x64xbf16, #tpu.memory_space<vmem>>) dst(%dma_wait3A_889 : memref<10240x64xbf16, #tpu.memory_space<vmem_shared>>)
      %add3A_890 = arith.constant 4 : i32
      %add3A_891 = arith.addi %add3A_842, %add3A_890 : i32
      %dma_start3A_892 = arith.constant 4 : i32
      %dma_start3A_893 = arith.constant 0 : i32
      %dma_start3A_894 = arith.constant 0 : i32
      %dma_start3A_895 = tpu.memref_slice %arg6[%dma_start3A_892, %dma_start3A_893, %dma_start3A_894] : memref<8x128x64xbf16, #tpu.memory_space<vmem>> -> memref<1x128x64xbf16, #tpu.memory_space<vmem>>
      %dma_start3A_896 = tpu.memref_squeeze %dma_start3A_895 : memref<1x128x64xbf16, #tpu.memory_space<vmem>> -> memref<128x64xbf16, #tpu.memory_space<vmem>>
      %dma_start3A_897 = arith.constant 0 : i32
      %dma_start3A_898 = arith.constant 0 : i32
      %dma_start3A_899 = tpu.memref_slice %arg5[%scan3A_293, %dma_start3A_897, %dma_start3A_898] : memref<2x80x128xi32, #tpu.memory_space<vmem>> -> memref<1x80x128xi32, #tpu.memory_space<vmem>>
      %dma_start3A_900 = tpu.memref_squeeze %dma_start3A_899 : memref<1x80x128xi32, #tpu.memory_space<vmem>> -> memref<80x128xi32, #tpu.memory_space<vmem>>
      %dma_start3A_901 = arith.constant 0 : i32
      %dma_start3A_902 = tpu.memref_slice %dma_start3A_900[%add3A_891, %dma_start3A_901] : memref<80x128xi32, #tpu.memory_space<vmem>> -> memref<1x128xi32, #tpu.memory_space<vmem>>
      %dma_start3A_903 = tpu.memref_squeeze %dma_start3A_902 : memref<1x128xi32, #tpu.memory_space<vmem>> -> memref<128xi32, #tpu.memory_space<vmem>>
      %dma_start3A_904 = arith.constant 0 : i32
      %dma_start3A_905 = arith.constant 0 : i32
      %dma_start3A_906 = tpu.memref_slice %arg2[%dma_start3A_904, %dma_start3A_905] : memref<10000x64xbf16, #tpu.memory_space<hbm>> -> memref<10000x64xbf16, #tpu.memory_space<hbm>>
      tpu.enqueue_indirect_dma source(%dma_start3A_906 : memref<10000x64xbf16, #tpu.memory_space<hbm>>) target(%dma_start3A_896 : memref<128x64xbf16, #tpu.memory_space<vmem>>) offsets(%dma_start3A_903 : memref<128xi32, #tpu.memory_space<vmem>>) semaphore(%arg12 : memref<!tpu.dma_semaphore, #tpu.memory_space<semaphore_mem>>)
      %add3A_907 = arith.constant 5 : i32
      %add3A_908 = arith.addi %add3A_577, %add3A_907 : i32
      %dma_wait3A_909 = arith.constant 1 : i32
      %dma_wait3A_910 = arith.constant 0 : i32
      %dma_wait3A_911 = arith.constant 0 : i32
      %dma_wait3A_912 = tpu.memref_slice %arg6[%dma_wait3A_909, %dma_wait3A_910, %dma_wait3A_911] : memref<8x128x64xbf16, #tpu.memory_space<vmem>> -> memref<1x128x64xbf16, #tpu.memory_space<vmem>>
      %dma_wait3A_913 = tpu.memref_squeeze %dma_wait3A_912 : memref<1x128x64xbf16, #tpu.memory_space<vmem>> -> memref<128x64xbf16, #tpu.memory_space<vmem>>
      %dma_wait3A_914 = arith.constant 0 : i32
      %dma_wait3A_915 = arith.constant 0 : i32
      %dma_wait3A_916 = tpu.memref_slice %arg5[%scan3A_293, %dma_wait3A_914, %dma_wait3A_915] : memref<2x80x128xi32, #tpu.memory_space<vmem>> -> memref<1x80x128xi32, #tpu.memory_space<vmem>>
      %dma_wait3A_917 = tpu.memref_squeeze %dma_wait3A_916 : memref<1x80x128xi32, #tpu.memory_space<vmem>> -> memref<80x128xi32, #tpu.memory_space<vmem>>
      %dma_wait3A_918 = arith.constant 0 : i32
      %dma_wait3A_919 = tpu.memref_slice %dma_wait3A_917[%add3A_908, %dma_wait3A_918] : memref<80x128xi32, #tpu.memory_space<vmem>> -> memref<1x128xi32, #tpu.memory_space<vmem>>
      %dma_wait3A_920 = tpu.memref_squeeze %dma_wait3A_919 : memref<1x128xi32, #tpu.memory_space<vmem>> -> memref<128xi32, #tpu.memory_space<vmem>>
      %dma_wait3A_921 = arith.constant 0 : i32
      %dma_wait3A_922 = arith.constant 0 : i32
      %dma_wait3A_923 = tpu.memref_slice %arg2[%dma_wait3A_921, %dma_wait3A_922] : memref<10000x64xbf16, #tpu.memory_space<hbm>> -> memref<10000x64xbf16, #tpu.memory_space<hbm>>
      tpu.wait_indirect_dma semaphore(%arg9 : memref<!tpu.dma_semaphore, #tpu.memory_space<semaphore_mem>>) src(%dma_wait3A_923 : memref<10000x64xbf16, #tpu.memory_space<hbm>>) dst(%dma_wait3A_913 : memref<128x64xbf16, #tpu.memory_space<vmem>>)
      %dma_start3A_924 = arith.constant 1 : i32
      %dma_start3A_925 = arith.constant 0 : i32
      %dma_start3A_926 = arith.constant 0 : i32
      %dma_start3A_927 = tpu.memref_slice %arg6[%dma_start3A_924, %dma_start3A_925, %dma_start3A_926] : memref<8x128x64xbf16, #tpu.memory_space<vmem>> -> memref<1x128x64xbf16, #tpu.memory_space<vmem>>
      %dma_start3A_928 = tpu.memref_squeeze %dma_start3A_927 : memref<1x128x64xbf16, #tpu.memory_space<vmem>> -> memref<128x64xbf16, #tpu.memory_space<vmem>>
      %dma_start3A_929 = arith.constant 0 : i32
      %dma_start3A_930 = arith.constant 0 : i32
      %dma_start3A_931 = tpu.memref_slice %arg5[%scan3A_294, %dma_start3A_929, %dma_start3A_930] : memref<2x80x128xi32, #tpu.memory_space<vmem>> -> memref<1x80x128xi32, #tpu.memory_space<vmem>>
      %dma_start3A_932 = tpu.memref_squeeze %dma_start3A_931 : memref<1x80x128xi32, #tpu.memory_space<vmem>> -> memref<80x128xi32, #tpu.memory_space<vmem>>
      %dma_start3A_933 = arith.constant 0 : i32
      %dma_start3A_934 = tpu.memref_slice %dma_start3A_932[%add3A_908, %dma_start3A_933] : memref<80x128xi32, #tpu.memory_space<vmem>> -> memref<1x128xi32, #tpu.memory_space<vmem>>
      %dma_start3A_935 = tpu.memref_squeeze %dma_start3A_934 : memref<1x128xi32, #tpu.memory_space<vmem>> -> memref<128xi32, #tpu.memory_space<vmem>>
      %dma_start3A_936 = arith.constant 0 : i32
      %dma_start3A_937 = arith.constant 0 : i32
      %dma_start3A_938 = tpu.memref_slice %arg7[%dma_start3A_936, %dma_start3A_937] : memref<10240x64xbf16, #tpu.memory_space<vmem_shared>> -> memref<10240x64xbf16, #tpu.memory_space<vmem_shared>>
      tpu.enqueue_indirect_dma source(%dma_start3A_928 : memref<128x64xbf16, #tpu.memory_space<vmem>>) target(%dma_start3A_938 : memref<10240x64xbf16, #tpu.memory_space<vmem_shared>>) offsets(%dma_start3A_935 : memref<128xi32, #tpu.memory_space<vmem>>) semaphore(%arg17 : memref<!tpu.dma_semaphore, #tpu.memory_space<semaphore_mem>>) {add = true}
      %sub3A_939 = arith.constant 4 : i32
      %sub3A_940 = arith.subi %add3A_908, %sub3A_939 : i32
      %dma_wait3A_941 = arith.constant 5 : i32
      %dma_wait3A_942 = arith.constant 0 : i32
      %dma_wait3A_943 = arith.constant 0 : i32
      %dma_wait3A_944 = tpu.memref_slice %arg6[%dma_wait3A_941, %dma_wait3A_942, %dma_wait3A_943] : memref<8x128x64xbf16, #tpu.memory_space<vmem>> -> memref<1x128x64xbf16, #tpu.memory_space<vmem>>
      %dma_wait3A_945 = tpu.memref_squeeze %dma_wait3A_944 : memref<1x128x64xbf16, #tpu.memory_space<vmem>> -> memref<128x64xbf16, #tpu.memory_space<vmem>>
      %dma_wait3A_946 = arith.constant 0 : i32
      %dma_wait3A_947 = arith.constant 0 : i32
      %dma_wait3A_948 = tpu.memref_slice %arg5[%scan3A_294, %dma_wait3A_946, %dma_wait3A_947] : memref<2x80x128xi32, #tpu.memory_space<vmem>> -> memref<1x80x128xi32, #tpu.memory_space<vmem>>
      %dma_wait3A_949 = tpu.memref_squeeze %dma_wait3A_948 : memref<1x80x128xi32, #tpu.memory_space<vmem>> -> memref<80x128xi32, #tpu.memory_space<vmem>>
      %dma_wait3A_950 = arith.constant 0 : i32
      %dma_wait3A_951 = tpu.memref_slice %dma_wait3A_949[%sub3A_940, %dma_wait3A_950] : memref<80x128xi32, #tpu.memory_space<vmem>> -> memref<1x128xi32, #tpu.memory_space<vmem>>
      %dma_wait3A_952 = tpu.memref_squeeze %dma_wait3A_951 : memref<1x128xi32, #tpu.memory_space<vmem>> -> memref<128xi32, #tpu.memory_space<vmem>>
      %dma_wait3A_953 = arith.constant 0 : i32
      %dma_wait3A_954 = arith.constant 0 : i32
      %dma_wait3A_955 = tpu.memref_slice %arg7[%dma_wait3A_953, %dma_wait3A_954] : memref<10240x64xbf16, #tpu.memory_space<vmem_shared>> -> memref<10240x64xbf16, #tpu.memory_space<vmem_shared>>
      tpu.wait_indirect_dma semaphore(%arg21 : memref<!tpu.dma_semaphore, #tpu.memory_space<semaphore_mem>>) src(%dma_wait3A_945 : memref<128x64xbf16, #tpu.memory_space<vmem>>) dst(%dma_wait3A_955 : memref<10240x64xbf16, #tpu.memory_space<vmem_shared>>)
      %add3A_956 = arith.constant 4 : i32
      %add3A_957 = arith.addi %add3A_908, %add3A_956 : i32
      %dma_start3A_958 = arith.constant 5 : i32
      %dma_start3A_959 = arith.constant 0 : i32
      %dma_start3A_960 = arith.constant 0 : i32
      %dma_start3A_961 = tpu.memref_slice %arg6[%dma_start3A_958, %dma_start3A_959, %dma_start3A_960] : memref<8x128x64xbf16, #tpu.memory_space<vmem>> -> memref<1x128x64xbf16, #tpu.memory_space<vmem>>
      %dma_start3A_962 = tpu.memref_squeeze %dma_start3A_961 : memref<1x128x64xbf16, #tpu.memory_space<vmem>> -> memref<128x64xbf16, #tpu.memory_space<vmem>>
      %dma_start3A_963 = arith.constant 0 : i32
      %dma_start3A_964 = arith.constant 0 : i32
      %dma_start3A_965 = tpu.memref_slice %arg5[%scan3A_293, %dma_start3A_963, %dma_start3A_964] : memref<2x80x128xi32, #tpu.memory_space<vmem>> -> memref<1x80x128xi32, #tpu.memory_space<vmem>>
      %dma_start3A_966 = tpu.memref_squeeze %dma_start3A_965 : memref<1x80x128xi32, #tpu.memory_space<vmem>> -> memref<80x128xi32, #tpu.memory_space<vmem>>
      %dma_start3A_967 = arith.constant 0 : i32
      %dma_start3A_968 = tpu.memref_slice %dma_start3A_966[%add3A_957, %dma_start3A_967] : memref<80x128xi32, #tpu.memory_space<vmem>> -> memref<1x128xi32, #tpu.memory_space<vmem>>
      %dma_start3A_969 = tpu.memref_squeeze %dma_start3A_968 : memref<1x128xi32, #tpu.memory_space<vmem>> -> memref<128xi32, #tpu.memory_space<vmem>>
      %dma_start3A_970 = arith.constant 0 : i32
      %dma_start3A_971 = arith.constant 0 : i32
      %dma_start3A_972 = tpu.memref_slice %arg2[%dma_start3A_970, %dma_start3A_971] : memref<10000x64xbf16, #tpu.memory_space<hbm>> -> memref<10000x64xbf16, #tpu.memory_space<hbm>>
      tpu.enqueue_indirect_dma source(%dma_start3A_972 : memref<10000x64xbf16, #tpu.memory_space<hbm>>) target(%dma_start3A_962 : memref<128x64xbf16, #tpu.memory_space<vmem>>) offsets(%dma_start3A_969 : memref<128xi32, #tpu.memory_space<vmem>>) semaphore(%arg13 : memref<!tpu.dma_semaphore, #tpu.memory_space<semaphore_mem>>)
      %add3A_973 = arith.constant 6 : i32
      %add3A_974 = arith.addi %add3A_577, %add3A_973 : i32
      %dma_wait3A_975 = arith.constant 2 : i32
      %dma_wait3A_976 = arith.constant 0 : i32
      %dma_wait3A_977 = arith.constant 0 : i32
      %dma_wait3A_978 = tpu.memref_slice %arg6[%dma_wait3A_975, %dma_wait3A_976, %dma_wait3A_977] : memref<8x128x64xbf16, #tpu.memory_space<vmem>> -> memref<1x128x64xbf16, #tpu.memory_space<vmem>>
      %dma_wait3A_979 = tpu.memref_squeeze %dma_wait3A_978 : memref<1x128x64xbf16, #tpu.memory_space<vmem>> -> memref<128x64xbf16, #tpu.memory_space<vmem>>
      %dma_wait3A_980 = arith.constant 0 : i32
      %dma_wait3A_981 = arith.constant 0 : i32
      %dma_wait3A_982 = tpu.memref_slice %arg5[%scan3A_293, %dma_wait3A_980, %dma_wait3A_981] : memref<2x80x128xi32, #tpu.memory_space<vmem>> -> memref<1x80x128xi32, #tpu.memory_space<vmem>>
      %dma_wait3A_983 = tpu.memref_squeeze %dma_wait3A_982 : memref<1x80x128xi32, #tpu.memory_space<vmem>> -> memref<80x128xi32, #tpu.memory_space<vmem>>
      %dma_wait3A_984 = arith.constant 0 : i32
      %dma_wait3A_985 = tpu.memref_slice %dma_wait3A_983[%add3A_974, %dma_wait3A_984] : memref<80x128xi32, #tpu.memory_space<vmem>> -> memref<1x128xi32, #tpu.memory_space<vmem>>
      %dma_wait3A_986 = tpu.memref_squeeze %dma_wait3A_985 : memref<1x128xi32, #tpu.memory_space<vmem>> -> memref<128xi32, #tpu.memory_space<vmem>>
      %dma_wait3A_987 = arith.constant 0 : i32
      %dma_wait3A_988 = arith.constant 0 : i32
      %dma_wait3A_989 = tpu.memref_slice %arg2[%dma_wait3A_987, %dma_wait3A_988] : memref<10000x64xbf16, #tpu.memory_space<hbm>> -> memref<10000x64xbf16, #tpu.memory_space<hbm>>
      tpu.wait_indirect_dma semaphore(%arg10 : memref<!tpu.dma_semaphore, #tpu.memory_space<semaphore_mem>>) src(%dma_wait3A_989 : memref<10000x64xbf16, #tpu.memory_space<hbm>>) dst(%dma_wait3A_979 : memref<128x64xbf16, #tpu.memory_space<vmem>>)
      %dma_start3A_990 = arith.constant 2 : i32
      %dma_start3A_991 = arith.constant 0 : i32
      %dma_start3A_992 = arith.constant 0 : i32
      %dma_start3A_993 = tpu.memref_slice %arg6[%dma_start3A_990, %dma_start3A_991, %dma_start3A_992] : memref<8x128x64xbf16, #tpu.memory_space<vmem>> -> memref<1x128x64xbf16, #tpu.memory_space<vmem>>
      %dma_start3A_994 = tpu.memref_squeeze %dma_start3A_993 : memref<1x128x64xbf16, #tpu.memory_space<vmem>> -> memref<128x64xbf16, #tpu.memory_space<vmem>>
      %dma_start3A_995 = arith.constant 0 : i32
      %dma_start3A_996 = arith.constant 0 : i32
      %dma_start3A_997 = tpu.memref_slice %arg5[%scan3A_294, %dma_start3A_995, %dma_start3A_996] : memref<2x80x128xi32, #tpu.memory_space<vmem>> -> memref<1x80x128xi32, #tpu.memory_space<vmem>>
      %dma_start3A_998 = tpu.memref_squeeze %dma_start3A_997 : memref<1x80x128xi32, #tpu.memory_space<vmem>> -> memref<80x128xi32, #tpu.memory_space<vmem>>
      %dma_start3A_999 = arith.constant 0 : i32
      %dma_start3A_1000 = tpu.memref_slice %dma_start3A_998[%add3A_974, %dma_start3A_999] : memref<80x128xi32, #tpu.memory_space<vmem>> -> memref<1x128xi32, #tpu.memory_space<vmem>>
      %dma_start3A_1001 = tpu.memref_squeeze %dma_start3A_1000 : memref<1x128xi32, #tpu.memory_space<vmem>> -> memref<128xi32, #tpu.memory_space<vmem>>
      %dma_start3A_1002 = arith.constant 0 : i32
      %dma_start3A_1003 = arith.constant 0 : i32
      %dma_start3A_1004 = tpu.memref_slice %arg7[%dma_start3A_1002, %dma_start3A_1003] : memref<10240x64xbf16, #tpu.memory_space<vmem_shared>> -> memref<10240x64xbf16, #tpu.memory_space<vmem_shared>>
      tpu.enqueue_indirect_dma source(%dma_start3A_994 : memref<128x64xbf16, #tpu.memory_space<vmem>>) target(%dma_start3A_1004 : memref<10240x64xbf16, #tpu.memory_space<vmem_shared>>) offsets(%dma_start3A_1001 : memref<128xi32, #tpu.memory_space<vmem>>) semaphore(%arg18 : memref<!tpu.dma_semaphore, #tpu.memory_space<semaphore_mem>>) {add = true}
      %sub3A_1005 = arith.constant 4 : i32
      %sub3A_1006 = arith.subi %add3A_974, %sub3A_1005 : i32
      %dma_wait3A_1007 = arith.constant 6 : i32
      %dma_wait3A_1008 = arith.constant 0 : i32
      %dma_wait3A_1009 = arith.constant 0 : i32
      %dma_wait3A_1010 = tpu.memref_slice %arg6[%dma_wait3A_1007, %dma_wait3A_1008, %dma_wait3A_1009] : memref<8x128x64xbf16, #tpu.memory_space<vmem>> -> memref<1x128x64xbf16, #tpu.memory_space<vmem>>
      %dma_wait3A_1011 = tpu.memref_squeeze %dma_wait3A_1010 : memref<1x128x64xbf16, #tpu.memory_space<vmem>> -> memref<128x64xbf16, #tpu.memory_space<vmem>>
      %dma_wait3A_1012 = arith.constant 0 : i32
      %dma_wait3A_1013 = arith.constant 0 : i32
      %dma_wait3A_1014 = tpu.memref_slice %arg5[%scan3A_294, %dma_wait3A_1012, %dma_wait3A_1013] : memref<2x80x128xi32, #tpu.memory_space<vmem>> -> memref<1x80x128xi32, #tpu.memory_space<vmem>>
      %dma_wait3A_1015 = tpu.memref_squeeze %dma_wait3A_1014 : memref<1x80x128xi32, #tpu.memory_space<vmem>> -> memref<80x128xi32, #tpu.memory_space<vmem>>
      %dma_wait3A_1016 = arith.constant 0 : i32
      %dma_wait3A_1017 = tpu.memref_slice %dma_wait3A_1015[%sub3A_1006, %dma_wait3A_1016] : memref<80x128xi32, #tpu.memory_space<vmem>> -> memref<1x128xi32, #tpu.memory_space<vmem>>
      %dma_wait3A_1018 = tpu.memref_squeeze %dma_wait3A_1017 : memref<1x128xi32, #tpu.memory_space<vmem>> -> memref<128xi32, #tpu.memory_space<vmem>>
      %dma_wait3A_1019 = arith.constant 0 : i32
      %dma_wait3A_1020 = arith.constant 0 : i32
      %dma_wait3A_1021 = tpu.memref_slice %arg7[%dma_wait3A_1019, %dma_wait3A_1020] : memref<10240x64xbf16, #tpu.memory_space<vmem_shared>> -> memref<10240x64xbf16, #tpu.memory_space<vmem_shared>>
      tpu.wait_indirect_dma semaphore(%arg22 : memref<!tpu.dma_semaphore, #tpu.memory_space<semaphore_mem>>) src(%dma_wait3A_1011 : memref<128x64xbf16, #tpu.memory_space<vmem>>) dst(%dma_wait3A_1021 : memref<10240x64xbf16, #tpu.memory_space<vmem_shared>>)
      %add3A_1022 = arith.constant 4 : i32
      %add3A_1023 = arith.addi %add3A_974, %add3A_1022 : i32
      %dma_start3A_1024 = arith.constant 6 : i32
      %dma_start3A_1025 = arith.constant 0 : i32
      %dma_start3A_1026 = arith.constant 0 : i32
      %dma_start3A_1027 = tpu.memref_slice %arg6[%dma_start3A_1024, %dma_start3A_1025, %dma_start3A_1026] : memref<8x128x64xbf16, #tpu.memory_space<vmem>> -> memref<1x128x64xbf16, #tpu.memory_space<vmem>>
      %dma_start3A_1028 = tpu.memref_squeeze %dma_start3A_1027 : memref<1x128x64xbf16, #tpu.memory_space<vmem>> -> memref<128x64xbf16, #tpu.memory_space<vmem>>
      %dma_start3A_1029 = arith.constant 0 : i32
      %dma_start3A_1030 = arith.constant 0 : i32
      %dma_start3A_1031 = tpu.memref_slice %arg5[%scan3A_293, %dma_start3A_1029, %dma_start3A_1030] : memref<2x80x128xi32, #tpu.memory_space<vmem>> -> memref<1x80x128xi32, #tpu.memory_space<vmem>>
      %dma_start3A_1032 = tpu.memref_squeeze %dma_start3A_1031 : memref<1x80x128xi32, #tpu.memory_space<vmem>> -> memref<80x128xi32, #tpu.memory_space<vmem>>
      %dma_start3A_1033 = arith.constant 0 : i32
      %dma_start3A_1034 = tpu.memref_slice %dma_start3A_1032[%add3A_1023, %dma_start3A_1033] : memref<80x128xi32, #tpu.memory_space<vmem>> -> memref<1x128xi32, #tpu.memory_space<vmem>>
      %dma_start3A_1035 = tpu.memref_squeeze %dma_start3A_1034 : memref<1x128xi32, #tpu.memory_space<vmem>> -> memref<128xi32, #tpu.memory_space<vmem>>
      %dma_start3A_1036 = arith.constant 0 : i32
      %dma_start3A_1037 = arith.constant 0 : i32
      %dma_start3A_1038 = tpu.memref_slice %arg2[%dma_start3A_1036, %dma_start3A_1037] : memref<10000x64xbf16, #tpu.memory_space<hbm>> -> memref<10000x64xbf16, #tpu.memory_space<hbm>>
      tpu.enqueue_indirect_dma source(%dma_start3A_1038 : memref<10000x64xbf16, #tpu.memory_space<hbm>>) target(%dma_start3A_1028 : memref<128x64xbf16, #tpu.memory_space<vmem>>) offsets(%dma_start3A_1035 : memref<128xi32, #tpu.memory_space<vmem>>) semaphore(%arg14 : memref<!tpu.dma_semaphore, #tpu.memory_space<semaphore_mem>>)
      %add3A_1039 = arith.constant 7 : i32
      %add3A_1040 = arith.addi %add3A_577, %add3A_1039 : i32
      %dma_wait3A_1041 = arith.constant 3 : i32
      %dma_wait3A_1042 = arith.constant 0 : i32
      %dma_wait3A_1043 = arith.constant 0 : i32
      %dma_wait3A_1044 = tpu.memref_slice %arg6[%dma_wait3A_1041, %dma_wait3A_1042, %dma_wait3A_1043] : memref<8x128x64xbf16, #tpu.memory_space<vmem>> -> memref<1x128x64xbf16, #tpu.memory_space<vmem>>
      %dma_wait3A_1045 = tpu.memref_squeeze %dma_wait3A_1044 : memref<1x128x64xbf16, #tpu.memory_space<vmem>> -> memref<128x64xbf16, #tpu.memory_space<vmem>>
      %dma_wait3A_1046 = arith.constant 0 : i32
      %dma_wait3A_1047 = arith.constant 0 : i32
      %dma_wait3A_1048 = tpu.memref_slice %arg5[%scan3A_293, %dma_wait3A_1046, %dma_wait3A_1047] : memref<2x80x128xi32, #tpu.memory_space<vmem>> -> memref<1x80x128xi32, #tpu.memory_space<vmem>>
      %dma_wait3A_1049 = tpu.memref_squeeze %dma_wait3A_1048 : memref<1x80x128xi32, #tpu.memory_space<vmem>> -> memref<80x128xi32, #tpu.memory_space<vmem>>
      %dma_wait3A_1050 = arith.constant 0 : i32
      %dma_wait3A_1051 = tpu.memref_slice %dma_wait3A_1049[%add3A_1040, %dma_wait3A_1050] : memref<80x128xi32, #tpu.memory_space<vmem>> -> memref<1x128xi32, #tpu.memory_space<vmem>>
      %dma_wait3A_1052 = tpu.memref_squeeze %dma_wait3A_1051 : memref<1x128xi32, #tpu.memory_space<vmem>> -> memref<128xi32, #tpu.memory_space<vmem>>
      %dma_wait3A_1053 = arith.constant 0 : i32
      %dma_wait3A_1054 = arith.constant 0 : i32
      %dma_wait3A_1055 = tpu.memref_slice %arg2[%dma_wait3A_1053, %dma_wait3A_1054] : memref<10000x64xbf16, #tpu.memory_space<hbm>> -> memref<10000x64xbf16, #tpu.memory_space<hbm>>
      tpu.wait_indirect_dma semaphore(%arg11 : memref<!tpu.dma_semaphore, #tpu.memory_space<semaphore_mem>>) src(%dma_wait3A_1055 : memref<10000x64xbf16, #tpu.memory_space<hbm>>) dst(%dma_wait3A_1045 : memref<128x64xbf16, #tpu.memory_space<vmem>>)
      %dma_start3A_1056 = arith.constant 3 : i32
      %dma_start3A_1057 = arith.constant 0 : i32
      %dma_start3A_1058 = arith.constant 0 : i32
      %dma_start3A_1059 = tpu.memref_slice %arg6[%dma_start3A_1056, %dma_start3A_1057, %dma_start3A_1058] : memref<8x128x64xbf16, #tpu.memory_space<vmem>> -> memref<1x128x64xbf16, #tpu.memory_space<vmem>>
      %dma_start3A_1060 = tpu.memref_squeeze %dma_start3A_1059 : memref<1x128x64xbf16, #tpu.memory_space<vmem>> -> memref<128x64xbf16, #tpu.memory_space<vmem>>
      %dma_start3A_1061 = arith.constant 0 : i32
      %dma_start3A_1062 = arith.constant 0 : i32
      %dma_start3A_1063 = tpu.memref_slice %arg5[%scan3A_294, %dma_start3A_1061, %dma_start3A_1062] : memref<2x80x128xi32, #tpu.memory_space<vmem>> -> memref<1x80x128xi32, #tpu.memory_space<vmem>>
      %dma_start3A_1064 = tpu.memref_squeeze %dma_start3A_1063 : memref<1x80x128xi32, #tpu.memory_space<vmem>> -> memref<80x128xi32, #tpu.memory_space<vmem>>
      %dma_start3A_1065 = arith.constant 0 : i32
      %dma_start3A_1066 = tpu.memref_slice %dma_start3A_1064[%add3A_1040, %dma_start3A_1065] : memref<80x128xi32, #tpu.memory_space<vmem>> -> memref<1x128xi32, #tpu.memory_space<vmem>>
      %dma_start3A_1067 = tpu.memref_squeeze %dma_start3A_1066 : memref<1x128xi32, #tpu.memory_space<vmem>> -> memref<128xi32, #tpu.memory_space<vmem>>
      %dma_start3A_1068 = arith.constant 0 : i32
      %dma_start3A_1069 = arith.constant 0 : i32
      %dma_start3A_1070 = tpu.memref_slice %arg7[%dma_start3A_1068, %dma_start3A_1069] : memref<10240x64xbf16, #tpu.memory_space<vmem_shared>> -> memref<10240x64xbf16, #tpu.memory_space<vmem_shared>>
      tpu.enqueue_indirect_dma source(%dma_start3A_1060 : memref<128x64xbf16, #tpu.memory_space<vmem>>) target(%dma_start3A_1070 : memref<10240x64xbf16, #tpu.memory_space<vmem_shared>>) offsets(%dma_start3A_1067 : memref<128xi32, #tpu.memory_space<vmem>>) semaphore(%arg19 : memref<!tpu.dma_semaphore, #tpu.memory_space<semaphore_mem>>) {add = true}
      %sub3A_1071 = arith.constant 4 : i32
      %sub3A_1072 = arith.subi %add3A_1040, %sub3A_1071 : i32
      %dma_wait3A_1073 = arith.constant 7 : i32
      %dma_wait3A_1074 = arith.constant 0 : i32
      %dma_wait3A_1075 = arith.constant 0 : i32
      %dma_wait3A_1076 = tpu.memref_slice %arg6[%dma_wait3A_1073, %dma_wait3A_1074, %dma_wait3A_1075] : memref<8x128x64xbf16, #tpu.memory_space<vmem>> -> memref<1x128x64xbf16, #tpu.memory_space<vmem>>
      %dma_wait3A_1077 = tpu.memref_squeeze %dma_wait3A_1076 : memref<1x128x64xbf16, #tpu.memory_space<vmem>> -> memref<128x64xbf16, #tpu.memory_space<vmem>>
      %dma_wait3A_1078 = arith.constant 0 : i32
      %dma_wait3A_1079 = arith.constant 0 : i32
      %dma_wait3A_1080 = tpu.memref_slice %arg5[%scan3A_294, %dma_wait3A_1078, %dma_wait3A_1079] : memref<2x80x128xi32, #tpu.memory_space<vmem>> -> memref<1x80x128xi32, #tpu.memory_space<vmem>>
      %dma_wait3A_1081 = tpu.memref_squeeze %dma_wait3A_1080 : memref<1x80x128xi32, #tpu.memory_space<vmem>> -> memref<80x128xi32, #tpu.memory_space<vmem>>
      %dma_wait3A_1082 = arith.constant 0 : i32
      %dma_wait3A_1083 = tpu.memref_slice %dma_wait3A_1081[%sub3A_1072, %dma_wait3A_1082] : memref<80x128xi32, #tpu.memory_space<vmem>> -> memref<1x128xi32, #tpu.memory_space<vmem>>
      %dma_wait3A_1084 = tpu.memref_squeeze %dma_wait3A_1083 : memref<1x128xi32, #tpu.memory_space<vmem>> -> memref<128xi32, #tpu.memory_space<vmem>>
      %dma_wait3A_1085 = arith.constant 0 : i32
      %dma_wait3A_1086 = arith.constant 0 : i32
      %dma_wait3A_1087 = tpu.memref_slice %arg7[%dma_wait3A_1085, %dma_wait3A_1086] : memref<10240x64xbf16, #tpu.memory_space<vmem_shared>> -> memref<10240x64xbf16, #tpu.memory_space<vmem_shared>>
      tpu.wait_indirect_dma semaphore(%arg23 : memref<!tpu.dma_semaphore, #tpu.memory_space<semaphore_mem>>) src(%dma_wait3A_1077 : memref<128x64xbf16, #tpu.memory_space<vmem>>) dst(%dma_wait3A_1087 : memref<10240x64xbf16, #tpu.memory_space<vmem_shared>>)
      %add3A_1088 = arith.constant 4 : i32
      %add3A_1089 = arith.addi %add3A_1040, %add3A_1088 : i32
      %dma_start3A_1090 = arith.constant 7 : i32
      %dma_start3A_1091 = arith.constant 0 : i32
      %dma_start3A_1092 = arith.constant 0 : i32
      %dma_start3A_1093 = tpu.memref_slice %arg6[%dma_start3A_1090, %dma_start3A_1091, %dma_start3A_1092] : memref<8x128x64xbf16, #tpu.memory_space<vmem>> -> memref<1x128x64xbf16, #tpu.memory_space<vmem>>
      %dma_start3A_1094 = tpu.memref_squeeze %dma_start3A_1093 : memref<1x128x64xbf16, #tpu.memory_space<vmem>> -> memref<128x64xbf16, #tpu.memory_space<vmem>>
      %dma_start3A_1095 = arith.constant 0 : i32
      %dma_start3A_1096 = arith.constant 0 : i32
      %dma_start3A_1097 = tpu.memref_slice %arg5[%scan3A_293, %dma_start3A_1095, %dma_start3A_1096] : memref<2x80x128xi32, #tpu.memory_space<vmem>> -> memref<1x80x128xi32, #tpu.memory_space<vmem>>
      %dma_start3A_1098 = tpu.memref_squeeze %dma_start3A_1097 : memref<1x80x128xi32, #tpu.memory_space<vmem>> -> memref<80x128xi32, #tpu.memory_space<vmem>>
      %dma_start3A_1099 = arith.constant 0 : i32
      %dma_start3A_1100 = tpu.memref_slice %dma_start3A_1098[%add3A_1089, %dma_start3A_1099] : memref<80x128xi32, #tpu.memory_space<vmem>> -> memref<1x128xi32, #tpu.memory_space<vmem>>
      %dma_start3A_1101 = tpu.memref_squeeze %dma_start3A_1100 : memref<1x128xi32, #tpu.memory_space<vmem>> -> memref<128xi32, #tpu.memory_space<vmem>>
      %dma_start3A_1102 = arith.constant 0 : i32
      %dma_start3A_1103 = arith.constant 0 : i32
      %dma_start3A_1104 = tpu.memref_slice %arg2[%dma_start3A_1102, %dma_start3A_1103] : memref<10000x64xbf16, #tpu.memory_space<hbm>> -> memref<10000x64xbf16, #tpu.memory_space<hbm>>
      tpu.enqueue_indirect_dma source(%dma_start3A_1104 : memref<10000x64xbf16, #tpu.memory_space<hbm>>) target(%dma_start3A_1094 : memref<128x64xbf16, #tpu.memory_space<vmem>>) offsets(%dma_start3A_1101 : memref<128xi32, #tpu.memory_space<vmem>>) semaphore(%arg15 : memref<!tpu.dma_semaphore, #tpu.memory_space<semaphore_mem>>)
    }
    %scan3A_299 = arith.constant 9 : i32
    %dma_wait3A_300 = arith.constant 0 : i32
    %dma_wait3A_301 = arith.constant 76 : i32
    %dma_wait3A_302 = arith.constant 4 : i32
    %dma_wait3A_303 = arith.constant 0 : i32
    %dma_wait3A_304 = arith.constant 0 : i32
    %dma_wait3A_305 = tpu.memref_slice %arg6[%dma_wait3A_302, %dma_wait3A_303, %dma_wait3A_304] : memref<8x128x64xbf16, #tpu.memory_space<vmem>> -> memref<1x128x64xbf16, #tpu.memory_space<vmem>>
    %dma_wait3A_306 = tpu.memref_squeeze %dma_wait3A_305 : memref<1x128x64xbf16, #tpu.memory_space<vmem>> -> memref<128x64xbf16, #tpu.memory_space<vmem>>
    %dma_wait3A_307 = arith.constant 0 : i32
    %dma_wait3A_308 = arith.constant 0 : i32
    %dma_wait3A_309 = tpu.memref_slice %arg5[%dma_wait3A_300, %dma_wait3A_307, %dma_wait3A_308] : memref<2x80x128xi32, #tpu.memory_space<vmem>> -> memref<1x80x128xi32, #tpu.memory_space<vmem>>
    %dma_wait3A_310 = tpu.memref_squeeze %dma_wait3A_309 : memref<1x80x128xi32, #tpu.memory_space<vmem>> -> memref<80x128xi32, #tpu.memory_space<vmem>>
    %dma_wait3A_311 = arith.constant 0 : i32
    %dma_wait3A_312 = tpu.memref_slice %dma_wait3A_310[%dma_wait3A_301, %dma_wait3A_311] : memref<80x128xi32, #tpu.memory_space<vmem>> -> memref<1x128xi32, #tpu.memory_space<vmem>>
    %dma_wait3A_313 = tpu.memref_squeeze %dma_wait3A_312 : memref<1x128xi32, #tpu.memory_space<vmem>> -> memref<128xi32, #tpu.memory_space<vmem>>
    %dma_wait3A_314 = arith.constant 0 : i32
    %dma_wait3A_315 = arith.constant 0 : i32
    %dma_wait3A_316 = tpu.memref_slice %arg2[%dma_wait3A_314, %dma_wait3A_315] : memref<10000x64xbf16, #tpu.memory_space<hbm>> -> memref<10000x64xbf16, #tpu.memory_space<hbm>>
    tpu.wait_indirect_dma semaphore(%arg12 : memref<!tpu.dma_semaphore, #tpu.memory_space<semaphore_mem>>) src(%dma_wait3A_316 : memref<10000x64xbf16, #tpu.memory_space<hbm>>) dst(%dma_wait3A_306 : memref<128x64xbf16, #tpu.memory_space<vmem>>)
    %dma_start3A_317 = arith.constant 4 : i32
    %dma_start3A_318 = arith.constant 1 : i32
    %dma_start3A_319 = arith.constant 76 : i32
    %dma_start3A_320 = arith.constant 0 : i32
    %dma_start3A_321 = arith.constant 0 : i32
    %dma_start3A_322 = tpu.memref_slice %arg6[%dma_start3A_317, %dma_start3A_320, %dma_start3A_321] : memref<8x128x64xbf16, #tpu.memory_space<vmem>> -> memref<1x128x64xbf16, #tpu.memory_space<vmem>>
    %dma_start3A_323 = tpu.memref_squeeze %dma_start3A_322 : memref<1x128x64xbf16, #tpu.memory_space<vmem>> -> memref<128x64xbf16, #tpu.memory_space<vmem>>
    %dma_start3A_324 = arith.constant 0 : i32
    %dma_start3A_325 = arith.constant 0 : i32
    %dma_start3A_326 = tpu.memref_slice %arg5[%dma_start3A_318, %dma_start3A_324, %dma_start3A_325] : memref<2x80x128xi32, #tpu.memory_space<vmem>> -> memref<1x80x128xi32, #tpu.memory_space<vmem>>
    %dma_start3A_327 = tpu.memref_squeeze %dma_start3A_326 : memref<1x80x128xi32, #tpu.memory_space<vmem>> -> memref<80x128xi32, #tpu.memory_space<vmem>>
    %dma_start3A_328 = arith.constant 0 : i32
    %dma_start3A_329 = tpu.memref_slice %dma_start3A_327[%dma_start3A_319, %dma_start3A_328] : memref<80x128xi32, #tpu.memory_space<vmem>> -> memref<1x128xi32, #tpu.memory_space<vmem>>
    %dma_start3A_330 = tpu.memref_squeeze %dma_start3A_329 : memref<1x128xi32, #tpu.memory_space<vmem>> -> memref<128xi32, #tpu.memory_space<vmem>>
    %dma_start3A_331 = arith.constant 0 : i32
    %dma_start3A_332 = arith.constant 0 : i32
    %dma_start3A_333 = tpu.memref_slice %arg7[%dma_start3A_331, %dma_start3A_332] : memref<10240x64xbf16, #tpu.memory_space<vmem_shared>> -> memref<10240x64xbf16, #tpu.memory_space<vmem_shared>>
    tpu.enqueue_indirect_dma source(%dma_start3A_323 : memref<128x64xbf16, #tpu.memory_space<vmem>>) target(%dma_start3A_333 : memref<10240x64xbf16, #tpu.memory_space<vmem_shared>>) offsets(%dma_start3A_330 : memref<128xi32, #tpu.memory_space<vmem>>) semaphore(%arg20 : memref<!tpu.dma_semaphore, #tpu.memory_space<semaphore_mem>>) {add = true}
    %dma_wait3A_334 = arith.constant 0 : i32
    %dma_wait3A_335 = arith.constant 1 : i32
    %dma_wait3A_336 = arith.constant 72 : i32
    %dma_wait3A_337 = arith.constant 0 : i32
    %dma_wait3A_338 = arith.constant 0 : i32
    %dma_wait3A_339 = tpu.memref_slice %arg6[%dma_wait3A_334, %dma_wait3A_337, %dma_wait3A_338] : memref<8x128x64xbf16, #tpu.memory_space<vmem>> -> memref<1x128x64xbf16, #tpu.memory_space<vmem>>
    %dma_wait3A_340 = tpu.memref_squeeze %dma_wait3A_339 : memref<1x128x64xbf16, #tpu.memory_space<vmem>> -> memref<128x64xbf16, #tpu.memory_space<vmem>>
    %dma_wait3A_341 = arith.constant 0 : i32
    %dma_wait3A_342 = arith.constant 0 : i32
    %dma_wait3A_343 = tpu.memref_slice %arg5[%dma_wait3A_335, %dma_wait3A_341, %dma_wait3A_342] : memref<2x80x128xi32, #tpu.memory_space<vmem>> -> memref<1x80x128xi32, #tpu.memory_space<vmem>>
    %dma_wait3A_344 = tpu.memref_squeeze %dma_wait3A_343 : memref<1x80x128xi32, #tpu.memory_space<vmem>> -> memref<80x128xi32, #tpu.memory_space<vmem>>
    %dma_wait3A_345 = arith.constant 0 : i32
    %dma_wait3A_346 = tpu.memref_slice %dma_wait3A_344[%dma_wait3A_336, %dma_wait3A_345] : memref<80x128xi32, #tpu.memory_space<vmem>> -> memref<1x128xi32, #tpu.memory_space<vmem>>
    %dma_wait3A_347 = tpu.memref_squeeze %dma_wait3A_346 : memref<1x128xi32, #tpu.memory_space<vmem>> -> memref<128xi32, #tpu.memory_space<vmem>>
    %dma_wait3A_348 = arith.constant 0 : i32
    %dma_wait3A_349 = arith.constant 0 : i32
    %dma_wait3A_350 = tpu.memref_slice %arg7[%dma_wait3A_348, %dma_wait3A_349] : memref<10240x64xbf16, #tpu.memory_space<vmem_shared>> -> memref<10240x64xbf16, #tpu.memory_space<vmem_shared>>
    tpu.wait_indirect_dma semaphore(%arg16 : memref<!tpu.dma_semaphore, #tpu.memory_space<semaphore_mem>>) src(%dma_wait3A_340 : memref<128x64xbf16, #tpu.memory_space<vmem>>) dst(%dma_wait3A_350 : memref<10240x64xbf16, #tpu.memory_space<vmem_shared>>)
    %dma_wait3A_351 = arith.constant 0 : i32
    %dma_wait3A_352 = arith.constant 77 : i32
    %dma_wait3A_353 = arith.constant 5 : i32
    %dma_wait3A_354 = arith.constant 0 : i32
    %dma_wait3A_355 = arith.constant 0 : i32
    %dma_wait3A_356 = tpu.memref_slice %arg6[%dma_wait3A_353, %dma_wait3A_354, %dma_wait3A_355] : memref<8x128x64xbf16, #tpu.memory_space<vmem>> -> memref<1x128x64xbf16, #tpu.memory_space<vmem>>
    %dma_wait3A_357 = tpu.memref_squeeze %dma_wait3A_356 : memref<1x128x64xbf16, #tpu.memory_space<vmem>> -> memref<128x64xbf16, #tpu.memory_space<vmem>>
    %dma_wait3A_358 = arith.constant 0 : i32
    %dma_wait3A_359 = arith.constant 0 : i32
    %dma_wait3A_360 = tpu.memref_slice %arg5[%dma_wait3A_351, %dma_wait3A_358, %dma_wait3A_359] : memref<2x80x128xi32, #tpu.memory_space<vmem>> -> memref<1x80x128xi32, #tpu.memory_space<vmem>>
    %dma_wait3A_361 = tpu.memref_squeeze %dma_wait3A_360 : memref<1x80x128xi32, #tpu.memory_space<vmem>> -> memref<80x128xi32, #tpu.memory_space<vmem>>
    %dma_wait3A_362 = arith.constant 0 : i32
    %dma_wait3A_363 = tpu.memref_slice %dma_wait3A_361[%dma_wait3A_352, %dma_wait3A_362] : memref<80x128xi32, #tpu.memory_space<vmem>> -> memref<1x128xi32, #tpu.memory_space<vmem>>
    %dma_wait3A_364 = tpu.memref_squeeze %dma_wait3A_363 : memref<1x128xi32, #tpu.memory_space<vmem>> -> memref<128xi32, #tpu.memory_space<vmem>>
    %dma_wait3A_365 = arith.constant 0 : i32
    %dma_wait3A_366 = arith.constant 0 : i32
    %dma_wait3A_367 = tpu.memref_slice %arg2[%dma_wait3A_365, %dma_wait3A_366] : memref<10000x64xbf16, #tpu.memory_space<hbm>> -> memref<10000x64xbf16, #tpu.memory_space<hbm>>
    tpu.wait_indirect_dma semaphore(%arg13 : memref<!tpu.dma_semaphore, #tpu.memory_space<semaphore_mem>>) src(%dma_wait3A_367 : memref<10000x64xbf16, #tpu.memory_space<hbm>>) dst(%dma_wait3A_357 : memref<128x64xbf16, #tpu.memory_space<vmem>>)
    %dma_start3A_368 = arith.constant 5 : i32
    %dma_start3A_369 = arith.constant 1 : i32
    %dma_start3A_370 = arith.constant 77 : i32
    %dma_start3A_371 = arith.constant 0 : i32
    %dma_start3A_372 = arith.constant 0 : i32
    %dma_start3A_373 = tpu.memref_slice %arg6[%dma_start3A_368, %dma_start3A_371, %dma_start3A_372] : memref<8x128x64xbf16, #tpu.memory_space<vmem>> -> memref<1x128x64xbf16, #tpu.memory_space<vmem>>
    %dma_start3A_374 = tpu.memref_squeeze %dma_start3A_373 : memref<1x128x64xbf16, #tpu.memory_space<vmem>> -> memref<128x64xbf16, #tpu.memory_space<vmem>>
    %dma_start3A_375 = arith.constant 0 : i32
    %dma_start3A_376 = arith.constant 0 : i32
    %dma_start3A_377 = tpu.memref_slice %arg5[%dma_start3A_369, %dma_start3A_375, %dma_start3A_376] : memref<2x80x128xi32, #tpu.memory_space<vmem>> -> memref<1x80x128xi32, #tpu.memory_space<vmem>>
    %dma_start3A_378 = tpu.memref_squeeze %dma_start3A_377 : memref<1x80x128xi32, #tpu.memory_space<vmem>> -> memref<80x128xi32, #tpu.memory_space<vmem>>
    %dma_start3A_379 = arith.constant 0 : i32
    %dma_start3A_380 = tpu.memref_slice %dma_start3A_378[%dma_start3A_370, %dma_start3A_379] : memref<80x128xi32, #tpu.memory_space<vmem>> -> memref<1x128xi32, #tpu.memory_space<vmem>>
    %dma_start3A_381 = tpu.memref_squeeze %dma_start3A_380 : memref<1x128xi32, #tpu.memory_space<vmem>> -> memref<128xi32, #tpu.memory_space<vmem>>
    %dma_start3A_382 = arith.constant 0 : i32
    %dma_start3A_383 = arith.constant 0 : i32
    %dma_start3A_384 = tpu.memref_slice %arg7[%dma_start3A_382, %dma_start3A_383] : memref<10240x64xbf16, #tpu.memory_space<vmem_shared>> -> memref<10240x64xbf16, #tpu.memory_space<vmem_shared>>
    tpu.enqueue_indirect_dma source(%dma_start3A_374 : memref<128x64xbf16, #tpu.memory_space<vmem>>) target(%dma_start3A_384 : memref<10240x64xbf16, #tpu.memory_space<vmem_shared>>) offsets(%dma_start3A_381 : memref<128xi32, #tpu.memory_space<vmem>>) semaphore(%arg21 : memref<!tpu.dma_semaphore, #tpu.memory_space<semaphore_mem>>) {add = true}
    %dma_wait3A_385 = arith.constant 1 : i32
    %dma_wait3A_386 = arith.constant 1 : i32
    %dma_wait3A_387 = arith.constant 73 : i32
    %dma_wait3A_388 = arith.constant 0 : i32
    %dma_wait3A_389 = arith.constant 0 : i32
    %dma_wait3A_390 = tpu.memref_slice %arg6[%dma_wait3A_385, %dma_wait3A_388, %dma_wait3A_389] : memref<8x128x64xbf16, #tpu.memory_space<vmem>> -> memref<1x128x64xbf16, #tpu.memory_space<vmem>>
    %dma_wait3A_391 = tpu.memref_squeeze %dma_wait3A_390 : memref<1x128x64xbf16, #tpu.memory_space<vmem>> -> memref<128x64xbf16, #tpu.memory_space<vmem>>
    %dma_wait3A_392 = arith.constant 0 : i32
    %dma_wait3A_393 = arith.constant 0 : i32
    %dma_wait3A_394 = tpu.memref_slice %arg5[%dma_wait3A_386, %dma_wait3A_392, %dma_wait3A_393] : memref<2x80x128xi32, #tpu.memory_space<vmem>> -> memref<1x80x128xi32, #tpu.memory_space<vmem>>
    %dma_wait3A_395 = tpu.memref_squeeze %dma_wait3A_394 : memref<1x80x128xi32, #tpu.memory_space<vmem>> -> memref<80x128xi32, #tpu.memory_space<vmem>>
    %dma_wait3A_396 = arith.constant 0 : i32
    %dma_wait3A_397 = tpu.memref_slice %dma_wait3A_395[%dma_wait3A_387, %dma_wait3A_396] : memref<80x128xi32, #tpu.memory_space<vmem>> -> memref<1x128xi32, #tpu.memory_space<vmem>>
    %dma_wait3A_398 = tpu.memref_squeeze %dma_wait3A_397 : memref<1x128xi32, #tpu.memory_space<vmem>> -> memref<128xi32, #tpu.memory_space<vmem>>
    %dma_wait3A_399 = arith.constant 0 : i32
    %dma_wait3A_400 = arith.constant 0 : i32
    %dma_wait3A_401 = tpu.memref_slice %arg7[%dma_wait3A_399, %dma_wait3A_400] : memref<10240x64xbf16, #tpu.memory_space<vmem_shared>> -> memref<10240x64xbf16, #tpu.memory_space<vmem_shared>>
    tpu.wait_indirect_dma semaphore(%arg17 : memref<!tpu.dma_semaphore, #tpu.memory_space<semaphore_mem>>) src(%dma_wait3A_391 : memref<128x64xbf16, #tpu.memory_space<vmem>>) dst(%dma_wait3A_401 : memref<10240x64xbf16, #tpu.memory_space<vmem_shared>>)
    %dma_wait3A_402 = arith.constant 0 : i32
    %dma_wait3A_403 = arith.constant 78 : i32
    %dma_wait3A_404 = arith.constant 6 : i32
    %dma_wait3A_405 = arith.constant 0 : i32
    %dma_wait3A_406 = arith.constant 0 : i32
    %dma_wait3A_407 = tpu.memref_slice %arg6[%dma_wait3A_404, %dma_wait3A_405, %dma_wait3A_406] : memref<8x128x64xbf16, #tpu.memory_space<vmem>> -> memref<1x128x64xbf16, #tpu.memory_space<vmem>>
    %dma_wait3A_408 = tpu.memref_squeeze %dma_wait3A_407 : memref<1x128x64xbf16, #tpu.memory_space<vmem>> -> memref<128x64xbf16, #tpu.memory_space<vmem>>
    %dma_wait3A_409 = arith.constant 0 : i32
    %dma_wait3A_410 = arith.constant 0 : i32
    %dma_wait3A_411 = tpu.memref_slice %arg5[%dma_wait3A_402, %dma_wait3A_409, %dma_wait3A_410] : memref<2x80x128xi32, #tpu.memory_space<vmem>> -> memref<1x80x128xi32, #tpu.memory_space<vmem>>
    %dma_wait3A_412 = tpu.memref_squeeze %dma_wait3A_411 : memref<1x80x128xi32, #tpu.memory_space<vmem>> -> memref<80x128xi32, #tpu.memory_space<vmem>>
    %dma_wait3A_413 = arith.constant 0 : i32
    %dma_wait3A_414 = tpu.memref_slice %dma_wait3A_412[%dma_wait3A_403, %dma_wait3A_413] : memref<80x128xi32, #tpu.memory_space<vmem>> -> memref<1x128xi32, #tpu.memory_space<vmem>>
    %dma_wait3A_415 = tpu.memref_squeeze %dma_wait3A_414 : memref<1x128xi32, #tpu.memory_space<vmem>> -> memref<128xi32, #tpu.memory_space<vmem>>
    %dma_wait3A_416 = arith.constant 0 : i32
    %dma_wait3A_417 = arith.constant 0 : i32
    %dma_wait3A_418 = tpu.memref_slice %arg2[%dma_wait3A_416, %dma_wait3A_417] : memref<10000x64xbf16, #tpu.memory_space<hbm>> -> memref<10000x64xbf16, #tpu.memory_space<hbm>>
    tpu.wait_indirect_dma semaphore(%arg14 : memref<!tpu.dma_semaphore, #tpu.memory_space<semaphore_mem>>) src(%dma_wait3A_418 : memref<10000x64xbf16, #tpu.memory_space<hbm>>) dst(%dma_wait3A_408 : memref<128x64xbf16, #tpu.memory_space<vmem>>)
    %dma_start3A_419 = arith.constant 6 : i32
    %dma_start3A_420 = arith.constant 1 : i32
    %dma_start3A_421 = arith.constant 78 : i32
    %dma_start3A_422 = arith.constant 0 : i32
    %dma_start3A_423 = arith.constant 0 : i32
    %dma_start3A_424 = tpu.memref_slice %arg6[%dma_start3A_419, %dma_start3A_422, %dma_start3A_423] : memref<8x128x64xbf16, #tpu.memory_space<vmem>> -> memref<1x128x64xbf16, #tpu.memory_space<vmem>>
    %dma_start3A_425 = tpu.memref_squeeze %dma_start3A_424 : memref<1x128x64xbf16, #tpu.memory_space<vmem>> -> memref<128x64xbf16, #tpu.memory_space<vmem>>
    %dma_start3A_426 = arith.constant 0 : i32
    %dma_start3A_427 = arith.constant 0 : i32
    %dma_start3A_428 = tpu.memref_slice %arg5[%dma_start3A_420, %dma_start3A_426, %dma_start3A_427] : memref<2x80x128xi32, #tpu.memory_space<vmem>> -> memref<1x80x128xi32, #tpu.memory_space<vmem>>
    %dma_start3A_429 = tpu.memref_squeeze %dma_start3A_428 : memref<1x80x128xi32, #tpu.memory_space<vmem>> -> memref<80x128xi32, #tpu.memory_space<vmem>>
    %dma_start3A_430 = arith.constant 0 : i32
    %dma_start3A_431 = tpu.memref_slice %dma_start3A_429[%dma_start3A_421, %dma_start3A_430] : memref<80x128xi32, #tpu.memory_space<vmem>> -> memref<1x128xi32, #tpu.memory_space<vmem>>
    %dma_start3A_432 = tpu.memref_squeeze %dma_start3A_431 : memref<1x128xi32, #tpu.memory_space<vmem>> -> memref<128xi32, #tpu.memory_space<vmem>>
    %dma_start3A_433 = arith.constant 0 : i32
    %dma_start3A_434 = arith.constant 0 : i32
    %dma_start3A_435 = tpu.memref_slice %arg7[%dma_start3A_433, %dma_start3A_434] : memref<10240x64xbf16, #tpu.memory_space<vmem_shared>> -> memref<10240x64xbf16, #tpu.memory_space<vmem_shared>>
    tpu.enqueue_indirect_dma source(%dma_start3A_425 : memref<128x64xbf16, #tpu.memory_space<vmem>>) target(%dma_start3A_435 : memref<10240x64xbf16, #tpu.memory_space<vmem_shared>>) offsets(%dma_start3A_432 : memref<128xi32, #tpu.memory_space<vmem>>) semaphore(%arg22 : memref<!tpu.dma_semaphore, #tpu.memory_space<semaphore_mem>>) {add = true}
    %dma_wait3A_436 = arith.constant 2 : i32
    %dma_wait3A_437 = arith.constant 1 : i32
    %dma_wait3A_438 = arith.constant 74 : i32
    %dma_wait3A_439 = arith.constant 0 : i32
    %dma_wait3A_440 = arith.constant 0 : i32
    %dma_wait3A_441 = tpu.memref_slice %arg6[%dma_wait3A_436, %dma_wait3A_439, %dma_wait3A_440] : memref<8x128x64xbf16, #tpu.memory_space<vmem>> -> memref<1x128x64xbf16, #tpu.memory_space<vmem>>
    %dma_wait3A_442 = tpu.memref_squeeze %dma_wait3A_441 : memref<1x128x64xbf16, #tpu.memory_space<vmem>> -> memref<128x64xbf16, #tpu.memory_space<vmem>>
    %dma_wait3A_443 = arith.constant 0 : i32
    %dma_wait3A_444 = arith.constant 0 : i32
    %dma_wait3A_445 = tpu.memref_slice %arg5[%dma_wait3A_437, %dma_wait3A_443, %dma_wait3A_444] : memref<2x80x128xi32, #tpu.memory_space<vmem>> -> memref<1x80x128xi32, #tpu.memory_space<vmem>>
    %dma_wait3A_446 = tpu.memref_squeeze %dma_wait3A_445 : memref<1x80x128xi32, #tpu.memory_space<vmem>> -> memref<80x128xi32, #tpu.memory_space<vmem>>
    %dma_wait3A_447 = arith.constant 0 : i32
    %dma_wait3A_448 = tpu.memref_slice %dma_wait3A_446[%dma_wait3A_438, %dma_wait3A_447] : memref<80x128xi32, #tpu.memory_space<vmem>> -> memref<1x128xi32, #tpu.memory_space<vmem>>
    %dma_wait3A_449 = tpu.memref_squeeze %dma_wait3A_448 : memref<1x128xi32, #tpu.memory_space<vmem>> -> memref<128xi32, #tpu.memory_space<vmem>>
    %dma_wait3A_450 = arith.constant 0 : i32
    %dma_wait3A_451 = arith.constant 0 : i32
    %dma_wait3A_452 = tpu.memref_slice %arg7[%dma_wait3A_450, %dma_wait3A_451] : memref<10240x64xbf16, #tpu.memory_space<vmem_shared>> -> memref<10240x64xbf16, #tpu.memory_space<vmem_shared>>
    tpu.wait_indirect_dma semaphore(%arg18 : memref<!tpu.dma_semaphore, #tpu.memory_space<semaphore_mem>>) src(%dma_wait3A_442 : memref<128x64xbf16, #tpu.memory_space<vmem>>) dst(%dma_wait3A_452 : memref<10240x64xbf16, #tpu.memory_space<vmem_shared>>)
    %dma_wait3A_453 = arith.constant 0 : i32
    %dma_wait3A_454 = arith.constant 79 : i32
    %dma_wait3A_455 = arith.constant 7 : i32
    %dma_wait3A_456 = arith.constant 0 : i32
    %dma_wait3A_457 = arith.constant 0 : i32
    %dma_wait3A_458 = tpu.memref_slice %arg6[%dma_wait3A_455, %dma_wait3A_456, %dma_wait3A_457] : memref<8x128x64xbf16, #tpu.memory_space<vmem>> -> memref<1x128x64xbf16, #tpu.memory_space<vmem>>
    %dma_wait3A_459 = tpu.memref_squeeze %dma_wait3A_458 : memref<1x128x64xbf16, #tpu.memory_space<vmem>> -> memref<128x64xbf16, #tpu.memory_space<vmem>>
    %dma_wait3A_460 = arith.constant 0 : i32
    %dma_wait3A_461 = arith.constant 0 : i32
    %dma_wait3A_462 = tpu.memref_slice %arg5[%dma_wait3A_453, %dma_wait3A_460, %dma_wait3A_461] : memref<2x80x128xi32, #tpu.memory_space<vmem>> -> memref<1x80x128xi32, #tpu.memory_space<vmem>>
    %dma_wait3A_463 = tpu.memref_squeeze %dma_wait3A_462 : memref<1x80x128xi32, #tpu.memory_space<vmem>> -> memref<80x128xi32, #tpu.memory_space<vmem>>
    %dma_wait3A_464 = arith.constant 0 : i32
    %dma_wait3A_465 = tpu.memref_slice %dma_wait3A_463[%dma_wait3A_454, %dma_wait3A_464] : memref<80x128xi32, #tpu.memory_space<vmem>> -> memref<1x128xi32, #tpu.memory_space<vmem>>
    %dma_wait3A_466 = tpu.memref_squeeze %dma_wait3A_465 : memref<1x128xi32, #tpu.memory_space<vmem>> -> memref<128xi32, #tpu.memory_space<vmem>>
    %dma_wait3A_467 = arith.constant 0 : i32
    %dma_wait3A_468 = arith.constant 0 : i32
    %dma_wait3A_469 = tpu.memref_slice %arg2[%dma_wait3A_467, %dma_wait3A_468] : memref<10000x64xbf16, #tpu.memory_space<hbm>> -> memref<10000x64xbf16, #tpu.memory_space<hbm>>
    tpu.wait_indirect_dma semaphore(%arg15 : memref<!tpu.dma_semaphore, #tpu.memory_space<semaphore_mem>>) src(%dma_wait3A_469 : memref<10000x64xbf16, #tpu.memory_space<hbm>>) dst(%dma_wait3A_459 : memref<128x64xbf16, #tpu.memory_space<vmem>>)
    %dma_start3A_470 = arith.constant 7 : i32
    %dma_start3A_471 = arith.constant 1 : i32
    %dma_start3A_472 = arith.constant 79 : i32
    %dma_start3A_473 = arith.constant 0 : i32
    %dma_start3A_474 = arith.constant 0 : i32
    %dma_start3A_475 = tpu.memref_slice %arg6[%dma_start3A_470, %dma_start3A_473, %dma_start3A_474] : memref<8x128x64xbf16, #tpu.memory_space<vmem>> -> memref<1x128x64xbf16, #tpu.memory_space<vmem>>
    %dma_start3A_476 = tpu.memref_squeeze %dma_start3A_475 : memref<1x128x64xbf16, #tpu.memory_space<vmem>> -> memref<128x64xbf16, #tpu.memory_space<vmem>>
    %dma_start3A_477 = arith.constant 0 : i32
    %dma_start3A_478 = arith.constant 0 : i32
    %dma_start3A_479 = tpu.memref_slice %arg5[%dma_start3A_471, %dma_start3A_477, %dma_start3A_478] : memref<2x80x128xi32, #tpu.memory_space<vmem>> -> memref<1x80x128xi32, #tpu.memory_space<vmem>>
    %dma_start3A_480 = tpu.memref_squeeze %dma_start3A_479 : memref<1x80x128xi32, #tpu.memory_space<vmem>> -> memref<80x128xi32, #tpu.memory_space<vmem>>
    %dma_start3A_481 = arith.constant 0 : i32
    %dma_start3A_482 = tpu.memref_slice %dma_start3A_480[%dma_start3A_472, %dma_start3A_481] : memref<80x128xi32, #tpu.memory_space<vmem>> -> memref<1x128xi32, #tpu.memory_space<vmem>>
    %dma_start3A_483 = tpu.memref_squeeze %dma_start3A_482 : memref<1x128xi32, #tpu.memory_space<vmem>> -> memref<128xi32, #tpu.memory_space<vmem>>
    %dma_start3A_484 = arith.constant 0 : i32
    %dma_start3A_485 = arith.constant 0 : i32
    %dma_start3A_486 = tpu.memref_slice %arg7[%dma_start3A_484, %dma_start3A_485] : memref<10240x64xbf16, #tpu.memory_space<vmem_shared>> -> memref<10240x64xbf16, #tpu.memory_space<vmem_shared>>
    tpu.enqueue_indirect_dma source(%dma_start3A_476 : memref<128x64xbf16, #tpu.memory_space<vmem>>) target(%dma_start3A_486 : memref<10240x64xbf16, #tpu.memory_space<vmem_shared>>) offsets(%dma_start3A_483 : memref<128xi32, #tpu.memory_space<vmem>>) semaphore(%arg23 : memref<!tpu.dma_semaphore, #tpu.memory_space<semaphore_mem>>) {add = true}
    %dma_wait3A_487 = arith.constant 3 : i32
    %dma_wait3A_488 = arith.constant 1 : i32
    %dma_wait3A_489 = arith.constant 75 : i32
    %dma_wait3A_490 = arith.constant 0 : i32
    %dma_wait3A_491 = arith.constant 0 : i32
    %dma_wait3A_492 = tpu.memref_slice %arg6[%dma_wait3A_487, %dma_wait3A_490, %dma_wait3A_491] : memref<8x128x64xbf16, #tpu.memory_space<vmem>> -> memref<1x128x64xbf16, #tpu.memory_space<vmem>>
    %dma_wait3A_493 = tpu.memref_squeeze %dma_wait3A_492 : memref<1x128x64xbf16, #tpu.memory_space<vmem>> -> memref<128x64xbf16, #tpu.memory_space<vmem>>
    %dma_wait3A_494 = arith.constant 0 : i32
    %dma_wait3A_495 = arith.constant 0 : i32
    %dma_wait3A_496 = tpu.memref_slice %arg5[%dma_wait3A_488, %dma_wait3A_494, %dma_wait3A_495] : memref<2x80x128xi32, #tpu.memory_space<vmem>> -> memref<1x80x128xi32, #tpu.memory_space<vmem>>
    %dma_wait3A_497 = tpu.memref_squeeze %dma_wait3A_496 : memref<1x80x128xi32, #tpu.memory_space<vmem>> -> memref<80x128xi32, #tpu.memory_space<vmem>>
    %dma_wait3A_498 = arith.constant 0 : i32
    %dma_wait3A_499 = tpu.memref_slice %dma_wait3A_497[%dma_wait3A_489, %dma_wait3A_498] : memref<80x128xi32, #tpu.memory_space<vmem>> -> memref<1x128xi32, #tpu.memory_space<vmem>>
    %dma_wait3A_500 = tpu.memref_squeeze %dma_wait3A_499 : memref<1x128xi32, #tpu.memory_space<vmem>> -> memref<128xi32, #tpu.memory_space<vmem>>
    %dma_wait3A_501 = arith.constant 0 : i32
    %dma_wait3A_502 = arith.constant 0 : i32
    %dma_wait3A_503 = tpu.memref_slice %arg7[%dma_wait3A_501, %dma_wait3A_502] : memref<10240x64xbf16, #tpu.memory_space<vmem_shared>> -> memref<10240x64xbf16, #tpu.memory_space<vmem_shared>>
    tpu.wait_indirect_dma semaphore(%arg19 : memref<!tpu.dma_semaphore, #tpu.memory_space<semaphore_mem>>) src(%dma_wait3A_493 : memref<128x64xbf16, #tpu.memory_space<vmem>>) dst(%dma_wait3A_503 : memref<10240x64xbf16, #tpu.memory_space<vmem_shared>>)
    %dma_wait3A_504 = arith.constant 4 : i32
    %dma_wait3A_505 = arith.constant 1 : i32
    %dma_wait3A_506 = arith.constant 76 : i32
    %dma_wait3A_507 = arith.constant 0 : i32
    %dma_wait3A_508 = arith.constant 0 : i32
    %dma_wait3A_509 = tpu.memref_slice %arg6[%dma_wait3A_504, %dma_wait3A_507, %dma_wait3A_508] : memref<8x128x64xbf16, #tpu.memory_space<vmem>> -> memref<1x128x64xbf16, #tpu.memory_space<vmem>>
    %dma_wait3A_510 = tpu.memref_squeeze %dma_wait3A_509 : memref<1x128x64xbf16, #tpu.memory_space<vmem>> -> memref<128x64xbf16, #tpu.memory_space<vmem>>
    %dma_wait3A_511 = arith.constant 0 : i32
    %dma_wait3A_512 = arith.constant 0 : i32
    %dma_wait3A_513 = tpu.memref_slice %arg5[%dma_wait3A_505, %dma_wait3A_511, %dma_wait3A_512] : memref<2x80x128xi32, #tpu.memory_space<vmem>> -> memref<1x80x128xi32, #tpu.memory_space<vmem>>
    %dma_wait3A_514 = tpu.memref_squeeze %dma_wait3A_513 : memref<1x80x128xi32, #tpu.memory_space<vmem>> -> memref<80x128xi32, #tpu.memory_space<vmem>>
    %dma_wait3A_515 = arith.constant 0 : i32
    %dma_wait3A_516 = tpu.memref_slice %dma_wait3A_514[%dma_wait3A_506, %dma_wait3A_515] : memref<80x128xi32, #tpu.memory_space<vmem>> -> memref<1x128xi32, #tpu.memory_space<vmem>>
    %dma_wait3A_517 = tpu.memref_squeeze %dma_wait3A_516 : memref<1x128xi32, #tpu.memory_space<vmem>> -> memref<128xi32, #tpu.memory_space<vmem>>
    %dma_wait3A_518 = arith.constant 0 : i32
    %dma_wait3A_519 = arith.constant 0 : i32
    %dma_wait3A_520 = tpu.memref_slice %arg7[%dma_wait3A_518, %dma_wait3A_519] : memref<10240x64xbf16, #tpu.memory_space<vmem_shared>> -> memref<10240x64xbf16, #tpu.memory_space<vmem_shared>>
    tpu.wait_indirect_dma semaphore(%arg20 : memref<!tpu.dma_semaphore, #tpu.memory_space<semaphore_mem>>) src(%dma_wait3A_510 : memref<128x64xbf16, #tpu.memory_space<vmem>>) dst(%dma_wait3A_520 : memref<10240x64xbf16, #tpu.memory_space<vmem_shared>>)
    %dma_wait3A_521 = arith.constant 5 : i32
    %dma_wait3A_522 = arith.constant 1 : i32
    %dma_wait3A_523 = arith.constant 77 : i32
    %dma_wait3A_524 = arith.constant 0 : i32
    %dma_wait3A_525 = arith.constant 0 : i32
    %dma_wait3A_526 = tpu.memref_slice %arg6[%dma_wait3A_521, %dma_wait3A_524, %dma_wait3A_525] : memref<8x128x64xbf16, #tpu.memory_space<vmem>> -> memref<1x128x64xbf16, #tpu.memory_space<vmem>>
    %dma_wait3A_527 = tpu.memref_squeeze %dma_wait3A_526 : memref<1x128x64xbf16, #tpu.memory_space<vmem>> -> memref<128x64xbf16, #tpu.memory_space<vmem>>
    %dma_wait3A_528 = arith.constant 0 : i32
    %dma_wait3A_529 = arith.constant 0 : i32
    %dma_wait3A_530 = tpu.memref_slice %arg5[%dma_wait3A_522, %dma_wait3A_528, %dma_wait3A_529] : memref<2x80x128xi32, #tpu.memory_space<vmem>> -> memref<1x80x128xi32, #tpu.memory_space<vmem>>
    %dma_wait3A_531 = tpu.memref_squeeze %dma_wait3A_530 : memref<1x80x128xi32, #tpu.memory_space<vmem>> -> memref<80x128xi32, #tpu.memory_space<vmem>>
    %dma_wait3A_532 = arith.constant 0 : i32
    %dma_wait3A_533 = tpu.memref_slice %dma_wait3A_531[%dma_wait3A_523, %dma_wait3A_532] : memref<80x128xi32, #tpu.memory_space<vmem>> -> memref<1x128xi32, #tpu.memory_space<vmem>>
    %dma_wait3A_534 = tpu.memref_squeeze %dma_wait3A_533 : memref<1x128xi32, #tpu.memory_space<vmem>> -> memref<128xi32, #tpu.memory_space<vmem>>
    %dma_wait3A_535 = arith.constant 0 : i32
    %dma_wait3A_536 = arith.constant 0 : i32
    %dma_wait3A_537 = tpu.memref_slice %arg7[%dma_wait3A_535, %dma_wait3A_536] : memref<10240x64xbf16, #tpu.memory_space<vmem_shared>> -> memref<10240x64xbf16, #tpu.memory_space<vmem_shared>>
    tpu.wait_indirect_dma semaphore(%arg21 : memref<!tpu.dma_semaphore, #tpu.memory_space<semaphore_mem>>) src(%dma_wait3A_527 : memref<128x64xbf16, #tpu.memory_space<vmem>>) dst(%dma_wait3A_537 : memref<10240x64xbf16, #tpu.memory_space<vmem_shared>>)
    %dma_wait3A_538 = arith.constant 6 : i32
    %dma_wait3A_539 = arith.constant 1 : i32
    %dma_wait3A_540 = arith.constant 78 : i32
    %dma_wait3A_541 = arith.constant 0 : i32
    %dma_wait3A_542 = arith.constant 0 : i32
    %dma_wait3A_543 = tpu.memref_slice %arg6[%dma_wait3A_538, %dma_wait3A_541, %dma_wait3A_542] : memref<8x128x64xbf16, #tpu.memory_space<vmem>> -> memref<1x128x64xbf16, #tpu.memory_space<vmem>>
    %dma_wait3A_544 = tpu.memref_squeeze %dma_wait3A_543 : memref<1x128x64xbf16, #tpu.memory_space<vmem>> -> memref<128x64xbf16, #tpu.memory_space<vmem>>
    %dma_wait3A_545 = arith.constant 0 : i32
    %dma_wait3A_546 = arith.constant 0 : i32
    %dma_wait3A_547 = tpu.memref_slice %arg5[%dma_wait3A_539, %dma_wait3A_545, %dma_wait3A_546] : memref<2x80x128xi32, #tpu.memory_space<vmem>> -> memref<1x80x128xi32, #tpu.memory_space<vmem>>
    %dma_wait3A_548 = tpu.memref_squeeze %dma_wait3A_547 : memref<1x80x128xi32, #tpu.memory_space<vmem>> -> memref<80x128xi32, #tpu.memory_space<vmem>>
    %dma_wait3A_549 = arith.constant 0 : i32
    %dma_wait3A_550 = tpu.memref_slice %dma_wait3A_548[%dma_wait3A_540, %dma_wait3A_549] : memref<80x128xi32, #tpu.memory_space<vmem>> -> memref<1x128xi32, #tpu.memory_space<vmem>>
    %dma_wait3A_551 = tpu.memref_squeeze %dma_wait3A_550 : memref<1x128xi32, #tpu.memory_space<vmem>> -> memref<128xi32, #tpu.memory_space<vmem>>
    %dma_wait3A_552 = arith.constant 0 : i32
    %dma_wait3A_553 = arith.constant 0 : i32
    %dma_wait3A_554 = tpu.memref_slice %arg7[%dma_wait3A_552, %dma_wait3A_553] : memref<10240x64xbf16, #tpu.memory_space<vmem_shared>> -> memref<10240x64xbf16, #tpu.memory_space<vmem_shared>>
    tpu.wait_indirect_dma semaphore(%arg22 : memref<!tpu.dma_semaphore, #tpu.memory_space<semaphore_mem>>) src(%dma_wait3A_544 : memref<128x64xbf16, #tpu.memory_space<vmem>>) dst(%dma_wait3A_554 : memref<10240x64xbf16, #tpu.memory_space<vmem_shared>>)
    %dma_wait3A_555 = arith.constant 7 : i32
    %dma_wait3A_556 = arith.constant 1 : i32
    %dma_wait3A_557 = arith.constant 79 : i32
    %dma_wait3A_558 = arith.constant 0 : i32
    %dma_wait3A_559 = arith.constant 0 : i32
    %dma_wait3A_560 = tpu.memref_slice %arg6[%dma_wait3A_555, %dma_wait3A_558, %dma_wait3A_559] : memref<8x128x64xbf16, #tpu.memory_space<vmem>> -> memref<1x128x64xbf16, #tpu.memory_space<vmem>>
    %dma_wait3A_561 = tpu.memref_squeeze %dma_wait3A_560 : memref<1x128x64xbf16, #tpu.memory_space<vmem>> -> memref<128x64xbf16, #tpu.memory_space<vmem>>
    %dma_wait3A_562 = arith.constant 0 : i32
    %dma_wait3A_563 = arith.constant 0 : i32
    %dma_wait3A_564 = tpu.memref_slice %arg5[%dma_wait3A_556, %dma_wait3A_562, %dma_wait3A_563] : memref<2x80x128xi32, #tpu.memory_space<vmem>> -> memref<1x80x128xi32, #tpu.memory_space<vmem>>
    %dma_wait3A_565 = tpu.memref_squeeze %dma_wait3A_564 : memref<1x80x128xi32, #tpu.memory_space<vmem>> -> memref<80x128xi32, #tpu.memory_space<vmem>>
    %dma_wait3A_566 = arith.constant 0 : i32
    %dma_wait3A_567 = tpu.memref_slice %dma_wait3A_565[%dma_wait3A_557, %dma_wait3A_566] : memref<80x128xi32, #tpu.memory_space<vmem>> -> memref<1x128xi32, #tpu.memory_space<vmem>>
    %dma_wait3A_568 = tpu.memref_squeeze %dma_wait3A_567 : memref<1x128xi32, #tpu.memory_space<vmem>> -> memref<128xi32, #tpu.memory_space<vmem>>
    %dma_wait3A_569 = arith.constant 0 : i32
    %dma_wait3A_570 = arith.constant 0 : i32
    %dma_wait3A_571 = tpu.memref_slice %arg7[%dma_wait3A_569, %dma_wait3A_570] : memref<10240x64xbf16, #tpu.memory_space<vmem_shared>> -> memref<10240x64xbf16, #tpu.memory_space<vmem_shared>>
    tpu.wait_indirect_dma semaphore(%arg23 : memref<!tpu.dma_semaphore, #tpu.memory_space<semaphore_mem>>) src(%dma_wait3A_561 : memref<128x64xbf16, #tpu.memory_space<vmem>>) dst(%dma_wait3A_571 : memref<10240x64xbf16, #tpu.memory_space<vmem_shared>>)
    %barrier3A_572 = arith.constant 0 : index
    tpu.barrier barrier_id(%barrier3A_572)
    "tpu.region"() ({
      %run_scoped3A_573 = tpu.sem_alloc : memref<!tpu.dma_semaphore, #tpu.memory_space<semaphore_mem>>
      %dma_start3A_574 = arith.constant 0 : i32
      %dma_start3A_575 = tpu.memref_slice %arg4[%arg0, %mul3A_74, %dma_start3A_574] : memref<2x10240x64xbf16, #tpu.memory_space<hbm>> -> memref<1x640x64xbf16, #tpu.memory_space<hbm>>
      %dma_start3A_576 = tpu.memref_squeeze %dma_start3A_575 : memref<1x640x64xbf16, #tpu.memory_space<hbm>> -> memref<640x64xbf16, #tpu.memory_space<hbm>>
      %dma_start3A_577 = arith.constant 0 : i32
      %dma_start3A_578 = tpu.memref_slice %arg7[%mul3A_74, %dma_start3A_577] : memref<10240x64xbf16, #tpu.memory_space<vmem_shared>> -> memref<640x64xbf16, #tpu.memory_space<vmem_shared>>
      tpu.enqueue_dma source(%dma_start3A_578 : memref<640x64xbf16, #tpu.memory_space<vmem_shared>>) target(%dma_start3A_576 : memref<640x64xbf16, #tpu.memory_space<hbm>>) target_semaphore(%run_scoped3A_573 : memref<!tpu.dma_semaphore, #tpu.memory_space<semaphore_mem>>)
      %dma_wait3A_579 = arith.constant 0 : i32
      %dma_wait3A_580 = tpu.memref_slice %arg4[%arg0, %mul3A_74, %dma_wait3A_579] : memref<2x10240x64xbf16, #tpu.memory_space<hbm>> -> memref<1x640x64xbf16, #tpu.memory_space<hbm>>
      %dma_wait3A_581 = tpu.memref_squeeze %dma_wait3A_580 : memref<1x640x64xbf16, #tpu.memory_space<hbm>> -> memref<640x64xbf16, #tpu.memory_space<hbm>>
      %dma_wait3A_582 = arith.constant 0 : i32
      %dma_wait3A_583 = tpu.memref_slice %arg7[%mul3A_74, %dma_wait3A_582] : memref<10240x64xbf16, #tpu.memory_space<vmem_shared>> -> memref<640x64xbf16, #tpu.memory_space<vmem_shared>>
      tpu.wait_dma2 semaphore(%run_scoped3A_573 : memref<!tpu.dma_semaphore, #tpu.memory_space<semaphore_mem>>) src(%dma_wait3A_583 : memref<640x64xbf16, #tpu.memory_space<vmem_shared>>) dst(%dma_wait3A_581 : memref<640x64xbf16, #tpu.memory_space<hbm>>)
      tpu.yield
    }) : () -> ()
    return
  }
}

#map = affine_map<(d0, d1) -> (0, 0)>
#map1 = affine_map<(d0, d1) -> (0, 0, 0, 0)>
#map2 = affine_map<(d0, d1) -> (0, 0, 0)>
module attributes {stable_mosaic.version = 14 : i64} {
  func.func @segsum(%arg0: i32, %arg1: i32, %arg2: memref<10000x64xbf16, #tpu.memory_space<hbm>>, %arg3: memref<32x2x80x128xi32, #tpu.memory_space<hbm>>, %arg4: memref<2x10240x64xbf16, #tpu.memory_space<hbm>>, %arg5: memref<2x80x128xi32, #tpu.memory_space<vmem>>, %arg6: memref<8x128x64xbf16, #tpu.memory_space<vmem>>, %arg7: memref<10240x64xbf16, #tpu.memory_space<vmem_shared>>, %arg8: memref<!tpu.dma_semaphore, #tpu.memory_space<semaphore_mem>>, %arg9: memref<!tpu.dma_semaphore, #tpu.memory_space<semaphore_mem>>, %arg10: memref<!tpu.dma_semaphore, #tpu.memory_space<semaphore_mem>>, %arg11: memref<!tpu.dma_semaphore, #tpu.memory_space<semaphore_mem>>, %arg12: memref<!tpu.dma_semaphore, #tpu.memory_space<semaphore_mem>>, %arg13: memref<!tpu.dma_semaphore, #tpu.memory_space<semaphore_mem>>, %arg14: memref<!tpu.dma_semaphore, #tpu.memory_space<semaphore_mem>>, %arg15: memref<!tpu.dma_semaphore, #tpu.memory_space<semaphore_mem>>, %arg16: memref<!tpu.dma_semaphore, #tpu.memory_space<semaphore_mem>>, %arg17: memref<!tpu.dma_semaphore, #tpu.memory_space<semaphore_mem>>, %arg18: memref<!tpu.dma_semaphore, #tpu.memory_space<semaphore_mem>>, %arg19: memref<!tpu.dma_semaphore, #tpu.memory_space<semaphore_mem>>, %arg20: memref<!tpu.dma_semaphore, #tpu.memory_space<semaphore_mem>>, %arg21: memref<!tpu.dma_semaphore, #tpu.memory_space<semaphore_mem>>, %arg22: memref<!tpu.dma_semaphore, #tpu.memory_space<semaphore_mem>>, %arg23: memref<!tpu.dma_semaphore, #tpu.memory_space<semaphore_mem>>) attributes {dimension_semantics = [#tpu.dimension_semantics<core_parallel>, #tpu.dimension_semantics<subcore_parallel>], iteration_bounds = array<i64: 2, 16>, scalar_prefetch = 0 : i64, scratch_operands = 19 : i64, tpu.core_type = #tpu.core_type<sc_vector_subcore>, window_params = [{transform_indices = #map}, {transform_indices = #map1}, {transform_indices = #map2}]} {
    %mul3A = arith.constant 16 : i32
    %mul3A_0 = arith.muli %arg0, %mul3A : i32
    %add3A = arith.addi %mul3A_0, %arg1 : i32
    "tpu.region"() ({
      %run_scoped3A_573 = tpu.sem_alloc : memref<!tpu.dma_semaphore, #tpu.memory_space<semaphore_mem>>
      %dma_start3A_574 = arith.constant 0 : i32
      %dma_start3A_575 = arith.constant 0 : i32
      %dma_start3A_576 = arith.constant 0 : i32
      %dma_start3A_577 = tpu.memref_slice %arg3[%add3A, %dma_start3A_574, %dma_start3A_575, %dma_start3A_576] : memref<32x2x80x128xi32, #tpu.memory_space<hbm>> -> memref<1x2x80x128xi32, #tpu.memory_space<hbm>>
      %dma_start3A_578 = tpu.memref_squeeze %dma_start3A_577 : memref<1x2x80x128xi32, #tpu.memory_space<hbm>> -> memref<2x80x128xi32, #tpu.memory_space<hbm>>
      %dma_start3A_579 = arith.constant 0 : i32
      %dma_start3A_580 = arith.constant 0 : i32
      %dma_start3A_581 = arith.constant 0 : i32
      %dma_start3A_582 = tpu.memref_slice %arg3[%add3A, %dma_start3A_579, %dma_start3A_580, %dma_start3A_581] : memref<32x2x80x128xi32, #tpu.memory_space<hbm>> -> memref<1x2x80x128xi32, #tpu.memory_space<hbm>>
      %dma_start3A_583 = tpu.memref_squeeze %dma_start3A_582 : memref<1x2x80x128xi32, #tpu.memory_space<hbm>> -> memref<2x80x128xi32, #tpu.memory_space<hbm>>
      tpu.enqueue_dma source(%dma_start3A_583 : memref<2x80x128xi32, #tpu.memory_space<hbm>>) target(%arg5 : memref<2x80x128xi32, #tpu.memory_space<vmem>>) target_semaphore(%run_scoped3A_573 : memref<!tpu.dma_semaphore, #tpu.memory_space<semaphore_mem>>)
      %dma_wait3A_584 = arith.constant 0 : i32
      %dma_wait3A_585 = arith.constant 0 : i32
      %dma_wait3A_586 = arith.constant 0 : i32
      %dma_wait3A_587 = tpu.memref_slice %arg3[%add3A, %dma_wait3A_584, %dma_wait3A_585, %dma_wait3A_586] : memref<32x2x80x128xi32, #tpu.memory_space<hbm>> -> memref<1x2x80x128xi32, #tpu.memory_space<hbm>>
      %dma_wait3A_588 = tpu.memref_squeeze %dma_wait3A_587 : memref<1x2x80x128xi32, #tpu.memory_space<hbm>> -> memref<2x80x128xi32, #tpu.memory_space<hbm>>
      %dma_wait3A_589 = arith.constant 0 : i32
      %dma_wait3A_590 = arith.constant 0 : i32
      %dma_wait3A_591 = arith.constant 0 : i32
      %dma_wait3A_592 = tpu.memref_slice %arg3[%add3A, %dma_wait3A_589, %dma_wait3A_590, %dma_wait3A_591] : memref<32x2x80x128xi32, #tpu.memory_space<hbm>> -> memref<1x2x80x128xi32, #tpu.memory_space<hbm>>
      %dma_wait3A_593 = tpu.memref_squeeze %dma_wait3A_592 : memref<1x2x80x128xi32, #tpu.memory_space<hbm>> -> memref<2x80x128xi32, #tpu.memory_space<hbm>>
      tpu.wait_dma2 semaphore(%run_scoped3A_573 : memref<!tpu.dma_semaphore, #tpu.memory_space<semaphore_mem>>) src(%dma_wait3A_593 : memref<2x80x128xi32, #tpu.memory_space<hbm>>) dst(%arg5 : memref<2x80x128xi32, #tpu.memory_space<vmem>>)
      tpu.yield
    }) : () -> ()
    %dma_start3A = arith.constant 0 : i32
    %dma_start3A_1 = arith.constant 0 : i32
    %dma_start3A_2 = arith.constant 0 : i32
    %dma_start3A_3 = arith.constant 0 : i32
    %dma_start3A_4 = arith.constant 0 : i32
    %dma_start3A_5 = tpu.memref_slice %arg6[%dma_start3A_2, %dma_start3A_3, %dma_start3A_4] : memref<8x128x64xbf16, #tpu.memory_space<vmem>> -> memref<1x128x64xbf16, #tpu.memory_space<vmem>>
    %dma_start3A_6 = tpu.memref_squeeze %dma_start3A_5 : memref<1x128x64xbf16, #tpu.memory_space<vmem>> -> memref<128x64xbf16, #tpu.memory_space<vmem>>
    %dma_start3A_7 = arith.constant 0 : i32
    %dma_start3A_8 = arith.constant 0 : i32
    %dma_start3A_9 = tpu.memref_slice %arg5[%dma_start3A, %dma_start3A_7, %dma_start3A_8] : memref<2x80x128xi32, #tpu.memory_space<vmem>> -> memref<1x80x128xi32, #tpu.memory_space<vmem>>
    %dma_start3A_10 = tpu.memref_squeeze %dma_start3A_9 : memref<1x80x128xi32, #tpu.memory_space<vmem>> -> memref<80x128xi32, #tpu.memory_space<vmem>>
    %dma_start3A_11 = arith.constant 0 : i32
    %dma_start3A_12 = tpu.memref_slice %dma_start3A_10[%dma_start3A_1, %dma_start3A_11] : memref<80x128xi32, #tpu.memory_space<vmem>> -> memref<1x128xi32, #tpu.memory_space<vmem>>
    %dma_start3A_13 = tpu.memref_squeeze %dma_start3A_12 : memref<1x128xi32, #tpu.memory_space<vmem>> -> memref<128xi32, #tpu.memory_space<vmem>>
    %dma_start3A_14 = arith.constant 0 : i32
    %dma_start3A_15 = arith.constant 0 : i32
    %dma_start3A_16 = tpu.memref_slice %arg2[%dma_start3A_14, %dma_start3A_15] : memref<10000x64xbf16, #tpu.memory_space<hbm>> -> memref<10000x64xbf16, #tpu.memory_space<hbm>>
    tpu.enqueue_indirect_dma source(%dma_start3A_16 : memref<10000x64xbf16, #tpu.memory_space<hbm>>) target(%dma_start3A_6 : memref<128x64xbf16, #tpu.memory_space<vmem>>) offsets(%dma_start3A_13 : memref<128xi32, #tpu.memory_space<vmem>>) semaphore(%arg8 : memref<!tpu.dma_semaphore, #tpu.memory_space<semaphore_mem>>)
    %dma_start3A_17 = arith.constant 0 : i32
    %dma_start3A_18 = arith.constant 1 : i32
    %dma_start3A_19 = arith.constant 1 : i32
    %dma_start3A_20 = arith.constant 0 : i32
    %dma_start3A_21 = arith.constant 0 : i32
    %dma_start3A_22 = tpu.memref_slice %arg6[%dma_start3A_19, %dma_start3A_20, %dma_start3A_21] : memref<8x128x64xbf16, #tpu.memory_space<vmem>> -> memref<1x128x64xbf16, #tpu.memory_space<vmem>>
    %dma_start3A_23 = tpu.memref_squeeze %dma_start3A_22 : memref<1x128x64xbf16, #tpu.memory_space<vmem>> -> memref<128x64xbf16, #tpu.memory_space<vmem>>
    %dma_start3A_24 = arith.constant 0 : i32
    %dma_start3A_25 = arith.constant 0 : i32
    %dma_start3A_26 = tpu.memref_slice %arg5[%dma_start3A_17, %dma_start3A_24, %dma_start3A_25] : memref<2x80x128xi32, #tpu.memory_space<vmem>> -> memref<1x80x128xi32, #tpu.memory_space<vmem>>
    %dma_start3A_27 = tpu.memref_squeeze %dma_start3A_26 : memref<1x80x128xi32, #tpu.memory_space<vmem>> -> memref<80x128xi32, #tpu.memory_space<vmem>>
    %dma_start3A_28 = arith.constant 0 : i32
    %dma_start3A_29 = tpu.memref_slice %dma_start3A_27[%dma_start3A_18, %dma_start3A_28] : memref<80x128xi32, #tpu.memory_space<vmem>> -> memref<1x128xi32, #tpu.memory_space<vmem>>
    %dma_start3A_30 = tpu.memref_squeeze %dma_start3A_29 : memref<1x128xi32, #tpu.memory_space<vmem>> -> memref<128xi32, #tpu.memory_space<vmem>>
    %dma_start3A_31 = arith.constant 0 : i32
    %dma_start3A_32 = arith.constant 0 : i32
    %dma_start3A_33 = tpu.memref_slice %arg2[%dma_start3A_31, %dma_start3A_32] : memref<10000x64xbf16, #tpu.memory_space<hbm>> -> memref<10000x64xbf16, #tpu.memory_space<hbm>>
    tpu.enqueue_indirect_dma source(%dma_start3A_33 : memref<10000x64xbf16, #tpu.memory_space<hbm>>) target(%dma_start3A_23 : memref<128x64xbf16, #tpu.memory_space<vmem>>) offsets(%dma_start3A_30 : memref<128xi32, #tpu.memory_space<vmem>>) semaphore(%arg9 : memref<!tpu.dma_semaphore, #tpu.memory_space<semaphore_mem>>)
    %dma_start3A_34 = arith.constant 0 : i32
    %dma_start3A_35 = arith.constant 2 : i32
    %dma_start3A_36 = arith.constant 2 : i32
    %dma_start3A_37 = arith.constant 0 : i32
    %dma_start3A_38 = arith.constant 0 : i32
    %dma_start3A_39 = tpu.memref_slice %arg6[%dma_start3A_36, %dma_start3A_37, %dma_start3A_38] : memref<8x128x64xbf16, #tpu.memory_space<vmem>> -> memref<1x128x64xbf16, #tpu.memory_space<vmem>>
    %dma_start3A_40 = tpu.memref_squeeze %dma_start3A_39 : memref<1x128x64xbf16, #tpu.memory_space<vmem>> -> memref<128x64xbf16, #tpu.memory_space<vmem>>
    %dma_start3A_41 = arith.constant 0 : i32
    %dma_start3A_42 = arith.constant 0 : i32
    %dma_start3A_43 = tpu.memref_slice %arg5[%dma_start3A_34, %dma_start3A_41, %dma_start3A_42] : memref<2x80x128xi32, #tpu.memory_space<vmem>> -> memref<1x80x128xi32, #tpu.memory_space<vmem>>
    %dma_start3A_44 = tpu.memref_squeeze %dma_start3A_43 : memref<1x80x128xi32, #tpu.memory_space<vmem>> -> memref<80x128xi32, #tpu.memory_space<vmem>>
    %dma_start3A_45 = arith.constant 0 : i32
    %dma_start3A_46 = tpu.memref_slice %dma_start3A_44[%dma_start3A_35, %dma_start3A_45] : memref<80x128xi32, #tpu.memory_space<vmem>> -> memref<1x128xi32, #tpu.memory_space<vmem>>
    %dma_start3A_47 = tpu.memref_squeeze %dma_start3A_46 : memref<1x128xi32, #tpu.memory_space<vmem>> -> memref<128xi32, #tpu.memory_space<vmem>>
    %dma_start3A_48 = arith.constant 0 : i32
    %dma_start3A_49 = arith.constant 0 : i32
    %dma_start3A_50 = tpu.memref_slice %arg2[%dma_start3A_48, %dma_start3A_49] : memref<10000x64xbf16, #tpu.memory_space<hbm>> -> memref<10000x64xbf16, #tpu.memory_space<hbm>>
    tpu.enqueue_indirect_dma source(%dma_start3A_50 : memref<10000x64xbf16, #tpu.memory_space<hbm>>) target(%dma_start3A_40 : memref<128x64xbf16, #tpu.memory_space<vmem>>) offsets(%dma_start3A_47 : memref<128xi32, #tpu.memory_space<vmem>>) semaphore(%arg10 : memref<!tpu.dma_semaphore, #tpu.memory_space<semaphore_mem>>)
    %dma_start3A_51 = arith.constant 0 : i32
    %dma_start3A_52 = arith.constant 3 : i32
    %dma_start3A_53 = arith.constant 3 : i32
    %dma_start3A_54 = arith.constant 0 : i32
    %dma_start3A_55 = arith.constant 0 : i32
    %dma_start3A_56 = tpu.memref_slice %arg6[%dma_start3A_53, %dma_start3A_54, %dma_start3A_55] : memref<8x128x64xbf16, #tpu.memory_space<vmem>> -> memref<1x128x64xbf16, #tpu.memory_space<vmem>>
    %dma_start3A_57 = tpu.memref_squeeze %dma_start3A_56 : memref<1x128x64xbf16, #tpu.memory_space<vmem>> -> memref<128x64xbf16, #tpu.memory_space<vmem>>
    %dma_start3A_58 = arith.constant 0 : i32
    %dma_start3A_59 = arith.constant 0 : i32
    %dma_start3A_60 = tpu.memref_slice %arg5[%dma_start3A_51, %dma_start3A_58, %dma_start3A_59] : memref<2x80x128xi32, #tpu.memory_space<vmem>> -> memref<1x80x128xi32, #tpu.memory_space<vmem>>
    %dma_start3A_61 = tpu.memref_squeeze %dma_start3A_60 : memref<1x80x128xi32, #tpu.memory_space<vmem>> -> memref<80x128xi32, #tpu.memory_space<vmem>>
    %dma_start3A_62 = arith.constant 0 : i32
    %dma_start3A_63 = tpu.memref_slice %dma_start3A_61[%dma_start3A_52, %dma_start3A_62] : memref<80x128xi32, #tpu.memory_space<vmem>> -> memref<1x128xi32, #tpu.memory_space<vmem>>
    %dma_start3A_64 = tpu.memref_squeeze %dma_start3A_63 : memref<1x128xi32, #tpu.memory_space<vmem>> -> memref<128xi32, #tpu.memory_space<vmem>>
    %dma_start3A_65 = arith.constant 0 : i32
    %dma_start3A_66 = arith.constant 0 : i32
    %dma_start3A_67 = tpu.memref_slice %arg2[%dma_start3A_65, %dma_start3A_66] : memref<10000x64xbf16, #tpu.memory_space<hbm>> -> memref<10000x64xbf16, #tpu.memory_space<hbm>>
    tpu.enqueue_indirect_dma source(%dma_start3A_67 : memref<10000x64xbf16, #tpu.memory_space<hbm>>) target(%dma_start3A_57 : memref<128x64xbf16, #tpu.memory_space<vmem>>) offsets(%dma_start3A_64 : memref<128xi32, #tpu.memory_space<vmem>>) semaphore(%arg11 : memref<!tpu.dma_semaphore, #tpu.memory_space<semaphore_mem>>)
    %scan3A = arith.constant 0 : i32
    %scan3A_68 = arith.constant 0 : i32
    %scan3A_69 = arith.constant 128 : i32
    %scan3A_70 = arith.addi %scan3A_68, %scan3A_69 : i32
    %scan3A_71 = arith.constant 1 : i32
    scf.for %scan3A_573 = %scan3A_68 to %scan3A_70 step %scan3A_71  : i32 {
      %broadcast_in_dim3A = arith.constant 0.000000e+00 : bf16
      %broadcast_in_dim3A_574 = vector.broadcast %broadcast_in_dim3A : bf16 to vector<32xbf16>
      %swap3A = arith.constant 7 : i32
      %swap3A_575 = arith.index_cast %swap3A : i32 to index
      %swap3A_576 = arith.index_cast %scan3A_573 : i32 to index
      %swap3A_577 = arith.constant 0 : index
      %swap3A_578 = tpu.vector_load %arg6[%swap3A_575, %swap3A_576, %swap3A_577] {strides = array<i32>} : memref<8x128x64xbf16, #tpu.memory_space<vmem>>, vector<1x1x32xbf16>,
      %swap3A_579 = vector.shape_cast %swap3A_578 : vector<1x1x32xbf16> to vector<32xbf16>
      %swap3A_580 = vector.shape_cast %broadcast_in_dim3A_574 : vector<32xbf16> to vector<1x1x32xbf16>
      tpu.vector_store %arg6[%swap3A_575, %swap3A_576, %swap3A_577], %swap3A_580 {strides = array<i32>} : memref<8x128x64xbf16, #tpu.memory_space<vmem>>, vector<1x1x32xbf16>,
      %broadcast_in_dim3A_581 = arith.constant 0.000000e+00 : bf16
      %broadcast_in_dim3A_582 = vector.broadcast %broadcast_in_dim3A_581 : bf16 to vector<32xbf16>
      %swap3A_583 = arith.constant 7 : i32
      %swap3A_584 = arith.index_cast %swap3A_583 : i32 to index
      %swap3A_585 = arith.index_cast %scan3A_573 : i32 to index
      %swap3A_586 = arith.constant 32 : index
      %swap3A_587 = tpu.vector_load %arg6[%swap3A_584, %swap3A_585, %swap3A_586] {strides = array<i32>} : memref<8x128x64xbf16, #tpu.memory_space<vmem>>, vector<1x1x32xbf16>,
      %swap3A_588 = vector.shape_cast %swap3A_587 : vector<1x1x32xbf16> to vector<32xbf16>
      %swap3A_589 = vector.shape_cast %broadcast_in_dim3A_582 : vector<32xbf16> to vector<1x1x32xbf16>
      tpu.vector_store %arg6[%swap3A_584, %swap3A_585, %swap3A_586], %swap3A_589 {strides = array<i32>} : memref<8x128x64xbf16, #tpu.memory_space<vmem>>, vector<1x1x32xbf16>,
    }
    %scan3A_72 = arith.constant 128 : i32
    %mul3A_73 = arith.constant 640 : i32
    %mul3A_74 = arith.muli %arg1, %mul3A_73 : i32
    %add3A_75 = arith.constant 0 : i32
    %add3A_76 = arith.addi %mul3A_74, %add3A_75 : i32
    %run_scoped3A = arith.constant 7 : i32
    "tpu.region"() ({
      %run_scoped3A_573 = tpu.sem_alloc : memref<!tpu.dma_semaphore, #tpu.memory_space<semaphore_mem>>
      %dma_start3A_574 = arith.constant 0 : i32
      %dma_start3A_575 = arith.constant 0 : i32
      %dma_start3A_576 = tpu.memref_slice %arg6[%run_scoped3A, %dma_start3A_574, %dma_start3A_575] : memref<8x128x64xbf16, #tpu.memory_space<vmem>> -> memref<1x128x64xbf16, #tpu.memory_space<vmem>>
      %dma_start3A_577 = tpu.memref_squeeze %dma_start3A_576 : memref<1x128x64xbf16, #tpu.memory_space<vmem>> -> memref<128x64xbf16, #tpu.memory_space<vmem>>
      %dma_start3A_578 = arith.constant 0 : i32
      %dma_start3A_579 = tpu.memref_slice %arg7[%add3A_76, %dma_start3A_578] : memref<10240x64xbf16, #tpu.memory_space<vmem_shared>> -> memref<128x64xbf16, #tpu.memory_space<vmem_shared>>
      %dma_start3A_580 = arith.constant 0 : i32
      %dma_start3A_581 = tpu.memref_slice %arg7[%add3A_76, %dma_start3A_580] : memref<10240x64xbf16, #tpu.memory_space<vmem_shared>> -> memref<128x64xbf16, #tpu.memory_space<vmem_shared>>
      %dma_start3A_582 = arith.constant 0 : i32
      %dma_start3A_583 = arith.constant 0 : i32
      %dma_start3A_584 = tpu.memref_slice %arg6[%run_scoped3A, %dma_start3A_582, %dma_start3A_583] : memref<8x128x64xbf16, #tpu.memory_space<vmem>> -> memref<1x128x64xbf16, #tpu.memory_space<vmem>>
      %dma_start3A_585 = tpu.memref_squeeze %dma_start3A_584 : memref<1x128x64xbf16, #tpu.memory_space<vmem>> -> memref<128x64xbf16, #tpu.memory_space<vmem>>
      tpu.enqueue_dma source(%dma_start3A_585 : memref<128x64xbf16, #tpu.memory_space<vmem>>) target(%dma_start3A_581 : memref<128x64xbf16, #tpu.memory_space<vmem_shared>>) target_semaphore(%run_scoped3A_573 : memref<!tpu.dma_semaphore, #tpu.memory_space<semaphore_mem>>)
      %dma_wait3A_586 = arith.constant 0 : i32
      %dma_wait3A_587 = arith.constant 0 : i32
      %dma_wait3A_588 = tpu.memref_slice %arg6[%run_scoped3A, %dma_wait3A_586, %dma_wait3A_587] : memref<8x128x64xbf16, #tpu.memory_space<vmem>> -> memref<1x128x64xbf16, #tpu.memory_space<vmem>>
      %dma_wait3A_589 = tpu.memref_squeeze %dma_wait3A_588 : memref<1x128x64xbf16, #tpu.memory_space<vmem>> -> memref<128x64xbf16, #tpu.memory_space<vmem>>
      %dma_wait3A_590 = arith.constant 0 : i32
      %dma_wait3A_591 = tpu.memref_slice %arg7[%add3A_76, %dma_wait3A_590] : memref<10240x64xbf16, #tpu.memory_space<vmem_shared>> -> memref<128x64xbf16, #tpu.memory_space<vmem_shared>>
      %dma_wait3A_592 = arith.constant 0 : i32
      %dma_wait3A_593 = tpu.memref_slice %arg7[%add3A_76, %dma_wait3A_592] : memref<10240x64xbf16, #tpu.memory_space<vmem_shared>> -> memref<128x64xbf16, #tpu.memory_space<vmem_shared>>
      %dma_wait3A_594 = arith.constant 0 : i32
      %dma_wait3A_595 = arith.constant 0 : i32
      %dma_wait3A_596 = tpu.memref_slice %arg6[%run_scoped3A, %dma_wait3A_594, %dma_wait3A_595] : memref<8x128x64xbf16, #tpu.memory_space<vmem>> -> memref<1x128x64xbf16, #tpu.memory_space<vmem>>
      %dma_wait3A_597 = tpu.memref_squeeze %dma_wait3A_596 : memref<1x128x64xbf16, #tpu.memory_space<vmem>> -> memref<128x64xbf16, #tpu.memory_space<vmem>>
      tpu.wait_dma2 semaphore(%run_scoped3A_573 : memref<!tpu.dma_semaphore, #tpu.memory_space<semaphore_mem>>) src(%dma_wait3A_597 : memref<128x64xbf16, #tpu.memory_space<vmem>>) dst(%dma_wait3A_593 : memref<128x64xbf16, #tpu.memory_space<vmem_shared>>)
      tpu.yield
    }) : () -> ()
    %add3A_77 = arith.constant 128 : i32
    %add3A_78 = arith.addi %mul3A_74, %add3A_77 : i32
    %run_scoped3A_79 = arith.constant 7 : i32
    "tpu.region"() ({
      %run_scoped3A_573 = tpu.sem_alloc : memref<!tpu.dma_semaphore, #tpu.memory_space<semaphore_mem>>
      %dma_start3A_574 = arith.constant 0 : i32
      %dma_start3A_575 = arith.constant 0 : i32
      %dma_start3A_576 = tpu.memref_slice %arg6[%run_scoped3A_79, %dma_start3A_574, %dma_start3A_575] : memref<8x128x64xbf16, #tpu.memory_space<vmem>> -> memref<1x128x64xbf16, #tpu.memory_space<vmem>>
      %dma_start3A_577 = tpu.memref_squeeze %dma_start3A_576 : memref<1x128x64xbf16, #tpu.memory_space<vmem>> -> memref<128x64xbf16, #tpu.memory_space<vmem>>
      %dma_start3A_578 = arith.constant 0 : i32
      %dma_start3A_579 = tpu.memref_slice %arg7[%add3A_78, %dma_start3A_578] : memref<10240x64xbf16, #tpu.memory_space<vmem_shared>> -> memref<128x64xbf16, #tpu.memory_space<vmem_shared>>
      %dma_start3A_580 = arith.constant 0 : i32
      %dma_start3A_581 = tpu.memref_slice %arg7[%add3A_78, %dma_start3A_580] : memref<10240x64xbf16, #tpu.memory_space<vmem_shared>> -> memref<128x64xbf16, #tpu.memory_space<vmem_shared>>
      %dma_start3A_582 = arith.constant 0 : i32
      %dma_start3A_583 = arith.constant 0 : i32
      %dma_start3A_584 = tpu.memref_slice %arg6[%run_scoped3A_79, %dma_start3A_582, %dma_start3A_583] : memref<8x128x64xbf16, #tpu.memory_space<vmem>> -> memref<1x128x64xbf16, #tpu.memory_space<vmem>>
      %dma_start3A_585 = tpu.memref_squeeze %dma_start3A_584 : memref<1x128x64xbf16, #tpu.memory_space<vmem>> -> memref<128x64xbf16, #tpu.memory_space<vmem>>
      tpu.enqueue_dma source(%dma_start3A_585 : memref<128x64xbf16, #tpu.memory_space<vmem>>) target(%dma_start3A_581 : memref<128x64xbf16, #tpu.memory_space<vmem_shared>>) target_semaphore(%run_scoped3A_573 : memref<!tpu.dma_semaphore, #tpu.memory_space<semaphore_mem>>)
      %dma_wait3A_586 = arith.constant 0 : i32
      %dma_wait3A_587 = arith.constant 0 : i32
      %dma_wait3A_588 = tpu.memref_slice %arg6[%run_scoped3A_79, %dma_wait3A_586, %dma_wait3A_587] : memref<8x128x64xbf16, #tpu.memory_space<vmem>> -> memref<1x128x64xbf16, #tpu.memory_space<vmem>>
      %dma_wait3A_589 = tpu.memref_squeeze %dma_wait3A_588 : memref<1x128x64xbf16, #tpu.memory_space<vmem>> -> memref<128x64xbf16, #tpu.memory_space<vmem>>
      %dma_wait3A_590 = arith.constant 0 : i32
      %dma_wait3A_591 = tpu.memref_slice %arg7[%add3A_78, %dma_wait3A_590] : memref<10240x64xbf16, #tpu.memory_space<vmem_shared>> -> memref<128x64xbf16, #tpu.memory_space<vmem_shared>>
      %dma_wait3A_592 = arith.constant 0 : i32
      %dma_wait3A_593 = tpu.memref_slice %arg7[%add3A_78, %dma_wait3A_592] : memref<10240x64xbf16, #tpu.memory_space<vmem_shared>> -> memref<128x64xbf16, #tpu.memory_space<vmem_shared>>
      %dma_wait3A_594 = arith.constant 0 : i32
      %dma_wait3A_595 = arith.constant 0 : i32
      %dma_wait3A_596 = tpu.memref_slice %arg6[%run_scoped3A_79, %dma_wait3A_594, %dma_wait3A_595] : memref<8x128x64xbf16, #tpu.memory_space<vmem>> -> memref<1x128x64xbf16, #tpu.memory_space<vmem>>
      %dma_wait3A_597 = tpu.memref_squeeze %dma_wait3A_596 : memref<1x128x64xbf16, #tpu.memory_space<vmem>> -> memref<128x64xbf16, #tpu.memory_space<vmem>>
      tpu.wait_dma2 semaphore(%run_scoped3A_573 : memref<!tpu.dma_semaphore, #tpu.memory_space<semaphore_mem>>) src(%dma_wait3A_597 : memref<128x64xbf16, #tpu.memory_space<vmem>>) dst(%dma_wait3A_593 : memref<128x64xbf16, #tpu.memory_space<vmem_shared>>)
      tpu.yield
    }) : () -> ()
    %add3A_80 = arith.constant 256 : i32
    %add3A_81 = arith.addi %mul3A_74, %add3A_80 : i32
    %run_scoped3A_82 = arith.constant 7 : i32
    "tpu.region"() ({
      %run_scoped3A_573 = tpu.sem_alloc : memref<!tpu.dma_semaphore, #tpu.memory_space<semaphore_mem>>
      %dma_start3A_574 = arith.constant 0 : i32
      %dma_start3A_575 = arith.constant 0 : i32
      %dma_start3A_576 = tpu.memref_slice %arg6[%run_scoped3A_82, %dma_start3A_574, %dma_start3A_575] : memref<8x128x64xbf16, #tpu.memory_space<vmem>> -> memref<1x128x64xbf16, #tpu.memory_space<vmem>>
      %dma_start3A_577 = tpu.memref_squeeze %dma_start3A_576 : memref<1x128x64xbf16, #tpu.memory_space<vmem>> -> memref<128x64xbf16, #tpu.memory_space<vmem>>
      %dma_start3A_578 = arith.constant 0 : i32
      %dma_start3A_579 = tpu.memref_slice %arg7[%add3A_81, %dma_start3A_578] : memref<10240x64xbf16, #tpu.memory_space<vmem_shared>> -> memref<128x64xbf16, #tpu.memory_space<vmem_shared>>
      %dma_start3A_580 = arith.constant 0 : i32
      %dma_start3A_581 = tpu.memref_slice %arg7[%add3A_81, %dma_start3A_580] : memref<10240x64xbf16, #tpu.memory_space<vmem_shared>> -> memref<128x64xbf16, #tpu.memory_space<vmem_shared>>
      %dma_start3A_582 = arith.constant 0 : i32
      %dma_start3A_583 = arith.constant 0 : i32
      %dma_start3A_584 = tpu.memref_slice %arg6[%run_scoped3A_82, %dma_start3A_582, %dma_start3A_583] : memref<8x128x64xbf16, #tpu.memory_space<vmem>> -> memref<1x128x64xbf16, #tpu.memory_space<vmem>>
      %dma_start3A_585 = tpu.memref_squeeze %dma_start3A_584 : memref<1x128x64xbf16, #tpu.memory_space<vmem>> -> memref<128x64xbf16, #tpu.memory_space<vmem>>
      tpu.enqueue_dma source(%dma_start3A_585 : memref<128x64xbf16, #tpu.memory_space<vmem>>) target(%dma_start3A_581 : memref<128x64xbf16, #tpu.memory_space<vmem_shared>>) target_semaphore(%run_scoped3A_573 : memref<!tpu.dma_semaphore, #tpu.memory_space<semaphore_mem>>)
      %dma_wait3A_586 = arith.constant 0 : i32
      %dma_wait3A_587 = arith.constant 0 : i32
      %dma_wait3A_588 = tpu.memref_slice %arg6[%run_scoped3A_82, %dma_wait3A_586, %dma_wait3A_587] : memref<8x128x64xbf16, #tpu.memory_space<vmem>> -> memref<1x128x64xbf16, #tpu.memory_space<vmem>>
      %dma_wait3A_589 = tpu.memref_squeeze %dma_wait3A_588 : memref<1x128x64xbf16, #tpu.memory_space<vmem>> -> memref<128x64xbf16, #tpu.memory_space<vmem>>
      %dma_wait3A_590 = arith.constant 0 : i32
      %dma_wait3A_591 = tpu.memref_slice %arg7[%add3A_81, %dma_wait3A_590] : memref<10240x64xbf16, #tpu.memory_space<vmem_shared>> -> memref<128x64xbf16, #tpu.memory_space<vmem_shared>>
      %dma_wait3A_592 = arith.constant 0 : i32
      %dma_wait3A_593 = tpu.memref_slice %arg7[%add3A_81, %dma_wait3A_592] : memref<10240x64xbf16, #tpu.memory_space<vmem_shared>> -> memref<128x64xbf16, #tpu.memory_space<vmem_shared>>
      %dma_wait3A_594 = arith.constant 0 : i32
      %dma_wait3A_595 = arith.constant 0 : i32
      %dma_wait3A_596 = tpu.memref_slice %arg6[%run_scoped3A_82, %dma_wait3A_594, %dma_wait3A_595] : memref<8x128x64xbf16, #tpu.memory_space<vmem>> -> memref<1x128x64xbf16, #tpu.memory_space<vmem>>
      %dma_wait3A_597 = tpu.memref_squeeze %dma_wait3A_596 : memref<1x128x64xbf16, #tpu.memory_space<vmem>> -> memref<128x64xbf16, #tpu.memory_space<vmem>>
      tpu.wait_dma2 semaphore(%run_scoped3A_573 : memref<!tpu.dma_semaphore, #tpu.memory_space<semaphore_mem>>) src(%dma_wait3A_597 : memref<128x64xbf16, #tpu.memory_space<vmem>>) dst(%dma_wait3A_593 : memref<128x64xbf16, #tpu.memory_space<vmem_shared>>)
      tpu.yield
    }) : () -> ()
    %add3A_83 = arith.constant 384 : i32
    %add3A_84 = arith.addi %mul3A_74, %add3A_83 : i32
    %run_scoped3A_85 = arith.constant 7 : i32
    "tpu.region"() ({
      %run_scoped3A_573 = tpu.sem_alloc : memref<!tpu.dma_semaphore, #tpu.memory_space<semaphore_mem>>
      %dma_start3A_574 = arith.constant 0 : i32
      %dma_start3A_575 = arith.constant 0 : i32
      %dma_start3A_576 = tpu.memref_slice %arg6[%run_scoped3A_85, %dma_start3A_574, %dma_start3A_575] : memref<8x128x64xbf16, #tpu.memory_space<vmem>> -> memref<1x128x64xbf16, #tpu.memory_space<vmem>>
      %dma_start3A_577 = tpu.memref_squeeze %dma_start3A_576 : memref<1x128x64xbf16, #tpu.memory_space<vmem>> -> memref<128x64xbf16, #tpu.memory_space<vmem>>
      %dma_start3A_578 = arith.constant 0 : i32
      %dma_start3A_579 = tpu.memref_slice %arg7[%add3A_84, %dma_start3A_578] : memref<10240x64xbf16, #tpu.memory_space<vmem_shared>> -> memref<128x64xbf16, #tpu.memory_space<vmem_shared>>
      %dma_start3A_580 = arith.constant 0 : i32
      %dma_start3A_581 = tpu.memref_slice %arg7[%add3A_84, %dma_start3A_580] : memref<10240x64xbf16, #tpu.memory_space<vmem_shared>> -> memref<128x64xbf16, #tpu.memory_space<vmem_shared>>
      %dma_start3A_582 = arith.constant 0 : i32
      %dma_start3A_583 = arith.constant 0 : i32
      %dma_start3A_584 = tpu.memref_slice %arg6[%run_scoped3A_85, %dma_start3A_582, %dma_start3A_583] : memref<8x128x64xbf16, #tpu.memory_space<vmem>> -> memref<1x128x64xbf16, #tpu.memory_space<vmem>>
      %dma_start3A_585 = tpu.memref_squeeze %dma_start3A_584 : memref<1x128x64xbf16, #tpu.memory_space<vmem>> -> memref<128x64xbf16, #tpu.memory_space<vmem>>
      tpu.enqueue_dma source(%dma_start3A_585 : memref<128x64xbf16, #tpu.memory_space<vmem>>) target(%dma_start3A_581 : memref<128x64xbf16, #tpu.memory_space<vmem_shared>>) target_semaphore(%run_scoped3A_573 : memref<!tpu.dma_semaphore, #tpu.memory_space<semaphore_mem>>)
      %dma_wait3A_586 = arith.constant 0 : i32
      %dma_wait3A_587 = arith.constant 0 : i32
      %dma_wait3A_588 = tpu.memref_slice %arg6[%run_scoped3A_85, %dma_wait3A_586, %dma_wait3A_587] : memref<8x128x64xbf16, #tpu.memory_space<vmem>> -> memref<1x128x64xbf16, #tpu.memory_space<vmem>>
      %dma_wait3A_589 = tpu.memref_squeeze %dma_wait3A_588 : memref<1x128x64xbf16, #tpu.memory_space<vmem>> -> memref<128x64xbf16, #tpu.memory_space<vmem>>
      %dma_wait3A_590 = arith.constant 0 : i32
      %dma_wait3A_591 = tpu.memref_slice %arg7[%add3A_84, %dma_wait3A_590] : memref<10240x64xbf16, #tpu.memory_space<vmem_shared>> -> memref<128x64xbf16, #tpu.memory_space<vmem_shared>>
      %dma_wait3A_592 = arith.constant 0 : i32
      %dma_wait3A_593 = tpu.memref_slice %arg7[%add3A_84, %dma_wait3A_592] : memref<10240x64xbf16, #tpu.memory_space<vmem_shared>> -> memref<128x64xbf16, #tpu.memory_space<vmem_shared>>
      %dma_wait3A_594 = arith.constant 0 : i32
      %dma_wait3A_595 = arith.constant 0 : i32
      %dma_wait3A_596 = tpu.memref_slice %arg6[%run_scoped3A_85, %dma_wait3A_594, %dma_wait3A_595] : memref<8x128x64xbf16, #tpu.memory_space<vmem>> -> memref<1x128x64xbf16, #tpu.memory_space<vmem>>
      %dma_wait3A_597 = tpu.memref_squeeze %dma_wait3A_596 : memref<1x128x64xbf16, #tpu.memory_space<vmem>> -> memref<128x64xbf16, #tpu.memory_space<vmem>>
      tpu.wait_dma2 semaphore(%run_scoped3A_573 : memref<!tpu.dma_semaphore, #tpu.memory_space<semaphore_mem>>) src(%dma_wait3A_597 : memref<128x64xbf16, #tpu.memory_space<vmem>>) dst(%dma_wait3A_593 : memref<128x64xbf16, #tpu.memory_space<vmem_shared>>)
      tpu.yield
    }) : () -> ()
    %add3A_86 = arith.constant 512 : i32
    %add3A_87 = arith.addi %mul3A_74, %add3A_86 : i32
    %run_scoped3A_88 = arith.constant 7 : i32
    "tpu.region"() ({
      %run_scoped3A_573 = tpu.sem_alloc : memref<!tpu.dma_semaphore, #tpu.memory_space<semaphore_mem>>
      %dma_start3A_574 = arith.constant 0 : i32
      %dma_start3A_575 = arith.constant 0 : i32
      %dma_start3A_576 = tpu.memref_slice %arg6[%run_scoped3A_88, %dma_start3A_574, %dma_start3A_575] : memref<8x128x64xbf16, #tpu.memory_space<vmem>> -> memref<1x128x64xbf16, #tpu.memory_space<vmem>>
      %dma_start3A_577 = tpu.memref_squeeze %dma_start3A_576 : memref<1x128x64xbf16, #tpu.memory_space<vmem>> -> memref<128x64xbf16, #tpu.memory_space<vmem>>
      %dma_start3A_578 = arith.constant 0 : i32
      %dma_start3A_579 = tpu.memref_slice %arg7[%add3A_87, %dma_start3A_578] : memref<10240x64xbf16, #tpu.memory_space<vmem_shared>> -> memref<128x64xbf16, #tpu.memory_space<vmem_shared>>
      %dma_start3A_580 = arith.constant 0 : i32
      %dma_start3A_581 = tpu.memref_slice %arg7[%add3A_87, %dma_start3A_580] : memref<10240x64xbf16, #tpu.memory_space<vmem_shared>> -> memref<128x64xbf16, #tpu.memory_space<vmem_shared>>
      %dma_start3A_582 = arith.constant 0 : i32
      %dma_start3A_583 = arith.constant 0 : i32
      %dma_start3A_584 = tpu.memref_slice %arg6[%run_scoped3A_88, %dma_start3A_582, %dma_start3A_583] : memref<8x128x64xbf16, #tpu.memory_space<vmem>> -> memref<1x128x64xbf16, #tpu.memory_space<vmem>>
      %dma_start3A_585 = tpu.memref_squeeze %dma_start3A_584 : memref<1x128x64xbf16, #tpu.memory_space<vmem>> -> memref<128x64xbf16, #tpu.memory_space<vmem>>
      tpu.enqueue_dma source(%dma_start3A_585 : memref<128x64xbf16, #tpu.memory_space<vmem>>) target(%dma_start3A_581 : memref<128x64xbf16, #tpu.memory_space<vmem_shared>>) target_semaphore(%run_scoped3A_573 : memref<!tpu.dma_semaphore, #tpu.memory_space<semaphore_mem>>)
      %dma_wait3A_586 = arith.constant 0 : i32
      %dma_wait3A_587 = arith.constant 0 : i32
      %dma_wait3A_588 = tpu.memref_slice %arg6[%run_scoped3A_88, %dma_wait3A_586, %dma_wait3A_587] : memref<8x128x64xbf16, #tpu.memory_space<vmem>> -> memref<1x128x64xbf16, #tpu.memory_space<vmem>>
      %dma_wait3A_589 = tpu.memref_squeeze %dma_wait3A_588 : memref<1x128x64xbf16, #tpu.memory_space<vmem>> -> memref<128x64xbf16, #tpu.memory_space<vmem>>
      %dma_wait3A_590 = arith.constant 0 : i32
      %dma_wait3A_591 = tpu.memref_slice %arg7[%add3A_87, %dma_wait3A_590] : memref<10240x64xbf16, #tpu.memory_space<vmem_shared>> -> memref<128x64xbf16, #tpu.memory_space<vmem_shared>>
      %dma_wait3A_592 = arith.constant 0 : i32
      %dma_wait3A_593 = tpu.memref_slice %arg7[%add3A_87, %dma_wait3A_592] : memref<10240x64xbf16, #tpu.memory_space<vmem_shared>> -> memref<128x64xbf16, #tpu.memory_space<vmem_shared>>
      %dma_wait3A_594 = arith.constant 0 : i32
      %dma_wait3A_595 = arith.constant 0 : i32
      %dma_wait3A_596 = tpu.memref_slice %arg6[%run_scoped3A_88, %dma_wait3A_594, %dma_wait3A_595] : memref<8x128x64xbf16, #tpu.memory_space<vmem>> -> memref<1x128x64xbf16, #tpu.memory_space<vmem>>
      %dma_wait3A_597 = tpu.memref_squeeze %dma_wait3A_596 : memref<1x128x64xbf16, #tpu.memory_space<vmem>> -> memref<128x64xbf16, #tpu.memory_space<vmem>>
      tpu.wait_dma2 semaphore(%run_scoped3A_573 : memref<!tpu.dma_semaphore, #tpu.memory_space<semaphore_mem>>) src(%dma_wait3A_597 : memref<128x64xbf16, #tpu.memory_space<vmem>>) dst(%dma_wait3A_593 : memref<128x64xbf16, #tpu.memory_space<vmem_shared>>)
      tpu.yield
    }) : () -> ()
    %barrier3A = arith.constant 0 : index
    tpu.barrier barrier_id(%barrier3A)
    %dma_wait3A = arith.constant 0 : i32
    %dma_wait3A_89 = arith.constant 0 : i32
    %dma_wait3A_90 = arith.constant 0 : i32
    %dma_wait3A_91 = arith.constant 0 : i32
    %dma_wait3A_92 = arith.constant 0 : i32
    %dma_wait3A_93 = tpu.memref_slice %arg6[%dma_wait3A_90, %dma_wait3A_91, %dma_wait3A_92] : memref<8x128x64xbf16, #tpu.memory_space<vmem>> -> memref<1x128x64xbf16, #tpu.memory_space<vmem>>
    %dma_wait3A_94 = tpu.memref_squeeze %dma_wait3A_93 : memref<1x128x64xbf16, #tpu.memory_space<vmem>> -> memref<128x64xbf16, #tpu.memory_space<vmem>>
    %dma_wait3A_95 = arith.constant 0 : i32
    %dma_wait3A_96 = arith.constant 0 : i32
    %dma_wait3A_97 = tpu.memref_slice %arg5[%dma_wait3A, %dma_wait3A_95, %dma_wait3A_96] : memref<2x80x128xi32, #tpu.memory_space<vmem>> -> memref<1x80x128xi32, #tpu.memory_space<vmem>>
    %dma_wait3A_98 = tpu.memref_squeeze %dma_wait3A_97 : memref<1x80x128xi32, #tpu.memory_space<vmem>> -> memref<80x128xi32, #tpu.memory_space<vmem>>
    %dma_wait3A_99 = arith.constant 0 : i32
    %dma_wait3A_100 = tpu.memref_slice %dma_wait3A_98[%dma_wait3A_89, %dma_wait3A_99] : memref<80x128xi32, #tpu.memory_space<vmem>> -> memref<1x128xi32, #tpu.memory_space<vmem>>
    %dma_wait3A_101 = tpu.memref_squeeze %dma_wait3A_100 : memref<1x128xi32, #tpu.memory_space<vmem>> -> memref<128xi32, #tpu.memory_space<vmem>>
    %dma_wait3A_102 = arith.constant 0 : i32
    %dma_wait3A_103 = arith.constant 0 : i32
    %dma_wait3A_104 = tpu.memref_slice %arg2[%dma_wait3A_102, %dma_wait3A_103] : memref<10000x64xbf16, #tpu.memory_space<hbm>> -> memref<10000x64xbf16, #tpu.memory_space<hbm>>
    tpu.wait_indirect_dma semaphore(%arg8 : memref<!tpu.dma_semaphore, #tpu.memory_space<semaphore_mem>>) src(%dma_wait3A_104 : memref<10000x64xbf16, #tpu.memory_space<hbm>>) dst(%dma_wait3A_94 : memref<128x64xbf16, #tpu.memory_space<vmem>>)
    %dma_start3A_105 = arith.constant 0 : i32
    %dma_start3A_106 = arith.constant 1 : i32
    %dma_start3A_107 = arith.constant 0 : i32
    %dma_start3A_108 = arith.constant 0 : i32
    %dma_start3A_109 = arith.constant 0 : i32
    %dma_start3A_110 = tpu.memref_slice %arg6[%dma_start3A_105, %dma_start3A_108, %dma_start3A_109] : memref<8x128x64xbf16, #tpu.memory_space<vmem>> -> memref<1x128x64xbf16, #tpu.memory_space<vmem>>
    %dma_start3A_111 = tpu.memref_squeeze %dma_start3A_110 : memref<1x128x64xbf16, #tpu.memory_space<vmem>> -> memref<128x64xbf16, #tpu.memory_space<vmem>>
    %dma_start3A_112 = arith.constant 0 : i32
    %dma_start3A_113 = arith.constant 0 : i32
    %dma_start3A_114 = tpu.memref_slice %arg5[%dma_start3A_106, %dma_start3A_112, %dma_start3A_113] : memref<2x80x128xi32, #tpu.memory_space<vmem>> -> memref<1x80x128xi32, #tpu.memory_space<vmem>>
    %dma_start3A_115 = tpu.memref_squeeze %dma_start3A_114 : memref<1x80x128xi32, #tpu.memory_space<vmem>> -> memref<80x128xi32, #tpu.memory_space<vmem>>
    %dma_start3A_116 = arith.constant 0 : i32
    %dma_start3A_117 = tpu.memref_slice %dma_start3A_115[%dma_start3A_107, %dma_start3A_116] : memref<80x128xi32, #tpu.memory_space<vmem>> -> memref<1x128xi32, #tpu.memory_space<vmem>>
    %dma_start3A_118 = tpu.memref_squeeze %dma_start3A_117 : memref<1x128xi32, #tpu.memory_space<vmem>> -> memref<128xi32, #tpu.memory_space<vmem>>
    %dma_start3A_119 = arith.constant 0 : i32
    %dma_start3A_120 = arith.constant 0 : i32
    %dma_start3A_121 = tpu.memref_slice %arg7[%dma_start3A_119, %dma_start3A_120] : memref<10240x64xbf16, #tpu.memory_space<vmem_shared>> -> memref<10240x64xbf16, #tpu.memory_space<vmem_shared>>
    tpu.enqueue_indirect_dma source(%dma_start3A_111 : memref<128x64xbf16, #tpu.memory_space<vmem>>) target(%dma_start3A_121 : memref<10240x64xbf16, #tpu.memory_space<vmem_shared>>) offsets(%dma_start3A_118 : memref<128xi32, #tpu.memory_space<vmem>>) semaphore(%arg16 : memref<!tpu.dma_semaphore, #tpu.memory_space<semaphore_mem>>) {add = true}
    %dma_start3A_122 = arith.constant 0 : i32
    %dma_start3A_123 = arith.constant 4 : i32
    %dma_start3A_124 = arith.constant 4 : i32
    %dma_start3A_125 = arith.constant 0 : i32
    %dma_start3A_126 = arith.constant 0 : i32
    %dma_start3A_127 = tpu.memref_slice %arg6[%dma_start3A_124, %dma_start3A_125, %dma_start3A_126] : memref<8x128x64xbf16, #tpu.memory_space<vmem>> -> memref<1x128x64xbf16, #tpu.memory_space<vmem>>
    %dma_start3A_128 = tpu.memref_squeeze %dma_start3A_127 : memref<1x128x64xbf16, #tpu.memory_space<vmem>> -> memref<128x64xbf16, #tpu.memory_space<vmem>>
    %dma_start3A_129 = arith.constant 0 : i32
    %dma_start3A_130 = arith.constant 0 : i32
    %dma_start3A_131 = tpu.memref_slice %arg5[%dma_start3A_122, %dma_start3A_129, %dma_start3A_130] : memref<2x80x128xi32, #tpu.memory_space<vmem>> -> memref<1x80x128xi32, #tpu.memory_space<vmem>>
    %dma_start3A_132 = tpu.memref_squeeze %dma_start3A_131 : memref<1x80x128xi32, #tpu.memory_space<vmem>> -> memref<80x128xi32, #tpu.memory_space<vmem>>
    %dma_start3A_133 = arith.constant 0 : i32
    %dma_start3A_134 = tpu.memref_slice %dma_start3A_132[%dma_start3A_123, %dma_start3A_133] : memref<80x128xi32, #tpu.memory_space<vmem>> -> memref<1x128xi32, #tpu.memory_space<vmem>>
    %dma_start3A_135 = tpu.memref_squeeze %dma_start3A_134 : memref<1x128xi32, #tpu.memory_space<vmem>> -> memref<128xi32, #tpu.memory_space<vmem>>
    %dma_start3A_136 = arith.constant 0 : i32
    %dma_start3A_137 = arith.constant 0 : i32
    %dma_start3A_138 = tpu.memref_slice %arg2[%dma_start3A_136, %dma_start3A_137] : memref<10000x64xbf16, #tpu.memory_space<hbm>> -> memref<10000x64xbf16, #tpu.memory_space<hbm>>
    tpu.enqueue_indirect_dma source(%dma_start3A_138 : memref<10000x64xbf16, #tpu.memory_space<hbm>>) target(%dma_start3A_128 : memref<128x64xbf16, #tpu.memory_space<vmem>>) offsets(%dma_start3A_135 : memref<128xi32, #tpu.memory_space<vmem>>) semaphore(%arg12 : memref<!tpu.dma_semaphore, #tpu.memory_space<semaphore_mem>>)
    %dma_wait3A_139 = arith.constant 0 : i32
    %dma_wait3A_140 = arith.constant 1 : i32
    %dma_wait3A_141 = arith.constant 1 : i32
    %dma_wait3A_142 = arith.constant 0 : i32
    %dma_wait3A_143 = arith.constant 0 : i32
    %dma_wait3A_144 = tpu.memref_slice %arg6[%dma_wait3A_141, %dma_wait3A_142, %dma_wait3A_143] : memref<8x128x64xbf16, #tpu.memory_space<vmem>> -> memref<1x128x64xbf16, #tpu.memory_space<vmem>>
    %dma_wait3A_145 = tpu.memref_squeeze %dma_wait3A_144 : memref<1x128x64xbf16, #tpu.memory_space<vmem>> -> memref<128x64xbf16, #tpu.memory_space<vmem>>
    %dma_wait3A_146 = arith.constant 0 : i32
    %dma_wait3A_147 = arith.constant 0 : i32
    %dma_wait3A_148 = tpu.memref_slice %arg5[%dma_wait3A_139, %dma_wait3A_146, %dma_wait3A_147] : memref<2x80x128xi32, #tpu.memory_space<vmem>> -> memref<1x80x128xi32, #tpu.memory_space<vmem>>
    %dma_wait3A_149 = tpu.memref_squeeze %dma_wait3A_148 : memref<1x80x128xi32, #tpu.memory_space<vmem>> -> memref<80x128xi32, #tpu.memory_space<vmem>>
    %dma_wait3A_150 = arith.constant 0 : i32
    %dma_wait3A_151 = tpu.memref_slice %dma_wait3A_149[%dma_wait3A_140, %dma_wait3A_150] : memref<80x128xi32, #tpu.memory_space<vmem>> -> memref<1x128xi32, #tpu.memory_space<vmem>>
    %dma_wait3A_152 = tpu.memref_squeeze %dma_wait3A_151 : memref<1x128xi32, #tpu.memory_space<vmem>> -> memref<128xi32, #tpu.memory_space<vmem>>
    %dma_wait3A_153 = arith.constant 0 : i32
    %dma_wait3A_154 = arith.constant 0 : i32
    %dma_wait3A_155 = tpu.memref_slice %arg2[%dma_wait3A_153, %dma_wait3A_154] : memref<10000x64xbf16, #tpu.memory_space<hbm>> -> memref<10000x64xbf16, #tpu.memory_space<hbm>>
    tpu.wait_indirect_dma semaphore(%arg9 : memref<!tpu.dma_semaphore, #tpu.memory_space<semaphore_mem>>) src(%dma_wait3A_155 : memref<10000x64xbf16, #tpu.memory_space<hbm>>) dst(%dma_wait3A_145 : memref<128x64xbf16, #tpu.memory_space<vmem>>)
    %dma_start3A_156 = arith.constant 1 : i32
    %dma_start3A_157 = arith.constant 1 : i32
    %dma_start3A_158 = arith.constant 1 : i32
    %dma_start3A_159 = arith.constant 0 : i32
    %dma_start3A_160 = arith.constant 0 : i32
    %dma_start3A_161 = tpu.memref_slice %arg6[%dma_start3A_156, %dma_start3A_159, %dma_start3A_160] : memref<8x128x64xbf16, #tpu.memory_space<vmem>> -> memref<1x128x64xbf16, #tpu.memory_space<vmem>>
    %dma_start3A_162 = tpu.memref_squeeze %dma_start3A_161 : memref<1x128x64xbf16, #tpu.memory_space<vmem>> -> memref<128x64xbf16, #tpu.memory_space<vmem>>
    %dma_start3A_163 = arith.constant 0 : i32
    %dma_start3A_164 = arith.constant 0 : i32
    %dma_start3A_165 = tpu.memref_slice %arg5[%dma_start3A_157, %dma_start3A_163, %dma_start3A_164] : memref<2x80x128xi32, #tpu.memory_space<vmem>> -> memref<1x80x128xi32, #tpu.memory_space<vmem>>
    %dma_start3A_166 = tpu.memref_squeeze %dma_start3A_165 : memref<1x80x128xi32, #tpu.memory_space<vmem>> -> memref<80x128xi32, #tpu.memory_space<vmem>>
    %dma_start3A_167 = arith.constant 0 : i32
    %dma_start3A_168 = tpu.memref_slice %dma_start3A_166[%dma_start3A_158, %dma_start3A_167] : memref<80x128xi32, #tpu.memory_space<vmem>> -> memref<1x128xi32, #tpu.memory_space<vmem>>
    %dma_start3A_169 = tpu.memref_squeeze %dma_start3A_168 : memref<1x128xi32, #tpu.memory_space<vmem>> -> memref<128xi32, #tpu.memory_space<vmem>>
    %dma_start3A_170 = arith.constant 0 : i32
    %dma_start3A_171 = arith.constant 0 : i32
    %dma_start3A_172 = tpu.memref_slice %arg7[%dma_start3A_170, %dma_start3A_171] : memref<10240x64xbf16, #tpu.memory_space<vmem_shared>> -> memref<10240x64xbf16, #tpu.memory_space<vmem_shared>>
    tpu.enqueue_indirect_dma source(%dma_start3A_162 : memref<128x64xbf16, #tpu.memory_space<vmem>>) target(%dma_start3A_172 : memref<10240x64xbf16, #tpu.memory_space<vmem_shared>>) offsets(%dma_start3A_169 : memref<128xi32, #tpu.memory_space<vmem>>) semaphore(%arg17 : memref<!tpu.dma_semaphore, #tpu.memory_space<semaphore_mem>>) {add = true}
    %dma_start3A_173 = arith.constant 0 : i32
    %dma_start3A_174 = arith.constant 5 : i32
    %dma_start3A_175 = arith.constant 5 : i32
    %dma_start3A_176 = arith.constant 0 : i32
    %dma_start3A_177 = arith.constant 0 : i32
    %dma_start3A_178 = tpu.memref_slice %arg6[%dma_start3A_175, %dma_start3A_176, %dma_start3A_177] : memref<8x128x64xbf16, #tpu.memory_space<vmem>> -> memref<1x128x64xbf16, #tpu.memory_space<vmem>>
    %dma_start3A_179 = tpu.memref_squeeze %dma_start3A_178 : memref<1x128x64xbf16, #tpu.memory_space<vmem>> -> memref<128x64xbf16, #tpu.memory_space<vmem>>
    %dma_start3A_180 = arith.constant 0 : i32
    %dma_start3A_181 = arith.constant 0 : i32
    %dma_start3A_182 = tpu.memref_slice %arg5[%dma_start3A_173, %dma_start3A_180, %dma_start3A_181] : memref<2x80x128xi32, #tpu.memory_space<vmem>> -> memref<1x80x128xi32, #tpu.memory_space<vmem>>
    %dma_start3A_183 = tpu.memref_squeeze %dma_start3A_182 : memref<1x80x128xi32, #tpu.memory_space<vmem>> -> memref<80x128xi32, #tpu.memory_space<vmem>>
    %dma_start3A_184 = arith.constant 0 : i32
    %dma_start3A_185 = tpu.memref_slice %dma_start3A_183[%dma_start3A_174, %dma_start3A_184] : memref<80x128xi32, #tpu.memory_space<vmem>> -> memref<1x128xi32, #tpu.memory_space<vmem>>
    %dma_start3A_186 = tpu.memref_squeeze %dma_start3A_185 : memref<1x128xi32, #tpu.memory_space<vmem>> -> memref<128xi32, #tpu.memory_space<vmem>>
    %dma_start3A_187 = arith.constant 0 : i32
    %dma_start3A_188 = arith.constant 0 : i32
    %dma_start3A_189 = tpu.memref_slice %arg2[%dma_start3A_187, %dma_start3A_188] : memref<10000x64xbf16, #tpu.memory_space<hbm>> -> memref<10000x64xbf16, #tpu.memory_space<hbm>>
    tpu.enqueue_indirect_dma source(%dma_start3A_189 : memref<10000x64xbf16, #tpu.memory_space<hbm>>) target(%dma_start3A_179 : memref<128x64xbf16, #tpu.memory_space<vmem>>) offsets(%dma_start3A_186 : memref<128xi32, #tpu.memory_space<vmem>>) semaphore(%arg13 : memref<!tpu.dma_semaphore, #tpu.memory_space<semaphore_mem>>)
    %dma_wait3A_190 = arith.constant 0 : i32
    %dma_wait3A_191 = arith.constant 2 : i32
    %dma_wait3A_192 = arith.constant 2 : i32
    %dma_wait3A_193 = arith.constant 0 : i32
    %dma_wait3A_194 = arith.constant 0 : i32
    %dma_wait3A_195 = tpu.memref_slice %arg6[%dma_wait3A_192, %dma_wait3A_193, %dma_wait3A_194] : memref<8x128x64xbf16, #tpu.memory_space<vmem>> -> memref<1x128x64xbf16, #tpu.memory_space<vmem>>
    %dma_wait3A_196 = tpu.memref_squeeze %dma_wait3A_195 : memref<1x128x64xbf16, #tpu.memory_space<vmem>> -> memref<128x64xbf16, #tpu.memory_space<vmem>>
    %dma_wait3A_197 = arith.constant 0 : i32
    %dma_wait3A_198 = arith.constant 0 : i32
    %dma_wait3A_199 = tpu.memref_slice %arg5[%dma_wait3A_190, %dma_wait3A_197, %dma_wait3A_198] : memref<2x80x128xi32, #tpu.memory_space<vmem>> -> memref<1x80x128xi32, #tpu.memory_space<vmem>>
    %dma_wait3A_200 = tpu.memref_squeeze %dma_wait3A_199 : memref<1x80x128xi32, #tpu.memory_space<vmem>> -> memref<80x128xi32, #tpu.memory_space<vmem>>
    %dma_wait3A_201 = arith.constant 0 : i32
    %dma_wait3A_202 = tpu.memref_slice %dma_wait3A_200[%dma_wait3A_191, %dma_wait3A_201] : memref<80x128xi32, #tpu.memory_space<vmem>> -> memref<1x128xi32, #tpu.memory_space<vmem>>
    %dma_wait3A_203 = tpu.memref_squeeze %dma_wait3A_202 : memref<1x128xi32, #tpu.memory_space<vmem>> -> memref<128xi32, #tpu.memory_space<vmem>>
    %dma_wait3A_204 = arith.constant 0 : i32
    %dma_wait3A_205 = arith.constant 0 : i32
    %dma_wait3A_206 = tpu.memref_slice %arg2[%dma_wait3A_204, %dma_wait3A_205] : memref<10000x64xbf16, #tpu.memory_space<hbm>> -> memref<10000x64xbf16, #tpu.memory_space<hbm>>
    tpu.wait_indirect_dma semaphore(%arg10 : memref<!tpu.dma_semaphore, #tpu.memory_space<semaphore_mem>>) src(%dma_wait3A_206 : memref<10000x64xbf16, #tpu.memory_space<hbm>>) dst(%dma_wait3A_196 : memref<128x64xbf16, #tpu.memory_space<vmem>>)
    %dma_start3A_207 = arith.constant 2 : i32
    %dma_start3A_208 = arith.constant 1 : i32
    %dma_start3A_209 = arith.constant 2 : i32
    %dma_start3A_210 = arith.constant 0 : i32
    %dma_start3A_211 = arith.constant 0 : i32
    %dma_start3A_212 = tpu.memref_slice %arg6[%dma_start3A_207, %dma_start3A_210, %dma_start3A_211] : memref<8x128x64xbf16, #tpu.memory_space<vmem>> -> memref<1x128x64xbf16, #tpu.memory_space<vmem>>
    %dma_start3A_213 = tpu.memref_squeeze %dma_start3A_212 : memref<1x128x64xbf16, #tpu.memory_space<vmem>> -> memref<128x64xbf16, #tpu.memory_space<vmem>>
    %dma_start3A_214 = arith.constant 0 : i32
    %dma_start3A_215 = arith.constant 0 : i32
    %dma_start3A_216 = tpu.memref_slice %arg5[%dma_start3A_208, %dma_start3A_214, %dma_start3A_215] : memref<2x80x128xi32, #tpu.memory_space<vmem>> -> memref<1x80x128xi32, #tpu.memory_space<vmem>>
    %dma_start3A_217 = tpu.memref_squeeze %dma_start3A_216 : memref<1x80x128xi32, #tpu.memory_space<vmem>> -> memref<80x128xi32, #tpu.memory_space<vmem>>
    %dma_start3A_218 = arith.constant 0 : i32
    %dma_start3A_219 = tpu.memref_slice %dma_start3A_217[%dma_start3A_209, %dma_start3A_218] : memref<80x128xi32, #tpu.memory_space<vmem>> -> memref<1x128xi32, #tpu.memory_space<vmem>>
    %dma_start3A_220 = tpu.memref_squeeze %dma_start3A_219 : memref<1x128xi32, #tpu.memory_space<vmem>> -> memref<128xi32, #tpu.memory_space<vmem>>
    %dma_start3A_221 = arith.constant 0 : i32
    %dma_start3A_222 = arith.constant 0 : i32
    %dma_start3A_223 = tpu.memref_slice %arg7[%dma_start3A_221, %dma_start3A_222] : memref<10240x64xbf16, #tpu.memory_space<vmem_shared>> -> memref<10240x64xbf16, #tpu.memory_space<vmem_shared>>
    tpu.enqueue_indirect_dma source(%dma_start3A_213 : memref<128x64xbf16, #tpu.memory_space<vmem>>) target(%dma_start3A_223 : memref<10240x64xbf16, #tpu.memory_space<vmem_shared>>) offsets(%dma_start3A_220 : memref<128xi32, #tpu.memory_space<vmem>>) semaphore(%arg18 : memref<!tpu.dma_semaphore, #tpu.memory_space<semaphore_mem>>) {add = true}
    %dma_start3A_224 = arith.constant 0 : i32
    %dma_start3A_225 = arith.constant 6 : i32
    %dma_start3A_226 = arith.constant 6 : i32
    %dma_start3A_227 = arith.constant 0 : i32
    %dma_start3A_228 = arith.constant 0 : i32
    %dma_start3A_229 = tpu.memref_slice %arg6[%dma_start3A_226, %dma_start3A_227, %dma_start3A_228] : memref<8x128x64xbf16, #tpu.memory_space<vmem>> -> memref<1x128x64xbf16, #tpu.memory_space<vmem>>
    %dma_start3A_230 = tpu.memref_squeeze %dma_start3A_229 : memref<1x128x64xbf16, #tpu.memory_space<vmem>> -> memref<128x64xbf16, #tpu.memory_space<vmem>>
    %dma_start3A_231 = arith.constant 0 : i32
    %dma_start3A_232 = arith.constant 0 : i32
    %dma_start3A_233 = tpu.memref_slice %arg5[%dma_start3A_224, %dma_start3A_231, %dma_start3A_232] : memref<2x80x128xi32, #tpu.memory_space<vmem>> -> memref<1x80x128xi32, #tpu.memory_space<vmem>>
    %dma_start3A_234 = tpu.memref_squeeze %dma_start3A_233 : memref<1x80x128xi32, #tpu.memory_space<vmem>> -> memref<80x128xi32, #tpu.memory_space<vmem>>
    %dma_start3A_235 = arith.constant 0 : i32
    %dma_start3A_236 = tpu.memref_slice %dma_start3A_234[%dma_start3A_225, %dma_start3A_235] : memref<80x128xi32, #tpu.memory_space<vmem>> -> memref<1x128xi32, #tpu.memory_space<vmem>>
    %dma_start3A_237 = tpu.memref_squeeze %dma_start3A_236 : memref<1x128xi32, #tpu.memory_space<vmem>> -> memref<128xi32, #tpu.memory_space<vmem>>
    %dma_start3A_238 = arith.constant 0 : i32
    %dma_start3A_239 = arith.constant 0 : i32
    %dma_start3A_240 = tpu.memref_slice %arg2[%dma_start3A_238, %dma_start3A_239] : memref<10000x64xbf16, #tpu.memory_space<hbm>> -> memref<10000x64xbf16, #tpu.memory_space<hbm>>
    tpu.enqueue_indirect_dma source(%dma_start3A_240 : memref<10000x64xbf16, #tpu.memory_space<hbm>>) target(%dma_start3A_230 : memref<128x64xbf16, #tpu.memory_space<vmem>>) offsets(%dma_start3A_237 : memref<128xi32, #tpu.memory_space<vmem>>) semaphore(%arg14 : memref<!tpu.dma_semaphore, #tpu.memory_space<semaphore_mem>>)
    %dma_wait3A_241 = arith.constant 0 : i32
    %dma_wait3A_242 = arith.constant 3 : i32
    %dma_wait3A_243 = arith.constant 3 : i32
    %dma_wait3A_244 = arith.constant 0 : i32
    %dma_wait3A_245 = arith.constant 0 : i32
    %dma_wait3A_246 = tpu.memref_slice %arg6[%dma_wait3A_243, %dma_wait3A_244, %dma_wait3A_245] : memref<8x128x64xbf16, #tpu.memory_space<vmem>> -> memref<1x128x64xbf16, #tpu.memory_space<vmem>>
    %dma_wait3A_247 = tpu.memref_squeeze %dma_wait3A_246 : memref<1x128x64xbf16, #tpu.memory_space<vmem>> -> memref<128x64xbf16, #tpu.memory_space<vmem>>
    %dma_wait3A_248 = arith.constant 0 : i32
    %dma_wait3A_249 = arith.constant 0 : i32
    %dma_wait3A_250 = tpu.memref_slice %arg5[%dma_wait3A_241, %dma_wait3A_248, %dma_wait3A_249] : memref<2x80x128xi32, #tpu.memory_space<vmem>> -> memref<1x80x128xi32, #tpu.memory_space<vmem>>
    %dma_wait3A_251 = tpu.memref_squeeze %dma_wait3A_250 : memref<1x80x128xi32, #tpu.memory_space<vmem>> -> memref<80x128xi32, #tpu.memory_space<vmem>>
    %dma_wait3A_252 = arith.constant 0 : i32
    %dma_wait3A_253 = tpu.memref_slice %dma_wait3A_251[%dma_wait3A_242, %dma_wait3A_252] : memref<80x128xi32, #tpu.memory_space<vmem>> -> memref<1x128xi32, #tpu.memory_space<vmem>>
    %dma_wait3A_254 = tpu.memref_squeeze %dma_wait3A_253 : memref<1x128xi32, #tpu.memory_space<vmem>> -> memref<128xi32, #tpu.memory_space<vmem>>
    %dma_wait3A_255 = arith.constant 0 : i32
    %dma_wait3A_256 = arith.constant 0 : i32
    %dma_wait3A_257 = tpu.memref_slice %arg2[%dma_wait3A_255, %dma_wait3A_256] : memref<10000x64xbf16, #tpu.memory_space<hbm>> -> memref<10000x64xbf16, #tpu.memory_space<hbm>>
    tpu.wait_indirect_dma semaphore(%arg11 : memref<!tpu.dma_semaphore, #tpu.memory_space<semaphore_mem>>) src(%dma_wait3A_257 : memref<10000x64xbf16, #tpu.memory_space<hbm>>) dst(%dma_wait3A_247 : memref<128x64xbf16, #tpu.memory_space<vmem>>)
    %dma_start3A_258 = arith.constant 3 : i32
    %dma_start3A_259 = arith.constant 1 : i32
    %dma_start3A_260 = arith.constant 3 : i32
    %dma_start3A_261 = arith.constant 0 : i32
    %dma_start3A_262 = arith.constant 0 : i32
    %dma_start3A_263 = tpu.memref_slice %arg6[%dma_start3A_258, %dma_start3A_261, %dma_start3A_262] : memref<8x128x64xbf16, #tpu.memory_space<vmem>> -> memref<1x128x64xbf16, #tpu.memory_space<vmem>>
    %dma_start3A_264 = tpu.memref_squeeze %dma_start3A_263 : memref<1x128x64xbf16, #tpu.memory_space<vmem>> -> memref<128x64xbf16, #tpu.memory_space<vmem>>
    %dma_start3A_265 = arith.constant 0 : i32
    %dma_start3A_266 = arith.constant 0 : i32
    %dma_start3A_267 = tpu.memref_slice %arg5[%dma_start3A_259, %dma_start3A_265, %dma_start3A_266] : memref<2x80x128xi32, #tpu.memory_space<vmem>> -> memref<1x80x128xi32, #tpu.memory_space<vmem>>
    %dma_start3A_268 = tpu.memref_squeeze %dma_start3A_267 : memref<1x80x128xi32, #tpu.memory_space<vmem>> -> memref<80x128xi32, #tpu.memory_space<vmem>>
    %dma_start3A_269 = arith.constant 0 : i32
    %dma_start3A_270 = tpu.memref_slice %dma_start3A_268[%dma_start3A_260, %dma_start3A_269] : memref<80x128xi32, #tpu.memory_space<vmem>> -> memref<1x128xi32, #tpu.memory_space<vmem>>
    %dma_start3A_271 = tpu.memref_squeeze %dma_start3A_270 : memref<1x128xi32, #tpu.memory_space<vmem>> -> memref<128xi32, #tpu.memory_space<vmem>>
    %dma_start3A_272 = arith.constant 0 : i32
    %dma_start3A_273 = arith.constant 0 : i32
    %dma_start3A_274 = tpu.memref_slice %arg7[%dma_start3A_272, %dma_start3A_273] : memref<10240x64xbf16, #tpu.memory_space<vmem_shared>> -> memref<10240x64xbf16, #tpu.memory_space<vmem_shared>>
    tpu.enqueue_indirect_dma source(%dma_start3A_264 : memref<128x64xbf16, #tpu.memory_space<vmem>>) target(%dma_start3A_274 : memref<10240x64xbf16, #tpu.memory_space<vmem_shared>>) offsets(%dma_start3A_271 : memref<128xi32, #tpu.memory_space<vmem>>) semaphore(%arg19 : memref<!tpu.dma_semaphore, #tpu.memory_space<semaphore_mem>>) {add = true}
    %dma_start3A_275 = arith.constant 0 : i32
    %dma_start3A_276 = arith.constant 7 : i32
    %dma_start3A_277 = arith.constant 7 : i32
    %dma_start3A_278 = arith.constant 0 : i32
    %dma_start3A_279 = arith.constant 0 : i32
    %dma_start3A_280 = tpu.memref_slice %arg6[%dma_start3A_277, %dma_start3A_278, %dma_start3A_279] : memref<8x128x64xbf16, #tpu.memory_space<vmem>> -> memref<1x128x64xbf16, #tpu.memory_space<vmem>>
    %dma_start3A_281 = tpu.memref_squeeze %dma_start3A_280 : memref<1x128x64xbf16, #tpu.memory_space<vmem>> -> memref<128x64xbf16, #tpu.memory_space<vmem>>
    %dma_start3A_282 = arith.constant 0 : i32
    %dma_start3A_283 = arith.constant 0 : i32
    %dma_start3A_284 = tpu.memref_slice %arg5[%dma_start3A_275, %dma_start3A_282, %dma_start3A_283] : memref<2x80x128xi32, #tpu.memory_space<vmem>> -> memref<1x80x128xi32, #tpu.memory_space<vmem>>
    %dma_start3A_285 = tpu.memref_squeeze %dma_start3A_284 : memref<1x80x128xi32, #tpu.memory_space<vmem>> -> memref<80x128xi32, #tpu.memory_space<vmem>>
    %dma_start3A_286 = arith.constant 0 : i32
    %dma_start3A_287 = tpu.memref_slice %dma_start3A_285[%dma_start3A_276, %dma_start3A_286] : memref<80x128xi32, #tpu.memory_space<vmem>> -> memref<1x128xi32, #tpu.memory_space<vmem>>
    %dma_start3A_288 = tpu.memref_squeeze %dma_start3A_287 : memref<1x128xi32, #tpu.memory_space<vmem>> -> memref<128xi32, #tpu.memory_space<vmem>>
    %dma_start3A_289 = arith.constant 0 : i32
    %dma_start3A_290 = arith.constant 0 : i32
    %dma_start3A_291 = tpu.memref_slice %arg2[%dma_start3A_289, %dma_start3A_290] : memref<10000x64xbf16, #tpu.memory_space<hbm>> -> memref<10000x64xbf16, #tpu.memory_space<hbm>>
    tpu.enqueue_indirect_dma source(%dma_start3A_291 : memref<10000x64xbf16, #tpu.memory_space<hbm>>) target(%dma_start3A_281 : memref<128x64xbf16, #tpu.memory_space<vmem>>) offsets(%dma_start3A_288 : memref<128xi32, #tpu.memory_space<vmem>>) semaphore(%arg15 : memref<!tpu.dma_semaphore, #tpu.memory_space<semaphore_mem>>)
    %scan3A_292 = arith.constant 0 : i32
    %scan3A_293 = arith.constant 0 : i32
    %scan3A_294 = arith.constant 1 : i32
    %scan3A_295 = arith.constant 0 : i32
    %scan3A_296 = arith.constant 9 : i32
    %scan3A_297 = arith.addi %scan3A_295, %scan3A_296 : i32
    %scan3A_298 = arith.constant 1 : i32
    scf.for %scan3A_573 = %scan3A_295 to %scan3A_297 step %scan3A_298  : i32 {
      %mul3A_574 = arith.constant 8 : i32
      %mul3A_575 = arith.muli %mul3A_574, %scan3A_573 : i32
      %add3A_576 = arith.constant 4 : i32
      %add3A_577 = arith.addi %add3A_576, %mul3A_575 : i32
      %add3A_578 = arith.constant 0 : i32
      %add3A_579 = arith.addi %add3A_577, %add3A_578 : i32
      %dma_wait3A_580 = arith.constant 4 : i32
      %dma_wait3A_581 = arith.constant 0 : i32
      %dma_wait3A_582 = arith.constant 0 : i32
      %dma_wait3A_583 = tpu.memref_slice %arg6[%dma_wait3A_580, %dma_wait3A_581, %dma_wait3A_582] : memref<8x128x64xbf16, #tpu.memory_space<vmem>> -> memref<1x128x64xbf16, #tpu.memory_space<vmem>>
      %dma_wait3A_584 = tpu.memref_squeeze %dma_wait3A_583 : memref<1x128x64xbf16, #tpu.memory_space<vmem>> -> memref<128x64xbf16, #tpu.memory_space<vmem>>
      %dma_wait3A_585 = arith.constant 0 : i32
      %dma_wait3A_586 = arith.constant 0 : i32
      %dma_wait3A_587 = tpu.memref_slice %arg5[%scan3A_293, %dma_wait3A_585, %dma_wait3A_586] : memref<2x80x128xi32, #tpu.memory_space<vmem>> -> memref<1x80x128xi32, #tpu.memory_space<vmem>>
      %dma_wait3A_588 = tpu.memref_squeeze %dma_wait3A_587 : memref<1x80x128xi32, #tpu.memory_space<vmem>> -> memref<80x128xi32, #tpu.memory_space<vmem>>
      %dma_wait3A_589 = arith.constant 0 : i32
      %dma_wait3A_590 = tpu.memref_slice %dma_wait3A_588[%add3A_579, %dma_wait3A_589] : memref<80x128xi32, #tpu.memory_space<vmem>> -> memref<1x128xi32, #tpu.memory_space<vmem>>
      %dma_wait3A_591 = tpu.memref_squeeze %dma_wait3A_590 : memref<1x128xi32, #tpu.memory_space<vmem>> -> memref<128xi32, #tpu.memory_space<vmem>>
      %dma_wait3A_592 = arith.constant 0 : i32
      %dma_wait3A_593 = arith.constant 0 : i32
      %dma_wait3A_594 = tpu.memref_slice %arg2[%dma_wait3A_592, %dma_wait3A_593] : memref<10000x64xbf16, #tpu.memory_space<hbm>> -> memref<10000x64xbf16, #tpu.memory_space<hbm>>
      tpu.wait_indirect_dma semaphore(%arg12 : memref<!tpu.dma_semaphore, #tpu.memory_space<semaphore_mem>>) src(%dma_wait3A_594 : memref<10000x64xbf16, #tpu.memory_space<hbm>>) dst(%dma_wait3A_584 : memref<128x64xbf16, #tpu.memory_space<vmem>>)
      %dma_start3A_595 = arith.constant 4 : i32
      %dma_start3A_596 = arith.constant 0 : i32
      %dma_start3A_597 = arith.constant 0 : i32
      %dma_start3A_598 = tpu.memref_slice %arg6[%dma_start3A_595, %dma_start3A_596, %dma_start3A_597] : memref<8x128x64xbf16, #tpu.memory_space<vmem>> -> memref<1x128x64xbf16, #tpu.memory_space<vmem>>
      %dma_start3A_599 = tpu.memref_squeeze %dma_start3A_598 : memref<1x128x64xbf16, #tpu.memory_space<vmem>> -> memref<128x64xbf16, #tpu.memory_space<vmem>>
      %dma_start3A_600 = arith.constant 0 : i32
      %dma_start3A_601 = arith.constant 0 : i32
      %dma_start3A_602 = tpu.memref_slice %arg5[%scan3A_294, %dma_start3A_600, %dma_start3A_601] : memref<2x80x128xi32, #tpu.memory_space<vmem>> -> memref<1x80x128xi32, #tpu.memory_space<vmem>>
      %dma_start3A_603 = tpu.memref_squeeze %dma_start3A_602 : memref<1x80x128xi32, #tpu.memory_space<vmem>> -> memref<80x128xi32, #tpu.memory_space<vmem>>
      %dma_start3A_604 = arith.constant 0 : i32
      %dma_start3A_605 = tpu.memref_slice %dma_start3A_603[%add3A_579, %dma_start3A_604] : memref<80x128xi32, #tpu.memory_space<vmem>> -> memref<1x128xi32, #tpu.memory_space<vmem>>
      %dma_start3A_606 = tpu.memref_squeeze %dma_start3A_605 : memref<1x128xi32, #tpu.memory_space<vmem>> -> memref<128xi32, #tpu.memory_space<vmem>>
      %dma_start3A_607 = arith.constant 0 : i32
      %dma_start3A_608 = arith.constant 0 : i32
      %dma_start3A_609 = tpu.memref_slice %arg7[%dma_start3A_607, %dma_start3A_608] : memref<10240x64xbf16, #tpu.memory_space<vmem_shared>> -> memref<10240x64xbf16, #tpu.memory_space<vmem_shared>>
      tpu.enqueue_indirect_dma source(%dma_start3A_599 : memref<128x64xbf16, #tpu.memory_space<vmem>>) target(%dma_start3A_609 : memref<10240x64xbf16, #tpu.memory_space<vmem_shared>>) offsets(%dma_start3A_606 : memref<128xi32, #tpu.memory_space<vmem>>) semaphore(%arg20 : memref<!tpu.dma_semaphore, #tpu.memory_space<semaphore_mem>>) {add = true}
      %sub3A = arith.constant 4 : i32
      %sub3A_610 = arith.subi %add3A_579, %sub3A : i32
      %dma_wait3A_611 = arith.constant 0 : i32
      %dma_wait3A_612 = arith.constant 0 : i32
      %dma_wait3A_613 = arith.constant 0 : i32
      %dma_wait3A_614 = tpu.memref_slice %arg6[%dma_wait3A_611, %dma_wait3A_612, %dma_wait3A_613] : memref<8x128x64xbf16, #tpu.memory_space<vmem>> -> memref<1x128x64xbf16, #tpu.memory_space<vmem>>
      %dma_wait3A_615 = tpu.memref_squeeze %dma_wait3A_614 : memref<1x128x64xbf16, #tpu.memory_space<vmem>> -> memref<128x64xbf16, #tpu.memory_space<vmem>>
      %dma_wait3A_616 = arith.constant 0 : i32
      %dma_wait3A_617 = arith.constant 0 : i32
      %dma_wait3A_618 = tpu.memref_slice %arg5[%scan3A_294, %dma_wait3A_616, %dma_wait3A_617] : memref<2x80x128xi32, #tpu.memory_space<vmem>> -> memref<1x80x128xi32, #tpu.memory_space<vmem>>
      %dma_wait3A_619 = tpu.memref_squeeze %dma_wait3A_618 : memref<1x80x128xi32, #tpu.memory_space<vmem>> -> memref<80x128xi32, #tpu.memory_space<vmem>>
      %dma_wait3A_620 = arith.constant 0 : i32
      %dma_wait3A_621 = tpu.memref_slice %dma_wait3A_619[%sub3A_610, %dma_wait3A_620] : memref<80x128xi32, #tpu.memory_space<vmem>> -> memref<1x128xi32, #tpu.memory_space<vmem>>
      %dma_wait3A_622 = tpu.memref_squeeze %dma_wait3A_621 : memref<1x128xi32, #tpu.memory_space<vmem>> -> memref<128xi32, #tpu.memory_space<vmem>>
      %dma_wait3A_623 = arith.constant 0 : i32
      %dma_wait3A_624 = arith.constant 0 : i32
      %dma_wait3A_625 = tpu.memref_slice %arg7[%dma_wait3A_623, %dma_wait3A_624] : memref<10240x64xbf16, #tpu.memory_space<vmem_shared>> -> memref<10240x64xbf16, #tpu.memory_space<vmem_shared>>
      tpu.wait_indirect_dma semaphore(%arg16 : memref<!tpu.dma_semaphore, #tpu.memory_space<semaphore_mem>>) src(%dma_wait3A_615 : memref<128x64xbf16, #tpu.memory_space<vmem>>) dst(%dma_wait3A_625 : memref<10240x64xbf16, #tpu.memory_space<vmem_shared>>)
      %add3A_626 = arith.constant 4 : i32
      %add3A_627 = arith.addi %add3A_579, %add3A_626 : i32
      %dma_start3A_628 = arith.constant 0 : i32
      %dma_start3A_629 = arith.constant 0 : i32
      %dma_start3A_630 = arith.constant 0 : i32
      %dma_start3A_631 = tpu.memref_slice %arg6[%dma_start3A_628, %dma_start3A_629, %dma_start3A_630] : memref<8x128x64xbf16, #tpu.memory_space<vmem>> -> memref<1x128x64xbf16, #tpu.memory_space<vmem>>
      %dma_start3A_632 = tpu.memref_squeeze %dma_start3A_631 : memref<1x128x64xbf16, #tpu.memory_space<vmem>> -> memref<128x64xbf16, #tpu.memory_space<vmem>>
      %dma_start3A_633 = arith.constant 0 : i32
      %dma_start3A_634 = arith.constant 0 : i32
      %dma_start3A_635 = tpu.memref_slice %arg5[%scan3A_293, %dma_start3A_633, %dma_start3A_634] : memref<2x80x128xi32, #tpu.memory_space<vmem>> -> memref<1x80x128xi32, #tpu.memory_space<vmem>>
      %dma_start3A_636 = tpu.memref_squeeze %dma_start3A_635 : memref<1x80x128xi32, #tpu.memory_space<vmem>> -> memref<80x128xi32, #tpu.memory_space<vmem>>
      %dma_start3A_637 = arith.constant 0 : i32
      %dma_start3A_638 = tpu.memref_slice %dma_start3A_636[%add3A_627, %dma_start3A_637] : memref<80x128xi32, #tpu.memory_space<vmem>> -> memref<1x128xi32, #tpu.memory_space<vmem>>
      %dma_start3A_639 = tpu.memref_squeeze %dma_start3A_638 : memref<1x128xi32, #tpu.memory_space<vmem>> -> memref<128xi32, #tpu.memory_space<vmem>>
      %dma_start3A_640 = arith.constant 0 : i32
      %dma_start3A_641 = arith.constant 0 : i32
      %dma_start3A_642 = tpu.memref_slice %arg2[%dma_start3A_640, %dma_start3A_641] : memref<10000x64xbf16, #tpu.memory_space<hbm>> -> memref<10000x64xbf16, #tpu.memory_space<hbm>>
      tpu.enqueue_indirect_dma source(%dma_start3A_642 : memref<10000x64xbf16, #tpu.memory_space<hbm>>) target(%dma_start3A_632 : memref<128x64xbf16, #tpu.memory_space<vmem>>) offsets(%dma_start3A_639 : memref<128xi32, #tpu.memory_space<vmem>>) semaphore(%arg8 : memref<!tpu.dma_semaphore, #tpu.memory_space<semaphore_mem>>)
      %add3A_643 = arith.constant 1 : i32
      %add3A_644 = arith.addi %add3A_577, %add3A_643 : i32
      %dma_wait3A_645 = arith.constant 5 : i32
      %dma_wait3A_646 = arith.constant 0 : i32
      %dma_wait3A_647 = arith.constant 0 : i32
      %dma_wait3A_648 = tpu.memref_slice %arg6[%dma_wait3A_645, %dma_wait3A_646, %dma_wait3A_647] : memref<8x128x64xbf16, #tpu.memory_space<vmem>> -> memref<1x128x64xbf16, #tpu.memory_space<vmem>>
      %dma_wait3A_649 = tpu.memref_squeeze %dma_wait3A_648 : memref<1x128x64xbf16, #tpu.memory_space<vmem>> -> memref<128x64xbf16, #tpu.memory_space<vmem>>
      %dma_wait3A_650 = arith.constant 0 : i32
      %dma_wait3A_651 = arith.constant 0 : i32
      %dma_wait3A_652 = tpu.memref_slice %arg5[%scan3A_293, %dma_wait3A_650, %dma_wait3A_651] : memref<2x80x128xi32, #tpu.memory_space<vmem>> -> memref<1x80x128xi32, #tpu.memory_space<vmem>>
      %dma_wait3A_653 = tpu.memref_squeeze %dma_wait3A_652 : memref<1x80x128xi32, #tpu.memory_space<vmem>> -> memref<80x128xi32, #tpu.memory_space<vmem>>
      %dma_wait3A_654 = arith.constant 0 : i32
      %dma_wait3A_655 = tpu.memref_slice %dma_wait3A_653[%add3A_644, %dma_wait3A_654] : memref<80x128xi32, #tpu.memory_space<vmem>> -> memref<1x128xi32, #tpu.memory_space<vmem>>
      %dma_wait3A_656 = tpu.memref_squeeze %dma_wait3A_655 : memref<1x128xi32, #tpu.memory_space<vmem>> -> memref<128xi32, #tpu.memory_space<vmem>>
      %dma_wait3A_657 = arith.constant 0 : i32
      %dma_wait3A_658 = arith.constant 0 : i32
      %dma_wait3A_659 = tpu.memref_slice %arg2[%dma_wait3A_657, %dma_wait3A_658] : memref<10000x64xbf16, #tpu.memory_space<hbm>> -> memref<10000x64xbf16, #tpu.memory_space<hbm>>
      tpu.wait_indirect_dma semaphore(%arg13 : memref<!tpu.dma_semaphore, #tpu.memory_space<semaphore_mem>>) src(%dma_wait3A_659 : memref<10000x64xbf16, #tpu.memory_space<hbm>>) dst(%dma_wait3A_649 : memref<128x64xbf16, #tpu.memory_space<vmem>>)
      %dma_start3A_660 = arith.constant 5 : i32
      %dma_start3A_661 = arith.constant 0 : i32
      %dma_start3A_662 = arith.constant 0 : i32
      %dma_start3A_663 = tpu.memref_slice %arg6[%dma_start3A_660, %dma_start3A_661, %dma_start3A_662] : memref<8x128x64xbf16, #tpu.memory_space<vmem>> -> memref<1x128x64xbf16, #tpu.memory_space<vmem>>
      %dma_start3A_664 = tpu.memref_squeeze %dma_start3A_663 : memref<1x128x64xbf16, #tpu.memory_space<vmem>> -> memref<128x64xbf16, #tpu.memory_space<vmem>>
      %dma_start3A_665 = arith.constant 0 : i32
      %dma_start3A_666 = arith.constant 0 : i32
      %dma_start3A_667 = tpu.memref_slice %arg5[%scan3A_294, %dma_start3A_665, %dma_start3A_666] : memref<2x80x128xi32, #tpu.memory_space<vmem>> -> memref<1x80x128xi32, #tpu.memory_space<vmem>>
      %dma_start3A_668 = tpu.memref_squeeze %dma_start3A_667 : memref<1x80x128xi32, #tpu.memory_space<vmem>> -> memref<80x128xi32, #tpu.memory_space<vmem>>
      %dma_start3A_669 = arith.constant 0 : i32
      %dma_start3A_670 = tpu.memref_slice %dma_start3A_668[%add3A_644, %dma_start3A_669] : memref<80x128xi32, #tpu.memory_space<vmem>> -> memref<1x128xi32, #tpu.memory_space<vmem>>
      %dma_start3A_671 = tpu.memref_squeeze %dma_start3A_670 : memref<1x128xi32, #tpu.memory_space<vmem>> -> memref<128xi32, #tpu.memory_space<vmem>>
      %dma_start3A_672 = arith.constant 0 : i32
      %dma_start3A_673 = arith.constant 0 : i32
      %dma_start3A_674 = tpu.memref_slice %arg7[%dma_start3A_672, %dma_start3A_673] : memref<10240x64xbf16, #tpu.memory_space<vmem_shared>> -> memref<10240x64xbf16, #tpu.memory_space<vmem_shared>>
      tpu.enqueue_indirect_dma source(%dma_start3A_664 : memref<128x64xbf16, #tpu.memory_space<vmem>>) target(%dma_start3A_674 : memref<10240x64xbf16, #tpu.memory_space<vmem_shared>>) offsets(%dma_start3A_671 : memref<128xi32, #tpu.memory_space<vmem>>) semaphore(%arg21 : memref<!tpu.dma_semaphore, #tpu.memory_space<semaphore_mem>>) {add = true}
      %sub3A_675 = arith.constant 4 : i32
      %sub3A_676 = arith.subi %add3A_644, %sub3A_675 : i32
      %dma_wait3A_677 = arith.constant 1 : i32
      %dma_wait3A_678 = arith.constant 0 : i32
      %dma_wait3A_679 = arith.constant 0 : i32
      %dma_wait3A_680 = tpu.memref_slice %arg6[%dma_wait3A_677, %dma_wait3A_678, %dma_wait3A_679] : memref<8x128x64xbf16, #tpu.memory_space<vmem>> -> memref<1x128x64xbf16, #tpu.memory_space<vmem>>
      %dma_wait3A_681 = tpu.memref_squeeze %dma_wait3A_680 : memref<1x128x64xbf16, #tpu.memory_space<vmem>> -> memref<128x64xbf16, #tpu.memory_space<vmem>>
      %dma_wait3A_682 = arith.constant 0 : i32
      %dma_wait3A_683 = arith.constant 0 : i32
      %dma_wait3A_684 = tpu.memref_slice %arg5[%scan3A_294, %dma_wait3A_682, %dma_wait3A_683] : memref<2x80x128xi32, #tpu.memory_space<vmem>> -> memref<1x80x128xi32, #tpu.memory_space<vmem>>
      %dma_wait3A_685 = tpu.memref_squeeze %dma_wait3A_684 : memref<1x80x128xi32, #tpu.memory_space<vmem>> -> memref<80x128xi32, #tpu.memory_space<vmem>>
      %dma_wait3A_686 = arith.constant 0 : i32
      %dma_wait3A_687 = tpu.memref_slice %dma_wait3A_685[%sub3A_676, %dma_wait3A_686] : memref<80x128xi32, #tpu.memory_space<vmem>> -> memref<1x128xi32, #tpu.memory_space<vmem>>
      %dma_wait3A_688 = tpu.memref_squeeze %dma_wait3A_687 : memref<1x128xi32, #tpu.memory_space<vmem>> -> memref<128xi32, #tpu.memory_space<vmem>>
      %dma_wait3A_689 = arith.constant 0 : i32
      %dma_wait3A_690 = arith.constant 0 : i32
      %dma_wait3A_691 = tpu.memref_slice %arg7[%dma_wait3A_689, %dma_wait3A_690] : memref<10240x64xbf16, #tpu.memory_space<vmem_shared>> -> memref<10240x64xbf16, #tpu.memory_space<vmem_shared>>
      tpu.wait_indirect_dma semaphore(%arg17 : memref<!tpu.dma_semaphore, #tpu.memory_space<semaphore_mem>>) src(%dma_wait3A_681 : memref<128x64xbf16, #tpu.memory_space<vmem>>) dst(%dma_wait3A_691 : memref<10240x64xbf16, #tpu.memory_space<vmem_shared>>)
      %add3A_692 = arith.constant 4 : i32
      %add3A_693 = arith.addi %add3A_644, %add3A_692 : i32
      %dma_start3A_694 = arith.constant 1 : i32
      %dma_start3A_695 = arith.constant 0 : i32
      %dma_start3A_696 = arith.constant 0 : i32
      %dma_start3A_697 = tpu.memref_slice %arg6[%dma_start3A_694, %dma_start3A_695, %dma_start3A_696] : memref<8x128x64xbf16, #tpu.memory_space<vmem>> -> memref<1x128x64xbf16, #tpu.memory_space<vmem>>
      %dma_start3A_698 = tpu.memref_squeeze %dma_start3A_697 : memref<1x128x64xbf16, #tpu.memory_space<vmem>> -> memref<128x64xbf16, #tpu.memory_space<vmem>>
      %dma_start3A_699 = arith.constant 0 : i32
      %dma_start3A_700 = arith.constant 0 : i32
      %dma_start3A_701 = tpu.memref_slice %arg5[%scan3A_293, %dma_start3A_699, %dma_start3A_700] : memref<2x80x128xi32, #tpu.memory_space<vmem>> -> memref<1x80x128xi32, #tpu.memory_space<vmem>>
      %dma_start3A_702 = tpu.memref_squeeze %dma_start3A_701 : memref<1x80x128xi32, #tpu.memory_space<vmem>> -> memref<80x128xi32, #tpu.memory_space<vmem>>
      %dma_start3A_703 = arith.constant 0 : i32
      %dma_start3A_704 = tpu.memref_slice %dma_start3A_702[%add3A_693, %dma_start3A_703] : memref<80x128xi32, #tpu.memory_space<vmem>> -> memref<1x128xi32, #tpu.memory_space<vmem>>
      %dma_start3A_705 = tpu.memref_squeeze %dma_start3A_704 : memref<1x128xi32, #tpu.memory_space<vmem>> -> memref<128xi32, #tpu.memory_space<vmem>>
      %dma_start3A_706 = arith.constant 0 : i32
      %dma_start3A_707 = arith.constant 0 : i32
      %dma_start3A_708 = tpu.memref_slice %arg2[%dma_start3A_706, %dma_start3A_707] : memref<10000x64xbf16, #tpu.memory_space<hbm>> -> memref<10000x64xbf16, #tpu.memory_space<hbm>>
      tpu.enqueue_indirect_dma source(%dma_start3A_708 : memref<10000x64xbf16, #tpu.memory_space<hbm>>) target(%dma_start3A_698 : memref<128x64xbf16, #tpu.memory_space<vmem>>) offsets(%dma_start3A_705 : memref<128xi32, #tpu.memory_space<vmem>>) semaphore(%arg9 : memref<!tpu.dma_semaphore, #tpu.memory_space<semaphore_mem>>)
      %add3A_709 = arith.constant 2 : i32
      %add3A_710 = arith.addi %add3A_577, %add3A_709 : i32
      %dma_wait3A_711 = arith.constant 6 : i32
      %dma_wait3A_712 = arith.constant 0 : i32
      %dma_wait3A_713 = arith.constant 0 : i32
      %dma_wait3A_714 = tpu.memref_slice %arg6[%dma_wait3A_711, %dma_wait3A_712, %dma_wait3A_713] : memref<8x128x64xbf16, #tpu.memory_space<vmem>> -> memref<1x128x64xbf16, #tpu.memory_space<vmem>>
      %dma_wait3A_715 = tpu.memref_squeeze %dma_wait3A_714 : memref<1x128x64xbf16, #tpu.memory_space<vmem>> -> memref<128x64xbf16, #tpu.memory_space<vmem>>
      %dma_wait3A_716 = arith.constant 0 : i32
      %dma_wait3A_717 = arith.constant 0 : i32
      %dma_wait3A_718 = tpu.memref_slice %arg5[%scan3A_293, %dma_wait3A_716, %dma_wait3A_717] : memref<2x80x128xi32, #tpu.memory_space<vmem>> -> memref<1x80x128xi32, #tpu.memory_space<vmem>>
      %dma_wait3A_719 = tpu.memref_squeeze %dma_wait3A_718 : memref<1x80x128xi32, #tpu.memory_space<vmem>> -> memref<80x128xi32, #tpu.memory_space<vmem>>
      %dma_wait3A_720 = arith.constant 0 : i32
      %dma_wait3A_721 = tpu.memref_slice %dma_wait3A_719[%add3A_710, %dma_wait3A_720] : memref<80x128xi32, #tpu.memory_space<vmem>> -> memref<1x128xi32, #tpu.memory_space<vmem>>
      %dma_wait3A_722 = tpu.memref_squeeze %dma_wait3A_721 : memref<1x128xi32, #tpu.memory_space<vmem>> -> memref<128xi32, #tpu.memory_space<vmem>>
      %dma_wait3A_723 = arith.constant 0 : i32
      %dma_wait3A_724 = arith.constant 0 : i32
      %dma_wait3A_725 = tpu.memref_slice %arg2[%dma_wait3A_723, %dma_wait3A_724] : memref<10000x64xbf16, #tpu.memory_space<hbm>> -> memref<10000x64xbf16, #tpu.memory_space<hbm>>
      tpu.wait_indirect_dma semaphore(%arg14 : memref<!tpu.dma_semaphore, #tpu.memory_space<semaphore_mem>>) src(%dma_wait3A_725 : memref<10000x64xbf16, #tpu.memory_space<hbm>>) dst(%dma_wait3A_715 : memref<128x64xbf16, #tpu.memory_space<vmem>>)
      %dma_start3A_726 = arith.constant 6 : i32
      %dma_start3A_727 = arith.constant 0 : i32
      %dma_start3A_728 = arith.constant 0 : i32
      %dma_start3A_729 = tpu.memref_slice %arg6[%dma_start3A_726, %dma_start3A_727, %dma_start3A_728] : memref<8x128x64xbf16, #tpu.memory_space<vmem>> -> memref<1x128x64xbf16, #tpu.memory_space<vmem>>
      %dma_start3A_730 = tpu.memref_squeeze %dma_start3A_729 : memref<1x128x64xbf16, #tpu.memory_space<vmem>> -> memref<128x64xbf16, #tpu.memory_space<vmem>>
      %dma_start3A_731 = arith.constant 0 : i32
      %dma_start3A_732 = arith.constant 0 : i32
      %dma_start3A_733 = tpu.memref_slice %arg5[%scan3A_294, %dma_start3A_731, %dma_start3A_732] : memref<2x80x128xi32, #tpu.memory_space<vmem>> -> memref<1x80x128xi32, #tpu.memory_space<vmem>>
      %dma_start3A_734 = tpu.memref_squeeze %dma_start3A_733 : memref<1x80x128xi32, #tpu.memory_space<vmem>> -> memref<80x128xi32, #tpu.memory_space<vmem>>
      %dma_start3A_735 = arith.constant 0 : i32
      %dma_start3A_736 = tpu.memref_slice %dma_start3A_734[%add3A_710, %dma_start3A_735] : memref<80x128xi32, #tpu.memory_space<vmem>> -> memref<1x128xi32, #tpu.memory_space<vmem>>
      %dma_start3A_737 = tpu.memref_squeeze %dma_start3A_736 : memref<1x128xi32, #tpu.memory_space<vmem>> -> memref<128xi32, #tpu.memory_space<vmem>>
      %dma_start3A_738 = arith.constant 0 : i32
      %dma_start3A_739 = arith.constant 0 : i32
      %dma_start3A_740 = tpu.memref_slice %arg7[%dma_start3A_738, %dma_start3A_739] : memref<10240x64xbf16, #tpu.memory_space<vmem_shared>> -> memref<10240x64xbf16, #tpu.memory_space<vmem_shared>>
      tpu.enqueue_indirect_dma source(%dma_start3A_730 : memref<128x64xbf16, #tpu.memory_space<vmem>>) target(%dma_start3A_740 : memref<10240x64xbf16, #tpu.memory_space<vmem_shared>>) offsets(%dma_start3A_737 : memref<128xi32, #tpu.memory_space<vmem>>) semaphore(%arg22 : memref<!tpu.dma_semaphore, #tpu.memory_space<semaphore_mem>>) {add = true}
      %sub3A_741 = arith.constant 4 : i32
      %sub3A_742 = arith.subi %add3A_710, %sub3A_741 : i32
      %dma_wait3A_743 = arith.constant 2 : i32
      %dma_wait3A_744 = arith.constant 0 : i32
      %dma_wait3A_745 = arith.constant 0 : i32
      %dma_wait3A_746 = tpu.memref_slice %arg6[%dma_wait3A_743, %dma_wait3A_744, %dma_wait3A_745] : memref<8x128x64xbf16, #tpu.memory_space<vmem>> -> memref<1x128x64xbf16, #tpu.memory_space<vmem>>
      %dma_wait3A_747 = tpu.memref_squeeze %dma_wait3A_746 : memref<1x128x64xbf16, #tpu.memory_space<vmem>> -> memref<128x64xbf16, #tpu.memory_space<vmem>>
      %dma_wait3A_748 = arith.constant 0 : i32
      %dma_wait3A_749 = arith.constant 0 : i32
      %dma_wait3A_750 = tpu.memref_slice %arg5[%scan3A_294, %dma_wait3A_748, %dma_wait3A_749] : memref<2x80x128xi32, #tpu.memory_space<vmem>> -> memref<1x80x128xi32, #tpu.memory_space<vmem>>
      %dma_wait3A_751 = tpu.memref_squeeze %dma_wait3A_750 : memref<1x80x128xi32, #tpu.memory_space<vmem>> -> memref<80x128xi32, #tpu.memory_space<vmem>>
      %dma_wait3A_752 = arith.constant 0 : i32
      %dma_wait3A_753 = tpu.memref_slice %dma_wait3A_751[%sub3A_742, %dma_wait3A_752] : memref<80x128xi32, #tpu.memory_space<vmem>> -> memref<1x128xi32, #tpu.memory_space<vmem>>
      %dma_wait3A_754 = tpu.memref_squeeze %dma_wait3A_753 : memref<1x128xi32, #tpu.memory_space<vmem>> -> memref<128xi32, #tpu.memory_space<vmem>>
      %dma_wait3A_755 = arith.constant 0 : i32
      %dma_wait3A_756 = arith.constant 0 : i32
      %dma_wait3A_757 = tpu.memref_slice %arg7[%dma_wait3A_755, %dma_wait3A_756] : memref<10240x64xbf16, #tpu.memory_space<vmem_shared>> -> memref<10240x64xbf16, #tpu.memory_space<vmem_shared>>
      tpu.wait_indirect_dma semaphore(%arg18 : memref<!tpu.dma_semaphore, #tpu.memory_space<semaphore_mem>>) src(%dma_wait3A_747 : memref<128x64xbf16, #tpu.memory_space<vmem>>) dst(%dma_wait3A_757 : memref<10240x64xbf16, #tpu.memory_space<vmem_shared>>)
      %add3A_758 = arith.constant 4 : i32
      %add3A_759 = arith.addi %add3A_710, %add3A_758 : i32
      %dma_start3A_760 = arith.constant 2 : i32
      %dma_start3A_761 = arith.constant 0 : i32
      %dma_start3A_762 = arith.constant 0 : i32
      %dma_start3A_763 = tpu.memref_slice %arg6[%dma_start3A_760, %dma_start3A_761, %dma_start3A_762] : memref<8x128x64xbf16, #tpu.memory_space<vmem>> -> memref<1x128x64xbf16, #tpu.memory_space<vmem>>
      %dma_start3A_764 = tpu.memref_squeeze %dma_start3A_763 : memref<1x128x64xbf16, #tpu.memory_space<vmem>> -> memref<128x64xbf16, #tpu.memory_space<vmem>>
      %dma_start3A_765 = arith.constant 0 : i32
      %dma_start3A_766 = arith.constant 0 : i32
      %dma_start3A_767 = tpu.memref_slice %arg5[%scan3A_293, %dma_start3A_765, %dma_start3A_766] : memref<2x80x128xi32, #tpu.memory_space<vmem>> -> memref<1x80x128xi32, #tpu.memory_space<vmem>>
      %dma_start3A_768 = tpu.memref_squeeze %dma_start3A_767 : memref<1x80x128xi32, #tpu.memory_space<vmem>> -> memref<80x128xi32, #tpu.memory_space<vmem>>
      %dma_start3A_769 = arith.constant 0 : i32
      %dma_start3A_770 = tpu.memref_slice %dma_start3A_768[%add3A_759, %dma_start3A_769] : memref<80x128xi32, #tpu.memory_space<vmem>> -> memref<1x128xi32, #tpu.memory_space<vmem>>
      %dma_start3A_771 = tpu.memref_squeeze %dma_start3A_770 : memref<1x128xi32, #tpu.memory_space<vmem>> -> memref<128xi32, #tpu.memory_space<vmem>>
      %dma_start3A_772 = arith.constant 0 : i32
      %dma_start3A_773 = arith.constant 0 : i32
      %dma_start3A_774 = tpu.memref_slice %arg2[%dma_start3A_772, %dma_start3A_773] : memref<10000x64xbf16, #tpu.memory_space<hbm>> -> memref<10000x64xbf16, #tpu.memory_space<hbm>>
      tpu.enqueue_indirect_dma source(%dma_start3A_774 : memref<10000x64xbf16, #tpu.memory_space<hbm>>) target(%dma_start3A_764 : memref<128x64xbf16, #tpu.memory_space<vmem>>) offsets(%dma_start3A_771 : memref<128xi32, #tpu.memory_space<vmem>>) semaphore(%arg10 : memref<!tpu.dma_semaphore, #tpu.memory_space<semaphore_mem>>)
      %add3A_775 = arith.constant 3 : i32
      %add3A_776 = arith.addi %add3A_577, %add3A_775 : i32
      %dma_wait3A_777 = arith.constant 7 : i32
      %dma_wait3A_778 = arith.constant 0 : i32
      %dma_wait3A_779 = arith.constant 0 : i32
      %dma_wait3A_780 = tpu.memref_slice %arg6[%dma_wait3A_777, %dma_wait3A_778, %dma_wait3A_779] : memref<8x128x64xbf16, #tpu.memory_space<vmem>> -> memref<1x128x64xbf16, #tpu.memory_space<vmem>>
      %dma_wait3A_781 = tpu.memref_squeeze %dma_wait3A_780 : memref<1x128x64xbf16, #tpu.memory_space<vmem>> -> memref<128x64xbf16, #tpu.memory_space<vmem>>
      %dma_wait3A_782 = arith.constant 0 : i32
      %dma_wait3A_783 = arith.constant 0 : i32
      %dma_wait3A_784 = tpu.memref_slice %arg5[%scan3A_293, %dma_wait3A_782, %dma_wait3A_783] : memref<2x80x128xi32, #tpu.memory_space<vmem>> -> memref<1x80x128xi32, #tpu.memory_space<vmem>>
      %dma_wait3A_785 = tpu.memref_squeeze %dma_wait3A_784 : memref<1x80x128xi32, #tpu.memory_space<vmem>> -> memref<80x128xi32, #tpu.memory_space<vmem>>
      %dma_wait3A_786 = arith.constant 0 : i32
      %dma_wait3A_787 = tpu.memref_slice %dma_wait3A_785[%add3A_776, %dma_wait3A_786] : memref<80x128xi32, #tpu.memory_space<vmem>> -> memref<1x128xi32, #tpu.memory_space<vmem>>
      %dma_wait3A_788 = tpu.memref_squeeze %dma_wait3A_787 : memref<1x128xi32, #tpu.memory_space<vmem>> -> memref<128xi32, #tpu.memory_space<vmem>>
      %dma_wait3A_789 = arith.constant 0 : i32
      %dma_wait3A_790 = arith.constant 0 : i32
      %dma_wait3A_791 = tpu.memref_slice %arg2[%dma_wait3A_789, %dma_wait3A_790] : memref<10000x64xbf16, #tpu.memory_space<hbm>> -> memref<10000x64xbf16, #tpu.memory_space<hbm>>
      tpu.wait_indirect_dma semaphore(%arg15 : memref<!tpu.dma_semaphore, #tpu.memory_space<semaphore_mem>>) src(%dma_wait3A_791 : memref<10000x64xbf16, #tpu.memory_space<hbm>>) dst(%dma_wait3A_781 : memref<128x64xbf16, #tpu.memory_space<vmem>>)
      %dma_start3A_792 = arith.constant 7 : i32
      %dma_start3A_793 = arith.constant 0 : i32
      %dma_start3A_794 = arith.constant 0 : i32
      %dma_start3A_795 = tpu.memref_slice %arg6[%dma_start3A_792, %dma_start3A_793, %dma_start3A_794] : memref<8x128x64xbf16, #tpu.memory_space<vmem>> -> memref<1x128x64xbf16, #tpu.memory_space<vmem>>
      %dma_start3A_796 = tpu.memref_squeeze %dma_start3A_795 : memref<1x128x64xbf16, #tpu.memory_space<vmem>> -> memref<128x64xbf16, #tpu.memory_space<vmem>>
      %dma_start3A_797 = arith.constant 0 : i32
      %dma_start3A_798 = arith.constant 0 : i32
      %dma_start3A_799 = tpu.memref_slice %arg5[%scan3A_294, %dma_start3A_797, %dma_start3A_798] : memref<2x80x128xi32, #tpu.memory_space<vmem>> -> memref<1x80x128xi32, #tpu.memory_space<vmem>>
      %dma_start3A_800 = tpu.memref_squeeze %dma_start3A_799 : memref<1x80x128xi32, #tpu.memory_space<vmem>> -> memref<80x128xi32, #tpu.memory_space<vmem>>
      %dma_start3A_801 = arith.constant 0 : i32
      %dma_start3A_802 = tpu.memref_slice %dma_start3A_800[%add3A_776, %dma_start3A_801] : memref<80x128xi32, #tpu.memory_space<vmem>> -> memref<1x128xi32, #tpu.memory_space<vmem>>
      %dma_start3A_803 = tpu.memref_squeeze %dma_start3A_802 : memref<1x128xi32, #tpu.memory_space<vmem>> -> memref<128xi32, #tpu.memory_space<vmem>>
      %dma_start3A_804 = arith.constant 0 : i32
      %dma_start3A_805 = arith.constant 0 : i32
      %dma_start3A_806 = tpu.memref_slice %arg7[%dma_start3A_804, %dma_start3A_805] : memref<10240x64xbf16, #tpu.memory_space<vmem_shared>> -> memref<10240x64xbf16, #tpu.memory_space<vmem_shared>>
      tpu.enqueue_indirect_dma source(%dma_start3A_796 : memref<128x64xbf16, #tpu.memory_space<vmem>>) target(%dma_start3A_806 : memref<10240x64xbf16, #tpu.memory_space<vmem_shared>>) offsets(%dma_start3A_803 : memref<128xi32, #tpu.memory_space<vmem>>) semaphore(%arg23 : memref<!tpu.dma_semaphore, #tpu.memory_space<semaphore_mem>>) {add = true}
      %sub3A_807 = arith.constant 4 : i32
      %sub3A_808 = arith.subi %add3A_776, %sub3A_807 : i32
      %dma_wait3A_809 = arith.constant 3 : i32
      %dma_wait3A_810 = arith.constant 0 : i32
      %dma_wait3A_811 = arith.constant 0 : i32
      %dma_wait3A_812 = tpu.memref_slice %arg6[%dma_wait3A_809, %dma_wait3A_810, %dma_wait3A_811] : memref<8x128x64xbf16, #tpu.memory_space<vmem>> -> memref<1x128x64xbf16, #tpu.memory_space<vmem>>
      %dma_wait3A_813 = tpu.memref_squeeze %dma_wait3A_812 : memref<1x128x64xbf16, #tpu.memory_space<vmem>> -> memref<128x64xbf16, #tpu.memory_space<vmem>>
      %dma_wait3A_814 = arith.constant 0 : i32
      %dma_wait3A_815 = arith.constant 0 : i32
      %dma_wait3A_816 = tpu.memref_slice %arg5[%scan3A_294, %dma_wait3A_814, %dma_wait3A_815] : memref<2x80x128xi32, #tpu.memory_space<vmem>> -> memref<1x80x128xi32, #tpu.memory_space<vmem>>
      %dma_wait3A_817 = tpu.memref_squeeze %dma_wait3A_816 : memref<1x80x128xi32, #tpu.memory_space<vmem>> -> memref<80x128xi32, #tpu.memory_space<vmem>>
      %dma_wait3A_818 = arith.constant 0 : i32
      %dma_wait3A_819 = tpu.memref_slice %dma_wait3A_817[%sub3A_808, %dma_wait3A_818] : memref<80x128xi32, #tpu.memory_space<vmem>> -> memref<1x128xi32, #tpu.memory_space<vmem>>
      %dma_wait3A_820 = tpu.memref_squeeze %dma_wait3A_819 : memref<1x128xi32, #tpu.memory_space<vmem>> -> memref<128xi32, #tpu.memory_space<vmem>>
      %dma_wait3A_821 = arith.constant 0 : i32
      %dma_wait3A_822 = arith.constant 0 : i32
      %dma_wait3A_823 = tpu.memref_slice %arg7[%dma_wait3A_821, %dma_wait3A_822] : memref<10240x64xbf16, #tpu.memory_space<vmem_shared>> -> memref<10240x64xbf16, #tpu.memory_space<vmem_shared>>
      tpu.wait_indirect_dma semaphore(%arg19 : memref<!tpu.dma_semaphore, #tpu.memory_space<semaphore_mem>>) src(%dma_wait3A_813 : memref<128x64xbf16, #tpu.memory_space<vmem>>) dst(%dma_wait3A_823 : memref<10240x64xbf16, #tpu.memory_space<vmem_shared>>)
      %add3A_824 = arith.constant 4 : i32
      %add3A_825 = arith.addi %add3A_776, %add3A_824 : i32
      %dma_start3A_826 = arith.constant 3 : i32
      %dma_start3A_827 = arith.constant 0 : i32
      %dma_start3A_828 = arith.constant 0 : i32
      %dma_start3A_829 = tpu.memref_slice %arg6[%dma_start3A_826, %dma_start3A_827, %dma_start3A_828] : memref<8x128x64xbf16, #tpu.memory_space<vmem>> -> memref<1x128x64xbf16, #tpu.memory_space<vmem>>
      %dma_start3A_830 = tpu.memref_squeeze %dma_start3A_829 : memref<1x128x64xbf16, #tpu.memory_space<vmem>> -> memref<128x64xbf16, #tpu.memory_space<vmem>>
      %dma_start3A_831 = arith.constant 0 : i32
      %dma_start3A_832 = arith.constant 0 : i32
      %dma_start3A_833 = tpu.memref_slice %arg5[%scan3A_293, %dma_start3A_831, %dma_start3A_832] : memref<2x80x128xi32, #tpu.memory_space<vmem>> -> memref<1x80x128xi32, #tpu.memory_space<vmem>>
      %dma_start3A_834 = tpu.memref_squeeze %dma_start3A_833 : memref<1x80x128xi32, #tpu.memory_space<vmem>> -> memref<80x128xi32, #tpu.memory_space<vmem>>
      %dma_start3A_835 = arith.constant 0 : i32
      %dma_start3A_836 = tpu.memref_slice %dma_start3A_834[%add3A_825, %dma_start3A_835] : memref<80x128xi32, #tpu.memory_space<vmem>> -> memref<1x128xi32, #tpu.memory_space<vmem>>
      %dma_start3A_837 = tpu.memref_squeeze %dma_start3A_836 : memref<1x128xi32, #tpu.memory_space<vmem>> -> memref<128xi32, #tpu.memory_space<vmem>>
      %dma_start3A_838 = arith.constant 0 : i32
      %dma_start3A_839 = arith.constant 0 : i32
      %dma_start3A_840 = tpu.memref_slice %arg2[%dma_start3A_838, %dma_start3A_839] : memref<10000x64xbf16, #tpu.memory_space<hbm>> -> memref<10000x64xbf16, #tpu.memory_space<hbm>>
      tpu.enqueue_indirect_dma source(%dma_start3A_840 : memref<10000x64xbf16, #tpu.memory_space<hbm>>) target(%dma_start3A_830 : memref<128x64xbf16, #tpu.memory_space<vmem>>) offsets(%dma_start3A_837 : memref<128xi32, #tpu.memory_space<vmem>>) semaphore(%arg11 : memref<!tpu.dma_semaphore, #tpu.memory_space<semaphore_mem>>)
      %add3A_841 = arith.constant 4 : i32
      %add3A_842 = arith.addi %add3A_577, %add3A_841 : i32
      %dma_wait3A_843 = arith.constant 0 : i32
      %dma_wait3A_844 = arith.constant 0 : i32
      %dma_wait3A_845 = arith.constant 0 : i32
      %dma_wait3A_846 = tpu.memref_slice %arg6[%dma_wait3A_843, %dma_wait3A_844, %dma_wait3A_845] : memref<8x128x64xbf16, #tpu.memory_space<vmem>> -> memref<1x128x64xbf16, #tpu.memory_space<vmem>>
      %dma_wait3A_847 = tpu.memref_squeeze %dma_wait3A_846 : memref<1x128x64xbf16, #tpu.memory_space<vmem>> -> memref<128x64xbf16, #tpu.memory_space<vmem>>
      %dma_wait3A_848 = arith.constant 0 : i32
      %dma_wait3A_849 = arith.constant 0 : i32
      %dma_wait3A_850 = tpu.memref_slice %arg5[%scan3A_293, %dma_wait3A_848, %dma_wait3A_849] : memref<2x80x128xi32, #tpu.memory_space<vmem>> -> memref<1x80x128xi32, #tpu.memory_space<vmem>>
      %dma_wait3A_851 = tpu.memref_squeeze %dma_wait3A_850 : memref<1x80x128xi32, #tpu.memory_space<vmem>> -> memref<80x128xi32, #tpu.memory_space<vmem>>
      %dma_wait3A_852 = arith.constant 0 : i32
      %dma_wait3A_853 = tpu.memref_slice %dma_wait3A_851[%add3A_842, %dma_wait3A_852] : memref<80x128xi32, #tpu.memory_space<vmem>> -> memref<1x128xi32, #tpu.memory_space<vmem>>
      %dma_wait3A_854 = tpu.memref_squeeze %dma_wait3A_853 : memref<1x128xi32, #tpu.memory_space<vmem>> -> memref<128xi32, #tpu.memory_space<vmem>>
      %dma_wait3A_855 = arith.constant 0 : i32
      %dma_wait3A_856 = arith.constant 0 : i32
      %dma_wait3A_857 = tpu.memref_slice %arg2[%dma_wait3A_855, %dma_wait3A_856] : memref<10000x64xbf16, #tpu.memory_space<hbm>> -> memref<10000x64xbf16, #tpu.memory_space<hbm>>
      tpu.wait_indirect_dma semaphore(%arg8 : memref<!tpu.dma_semaphore, #tpu.memory_space<semaphore_mem>>) src(%dma_wait3A_857 : memref<10000x64xbf16, #tpu.memory_space<hbm>>) dst(%dma_wait3A_847 : memref<128x64xbf16, #tpu.memory_space<vmem>>)
      %dma_start3A_858 = arith.constant 0 : i32
      %dma_start3A_859 = arith.constant 0 : i32
      %dma_start3A_860 = arith.constant 0 : i32
      %dma_start3A_861 = tpu.memref_slice %arg6[%dma_start3A_858, %dma_start3A_859, %dma_start3A_860] : memref<8x128x64xbf16, #tpu.memory_space<vmem>> -> memref<1x128x64xbf16, #tpu.memory_space<vmem>>
      %dma_start3A_862 = tpu.memref_squeeze %dma_start3A_861 : memref<1x128x64xbf16, #tpu.memory_space<vmem>> -> memref<128x64xbf16, #tpu.memory_space<vmem>>
      %dma_start3A_863 = arith.constant 0 : i32
      %dma_start3A_864 = arith.constant 0 : i32
      %dma_start3A_865 = tpu.memref_slice %arg5[%scan3A_294, %dma_start3A_863, %dma_start3A_864] : memref<2x80x128xi32, #tpu.memory_space<vmem>> -> memref<1x80x128xi32, #tpu.memory_space<vmem>>
      %dma_start3A_866 = tpu.memref_squeeze %dma_start3A_865 : memref<1x80x128xi32, #tpu.memory_space<vmem>> -> memref<80x128xi32, #tpu.memory_space<vmem>>
      %dma_start3A_867 = arith.constant 0 : i32
      %dma_start3A_868 = tpu.memref_slice %dma_start3A_866[%add3A_842, %dma_start3A_867] : memref<80x128xi32, #tpu.memory_space<vmem>> -> memref<1x128xi32, #tpu.memory_space<vmem>>
      %dma_start3A_869 = tpu.memref_squeeze %dma_start3A_868 : memref<1x128xi32, #tpu.memory_space<vmem>> -> memref<128xi32, #tpu.memory_space<vmem>>
      %dma_start3A_870 = arith.constant 0 : i32
      %dma_start3A_871 = arith.constant 0 : i32
      %dma_start3A_872 = tpu.memref_slice %arg7[%dma_start3A_870, %dma_start3A_871] : memref<10240x64xbf16, #tpu.memory_space<vmem_shared>> -> memref<10240x64xbf16, #tpu.memory_space<vmem_shared>>
      tpu.enqueue_indirect_dma source(%dma_start3A_862 : memref<128x64xbf16, #tpu.memory_space<vmem>>) target(%dma_start3A_872 : memref<10240x64xbf16, #tpu.memory_space<vmem_shared>>) offsets(%dma_start3A_869 : memref<128xi32, #tpu.memory_space<vmem>>) semaphore(%arg16 : memref<!tpu.dma_semaphore, #tpu.memory_space<semaphore_mem>>) {add = true}
      %sub3A_873 = arith.constant 4 : i32
      %sub3A_874 = arith.subi %add3A_842, %sub3A_873 : i32
      %dma_wait3A_875 = arith.constant 4 : i32
      %dma_wait3A_876 = arith.constant 0 : i32
      %dma_wait3A_877 = arith.constant 0 : i32
      %dma_wait3A_878 = tpu.memref_slice %arg6[%dma_wait3A_875, %dma_wait3A_876, %dma_wait3A_877] : memref<8x128x64xbf16, #tpu.memory_space<vmem>> -> memref<1x128x64xbf16, #tpu.memory_space<vmem>>
      %dma_wait3A_879 = tpu.memref_squeeze %dma_wait3A_878 : memref<1x128x64xbf16, #tpu.memory_space<vmem>> -> memref<128x64xbf16, #tpu.memory_space<vmem>>
      %dma_wait3A_880 = arith.constant 0 : i32
      %dma_wait3A_881 = arith.constant 0 : i32
      %dma_wait3A_882 = tpu.memref_slice %arg5[%scan3A_294, %dma_wait3A_880, %dma_wait3A_881] : memref<2x80x128xi32, #tpu.memory_space<vmem>> -> memref<1x80x128xi32, #tpu.memory_space<vmem>>
      %dma_wait3A_883 = tpu.memref_squeeze %dma_wait3A_882 : memref<1x80x128xi32, #tpu.memory_space<vmem>> -> memref<80x128xi32, #tpu.memory_space<vmem>>
      %dma_wait3A_884 = arith.constant 0 : i32
      %dma_wait3A_885 = tpu.memref_slice %dma_wait3A_883[%sub3A_874, %dma_wait3A_884] : memref<80x128xi32, #tpu.memory_space<vmem>> -> memref<1x128xi32, #tpu.memory_space<vmem>>
      %dma_wait3A_886 = tpu.memref_squeeze %dma_wait3A_885 : memref<1x128xi32, #tpu.memory_space<vmem>> -> memref<128xi32, #tpu.memory_space<vmem>>
      %dma_wait3A_887 = arith.constant 0 : i32
      %dma_wait3A_888 = arith.constant 0 : i32
      %dma_wait3A_889 = tpu.memref_slice %arg7[%dma_wait3A_887, %dma_wait3A_888] : memref<10240x64xbf16, #tpu.memory_space<vmem_shared>> -> memref<10240x64xbf16, #tpu.memory_space<vmem_shared>>
      tpu.wait_indirect_dma semaphore(%arg20 : memref<!tpu.dma_semaphore, #tpu.memory_space<semaphore_mem>>) src(%dma_wait3A_879 : memref<128x64xbf16, #tpu.memory_space<vmem>>) dst(%dma_wait3A_889 : memref<10240x64xbf16, #tpu.memory_space<vmem_shared>>)
      %add3A_890 = arith.constant 4 : i32
      %add3A_891 = arith.addi %add3A_842, %add3A_890 : i32
      %dma_start3A_892 = arith.constant 4 : i32
      %dma_start3A_893 = arith.constant 0 : i32
      %dma_start3A_894 = arith.constant 0 : i32
      %dma_start3A_895 = tpu.memref_slice %arg6[%dma_start3A_892, %dma_start3A_893, %dma_start3A_894] : memref<8x128x64xbf16, #tpu.memory_space<vmem>> -> memref<1x128x64xbf16, #tpu.memory_space<vmem>>
      %dma_start3A_896 = tpu.memref_squeeze %dma_start3A_895 : memref<1x128x64xbf16, #tpu.memory_space<vmem>> -> memref<128x64xbf16, #tpu.memory_space<vmem>>
      %dma_start3A_897 = arith.constant 0 : i32
      %dma_start3A_898 = arith.constant 0 : i32
      %dma_start3A_899 = tpu.memref_slice %arg5[%scan3A_293, %dma_start3A_897, %dma_start3A_898] : memref<2x80x128xi32, #tpu.memory_space<vmem>> -> memref<1x80x128xi32, #tpu.memory_space<vmem>>
      %dma_start3A_900 = tpu.memref_squeeze %dma_start3A_899 : memref<1x80x128xi32, #tpu.memory_space<vmem>> -> memref<80x128xi32, #tpu.memory_space<vmem>>
      %dma_start3A_901 = arith.constant 0 : i32
      %dma_start3A_902 = tpu.memref_slice %dma_start3A_900[%add3A_891, %dma_start3A_901] : memref<80x128xi32, #tpu.memory_space<vmem>> -> memref<1x128xi32, #tpu.memory_space<vmem>>
      %dma_start3A_903 = tpu.memref_squeeze %dma_start3A_902 : memref<1x128xi32, #tpu.memory_space<vmem>> -> memref<128xi32, #tpu.memory_space<vmem>>
      %dma_start3A_904 = arith.constant 0 : i32
      %dma_start3A_905 = arith.constant 0 : i32
      %dma_start3A_906 = tpu.memref_slice %arg2[%dma_start3A_904, %dma_start3A_905] : memref<10000x64xbf16, #tpu.memory_space<hbm>> -> memref<10000x64xbf16, #tpu.memory_space<hbm>>
      tpu.enqueue_indirect_dma source(%dma_start3A_906 : memref<10000x64xbf16, #tpu.memory_space<hbm>>) target(%dma_start3A_896 : memref<128x64xbf16, #tpu.memory_space<vmem>>) offsets(%dma_start3A_903 : memref<128xi32, #tpu.memory_space<vmem>>) semaphore(%arg12 : memref<!tpu.dma_semaphore, #tpu.memory_space<semaphore_mem>>)
      %add3A_907 = arith.constant 5 : i32
      %add3A_908 = arith.addi %add3A_577, %add3A_907 : i32
      %dma_wait3A_909 = arith.constant 1 : i32
      %dma_wait3A_910 = arith.constant 0 : i32
      %dma_wait3A_911 = arith.constant 0 : i32
      %dma_wait3A_912 = tpu.memref_slice %arg6[%dma_wait3A_909, %dma_wait3A_910, %dma_wait3A_911] : memref<8x128x64xbf16, #tpu.memory_space<vmem>> -> memref<1x128x64xbf16, #tpu.memory_space<vmem>>
      %dma_wait3A_913 = tpu.memref_squeeze %dma_wait3A_912 : memref<1x128x64xbf16, #tpu.memory_space<vmem>> -> memref<128x64xbf16, #tpu.memory_space<vmem>>
      %dma_wait3A_914 = arith.constant 0 : i32
      %dma_wait3A_915 = arith.constant 0 : i32
      %dma_wait3A_916 = tpu.memref_slice %arg5[%scan3A_293, %dma_wait3A_914, %dma_wait3A_915] : memref<2x80x128xi32, #tpu.memory_space<vmem>> -> memref<1x80x128xi32, #tpu.memory_space<vmem>>
      %dma_wait3A_917 = tpu.memref_squeeze %dma_wait3A_916 : memref<1x80x128xi32, #tpu.memory_space<vmem>> -> memref<80x128xi32, #tpu.memory_space<vmem>>
      %dma_wait3A_918 = arith.constant 0 : i32
      %dma_wait3A_919 = tpu.memref_slice %dma_wait3A_917[%add3A_908, %dma_wait3A_918] : memref<80x128xi32, #tpu.memory_space<vmem>> -> memref<1x128xi32, #tpu.memory_space<vmem>>
      %dma_wait3A_920 = tpu.memref_squeeze %dma_wait3A_919 : memref<1x128xi32, #tpu.memory_space<vmem>> -> memref<128xi32, #tpu.memory_space<vmem>>
      %dma_wait3A_921 = arith.constant 0 : i32
      %dma_wait3A_922 = arith.constant 0 : i32
      %dma_wait3A_923 = tpu.memref_slice %arg2[%dma_wait3A_921, %dma_wait3A_922] : memref<10000x64xbf16, #tpu.memory_space<hbm>> -> memref<10000x64xbf16, #tpu.memory_space<hbm>>
      tpu.wait_indirect_dma semaphore(%arg9 : memref<!tpu.dma_semaphore, #tpu.memory_space<semaphore_mem>>) src(%dma_wait3A_923 : memref<10000x64xbf16, #tpu.memory_space<hbm>>) dst(%dma_wait3A_913 : memref<128x64xbf16, #tpu.memory_space<vmem>>)
      %dma_start3A_924 = arith.constant 1 : i32
      %dma_start3A_925 = arith.constant 0 : i32
      %dma_start3A_926 = arith.constant 0 : i32
      %dma_start3A_927 = tpu.memref_slice %arg6[%dma_start3A_924, %dma_start3A_925, %dma_start3A_926] : memref<8x128x64xbf16, #tpu.memory_space<vmem>> -> memref<1x128x64xbf16, #tpu.memory_space<vmem>>
      %dma_start3A_928 = tpu.memref_squeeze %dma_start3A_927 : memref<1x128x64xbf16, #tpu.memory_space<vmem>> -> memref<128x64xbf16, #tpu.memory_space<vmem>>
      %dma_start3A_929 = arith.constant 0 : i32
      %dma_start3A_930 = arith.constant 0 : i32
      %dma_start3A_931 = tpu.memref_slice %arg5[%scan3A_294, %dma_start3A_929, %dma_start3A_930] : memref<2x80x128xi32, #tpu.memory_space<vmem>> -> memref<1x80x128xi32, #tpu.memory_space<vmem>>
      %dma_start3A_932 = tpu.memref_squeeze %dma_start3A_931 : memref<1x80x128xi32, #tpu.memory_space<vmem>> -> memref<80x128xi32, #tpu.memory_space<vmem>>
      %dma_start3A_933 = arith.constant 0 : i32
      %dma_start3A_934 = tpu.memref_slice %dma_start3A_932[%add3A_908, %dma_start3A_933] : memref<80x128xi32, #tpu.memory_space<vmem>> -> memref<1x128xi32, #tpu.memory_space<vmem>>
      %dma_start3A_935 = tpu.memref_squeeze %dma_start3A_934 : memref<1x128xi32, #tpu.memory_space<vmem>> -> memref<128xi32, #tpu.memory_space<vmem>>
      %dma_start3A_936 = arith.constant 0 : i32
      %dma_start3A_937 = arith.constant 0 : i32
      %dma_start3A_938 = tpu.memref_slice %arg7[%dma_start3A_936, %dma_start3A_937] : memref<10240x64xbf16, #tpu.memory_space<vmem_shared>> -> memref<10240x64xbf16, #tpu.memory_space<vmem_shared>>
      tpu.enqueue_indirect_dma source(%dma_start3A_928 : memref<128x64xbf16, #tpu.memory_space<vmem>>) target(%dma_start3A_938 : memref<10240x64xbf16, #tpu.memory_space<vmem_shared>>) offsets(%dma_start3A_935 : memref<128xi32, #tpu.memory_space<vmem>>) semaphore(%arg17 : memref<!tpu.dma_semaphore, #tpu.memory_space<semaphore_mem>>) {add = true}
      %sub3A_939 = arith.constant 4 : i32
      %sub3A_940 = arith.subi %add3A_908, %sub3A_939 : i32
      %dma_wait3A_941 = arith.constant 5 : i32
      %dma_wait3A_942 = arith.constant 0 : i32
      %dma_wait3A_943 = arith.constant 0 : i32
      %dma_wait3A_944 = tpu.memref_slice %arg6[%dma_wait3A_941, %dma_wait3A_942, %dma_wait3A_943] : memref<8x128x64xbf16, #tpu.memory_space<vmem>> -> memref<1x128x64xbf16, #tpu.memory_space<vmem>>
      %dma_wait3A_945 = tpu.memref_squeeze %dma_wait3A_944 : memref<1x128x64xbf16, #tpu.memory_space<vmem>> -> memref<128x64xbf16, #tpu.memory_space<vmem>>
      %dma_wait3A_946 = arith.constant 0 : i32
      %dma_wait3A_947 = arith.constant 0 : i32
      %dma_wait3A_948 = tpu.memref_slice %arg5[%scan3A_294, %dma_wait3A_946, %dma_wait3A_947] : memref<2x80x128xi32, #tpu.memory_space<vmem>> -> memref<1x80x128xi32, #tpu.memory_space<vmem>>
      %dma_wait3A_949 = tpu.memref_squeeze %dma_wait3A_948 : memref<1x80x128xi32, #tpu.memory_space<vmem>> -> memref<80x128xi32, #tpu.memory_space<vmem>>
      %dma_wait3A_950 = arith.constant 0 : i32
      %dma_wait3A_951 = tpu.memref_slice %dma_wait3A_949[%sub3A_940, %dma_wait3A_950] : memref<80x128xi32, #tpu.memory_space<vmem>> -> memref<1x128xi32, #tpu.memory_space<vmem>>
      %dma_wait3A_952 = tpu.memref_squeeze %dma_wait3A_951 : memref<1x128xi32, #tpu.memory_space<vmem>> -> memref<128xi32, #tpu.memory_space<vmem>>
      %dma_wait3A_953 = arith.constant 0 : i32
      %dma_wait3A_954 = arith.constant 0 : i32
      %dma_wait3A_955 = tpu.memref_slice %arg7[%dma_wait3A_953, %dma_wait3A_954] : memref<10240x64xbf16, #tpu.memory_space<vmem_shared>> -> memref<10240x64xbf16, #tpu.memory_space<vmem_shared>>
      tpu.wait_indirect_dma semaphore(%arg21 : memref<!tpu.dma_semaphore, #tpu.memory_space<semaphore_mem>>) src(%dma_wait3A_945 : memref<128x64xbf16, #tpu.memory_space<vmem>>) dst(%dma_wait3A_955 : memref<10240x64xbf16, #tpu.memory_space<vmem_shared>>)
      %add3A_956 = arith.constant 4 : i32
      %add3A_957 = arith.addi %add3A_908, %add3A_956 : i32
      %dma_start3A_958 = arith.constant 5 : i32
      %dma_start3A_959 = arith.constant 0 : i32
      %dma_start3A_960 = arith.constant 0 : i32
      %dma_start3A_961 = tpu.memref_slice %arg6[%dma_start3A_958, %dma_start3A_959, %dma_start3A_960] : memref<8x128x64xbf16, #tpu.memory_space<vmem>> -> memref<1x128x64xbf16, #tpu.memory_space<vmem>>
      %dma_start3A_962 = tpu.memref_squeeze %dma_start3A_961 : memref<1x128x64xbf16, #tpu.memory_space<vmem>> -> memref<128x64xbf16, #tpu.memory_space<vmem>>
      %dma_start3A_963 = arith.constant 0 : i32
      %dma_start3A_964 = arith.constant 0 : i32
      %dma_start3A_965 = tpu.memref_slice %arg5[%scan3A_293, %dma_start3A_963, %dma_start3A_964] : memref<2x80x128xi32, #tpu.memory_space<vmem>> -> memref<1x80x128xi32, #tpu.memory_space<vmem>>
      %dma_start3A_966 = tpu.memref_squeeze %dma_start3A_965 : memref<1x80x128xi32, #tpu.memory_space<vmem>> -> memref<80x128xi32, #tpu.memory_space<vmem>>
      %dma_start3A_967 = arith.constant 0 : i32
      %dma_start3A_968 = tpu.memref_slice %dma_start3A_966[%add3A_957, %dma_start3A_967] : memref<80x128xi32, #tpu.memory_space<vmem>> -> memref<1x128xi32, #tpu.memory_space<vmem>>
      %dma_start3A_969 = tpu.memref_squeeze %dma_start3A_968 : memref<1x128xi32, #tpu.memory_space<vmem>> -> memref<128xi32, #tpu.memory_space<vmem>>
      %dma_start3A_970 = arith.constant 0 : i32
      %dma_start3A_971 = arith.constant 0 : i32
      %dma_start3A_972 = tpu.memref_slice %arg2[%dma_start3A_970, %dma_start3A_971] : memref<10000x64xbf16, #tpu.memory_space<hbm>> -> memref<10000x64xbf16, #tpu.memory_space<hbm>>
      tpu.enqueue_indirect_dma source(%dma_start3A_972 : memref<10000x64xbf16, #tpu.memory_space<hbm>>) target(%dma_start3A_962 : memref<128x64xbf16, #tpu.memory_space<vmem>>) offsets(%dma_start3A_969 : memref<128xi32, #tpu.memory_space<vmem>>) semaphore(%arg13 : memref<!tpu.dma_semaphore, #tpu.memory_space<semaphore_mem>>)
      %add3A_973 = arith.constant 6 : i32
      %add3A_974 = arith.addi %add3A_577, %add3A_973 : i32
      %dma_wait3A_975 = arith.constant 2 : i32
      %dma_wait3A_976 = arith.constant 0 : i32
      %dma_wait3A_977 = arith.constant 0 : i32
      %dma_wait3A_978 = tpu.memref_slice %arg6[%dma_wait3A_975, %dma_wait3A_976, %dma_wait3A_977] : memref<8x128x64xbf16, #tpu.memory_space<vmem>> -> memref<1x128x64xbf16, #tpu.memory_space<vmem>>
      %dma_wait3A_979 = tpu.memref_squeeze %dma_wait3A_978 : memref<1x128x64xbf16, #tpu.memory_space<vmem>> -> memref<128x64xbf16, #tpu.memory_space<vmem>>
      %dma_wait3A_980 = arith.constant 0 : i32
      %dma_wait3A_981 = arith.constant 0 : i32
      %dma_wait3A_982 = tpu.memref_slice %arg5[%scan3A_293, %dma_wait3A_980, %dma_wait3A_981] : memref<2x80x128xi32, #tpu.memory_space<vmem>> -> memref<1x80x128xi32, #tpu.memory_space<vmem>>
      %dma_wait3A_983 = tpu.memref_squeeze %dma_wait3A_982 : memref<1x80x128xi32, #tpu.memory_space<vmem>> -> memref<80x128xi32, #tpu.memory_space<vmem>>
      %dma_wait3A_984 = arith.constant 0 : i32
      %dma_wait3A_985 = tpu.memref_slice %dma_wait3A_983[%add3A_974, %dma_wait3A_984] : memref<80x128xi32, #tpu.memory_space<vmem>> -> memref<1x128xi32, #tpu.memory_space<vmem>>
      %dma_wait3A_986 = tpu.memref_squeeze %dma_wait3A_985 : memref<1x128xi32, #tpu.memory_space<vmem>> -> memref<128xi32, #tpu.memory_space<vmem>>
      %dma_wait3A_987 = arith.constant 0 : i32
      %dma_wait3A_988 = arith.constant 0 : i32
      %dma_wait3A_989 = tpu.memref_slice %arg2[%dma_wait3A_987, %dma_wait3A_988] : memref<10000x64xbf16, #tpu.memory_space<hbm>> -> memref<10000x64xbf16, #tpu.memory_space<hbm>>
      tpu.wait_indirect_dma semaphore(%arg10 : memref<!tpu.dma_semaphore, #tpu.memory_space<semaphore_mem>>) src(%dma_wait3A_989 : memref<10000x64xbf16, #tpu.memory_space<hbm>>) dst(%dma_wait3A_979 : memref<128x64xbf16, #tpu.memory_space<vmem>>)
      %dma_start3A_990 = arith.constant 2 : i32
      %dma_start3A_991 = arith.constant 0 : i32
      %dma_start3A_992 = arith.constant 0 : i32
      %dma_start3A_993 = tpu.memref_slice %arg6[%dma_start3A_990, %dma_start3A_991, %dma_start3A_992] : memref<8x128x64xbf16, #tpu.memory_space<vmem>> -> memref<1x128x64xbf16, #tpu.memory_space<vmem>>
      %dma_start3A_994 = tpu.memref_squeeze %dma_start3A_993 : memref<1x128x64xbf16, #tpu.memory_space<vmem>> -> memref<128x64xbf16, #tpu.memory_space<vmem>>
      %dma_start3A_995 = arith.constant 0 : i32
      %dma_start3A_996 = arith.constant 0 : i32
      %dma_start3A_997 = tpu.memref_slice %arg5[%scan3A_294, %dma_start3A_995, %dma_start3A_996] : memref<2x80x128xi32, #tpu.memory_space<vmem>> -> memref<1x80x128xi32, #tpu.memory_space<vmem>>
      %dma_start3A_998 = tpu.memref_squeeze %dma_start3A_997 : memref<1x80x128xi32, #tpu.memory_space<vmem>> -> memref<80x128xi32, #tpu.memory_space<vmem>>
      %dma_start3A_999 = arith.constant 0 : i32
      %dma_start3A_1000 = tpu.memref_slice %dma_start3A_998[%add3A_974, %dma_start3A_999] : memref<80x128xi32, #tpu.memory_space<vmem>> -> memref<1x128xi32, #tpu.memory_space<vmem>>
      %dma_start3A_1001 = tpu.memref_squeeze %dma_start3A_1000 : memref<1x128xi32, #tpu.memory_space<vmem>> -> memref<128xi32, #tpu.memory_space<vmem>>
      %dma_start3A_1002 = arith.constant 0 : i32
      %dma_start3A_1003 = arith.constant 0 : i32
      %dma_start3A_1004 = tpu.memref_slice %arg7[%dma_start3A_1002, %dma_start3A_1003] : memref<10240x64xbf16, #tpu.memory_space<vmem_shared>> -> memref<10240x64xbf16, #tpu.memory_space<vmem_shared>>
      tpu.enqueue_indirect_dma source(%dma_start3A_994 : memref<128x64xbf16, #tpu.memory_space<vmem>>) target(%dma_start3A_1004 : memref<10240x64xbf16, #tpu.memory_space<vmem_shared>>) offsets(%dma_start3A_1001 : memref<128xi32, #tpu.memory_space<vmem>>) semaphore(%arg18 : memref<!tpu.dma_semaphore, #tpu.memory_space<semaphore_mem>>) {add = true}
      %sub3A_1005 = arith.constant 4 : i32
      %sub3A_1006 = arith.subi %add3A_974, %sub3A_1005 : i32
      %dma_wait3A_1007 = arith.constant 6 : i32
      %dma_wait3A_1008 = arith.constant 0 : i32
      %dma_wait3A_1009 = arith.constant 0 : i32
      %dma_wait3A_1010 = tpu.memref_slice %arg6[%dma_wait3A_1007, %dma_wait3A_1008, %dma_wait3A_1009] : memref<8x128x64xbf16, #tpu.memory_space<vmem>> -> memref<1x128x64xbf16, #tpu.memory_space<vmem>>
      %dma_wait3A_1011 = tpu.memref_squeeze %dma_wait3A_1010 : memref<1x128x64xbf16, #tpu.memory_space<vmem>> -> memref<128x64xbf16, #tpu.memory_space<vmem>>
      %dma_wait3A_1012 = arith.constant 0 : i32
      %dma_wait3A_1013 = arith.constant 0 : i32
      %dma_wait3A_1014 = tpu.memref_slice %arg5[%scan3A_294, %dma_wait3A_1012, %dma_wait3A_1013] : memref<2x80x128xi32, #tpu.memory_space<vmem>> -> memref<1x80x128xi32, #tpu.memory_space<vmem>>
      %dma_wait3A_1015 = tpu.memref_squeeze %dma_wait3A_1014 : memref<1x80x128xi32, #tpu.memory_space<vmem>> -> memref<80x128xi32, #tpu.memory_space<vmem>>
      %dma_wait3A_1016 = arith.constant 0 : i32
      %dma_wait3A_1017 = tpu.memref_slice %dma_wait3A_1015[%sub3A_1006, %dma_wait3A_1016] : memref<80x128xi32, #tpu.memory_space<vmem>> -> memref<1x128xi32, #tpu.memory_space<vmem>>
      %dma_wait3A_1018 = tpu.memref_squeeze %dma_wait3A_1017 : memref<1x128xi32, #tpu.memory_space<vmem>> -> memref<128xi32, #tpu.memory_space<vmem>>
      %dma_wait3A_1019 = arith.constant 0 : i32
      %dma_wait3A_1020 = arith.constant 0 : i32
      %dma_wait3A_1021 = tpu.memref_slice %arg7[%dma_wait3A_1019, %dma_wait3A_1020] : memref<10240x64xbf16, #tpu.memory_space<vmem_shared>> -> memref<10240x64xbf16, #tpu.memory_space<vmem_shared>>
      tpu.wait_indirect_dma semaphore(%arg22 : memref<!tpu.dma_semaphore, #tpu.memory_space<semaphore_mem>>) src(%dma_wait3A_1011 : memref<128x64xbf16, #tpu.memory_space<vmem>>) dst(%dma_wait3A_1021 : memref<10240x64xbf16, #tpu.memory_space<vmem_shared>>)
      %add3A_1022 = arith.constant 4 : i32
      %add3A_1023 = arith.addi %add3A_974, %add3A_1022 : i32
      %dma_start3A_1024 = arith.constant 6 : i32
      %dma_start3A_1025 = arith.constant 0 : i32
      %dma_start3A_1026 = arith.constant 0 : i32
      %dma_start3A_1027 = tpu.memref_slice %arg6[%dma_start3A_1024, %dma_start3A_1025, %dma_start3A_1026] : memref<8x128x64xbf16, #tpu.memory_space<vmem>> -> memref<1x128x64xbf16, #tpu.memory_space<vmem>>
      %dma_start3A_1028 = tpu.memref_squeeze %dma_start3A_1027 : memref<1x128x64xbf16, #tpu.memory_space<vmem>> -> memref<128x64xbf16, #tpu.memory_space<vmem>>
      %dma_start3A_1029 = arith.constant 0 : i32
      %dma_start3A_1030 = arith.constant 0 : i32
      %dma_start3A_1031 = tpu.memref_slice %arg5[%scan3A_293, %dma_start3A_1029, %dma_start3A_1030] : memref<2x80x128xi32, #tpu.memory_space<vmem>> -> memref<1x80x128xi32, #tpu.memory_space<vmem>>
      %dma_start3A_1032 = tpu.memref_squeeze %dma_start3A_1031 : memref<1x80x128xi32, #tpu.memory_space<vmem>> -> memref<80x128xi32, #tpu.memory_space<vmem>>
      %dma_start3A_1033 = arith.constant 0 : i32
      %dma_start3A_1034 = tpu.memref_slice %dma_start3A_1032[%add3A_1023, %dma_start3A_1033] : memref<80x128xi32, #tpu.memory_space<vmem>> -> memref<1x128xi32, #tpu.memory_space<vmem>>
      %dma_start3A_1035 = tpu.memref_squeeze %dma_start3A_1034 : memref<1x128xi32, #tpu.memory_space<vmem>> -> memref<128xi32, #tpu.memory_space<vmem>>
      %dma_start3A_1036 = arith.constant 0 : i32
      %dma_start3A_1037 = arith.constant 0 : i32
      %dma_start3A_1038 = tpu.memref_slice %arg2[%dma_start3A_1036, %dma_start3A_1037] : memref<10000x64xbf16, #tpu.memory_space<hbm>> -> memref<10000x64xbf16, #tpu.memory_space<hbm>>
      tpu.enqueue_indirect_dma source(%dma_start3A_1038 : memref<10000x64xbf16, #tpu.memory_space<hbm>>) target(%dma_start3A_1028 : memref<128x64xbf16, #tpu.memory_space<vmem>>) offsets(%dma_start3A_1035 : memref<128xi32, #tpu.memory_space<vmem>>) semaphore(%arg14 : memref<!tpu.dma_semaphore, #tpu.memory_space<semaphore_mem>>)
      %add3A_1039 = arith.constant 7 : i32
      %add3A_1040 = arith.addi %add3A_577, %add3A_1039 : i32
      %dma_wait3A_1041 = arith.constant 3 : i32
      %dma_wait3A_1042 = arith.constant 0 : i32
      %dma_wait3A_1043 = arith.constant 0 : i32
      %dma_wait3A_1044 = tpu.memref_slice %arg6[%dma_wait3A_1041, %dma_wait3A_1042, %dma_wait3A_1043] : memref<8x128x64xbf16, #tpu.memory_space<vmem>> -> memref<1x128x64xbf16, #tpu.memory_space<vmem>>
      %dma_wait3A_1045 = tpu.memref_squeeze %dma_wait3A_1044 : memref<1x128x64xbf16, #tpu.memory_space<vmem>> -> memref<128x64xbf16, #tpu.memory_space<vmem>>
      %dma_wait3A_1046 = arith.constant 0 : i32
      %dma_wait3A_1047 = arith.constant 0 : i32
      %dma_wait3A_1048 = tpu.memref_slice %arg5[%scan3A_293, %dma_wait3A_1046, %dma_wait3A_1047] : memref<2x80x128xi32, #tpu.memory_space<vmem>> -> memref<1x80x128xi32, #tpu.memory_space<vmem>>
      %dma_wait3A_1049 = tpu.memref_squeeze %dma_wait3A_1048 : memref<1x80x128xi32, #tpu.memory_space<vmem>> -> memref<80x128xi32, #tpu.memory_space<vmem>>
      %dma_wait3A_1050 = arith.constant 0 : i32
      %dma_wait3A_1051 = tpu.memref_slice %dma_wait3A_1049[%add3A_1040, %dma_wait3A_1050] : memref<80x128xi32, #tpu.memory_space<vmem>> -> memref<1x128xi32, #tpu.memory_space<vmem>>
      %dma_wait3A_1052 = tpu.memref_squeeze %dma_wait3A_1051 : memref<1x128xi32, #tpu.memory_space<vmem>> -> memref<128xi32, #tpu.memory_space<vmem>>
      %dma_wait3A_1053 = arith.constant 0 : i32
      %dma_wait3A_1054 = arith.constant 0 : i32
      %dma_wait3A_1055 = tpu.memref_slice %arg2[%dma_wait3A_1053, %dma_wait3A_1054] : memref<10000x64xbf16, #tpu.memory_space<hbm>> -> memref<10000x64xbf16, #tpu.memory_space<hbm>>
      tpu.wait_indirect_dma semaphore(%arg11 : memref<!tpu.dma_semaphore, #tpu.memory_space<semaphore_mem>>) src(%dma_wait3A_1055 : memref<10000x64xbf16, #tpu.memory_space<hbm>>) dst(%dma_wait3A_1045 : memref<128x64xbf16, #tpu.memory_space<vmem>>)
      %dma_start3A_1056 = arith.constant 3 : i32
      %dma_start3A_1057 = arith.constant 0 : i32
      %dma_start3A_1058 = arith.constant 0 : i32
      %dma_start3A_1059 = tpu.memref_slice %arg6[%dma_start3A_1056, %dma_start3A_1057, %dma_start3A_1058] : memref<8x128x64xbf16, #tpu.memory_space<vmem>> -> memref<1x128x64xbf16, #tpu.memory_space<vmem>>
      %dma_start3A_1060 = tpu.memref_squeeze %dma_start3A_1059 : memref<1x128x64xbf16, #tpu.memory_space<vmem>> -> memref<128x64xbf16, #tpu.memory_space<vmem>>
      %dma_start3A_1061 = arith.constant 0 : i32
      %dma_start3A_1062 = arith.constant 0 : i32
      %dma_start3A_1063 = tpu.memref_slice %arg5[%scan3A_294, %dma_start3A_1061, %dma_start3A_1062] : memref<2x80x128xi32, #tpu.memory_space<vmem>> -> memref<1x80x128xi32, #tpu.memory_space<vmem>>
      %dma_start3A_1064 = tpu.memref_squeeze %dma_start3A_1063 : memref<1x80x128xi32, #tpu.memory_space<vmem>> -> memref<80x128xi32, #tpu.memory_space<vmem>>
      %dma_start3A_1065 = arith.constant 0 : i32
      %dma_start3A_1066 = tpu.memref_slice %dma_start3A_1064[%add3A_1040, %dma_start3A_1065] : memref<80x128xi32, #tpu.memory_space<vmem>> -> memref<1x128xi32, #tpu.memory_space<vmem>>
      %dma_start3A_1067 = tpu.memref_squeeze %dma_start3A_1066 : memref<1x128xi32, #tpu.memory_space<vmem>> -> memref<128xi32, #tpu.memory_space<vmem>>
      %dma_start3A_1068 = arith.constant 0 : i32
      %dma_start3A_1069 = arith.constant 0 : i32
      %dma_start3A_1070 = tpu.memref_slice %arg7[%dma_start3A_1068, %dma_start3A_1069] : memref<10240x64xbf16, #tpu.memory_space<vmem_shared>> -> memref<10240x64xbf16, #tpu.memory_space<vmem_shared>>
      tpu.enqueue_indirect_dma source(%dma_start3A_1060 : memref<128x64xbf16, #tpu.memory_space<vmem>>) target(%dma_start3A_1070 : memref<10240x64xbf16, #tpu.memory_space<vmem_shared>>) offsets(%dma_start3A_1067 : memref<128xi32, #tpu.memory_space<vmem>>) semaphore(%arg19 : memref<!tpu.dma_semaphore, #tpu.memory_space<semaphore_mem>>) {add = true}
      %sub3A_1071 = arith.constant 4 : i32
      %sub3A_1072 = arith.subi %add3A_1040, %sub3A_1071 : i32
      %dma_wait3A_1073 = arith.constant 7 : i32
      %dma_wait3A_1074 = arith.constant 0 : i32
      %dma_wait3A_1075 = arith.constant 0 : i32
      %dma_wait3A_1076 = tpu.memref_slice %arg6[%dma_wait3A_1073, %dma_wait3A_1074, %dma_wait3A_1075] : memref<8x128x64xbf16, #tpu.memory_space<vmem>> -> memref<1x128x64xbf16, #tpu.memory_space<vmem>>
      %dma_wait3A_1077 = tpu.memref_squeeze %dma_wait3A_1076 : memref<1x128x64xbf16, #tpu.memory_space<vmem>> -> memref<128x64xbf16, #tpu.memory_space<vmem>>
      %dma_wait3A_1078 = arith.constant 0 : i32
      %dma_wait3A_1079 = arith.constant 0 : i32
      %dma_wait3A_1080 = tpu.memref_slice %arg5[%scan3A_294, %dma_wait3A_1078, %dma_wait3A_1079] : memref<2x80x128xi32, #tpu.memory_space<vmem>> -> memref<1x80x128xi32, #tpu.memory_space<vmem>>
      %dma_wait3A_1081 = tpu.memref_squeeze %dma_wait3A_1080 : memref<1x80x128xi32, #tpu.memory_space<vmem>> -> memref<80x128xi32, #tpu.memory_space<vmem>>
      %dma_wait3A_1082 = arith.constant 0 : i32
      %dma_wait3A_1083 = tpu.memref_slice %dma_wait3A_1081[%sub3A_1072, %dma_wait3A_1082] : memref<80x128xi32, #tpu.memory_space<vmem>> -> memref<1x128xi32, #tpu.memory_space<vmem>>
      %dma_wait3A_1084 = tpu.memref_squeeze %dma_wait3A_1083 : memref<1x128xi32, #tpu.memory_space<vmem>> -> memref<128xi32, #tpu.memory_space<vmem>>
      %dma_wait3A_1085 = arith.constant 0 : i32
      %dma_wait3A_1086 = arith.constant 0 : i32
      %dma_wait3A_1087 = tpu.memref_slice %arg7[%dma_wait3A_1085, %dma_wait3A_1086] : memref<10240x64xbf16, #tpu.memory_space<vmem_shared>> -> memref<10240x64xbf16, #tpu.memory_space<vmem_shared>>
      tpu.wait_indirect_dma semaphore(%arg23 : memref<!tpu.dma_semaphore, #tpu.memory_space<semaphore_mem>>) src(%dma_wait3A_1077 : memref<128x64xbf16, #tpu.memory_space<vmem>>) dst(%dma_wait3A_1087 : memref<10240x64xbf16, #tpu.memory_space<vmem_shared>>)
      %add3A_1088 = arith.constant 4 : i32
      %add3A_1089 = arith.addi %add3A_1040, %add3A_1088 : i32
      %dma_start3A_1090 = arith.constant 7 : i32
      %dma_start3A_1091 = arith.constant 0 : i32
      %dma_start3A_1092 = arith.constant 0 : i32
      %dma_start3A_1093 = tpu.memref_slice %arg6[%dma_start3A_1090, %dma_start3A_1091, %dma_start3A_1092] : memref<8x128x64xbf16, #tpu.memory_space<vmem>> -> memref<1x128x64xbf16, #tpu.memory_space<vmem>>
      %dma_start3A_1094 = tpu.memref_squeeze %dma_start3A_1093 : memref<1x128x64xbf16, #tpu.memory_space<vmem>> -> memref<128x64xbf16, #tpu.memory_space<vmem>>
      %dma_start3A_1095 = arith.constant 0 : i32
      %dma_start3A_1096 = arith.constant 0 : i32
      %dma_start3A_1097 = tpu.memref_slice %arg5[%scan3A_293, %dma_start3A_1095, %dma_start3A_1096] : memref<2x80x128xi32, #tpu.memory_space<vmem>> -> memref<1x80x128xi32, #tpu.memory_space<vmem>>
      %dma_start3A_1098 = tpu.memref_squeeze %dma_start3A_1097 : memref<1x80x128xi32, #tpu.memory_space<vmem>> -> memref<80x128xi32, #tpu.memory_space<vmem>>
      %dma_start3A_1099 = arith.constant 0 : i32
      %dma_start3A_1100 = tpu.memref_slice %dma_start3A_1098[%add3A_1089, %dma_start3A_1099] : memref<80x128xi32, #tpu.memory_space<vmem>> -> memref<1x128xi32, #tpu.memory_space<vmem>>
      %dma_start3A_1101 = tpu.memref_squeeze %dma_start3A_1100 : memref<1x128xi32, #tpu.memory_space<vmem>> -> memref<128xi32, #tpu.memory_space<vmem>>
      %dma_start3A_1102 = arith.constant 0 : i32
      %dma_start3A_1103 = arith.constant 0 : i32
      %dma_start3A_1104 = tpu.memref_slice %arg2[%dma_start3A_1102, %dma_start3A_1103] : memref<10000x64xbf16, #tpu.memory_space<hbm>> -> memref<10000x64xbf16, #tpu.memory_space<hbm>>
      tpu.enqueue_indirect_dma source(%dma_start3A_1104 : memref<10000x64xbf16, #tpu.memory_space<hbm>>) target(%dma_start3A_1094 : memref<128x64xbf16, #tpu.memory_space<vmem>>) offsets(%dma_start3A_1101 : memref<128xi32, #tpu.memory_space<vmem>>) semaphore(%arg15 : memref<!tpu.dma_semaphore, #tpu.memory_space<semaphore_mem>>)
    }
    %scan3A_299 = arith.constant 9 : i32
    %dma_wait3A_300 = arith.constant 0 : i32
    %dma_wait3A_301 = arith.constant 76 : i32
    %dma_wait3A_302 = arith.constant 4 : i32
    %dma_wait3A_303 = arith.constant 0 : i32
    %dma_wait3A_304 = arith.constant 0 : i32
    %dma_wait3A_305 = tpu.memref_slice %arg6[%dma_wait3A_302, %dma_wait3A_303, %dma_wait3A_304] : memref<8x128x64xbf16, #tpu.memory_space<vmem>> -> memref<1x128x64xbf16, #tpu.memory_space<vmem>>
    %dma_wait3A_306 = tpu.memref_squeeze %dma_wait3A_305 : memref<1x128x64xbf16, #tpu.memory_space<vmem>> -> memref<128x64xbf16, #tpu.memory_space<vmem>>
    %dma_wait3A_307 = arith.constant 0 : i32
    %dma_wait3A_308 = arith.constant 0 : i32
    %dma_wait3A_309 = tpu.memref_slice %arg5[%dma_wait3A_300, %dma_wait3A_307, %dma_wait3A_308] : memref<2x80x128xi32, #tpu.memory_space<vmem>> -> memref<1x80x128xi32, #tpu.memory_space<vmem>>
    %dma_wait3A_310 = tpu.memref_squeeze %dma_wait3A_309 : memref<1x80x128xi32, #tpu.memory_space<vmem>> -> memref<80x128xi32, #tpu.memory_space<vmem>>
    %dma_wait3A_311 = arith.constant 0 : i32
    %dma_wait3A_312 = tpu.memref_slice %dma_wait3A_310[%dma_wait3A_301, %dma_wait3A_311] : memref<80x128xi32, #tpu.memory_space<vmem>> -> memref<1x128xi32, #tpu.memory_space<vmem>>
    %dma_wait3A_313 = tpu.memref_squeeze %dma_wait3A_312 : memref<1x128xi32, #tpu.memory_space<vmem>> -> memref<128xi32, #tpu.memory_space<vmem>>
    %dma_wait3A_314 = arith.constant 0 : i32
    %dma_wait3A_315 = arith.constant 0 : i32
    %dma_wait3A_316 = tpu.memref_slice %arg2[%dma_wait3A_314, %dma_wait3A_315] : memref<10000x64xbf16, #tpu.memory_space<hbm>> -> memref<10000x64xbf16, #tpu.memory_space<hbm>>
    tpu.wait_indirect_dma semaphore(%arg12 : memref<!tpu.dma_semaphore, #tpu.memory_space<semaphore_mem>>) src(%dma_wait3A_316 : memref<10000x64xbf16, #tpu.memory_space<hbm>>) dst(%dma_wait3A_306 : memref<128x64xbf16, #tpu.memory_space<vmem>>)
    %dma_start3A_317 = arith.constant 4 : i32
    %dma_start3A_318 = arith.constant 1 : i32
    %dma_start3A_319 = arith.constant 76 : i32
    %dma_start3A_320 = arith.constant 0 : i32
    %dma_start3A_321 = arith.constant 0 : i32
    %dma_start3A_322 = tpu.memref_slice %arg6[%dma_start3A_317, %dma_start3A_320, %dma_start3A_321] : memref<8x128x64xbf16, #tpu.memory_space<vmem>> -> memref<1x128x64xbf16, #tpu.memory_space<vmem>>
    %dma_start3A_323 = tpu.memref_squeeze %dma_start3A_322 : memref<1x128x64xbf16, #tpu.memory_space<vmem>> -> memref<128x64xbf16, #tpu.memory_space<vmem>>
    %dma_start3A_324 = arith.constant 0 : i32
    %dma_start3A_325 = arith.constant 0 : i32
    %dma_start3A_326 = tpu.memref_slice %arg5[%dma_start3A_318, %dma_start3A_324, %dma_start3A_325] : memref<2x80x128xi32, #tpu.memory_space<vmem>> -> memref<1x80x128xi32, #tpu.memory_space<vmem>>
    %dma_start3A_327 = tpu.memref_squeeze %dma_start3A_326 : memref<1x80x128xi32, #tpu.memory_space<vmem>> -> memref<80x128xi32, #tpu.memory_space<vmem>>
    %dma_start3A_328 = arith.constant 0 : i32
    %dma_start3A_329 = tpu.memref_slice %dma_start3A_327[%dma_start3A_319, %dma_start3A_328] : memref<80x128xi32, #tpu.memory_space<vmem>> -> memref<1x128xi32, #tpu.memory_space<vmem>>
    %dma_start3A_330 = tpu.memref_squeeze %dma_start3A_329 : memref<1x128xi32, #tpu.memory_space<vmem>> -> memref<128xi32, #tpu.memory_space<vmem>>
    %dma_start3A_331 = arith.constant 0 : i32
    %dma_start3A_332 = arith.constant 0 : i32
    %dma_start3A_333 = tpu.memref_slice %arg7[%dma_start3A_331, %dma_start3A_332] : memref<10240x64xbf16, #tpu.memory_space<vmem_shared>> -> memref<10240x64xbf16, #tpu.memory_space<vmem_shared>>
    tpu.enqueue_indirect_dma source(%dma_start3A_323 : memref<128x64xbf16, #tpu.memory_space<vmem>>) target(%dma_start3A_333 : memref<10240x64xbf16, #tpu.memory_space<vmem_shared>>) offsets(%dma_start3A_330 : memref<128xi32, #tpu.memory_space<vmem>>) semaphore(%arg20 : memref<!tpu.dma_semaphore, #tpu.memory_space<semaphore_mem>>) {add = true}
    %dma_wait3A_334 = arith.constant 0 : i32
    %dma_wait3A_335 = arith.constant 1 : i32
    %dma_wait3A_336 = arith.constant 72 : i32
    %dma_wait3A_337 = arith.constant 0 : i32
    %dma_wait3A_338 = arith.constant 0 : i32
    %dma_wait3A_339 = tpu.memref_slice %arg6[%dma_wait3A_334, %dma_wait3A_337, %dma_wait3A_338] : memref<8x128x64xbf16, #tpu.memory_space<vmem>> -> memref<1x128x64xbf16, #tpu.memory_space<vmem>>
    %dma_wait3A_340 = tpu.memref_squeeze %dma_wait3A_339 : memref<1x128x64xbf16, #tpu.memory_space<vmem>> -> memref<128x64xbf16, #tpu.memory_space<vmem>>
    %dma_wait3A_341 = arith.constant 0 : i32
    %dma_wait3A_342 = arith.constant 0 : i32
    %dma_wait3A_343 = tpu.memref_slice %arg5[%dma_wait3A_335, %dma_wait3A_341, %dma_wait3A_342] : memref<2x80x128xi32, #tpu.memory_space<vmem>> -> memref<1x80x128xi32, #tpu.memory_space<vmem>>
    %dma_wait3A_344 = tpu.memref_squeeze %dma_wait3A_343 : memref<1x80x128xi32, #tpu.memory_space<vmem>> -> memref<80x128xi32, #tpu.memory_space<vmem>>
    %dma_wait3A_345 = arith.constant 0 : i32
    %dma_wait3A_346 = tpu.memref_slice %dma_wait3A_344[%dma_wait3A_336, %dma_wait3A_345] : memref<80x128xi32, #tpu.memory_space<vmem>> -> memref<1x128xi32, #tpu.memory_space<vmem>>
    %dma_wait3A_347 = tpu.memref_squeeze %dma_wait3A_346 : memref<1x128xi32, #tpu.memory_space<vmem>> -> memref<128xi32, #tpu.memory_space<vmem>>
    %dma_wait3A_348 = arith.constant 0 : i32
    %dma_wait3A_349 = arith.constant 0 : i32
    %dma_wait3A_350 = tpu.memref_slice %arg7[%dma_wait3A_348, %dma_wait3A_349] : memref<10240x64xbf16, #tpu.memory_space<vmem_shared>> -> memref<10240x64xbf16, #tpu.memory_space<vmem_shared>>
    tpu.wait_indirect_dma semaphore(%arg16 : memref<!tpu.dma_semaphore, #tpu.memory_space<semaphore_mem>>) src(%dma_wait3A_340 : memref<128x64xbf16, #tpu.memory_space<vmem>>) dst(%dma_wait3A_350 : memref<10240x64xbf16, #tpu.memory_space<vmem_shared>>)
    %dma_wait3A_351 = arith.constant 0 : i32
    %dma_wait3A_352 = arith.constant 77 : i32
    %dma_wait3A_353 = arith.constant 5 : i32
    %dma_wait3A_354 = arith.constant 0 : i32
    %dma_wait3A_355 = arith.constant 0 : i32
    %dma_wait3A_356 = tpu.memref_slice %arg6[%dma_wait3A_353, %dma_wait3A_354, %dma_wait3A_355] : memref<8x128x64xbf16, #tpu.memory_space<vmem>> -> memref<1x128x64xbf16, #tpu.memory_space<vmem>>
    %dma_wait3A_357 = tpu.memref_squeeze %dma_wait3A_356 : memref<1x128x64xbf16, #tpu.memory_space<vmem>> -> memref<128x64xbf16, #tpu.memory_space<vmem>>
    %dma_wait3A_358 = arith.constant 0 : i32
    %dma_wait3A_359 = arith.constant 0 : i32
    %dma_wait3A_360 = tpu.memref_slice %arg5[%dma_wait3A_351, %dma_wait3A_358, %dma_wait3A_359] : memref<2x80x128xi32, #tpu.memory_space<vmem>> -> memref<1x80x128xi32, #tpu.memory_space<vmem>>
    %dma_wait3A_361 = tpu.memref_squeeze %dma_wait3A_360 : memref<1x80x128xi32, #tpu.memory_space<vmem>> -> memref<80x128xi32, #tpu.memory_space<vmem>>
    %dma_wait3A_362 = arith.constant 0 : i32
    %dma_wait3A_363 = tpu.memref_slice %dma_wait3A_361[%dma_wait3A_352, %dma_wait3A_362] : memref<80x128xi32, #tpu.memory_space<vmem>> -> memref<1x128xi32, #tpu.memory_space<vmem>>
    %dma_wait3A_364 = tpu.memref_squeeze %dma_wait3A_363 : memref<1x128xi32, #tpu.memory_space<vmem>> -> memref<128xi32, #tpu.memory_space<vmem>>
    %dma_wait3A_365 = arith.constant 0 : i32
    %dma_wait3A_366 = arith.constant 0 : i32
    %dma_wait3A_367 = tpu.memref_slice %arg2[%dma_wait3A_365, %dma_wait3A_366] : memref<10000x64xbf16, #tpu.memory_space<hbm>> -> memref<10000x64xbf16, #tpu.memory_space<hbm>>
    tpu.wait_indirect_dma semaphore(%arg13 : memref<!tpu.dma_semaphore, #tpu.memory_space<semaphore_mem>>) src(%dma_wait3A_367 : memref<10000x64xbf16, #tpu.memory_space<hbm>>) dst(%dma_wait3A_357 : memref<128x64xbf16, #tpu.memory_space<vmem>>)
    %dma_start3A_368 = arith.constant 5 : i32
    %dma_start3A_369 = arith.constant 1 : i32
    %dma_start3A_370 = arith.constant 77 : i32
    %dma_start3A_371 = arith.constant 0 : i32
    %dma_start3A_372 = arith.constant 0 : i32
    %dma_start3A_373 = tpu.memref_slice %arg6[%dma_start3A_368, %dma_start3A_371, %dma_start3A_372] : memref<8x128x64xbf16, #tpu.memory_space<vmem>> -> memref<1x128x64xbf16, #tpu.memory_space<vmem>>
    %dma_start3A_374 = tpu.memref_squeeze %dma_start3A_373 : memref<1x128x64xbf16, #tpu.memory_space<vmem>> -> memref<128x64xbf16, #tpu.memory_space<vmem>>
    %dma_start3A_375 = arith.constant 0 : i32
    %dma_start3A_376 = arith.constant 0 : i32
    %dma_start3A_377 = tpu.memref_slice %arg5[%dma_start3A_369, %dma_start3A_375, %dma_start3A_376] : memref<2x80x128xi32, #tpu.memory_space<vmem>> -> memref<1x80x128xi32, #tpu.memory_space<vmem>>
    %dma_start3A_378 = tpu.memref_squeeze %dma_start3A_377 : memref<1x80x128xi32, #tpu.memory_space<vmem>> -> memref<80x128xi32, #tpu.memory_space<vmem>>
    %dma_start3A_379 = arith.constant 0 : i32
    %dma_start3A_380 = tpu.memref_slice %dma_start3A_378[%dma_start3A_370, %dma_start3A_379] : memref<80x128xi32, #tpu.memory_space<vmem>> -> memref<1x128xi32, #tpu.memory_space<vmem>>
    %dma_start3A_381 = tpu.memref_squeeze %dma_start3A_380 : memref<1x128xi32, #tpu.memory_space<vmem>> -> memref<128xi32, #tpu.memory_space<vmem>>
    %dma_start3A_382 = arith.constant 0 : i32
    %dma_start3A_383 = arith.constant 0 : i32
    %dma_start3A_384 = tpu.memref_slice %arg7[%dma_start3A_382, %dma_start3A_383] : memref<10240x64xbf16, #tpu.memory_space<vmem_shared>> -> memref<10240x64xbf16, #tpu.memory_space<vmem_shared>>
    tpu.enqueue_indirect_dma source(%dma_start3A_374 : memref<128x64xbf16, #tpu.memory_space<vmem>>) target(%dma_start3A_384 : memref<10240x64xbf16, #tpu.memory_space<vmem_shared>>) offsets(%dma_start3A_381 : memref<128xi32, #tpu.memory_space<vmem>>) semaphore(%arg21 : memref<!tpu.dma_semaphore, #tpu.memory_space<semaphore_mem>>) {add = true}
    %dma_wait3A_385 = arith.constant 1 : i32
    %dma_wait3A_386 = arith.constant 1 : i32
    %dma_wait3A_387 = arith.constant 73 : i32
    %dma_wait3A_388 = arith.constant 0 : i32
    %dma_wait3A_389 = arith.constant 0 : i32
    %dma_wait3A_390 = tpu.memref_slice %arg6[%dma_wait3A_385, %dma_wait3A_388, %dma_wait3A_389] : memref<8x128x64xbf16, #tpu.memory_space<vmem>> -> memref<1x128x64xbf16, #tpu.memory_space<vmem>>
    %dma_wait3A_391 = tpu.memref_squeeze %dma_wait3A_390 : memref<1x128x64xbf16, #tpu.memory_space<vmem>> -> memref<128x64xbf16, #tpu.memory_space<vmem>>
    %dma_wait3A_392 = arith.constant 0 : i32
    %dma_wait3A_393 = arith.constant 0 : i32
    %dma_wait3A_394 = tpu.memref_slice %arg5[%dma_wait3A_386, %dma_wait3A_392, %dma_wait3A_393] : memref<2x80x128xi32, #tpu.memory_space<vmem>> -> memref<1x80x128xi32, #tpu.memory_space<vmem>>
    %dma_wait3A_395 = tpu.memref_squeeze %dma_wait3A_394 : memref<1x80x128xi32, #tpu.memory_space<vmem>> -> memref<80x128xi32, #tpu.memory_space<vmem>>
    %dma_wait3A_396 = arith.constant 0 : i32
    %dma_wait3A_397 = tpu.memref_slice %dma_wait3A_395[%dma_wait3A_387, %dma_wait3A_396] : memref<80x128xi32, #tpu.memory_space<vmem>> -> memref<1x128xi32, #tpu.memory_space<vmem>>
    %dma_wait3A_398 = tpu.memref_squeeze %dma_wait3A_397 : memref<1x128xi32, #tpu.memory_space<vmem>> -> memref<128xi32, #tpu.memory_space<vmem>>
    %dma_wait3A_399 = arith.constant 0 : i32
    %dma_wait3A_400 = arith.constant 0 : i32
    %dma_wait3A_401 = tpu.memref_slice %arg7[%dma_wait3A_399, %dma_wait3A_400] : memref<10240x64xbf16, #tpu.memory_space<vmem_shared>> -> memref<10240x64xbf16, #tpu.memory_space<vmem_shared>>
    tpu.wait_indirect_dma semaphore(%arg17 : memref<!tpu.dma_semaphore, #tpu.memory_space<semaphore_mem>>) src(%dma_wait3A_391 : memref<128x64xbf16, #tpu.memory_space<vmem>>) dst(%dma_wait3A_401 : memref<10240x64xbf16, #tpu.memory_space<vmem_shared>>)
    %dma_wait3A_402 = arith.constant 0 : i32
    %dma_wait3A_403 = arith.constant 78 : i32
    %dma_wait3A_404 = arith.constant 6 : i32
    %dma_wait3A_405 = arith.constant 0 : i32
    %dma_wait3A_406 = arith.constant 0 : i32
    %dma_wait3A_407 = tpu.memref_slice %arg6[%dma_wait3A_404, %dma_wait3A_405, %dma_wait3A_406] : memref<8x128x64xbf16, #tpu.memory_space<vmem>> -> memref<1x128x64xbf16, #tpu.memory_space<vmem>>
    %dma_wait3A_408 = tpu.memref_squeeze %dma_wait3A_407 : memref<1x128x64xbf16, #tpu.memory_space<vmem>> -> memref<128x64xbf16, #tpu.memory_space<vmem>>
    %dma_wait3A_409 = arith.constant 0 : i32
    %dma_wait3A_410 = arith.constant 0 : i32
    %dma_wait3A_411 = tpu.memref_slice %arg5[%dma_wait3A_402, %dma_wait3A_409, %dma_wait3A_410] : memref<2x80x128xi32, #tpu.memory_space<vmem>> -> memref<1x80x128xi32, #tpu.memory_space<vmem>>
    %dma_wait3A_412 = tpu.memref_squeeze %dma_wait3A_411 : memref<1x80x128xi32, #tpu.memory_space<vmem>> -> memref<80x128xi32, #tpu.memory_space<vmem>>
    %dma_wait3A_413 = arith.constant 0 : i32
    %dma_wait3A_414 = tpu.memref_slice %dma_wait3A_412[%dma_wait3A_403, %dma_wait3A_413] : memref<80x128xi32, #tpu.memory_space<vmem>> -> memref<1x128xi32, #tpu.memory_space<vmem>>
    %dma_wait3A_415 = tpu.memref_squeeze %dma_wait3A_414 : memref<1x128xi32, #tpu.memory_space<vmem>> -> memref<128xi32, #tpu.memory_space<vmem>>
    %dma_wait3A_416 = arith.constant 0 : i32
    %dma_wait3A_417 = arith.constant 0 : i32
    %dma_wait3A_418 = tpu.memref_slice %arg2[%dma_wait3A_416, %dma_wait3A_417] : memref<10000x64xbf16, #tpu.memory_space<hbm>> -> memref<10000x64xbf16, #tpu.memory_space<hbm>>
    tpu.wait_indirect_dma semaphore(%arg14 : memref<!tpu.dma_semaphore, #tpu.memory_space<semaphore_mem>>) src(%dma_wait3A_418 : memref<10000x64xbf16, #tpu.memory_space<hbm>>) dst(%dma_wait3A_408 : memref<128x64xbf16, #tpu.memory_space<vmem>>)
    %dma_start3A_419 = arith.constant 6 : i32
    %dma_start3A_420 = arith.constant 1 : i32
    %dma_start3A_421 = arith.constant 78 : i32
    %dma_start3A_422 = arith.constant 0 : i32
    %dma_start3A_423 = arith.constant 0 : i32
    %dma_start3A_424 = tpu.memref_slice %arg6[%dma_start3A_419, %dma_start3A_422, %dma_start3A_423] : memref<8x128x64xbf16, #tpu.memory_space<vmem>> -> memref<1x128x64xbf16, #tpu.memory_space<vmem>>
    %dma_start3A_425 = tpu.memref_squeeze %dma_start3A_424 : memref<1x128x64xbf16, #tpu.memory_space<vmem>> -> memref<128x64xbf16, #tpu.memory_space<vmem>>
    %dma_start3A_426 = arith.constant 0 : i32
    %dma_start3A_427 = arith.constant 0 : i32
    %dma_start3A_428 = tpu.memref_slice %arg5[%dma_start3A_420, %dma_start3A_426, %dma_start3A_427] : memref<2x80x128xi32, #tpu.memory_space<vmem>> -> memref<1x80x128xi32, #tpu.memory_space<vmem>>
    %dma_start3A_429 = tpu.memref_squeeze %dma_start3A_428 : memref<1x80x128xi32, #tpu.memory_space<vmem>> -> memref<80x128xi32, #tpu.memory_space<vmem>>
    %dma_start3A_430 = arith.constant 0 : i32
    %dma_start3A_431 = tpu.memref_slice %dma_start3A_429[%dma_start3A_421, %dma_start3A_430] : memref<80x128xi32, #tpu.memory_space<vmem>> -> memref<1x128xi32, #tpu.memory_space<vmem>>
    %dma_start3A_432 = tpu.memref_squeeze %dma_start3A_431 : memref<1x128xi32, #tpu.memory_space<vmem>> -> memref<128xi32, #tpu.memory_space<vmem>>
    %dma_start3A_433 = arith.constant 0 : i32
    %dma_start3A_434 = arith.constant 0 : i32
    %dma_start3A_435 = tpu.memref_slice %arg7[%dma_start3A_433, %dma_start3A_434] : memref<10240x64xbf16, #tpu.memory_space<vmem_shared>> -> memref<10240x64xbf16, #tpu.memory_space<vmem_shared>>
    tpu.enqueue_indirect_dma source(%dma_start3A_425 : memref<128x64xbf16, #tpu.memory_space<vmem>>) target(%dma_start3A_435 : memref<10240x64xbf16, #tpu.memory_space<vmem_shared>>) offsets(%dma_start3A_432 : memref<128xi32, #tpu.memory_space<vmem>>) semaphore(%arg22 : memref<!tpu.dma_semaphore, #tpu.memory_space<semaphore_mem>>) {add = true}
    %dma_wait3A_436 = arith.constant 2 : i32
    %dma_wait3A_437 = arith.constant 1 : i32
    %dma_wait3A_438 = arith.constant 74 : i32
    %dma_wait3A_439 = arith.constant 0 : i32
    %dma_wait3A_440 = arith.constant 0 : i32
    %dma_wait3A_441 = tpu.memref_slice %arg6[%dma_wait3A_436, %dma_wait3A_439, %dma_wait3A_440] : memref<8x128x64xbf16, #tpu.memory_space<vmem>> -> memref<1x128x64xbf16, #tpu.memory_space<vmem>>
    %dma_wait3A_442 = tpu.memref_squeeze %dma_wait3A_441 : memref<1x128x64xbf16, #tpu.memory_space<vmem>> -> memref<128x64xbf16, #tpu.memory_space<vmem>>
    %dma_wait3A_443 = arith.constant 0 : i32
    %dma_wait3A_444 = arith.constant 0 : i32
    %dma_wait3A_445 = tpu.memref_slice %arg5[%dma_wait3A_437, %dma_wait3A_443, %dma_wait3A_444] : memref<2x80x128xi32, #tpu.memory_space<vmem>> -> memref<1x80x128xi32, #tpu.memory_space<vmem>>
    %dma_wait3A_446 = tpu.memref_squeeze %dma_wait3A_445 : memref<1x80x128xi32, #tpu.memory_space<vmem>> -> memref<80x128xi32, #tpu.memory_space<vmem>>
    %dma_wait3A_447 = arith.constant 0 : i32
    %dma_wait3A_448 = tpu.memref_slice %dma_wait3A_446[%dma_wait3A_438, %dma_wait3A_447] : memref<80x128xi32, #tpu.memory_space<vmem>> -> memref<1x128xi32, #tpu.memory_space<vmem>>
    %dma_wait3A_449 = tpu.memref_squeeze %dma_wait3A_448 : memref<1x128xi32, #tpu.memory_space<vmem>> -> memref<128xi32, #tpu.memory_space<vmem>>
    %dma_wait3A_450 = arith.constant 0 : i32
    %dma_wait3A_451 = arith.constant 0 : i32
    %dma_wait3A_452 = tpu.memref_slice %arg7[%dma_wait3A_450, %dma_wait3A_451] : memref<10240x64xbf16, #tpu.memory_space<vmem_shared>> -> memref<10240x64xbf16, #tpu.memory_space<vmem_shared>>
    tpu.wait_indirect_dma semaphore(%arg18 : memref<!tpu.dma_semaphore, #tpu.memory_space<semaphore_mem>>) src(%dma_wait3A_442 : memref<128x64xbf16, #tpu.memory_space<vmem>>) dst(%dma_wait3A_452 : memref<10240x64xbf16, #tpu.memory_space<vmem_shared>>)
    %dma_wait3A_453 = arith.constant 0 : i32
    %dma_wait3A_454 = arith.constant 79 : i32
    %dma_wait3A_455 = arith.constant 7 : i32
    %dma_wait3A_456 = arith.constant 0 : i32
    %dma_wait3A_457 = arith.constant 0 : i32
    %dma_wait3A_458 = tpu.memref_slice %arg6[%dma_wait3A_455, %dma_wait3A_456, %dma_wait3A_457] : memref<8x128x64xbf16, #tpu.memory_space<vmem>> -> memref<1x128x64xbf16, #tpu.memory_space<vmem>>
    %dma_wait3A_459 = tpu.memref_squeeze %dma_wait3A_458 : memref<1x128x64xbf16, #tpu.memory_space<vmem>> -> memref<128x64xbf16, #tpu.memory_space<vmem>>
    %dma_wait3A_460 = arith.constant 0 : i32
    %dma_wait3A_461 = arith.constant 0 : i32
    %dma_wait3A_462 = tpu.memref_slice %arg5[%dma_wait3A_453, %dma_wait3A_460, %dma_wait3A_461] : memref<2x80x128xi32, #tpu.memory_space<vmem>> -> memref<1x80x128xi32, #tpu.memory_space<vmem>>
    %dma_wait3A_463 = tpu.memref_squeeze %dma_wait3A_462 : memref<1x80x128xi32, #tpu.memory_space<vmem>> -> memref<80x128xi32, #tpu.memory_space<vmem>>
    %dma_wait3A_464 = arith.constant 0 : i32
    %dma_wait3A_465 = tpu.memref_slice %dma_wait3A_463[%dma_wait3A_454, %dma_wait3A_464] : memref<80x128xi32, #tpu.memory_space<vmem>> -> memref<1x128xi32, #tpu.memory_space<vmem>>
    %dma_wait3A_466 = tpu.memref_squeeze %dma_wait3A_465 : memref<1x128xi32, #tpu.memory_space<vmem>> -> memref<128xi32, #tpu.memory_space<vmem>>
    %dma_wait3A_467 = arith.constant 0 : i32
    %dma_wait3A_468 = arith.constant 0 : i32
    %dma_wait3A_469 = tpu.memref_slice %arg2[%dma_wait3A_467, %dma_wait3A_468] : memref<10000x64xbf16, #tpu.memory_space<hbm>> -> memref<10000x64xbf16, #tpu.memory_space<hbm>>
    tpu.wait_indirect_dma semaphore(%arg15 : memref<!tpu.dma_semaphore, #tpu.memory_space<semaphore_mem>>) src(%dma_wait3A_469 : memref<10000x64xbf16, #tpu.memory_space<hbm>>) dst(%dma_wait3A_459 : memref<128x64xbf16, #tpu.memory_space<vmem>>)
    %dma_start3A_470 = arith.constant 7 : i32
    %dma_start3A_471 = arith.constant 1 : i32
    %dma_start3A_472 = arith.constant 79 : i32
    %dma_start3A_473 = arith.constant 0 : i32
    %dma_start3A_474 = arith.constant 0 : i32
    %dma_start3A_475 = tpu.memref_slice %arg6[%dma_start3A_470, %dma_start3A_473, %dma_start3A_474] : memref<8x128x64xbf16, #tpu.memory_space<vmem>> -> memref<1x128x64xbf16, #tpu.memory_space<vmem>>
    %dma_start3A_476 = tpu.memref_squeeze %dma_start3A_475 : memref<1x128x64xbf16, #tpu.memory_space<vmem>> -> memref<128x64xbf16, #tpu.memory_space<vmem>>
    %dma_start3A_477 = arith.constant 0 : i32
    %dma_start3A_478 = arith.constant 0 : i32
    %dma_start3A_479 = tpu.memref_slice %arg5[%dma_start3A_471, %dma_start3A_477, %dma_start3A_478] : memref<2x80x128xi32, #tpu.memory_space<vmem>> -> memref<1x80x128xi32, #tpu.memory_space<vmem>>
    %dma_start3A_480 = tpu.memref_squeeze %dma_start3A_479 : memref<1x80x128xi32, #tpu.memory_space<vmem>> -> memref<80x128xi32, #tpu.memory_space<vmem>>
    %dma_start3A_481 = arith.constant 0 : i32
    %dma_start3A_482 = tpu.memref_slice %dma_start3A_480[%dma_start3A_472, %dma_start3A_481] : memref<80x128xi32, #tpu.memory_space<vmem>> -> memref<1x128xi32, #tpu.memory_space<vmem>>
    %dma_start3A_483 = tpu.memref_squeeze %dma_start3A_482 : memref<1x128xi32, #tpu.memory_space<vmem>> -> memref<128xi32, #tpu.memory_space<vmem>>
    %dma_start3A_484 = arith.constant 0 : i32
    %dma_start3A_485 = arith.constant 0 : i32
    %dma_start3A_486 = tpu.memref_slice %arg7[%dma_start3A_484, %dma_start3A_485] : memref<10240x64xbf16, #tpu.memory_space<vmem_shared>> -> memref<10240x64xbf16, #tpu.memory_space<vmem_shared>>
    tpu.enqueue_indirect_dma source(%dma_start3A_476 : memref<128x64xbf16, #tpu.memory_space<vmem>>) target(%dma_start3A_486 : memref<10240x64xbf16, #tpu.memory_space<vmem_shared>>) offsets(%dma_start3A_483 : memref<128xi32, #tpu.memory_space<vmem>>) semaphore(%arg23 : memref<!tpu.dma_semaphore, #tpu.memory_space<semaphore_mem>>) {add = true}
    %dma_wait3A_487 = arith.constant 3 : i32
    %dma_wait3A_488 = arith.constant 1 : i32
    %dma_wait3A_489 = arith.constant 75 : i32
    %dma_wait3A_490 = arith.constant 0 : i32
    %dma_wait3A_491 = arith.constant 0 : i32
    %dma_wait3A_492 = tpu.memref_slice %arg6[%dma_wait3A_487, %dma_wait3A_490, %dma_wait3A_491] : memref<8x128x64xbf16, #tpu.memory_space<vmem>> -> memref<1x128x64xbf16, #tpu.memory_space<vmem>>
    %dma_wait3A_493 = tpu.memref_squeeze %dma_wait3A_492 : memref<1x128x64xbf16, #tpu.memory_space<vmem>> -> memref<128x64xbf16, #tpu.memory_space<vmem>>
    %dma_wait3A_494 = arith.constant 0 : i32
    %dma_wait3A_495 = arith.constant 0 : i32
    %dma_wait3A_496 = tpu.memref_slice %arg5[%dma_wait3A_488, %dma_wait3A_494, %dma_wait3A_495] : memref<2x80x128xi32, #tpu.memory_space<vmem>> -> memref<1x80x128xi32, #tpu.memory_space<vmem>>
    %dma_wait3A_497 = tpu.memref_squeeze %dma_wait3A_496 : memref<1x80x128xi32, #tpu.memory_space<vmem>> -> memref<80x128xi32, #tpu.memory_space<vmem>>
    %dma_wait3A_498 = arith.constant 0 : i32
    %dma_wait3A_499 = tpu.memref_slice %dma_wait3A_497[%dma_wait3A_489, %dma_wait3A_498] : memref<80x128xi32, #tpu.memory_space<vmem>> -> memref<1x128xi32, #tpu.memory_space<vmem>>
    %dma_wait3A_500 = tpu.memref_squeeze %dma_wait3A_499 : memref<1x128xi32, #tpu.memory_space<vmem>> -> memref<128xi32, #tpu.memory_space<vmem>>
    %dma_wait3A_501 = arith.constant 0 : i32
    %dma_wait3A_502 = arith.constant 0 : i32
    %dma_wait3A_503 = tpu.memref_slice %arg7[%dma_wait3A_501, %dma_wait3A_502] : memref<10240x64xbf16, #tpu.memory_space<vmem_shared>> -> memref<10240x64xbf16, #tpu.memory_space<vmem_shared>>
    tpu.wait_indirect_dma semaphore(%arg19 : memref<!tpu.dma_semaphore, #tpu.memory_space<semaphore_mem>>) src(%dma_wait3A_493 : memref<128x64xbf16, #tpu.memory_space<vmem>>) dst(%dma_wait3A_503 : memref<10240x64xbf16, #tpu.memory_space<vmem_shared>>)
    %dma_wait3A_504 = arith.constant 4 : i32
    %dma_wait3A_505 = arith.constant 1 : i32
    %dma_wait3A_506 = arith.constant 76 : i32
    %dma_wait3A_507 = arith.constant 0 : i32
    %dma_wait3A_508 = arith.constant 0 : i32
    %dma_wait3A_509 = tpu.memref_slice %arg6[%dma_wait3A_504, %dma_wait3A_507, %dma_wait3A_508] : memref<8x128x64xbf16, #tpu.memory_space<vmem>> -> memref<1x128x64xbf16, #tpu.memory_space<vmem>>
    %dma_wait3A_510 = tpu.memref_squeeze %dma_wait3A_509 : memref<1x128x64xbf16, #tpu.memory_space<vmem>> -> memref<128x64xbf16, #tpu.memory_space<vmem>>
    %dma_wait3A_511 = arith.constant 0 : i32
    %dma_wait3A_512 = arith.constant 0 : i32
    %dma_wait3A_513 = tpu.memref_slice %arg5[%dma_wait3A_505, %dma_wait3A_511, %dma_wait3A_512] : memref<2x80x128xi32, #tpu.memory_space<vmem>> -> memref<1x80x128xi32, #tpu.memory_space<vmem>>
    %dma_wait3A_514 = tpu.memref_squeeze %dma_wait3A_513 : memref<1x80x128xi32, #tpu.memory_space<vmem>> -> memref<80x128xi32, #tpu.memory_space<vmem>>
    %dma_wait3A_515 = arith.constant 0 : i32
    %dma_wait3A_516 = tpu.memref_slice %dma_wait3A_514[%dma_wait3A_506, %dma_wait3A_515] : memref<80x128xi32, #tpu.memory_space<vmem>> -> memref<1x128xi32, #tpu.memory_space<vmem>>
    %dma_wait3A_517 = tpu.memref_squeeze %dma_wait3A_516 : memref<1x128xi32, #tpu.memory_space<vmem>> -> memref<128xi32, #tpu.memory_space<vmem>>
    %dma_wait3A_518 = arith.constant 0 : i32
    %dma_wait3A_519 = arith.constant 0 : i32
    %dma_wait3A_520 = tpu.memref_slice %arg7[%dma_wait3A_518, %dma_wait3A_519] : memref<10240x64xbf16, #tpu.memory_space<vmem_shared>> -> memref<10240x64xbf16, #tpu.memory_space<vmem_shared>>
    tpu.wait_indirect_dma semaphore(%arg20 : memref<!tpu.dma_semaphore, #tpu.memory_space<semaphore_mem>>) src(%dma_wait3A_510 : memref<128x64xbf16, #tpu.memory_space<vmem>>) dst(%dma_wait3A_520 : memref<10240x64xbf16, #tpu.memory_space<vmem_shared>>)
    %dma_wait3A_521 = arith.constant 5 : i32
    %dma_wait3A_522 = arith.constant 1 : i32
    %dma_wait3A_523 = arith.constant 77 : i32
    %dma_wait3A_524 = arith.constant 0 : i32
    %dma_wait3A_525 = arith.constant 0 : i32
    %dma_wait3A_526 = tpu.memref_slice %arg6[%dma_wait3A_521, %dma_wait3A_524, %dma_wait3A_525] : memref<8x128x64xbf16, #tpu.memory_space<vmem>> -> memref<1x128x64xbf16, #tpu.memory_space<vmem>>
    %dma_wait3A_527 = tpu.memref_squeeze %dma_wait3A_526 : memref<1x128x64xbf16, #tpu.memory_space<vmem>> -> memref<128x64xbf16, #tpu.memory_space<vmem>>
    %dma_wait3A_528 = arith.constant 0 : i32
    %dma_wait3A_529 = arith.constant 0 : i32
    %dma_wait3A_530 = tpu.memref_slice %arg5[%dma_wait3A_522, %dma_wait3A_528, %dma_wait3A_529] : memref<2x80x128xi32, #tpu.memory_space<vmem>> -> memref<1x80x128xi32, #tpu.memory_space<vmem>>
    %dma_wait3A_531 = tpu.memref_squeeze %dma_wait3A_530 : memref<1x80x128xi32, #tpu.memory_space<vmem>> -> memref<80x128xi32, #tpu.memory_space<vmem>>
    %dma_wait3A_532 = arith.constant 0 : i32
    %dma_wait3A_533 = tpu.memref_slice %dma_wait3A_531[%dma_wait3A_523, %dma_wait3A_532] : memref<80x128xi32, #tpu.memory_space<vmem>> -> memref<1x128xi32, #tpu.memory_space<vmem>>
    %dma_wait3A_534 = tpu.memref_squeeze %dma_wait3A_533 : memref<1x128xi32, #tpu.memory_space<vmem>> -> memref<128xi32, #tpu.memory_space<vmem>>
    %dma_wait3A_535 = arith.constant 0 : i32
    %dma_wait3A_536 = arith.constant 0 : i32
    %dma_wait3A_537 = tpu.memref_slice %arg7[%dma_wait3A_535, %dma_wait3A_536] : memref<10240x64xbf16, #tpu.memory_space<vmem_shared>> -> memref<10240x64xbf16, #tpu.memory_space<vmem_shared>>
    tpu.wait_indirect_dma semaphore(%arg21 : memref<!tpu.dma_semaphore, #tpu.memory_space<semaphore_mem>>) src(%dma_wait3A_527 : memref<128x64xbf16, #tpu.memory_space<vmem>>) dst(%dma_wait3A_537 : memref<10240x64xbf16, #tpu.memory_space<vmem_shared>>)
    %dma_wait3A_538 = arith.constant 6 : i32
    %dma_wait3A_539 = arith.constant 1 : i32
    %dma_wait3A_540 = arith.constant 78 : i32
    %dma_wait3A_541 = arith.constant 0 : i32
    %dma_wait3A_542 = arith.constant 0 : i32
    %dma_wait3A_543 = tpu.memref_slice %arg6[%dma_wait3A_538, %dma_wait3A_541, %dma_wait3A_542] : memref<8x128x64xbf16, #tpu.memory_space<vmem>> -> memref<1x128x64xbf16, #tpu.memory_space<vmem>>
    %dma_wait3A_544 = tpu.memref_squeeze %dma_wait3A_543 : memref<1x128x64xbf16, #tpu.memory_space<vmem>> -> memref<128x64xbf16, #tpu.memory_space<vmem>>
    %dma_wait3A_545 = arith.constant 0 : i32
    %dma_wait3A_546 = arith.constant 0 : i32
    %dma_wait3A_547 = tpu.memref_slice %arg5[%dma_wait3A_539, %dma_wait3A_545, %dma_wait3A_546] : memref<2x80x128xi32, #tpu.memory_space<vmem>> -> memref<1x80x128xi32, #tpu.memory_space<vmem>>
    %dma_wait3A_548 = tpu.memref_squeeze %dma_wait3A_547 : memref<1x80x128xi32, #tpu.memory_space<vmem>> -> memref<80x128xi32, #tpu.memory_space<vmem>>
    %dma_wait3A_549 = arith.constant 0 : i32
    %dma_wait3A_550 = tpu.memref_slice %dma_wait3A_548[%dma_wait3A_540, %dma_wait3A_549] : memref<80x128xi32, #tpu.memory_space<vmem>> -> memref<1x128xi32, #tpu.memory_space<vmem>>
    %dma_wait3A_551 = tpu.memref_squeeze %dma_wait3A_550 : memref<1x128xi32, #tpu.memory_space<vmem>> -> memref<128xi32, #tpu.memory_space<vmem>>
    %dma_wait3A_552 = arith.constant 0 : i32
    %dma_wait3A_553 = arith.constant 0 : i32
    %dma_wait3A_554 = tpu.memref_slice %arg7[%dma_wait3A_552, %dma_wait3A_553] : memref<10240x64xbf16, #tpu.memory_space<vmem_shared>> -> memref<10240x64xbf16, #tpu.memory_space<vmem_shared>>
    tpu.wait_indirect_dma semaphore(%arg22 : memref<!tpu.dma_semaphore, #tpu.memory_space<semaphore_mem>>) src(%dma_wait3A_544 : memref<128x64xbf16, #tpu.memory_space<vmem>>) dst(%dma_wait3A_554 : memref<10240x64xbf16, #tpu.memory_space<vmem_shared>>)
    %dma_wait3A_555 = arith.constant 7 : i32
    %dma_wait3A_556 = arith.constant 1 : i32
    %dma_wait3A_557 = arith.constant 79 : i32
    %dma_wait3A_558 = arith.constant 0 : i32
    %dma_wait3A_559 = arith.constant 0 : i32
    %dma_wait3A_560 = tpu.memref_slice %arg6[%dma_wait3A_555, %dma_wait3A_558, %dma_wait3A_559] : memref<8x128x64xbf16, #tpu.memory_space<vmem>> -> memref<1x128x64xbf16, #tpu.memory_space<vmem>>
    %dma_wait3A_561 = tpu.memref_squeeze %dma_wait3A_560 : memref<1x128x64xbf16, #tpu.memory_space<vmem>> -> memref<128x64xbf16, #tpu.memory_space<vmem>>
    %dma_wait3A_562 = arith.constant 0 : i32
    %dma_wait3A_563 = arith.constant 0 : i32
    %dma_wait3A_564 = tpu.memref_slice %arg5[%dma_wait3A_556, %dma_wait3A_562, %dma_wait3A_563] : memref<2x80x128xi32, #tpu.memory_space<vmem>> -> memref<1x80x128xi32, #tpu.memory_space<vmem>>
    %dma_wait3A_565 = tpu.memref_squeeze %dma_wait3A_564 : memref<1x80x128xi32, #tpu.memory_space<vmem>> -> memref<80x128xi32, #tpu.memory_space<vmem>>
    %dma_wait3A_566 = arith.constant 0 : i32
    %dma_wait3A_567 = tpu.memref_slice %dma_wait3A_565[%dma_wait3A_557, %dma_wait3A_566] : memref<80x128xi32, #tpu.memory_space<vmem>> -> memref<1x128xi32, #tpu.memory_space<vmem>>
    %dma_wait3A_568 = tpu.memref_squeeze %dma_wait3A_567 : memref<1x128xi32, #tpu.memory_space<vmem>> -> memref<128xi32, #tpu.memory_space<vmem>>
    %dma_wait3A_569 = arith.constant 0 : i32
    %dma_wait3A_570 = arith.constant 0 : i32
    %dma_wait3A_571 = tpu.memref_slice %arg7[%dma_wait3A_569, %dma_wait3A_570] : memref<10240x64xbf16, #tpu.memory_space<vmem_shared>> -> memref<10240x64xbf16, #tpu.memory_space<vmem_shared>>
    tpu.wait_indirect_dma semaphore(%arg23 : memref<!tpu.dma_semaphore, #tpu.memory_space<semaphore_mem>>) src(%dma_wait3A_561 : memref<128x64xbf16, #tpu.memory_space<vmem>>) dst(%dma_wait3A_571 : memref<10240x64xbf16, #tpu.memory_space<vmem_shared>>)
    %barrier3A_572 = arith.constant 0 : index
    tpu.barrier barrier_id(%barrier3A_572)
    "tpu.region"() ({
      %run_scoped3A_573 = tpu.sem_alloc : memref<!tpu.dma_semaphore, #tpu.memory_space<semaphore_mem>>
      %dma_start3A_574 = arith.constant 0 : i32
      %dma_start3A_575 = tpu.memref_slice %arg4[%arg0, %mul3A_74, %dma_start3A_574] : memref<2x10240x64xbf16, #tpu.memory_space<hbm>> -> memref<1x640x64xbf16, #tpu.memory_space<hbm>>
      %dma_start3A_576 = tpu.memref_squeeze %dma_start3A_575 : memref<1x640x64xbf16, #tpu.memory_space<hbm>> -> memref<640x64xbf16, #tpu.memory_space<hbm>>
      %dma_start3A_577 = arith.constant 0 : i32
      %dma_start3A_578 = tpu.memref_slice %arg7[%mul3A_74, %dma_start3A_577] : memref<10240x64xbf16, #tpu.memory_space<vmem_shared>> -> memref<640x64xbf16, #tpu.memory_space<vmem_shared>>
      tpu.enqueue_dma source(%dma_start3A_578 : memref<640x64xbf16, #tpu.memory_space<vmem_shared>>) target(%dma_start3A_576 : memref<640x64xbf16, #tpu.memory_space<hbm>>) target_semaphore(%run_scoped3A_573 : memref<!tpu.dma_semaphore, #tpu.memory_space<semaphore_mem>>)
      %dma_wait3A_579 = arith.constant 0 : i32
      %dma_wait3A_580 = tpu.memref_slice %arg4[%arg0, %mul3A_74, %dma_wait3A_579] : memref<2x10240x64xbf16, #tpu.memory_space<hbm>> -> memref<1x640x64xbf16, #tpu.memory_space<hbm>>
      %dma_wait3A_581 = tpu.memref_squeeze %dma_wait3A_580 : memref<1x640x64xbf16, #tpu.memory_space<hbm>> -> memref<640x64xbf16, #tpu.memory_space<hbm>>
      %dma_wait3A_582 = arith.constant 0 : i32
      %dma_wait3A_583 = tpu.memref_slice %arg7[%mul3A_74, %dma_wait3A_582] : memref<10240x64xbf16, #tpu.memory_space<vmem_shared>> -> memref<640x64xbf16, #tpu.memory_space<vmem_shared>>
      tpu.wait_dma2 semaphore(%run_scoped3A_573 : memref<!tpu.dma_semaphore, #tpu.memory_space<semaphore_mem>>) src(%dma_wait3A_583 : memref<640x64xbf16, #tpu.memory_space<vmem_shared>>) dst(%dma_wait3A_581 : memref<640x64xbf16, #tpu.memory_space<hbm>>)
      tpu.yield
    }) : () -> ()
    return
  }
}

module attributes {stable_mosaic.version = 14 : i64} {
  func.func @_matmul_body(%arg0: memref<10000x128xf32, #tpu.memory_space<vmem>>, %arg1: memref<128x64xf32, #tpu.memory_space<vmem>>, %arg2: memref<10000x64xbf16, #tpu.memory_space<vmem>>) attributes {dimension_semantics = [], scalar_prefetch = 0 : i64, scratch_operands = 0 : i64, tpu.core_type = #tpu.core_type<tc>} {
    %get3A = arith.constant 0 : index
    %get3A_0 = arith.constant 0 : index
    %get3A_1 = vector.load %arg0[%get3A, %get3A_0] : memref<10000x128xf32, #tpu.memory_space<vmem>>, vector<10000x128xf32>
    %get3A_2 = arith.constant 0 : index
    %get3A_3 = arith.constant 0 : index
    %get3A_4 = vector.load %arg1[%get3A_2, %get3A_3] : memref<128x64xf32, #tpu.memory_space<vmem>>, vector<128x64xf32>
    %dot_general3A = arith.constant dense<0.000000e+00> : vector<10000x64xf32>
    %dot_general3A_5 = tpu.matmul %get3A_1, %get3A_4, %dot_general3A {dimension_numbers = #tpu.dot_dimension_numbers<[1], [0], [0], [1], [0, 0, 1, 1], [], []>, transpose_lhs_hint = false} : vector<10000x128xf32>, vector<128x64xf32>, vector<10000x64xf32> -> vector<10000x64xf32>
    %convert_element_type3A = arith.truncf %dot_general3A_5 : vector<10000x64xf32> to vector<10000x64xbf16>
    %swap3A = arith.constant 0 : index
    %swap3A_6 = arith.constant 0 : index
    %swap3A_7 = vector.load %arg2[%swap3A, %swap3A_6] : memref<10000x64xbf16, #tpu.memory_space<vmem>>, vector<10000x64xbf16>
    tpu.vector_store %arg2[%swap3A, %swap3A_6], %convert_element_type3A {strides = array<i32>} : memref<10000x64xbf16, #tpu.memory_space<vmem>>, vector<10000x64xbf16>,
    return
  }
}

module attributes {stable_mosaic.version = 14 : i64} {
  func.func @_mid_body(%arg0: memref<10000x64xbf16, #tpu.memory_space<vmem>>, %arg1: memref<2x10240x64xbf16, #tpu.memory_space<vmem>>, %arg2: memref<1x64xf32, #tpu.memory_space<vmem>>, %arg3: memref<64x64xf32, #tpu.memory_space<vmem>>, %arg4: memref<1x64xf32, #tpu.memory_space<vmem>>, %arg5: memref<64x64xf32, #tpu.memory_space<vmem>>, %arg6: memref<10000x64xbf16, #tpu.memory_space<vmem>>) attributes {dimension_semantics = [], scalar_prefetch = 0 : i64, scratch_operands = 0 : i64, tpu.core_type = #tpu.core_type<tc>} {
    %get3A = arith.constant 0 : index
    %get3A_0 = arith.constant 0 : index
    %get3A_1 = vector.load %arg0[%get3A, %get3A_0] : memref<10000x64xbf16, #tpu.memory_space<vmem>>, vector<10000x64xbf16>
    %convert_element_type3A = arith.extf %get3A_1 : vector<10000x64xbf16> to vector<10000x64xf32>
    %get3A_2 = arith.constant 0 : index
    %get3A_3 = arith.constant 0 : index
    %get3A_4 = arith.constant 0 : index
    %get3A_5 = vector.load %arg1[%get3A_2, %get3A_3, %get3A_4] : memref<2x10240x64xbf16, #tpu.memory_space<vmem>>, vector<1x10000x64xbf16>
    %get3A_6 = vector.shape_cast %get3A_5 : vector<1x10000x64xbf16> to vector<10000x64xbf16>
    %convert_element_type3A_7 = arith.extf %get3A_6 : vector<10000x64xbf16> to vector<10000x64xf32>
    %add3A = arith.addf %convert_element_type3A, %convert_element_type3A_7 : vector<10000x64xf32>
    %get3A_8 = arith.constant 1 : index
    %get3A_9 = arith.constant 0 : index
    %get3A_10 = arith.constant 0 : index
    %get3A_11 = vector.load %arg1[%get3A_8, %get3A_9, %get3A_10] : memref<2x10240x64xbf16, #tpu.memory_space<vmem>>, vector<1x10000x64xbf16>
    %get3A_12 = vector.shape_cast %get3A_11 : vector<1x10000x64xbf16> to vector<10000x64xbf16>
    %convert_element_type3A_13 = arith.extf %get3A_12 : vector<10000x64xbf16> to vector<10000x64xf32>
    %add3A_14 = arith.addf %add3A, %convert_element_type3A_13 : vector<10000x64xf32>
    %get3A_15 = arith.constant 0 : index
    %get3A_16 = arith.constant 0 : index
    %get3A_17 = vector.load %arg2[%get3A_15, %get3A_16] : memref<1x64xf32, #tpu.memory_space<vmem>>, vector<1x64xf32>
    %add3A_18 = vector.broadcast %get3A_17 : vector<1x64xf32> to vector<10000x64xf32>
    %add3A_19 = arith.addf %add3A_14, %add3A_18 : vector<10000x64xf32>
    %max3A = arith.constant 0.000000e+00 : f32
    %max3A_20 = vector.broadcast %max3A : f32 to vector<10000x64xf32>
    %max3A_21 = arith.maximumf %add3A_19, %max3A_20 : vector<10000x64xf32>
    %get3A_22 = arith.constant 0 : index
    %get3A_23 = arith.constant 0 : index
    %get3A_24 = vector.load %arg3[%get3A_22, %get3A_23] : memref<64x64xf32, #tpu.memory_space<vmem>>, vector<64x64xf32>
    %dot_general3A = arith.constant dense<0.000000e+00> : vector<10000x64xf32>
    %dot_general3A_25 = tpu.matmul %max3A_21, %get3A_24, %dot_general3A {dimension_numbers = #tpu.dot_dimension_numbers<[1], [0], [0], [1], [0, 0, 1, 1], [], []>, transpose_lhs_hint = false} : vector<10000x64xf32>, vector<64x64xf32>, vector<10000x64xf32> -> vector<10000x64xf32>
    %get3A_26 = arith.constant 0 : index
    %get3A_27 = arith.constant 0 : index
    %get3A_28 = vector.load %arg4[%get3A_26, %get3A_27] : memref<1x64xf32, #tpu.memory_space<vmem>>, vector<1x64xf32>
    %add3A_29 = vector.broadcast %get3A_28 : vector<1x64xf32> to vector<10000x64xf32>
    %add3A_30 = arith.addf %dot_general3A_25, %add3A_29 : vector<10000x64xf32>
    %max3A_31 = arith.constant 0.000000e+00 : f32
    %max3A_32 = vector.broadcast %max3A_31 : f32 to vector<10000x64xf32>
    %max3A_33 = arith.maximumf %add3A_30, %max3A_32 : vector<10000x64xf32>
    %get3A_34 = arith.constant 0 : index
    %get3A_35 = arith.constant 0 : index
    %get3A_36 = vector.load %arg5[%get3A_34, %get3A_35] : memref<64x64xf32, #tpu.memory_space<vmem>>, vector<64x64xf32>
    %dot_general3A_37 = arith.constant dense<0.000000e+00> : vector<10000x64xf32>
    %dot_general3A_38 = tpu.matmul %max3A_33, %get3A_36, %dot_general3A_37 {dimension_numbers = #tpu.dot_dimension_numbers<[1], [0], [0], [1], [0, 0, 1, 1], [], []>, transpose_lhs_hint = false} : vector<10000x64xf32>, vector<64x64xf32>, vector<10000x64xf32> -> vector<10000x64xf32>
    %convert_element_type3A_39 = arith.truncf %dot_general3A_38 : vector<10000x64xf32> to vector<10000x64xbf16>
    %swap3A = arith.constant 0 : index
    %swap3A_40 = arith.constant 0 : index
    %swap3A_41 = vector.load %arg6[%swap3A, %swap3A_40] : memref<10000x64xbf16, #tpu.memory_space<vmem>>, vector<10000x64xbf16>
    tpu.vector_store %arg6[%swap3A, %swap3A_40], %convert_element_type3A_39 {strides = array<i32>} : memref<10000x64xbf16, #tpu.memory_space<vmem>>, vector<10000x64xbf16>,
    return
  }
}

module attributes {stable_mosaic.version = 14 : i64} {
  func.func @_out_body(%arg0: memref<10000x64xbf16, #tpu.memory_space<vmem>>, %arg1: memref<2x10240x64xbf16, #tpu.memory_space<vmem>>, %arg2: memref<1x64xf32, #tpu.memory_space<vmem>>, %arg3: memref<64x128xf32, #tpu.memory_space<vmem>>, %arg4: memref<1x128xf32, #tpu.memory_space<vmem>>, %arg5: memref<10000x128xf32, #tpu.memory_space<vmem>>) attributes {dimension_semantics = [], scalar_prefetch = 0 : i64, scratch_operands = 0 : i64, tpu.core_type = #tpu.core_type<tc>} {
    %get3A = arith.constant 0 : index
    %get3A_0 = arith.constant 0 : index
    %get3A_1 = vector.load %arg0[%get3A, %get3A_0] : memref<10000x64xbf16, #tpu.memory_space<vmem>>, vector<10000x64xbf16>
    %convert_element_type3A = arith.extf %get3A_1 : vector<10000x64xbf16> to vector<10000x64xf32>
    %get3A_2 = arith.constant 0 : index
    %get3A_3 = arith.constant 0 : index
    %get3A_4 = arith.constant 0 : index
    %get3A_5 = vector.load %arg1[%get3A_2, %get3A_3, %get3A_4] : memref<2x10240x64xbf16, #tpu.memory_space<vmem>>, vector<1x10000x64xbf16>
    %get3A_6 = vector.shape_cast %get3A_5 : vector<1x10000x64xbf16> to vector<10000x64xbf16>
    %convert_element_type3A_7 = arith.extf %get3A_6 : vector<10000x64xbf16> to vector<10000x64xf32>
    %add3A = arith.addf %convert_element_type3A, %convert_element_type3A_7 : vector<10000x64xf32>
    %get3A_8 = arith.constant 1 : index
    %get3A_9 = arith.constant 0 : index
    %get3A_10 = arith.constant 0 : index
    %get3A_11 = vector.load %arg1[%get3A_8, %get3A_9, %get3A_10] : memref<2x10240x64xbf16, #tpu.memory_space<vmem>>, vector<1x10000x64xbf16>
    %get3A_12 = vector.shape_cast %get3A_11 : vector<1x10000x64xbf16> to vector<10000x64xbf16>
    %convert_element_type3A_13 = arith.extf %get3A_12 : vector<10000x64xbf16> to vector<10000x64xf32>
    %add3A_14 = arith.addf %add3A, %convert_element_type3A_13 : vector<10000x64xf32>
    %get3A_15 = arith.constant 0 : index
    %get3A_16 = arith.constant 0 : index
    %get3A_17 = vector.load %arg2[%get3A_15, %get3A_16] : memref<1x64xf32, #tpu.memory_space<vmem>>, vector<1x64xf32>
    %add3A_18 = vector.broadcast %get3A_17 : vector<1x64xf32> to vector<10000x64xf32>
    %add3A_19 = arith.addf %add3A_14, %add3A_18 : vector<10000x64xf32>
    %max3A = arith.constant 0.000000e+00 : f32
    %max3A_20 = vector.broadcast %max3A : f32 to vector<10000x64xf32>
    %max3A_21 = arith.maximumf %add3A_19, %max3A_20 : vector<10000x64xf32>
    %get3A_22 = arith.constant 0 : index
    %get3A_23 = arith.constant 0 : index
    %get3A_24 = vector.load %arg3[%get3A_22, %get3A_23] : memref<64x128xf32, #tpu.memory_space<vmem>>, vector<64x128xf32>
    %dot_general3A = arith.constant dense<0.000000e+00> : vector<10000x128xf32>
    %dot_general3A_25 = tpu.matmul %max3A_21, %get3A_24, %dot_general3A {dimension_numbers = #tpu.dot_dimension_numbers<[1], [0], [0], [1], [0, 0, 1, 1], [], []>, transpose_lhs_hint = false} : vector<10000x64xf32>, vector<64x128xf32>, vector<10000x128xf32> -> vector<10000x128xf32>
    %get3A_26 = arith.constant 0 : index
    %get3A_27 = arith.constant 0 : index
    %get3A_28 = vector.load %arg4[%get3A_26, %get3A_27] : memref<1x128xf32, #tpu.memory_space<vmem>>, vector<1x128xf32>
    %add3A_29 = vector.broadcast %get3A_28 : vector<1x128xf32> to vector<10000x128xf32>
    %add3A_30 = arith.addf %dot_general3A_25, %add3A_29 : vector<10000x128xf32>
    %reduce_max3A = arith.constant dense<0xFF800000> : vector<10000xf32>
    %reduce_max3A_31 = vector.multi_reduction <maximumf>, %add3A_30, %reduce_max3A [1] : vector<10000x128xf32> to vector<10000xf32>
    %broadcast_in_dim3A = vector.shape_cast %reduce_max3A_31 : vector<10000xf32> to vector<10000x1xf32>
    %sub3A = vector.broadcast %broadcast_in_dim3A : vector<10000x1xf32> to vector<10000x128xf32>
    %sub3A_32 = arith.subf %add3A_30, %sub3A : vector<10000x128xf32>
    %exp3A = math.exp %sub3A_32 : vector<10000x128xf32>
    %reduce_sum3A = arith.constant dense<0.000000e+00> : vector<10000xf32>
    %reduce_sum3A_33 = vector.multi_reduction <add>, %exp3A, %reduce_sum3A [1] : vector<10000x128xf32> to vector<10000xf32>
    %broadcast_in_dim3A_34 = vector.shape_cast %reduce_sum3A_33 : vector<10000xf32> to vector<10000x1xf32>
    %log3A = math.log %broadcast_in_dim3A_34 : vector<10000x1xf32>
    %sub3A_35 = vector.broadcast %log3A : vector<10000x1xf32> to vector<10000x128xf32>
    %sub3A_36 = arith.subf %sub3A_32, %sub3A_35 : vector<10000x128xf32>
    %swap3A = arith.constant 0 : index
    %swap3A_37 = arith.constant 0 : index
    %swap3A_38 = vector.load %arg5[%swap3A, %swap3A_37] : memref<10000x128xf32, #tpu.memory_space<vmem>>, vector<10000x128xf32>
    tpu.vector_store %arg5[%swap3A, %swap3A_37], %sub3A_36 {strides = array<i32>} : memref<10000x128xf32, #tpu.memory_space<vmem>>, vector<10000x128xf32>,
    return
  }
}

</mosaic_0001>

<sc_bundles>
// kernel: kernel.10.cloned.1.call-start
scs
__scs_entry_jumppad:
0x0: {  	(pc) =	sbr.rel $0x88, $3  }
0x1: {  	(tag) =	ssettag $0x0;
	lr =	simm.s32 $0x1  }
0x2: {  	[smem:$0x3F97] =	sst lr;
	_ =	strace $0xD0000000  }
0x3: {  	_ = 	snop  }
0x4: {  	_ = 	snop  }
0x5: {  	_ = 	snop  }
0x6: {  	_ = 	snop  }
0x7: {  	_ = 	snop  }
__scs_overlays_trampoline_lowered:
0x8: {  	[smem:$0x3FA6] =	sst s0  }
0x9: {  	[smem:$0x3FA7] =	sst s1  }
0xa: {  	[smem:$0x3FA8] =	sst s2  }
0xb: {  	[smem:$0x3FA9] =	sst s3  }
0xc: {  	[smem:$0x3FAA] =	sst s4  }
0xd: {  	[smem:$0x3FAB] =	sst s5  }
0xe: {  	[smem:$0x3FAC] =	sst s6  }
0xf: {  	[smem:$0x3FAD] =	sst s7  }
0x10: {  	[smem:$0x3FAE] =	sst s8  }
0x11: {  	[smem:$0x3FAF] =	sst s9;
	s0 =	simm.s32 @!p0 $0x0  }
0x12: {  	s1 =	sld [smem:$0x3F95];
	s0 =	simm.s32 @p0 $0x1  }
0x13: {  	[smem:$0x3FB0] =	sst s0;
	s0 =	simm.s32 @!p1 $0x0  }
0x14: {  	s2 =	sld [smem:$0x3F94];
	s0 =	simm.s32 @p1 $0x1  }
0x15: {  	[smem:$0x3FB1] =	sst s0;
	s0 =	simm.s32 @!p2 $0x0  }
0x16: {  	s3 =	sld [smem:$0x3FDB];
	s0 =	simm.s32 @p2 $0x1  }
0x17: {  	s4 =	simm.s32 $0x1BF5;
	[smem:$0x3FB3] =	sst s0  }
0x18: {  	s0 =	sld [smem:$0x3F96];
	_ =	swait.ge [sflag:s4], $0x0  }
0x19: {  	s7 =	sld [smem:$0x3F97]  }
0x1a: {  	s8 =	sadd.s32 $0xFFFFE003, lr  }
0x1b: {  	s9 =	sadd.s32 $0xFFFFFEF7, lr;
	s5 =	simm.s32 $0xFFFFFFFF;
	p2 =	slt.u32 s8, $0xFFFFF086  }
0x1c: {  	p1 =	slt.u32 s9, $0xF7A;
	s5 =	simm.s32 @!p2 $0x0  }
0x1d: {  	s5 =	simm.s32 @p1 $0x1;
	p0 =	seq.s32 s7, s2  }
0x1e: {  	s7 =	smul.u32 @!p0 $0xF7A, s2;
	p2 =	seq.s32 @!p0 s5, $0x0  }
0x1f: {  	s9 =	smul.u32 $0xF7A, s1;
	s8 =	simm.s32 @!p0 $0x1BF5;
	p2 =	por !p2, p0  }
0x20: {  	[sflag:s8] =	ssyncset.s32 @!p0 $0xFFFFF086;
	s6 =	sadd.s32 @!p0 s3, s7;
	s7 =	simm.s32 @!p0 $0x108  }
0x21: {  	s3 =	sadd.s32 s3, s9;
	s6 =	sadd.s32 @!p0 $0x88, s6;
	s7 =	simm.s32 @p2 $0x1082  }
0x22: {  	[simem:s7], [sflag:s8] =	dma.local @!p0 [hbm:s6], $0xF7A  }
0x23: {  	s9 =	sor.u32 $0xD0000000, s2;
	s6 =	simm.s32 $0x108;
	_ =	swait.ge @!p0 [sflag:s8], $0x0  }
0x24: {  	s3 =	sadd.s32 $0x88, s3;
	s6 =	simm.s32 @!p1 $0x1082;
	[sflag:s4] =	ssyncset.s32 $0xFFFFF086  }
0x25: {  	[simem:s6], [sflag:s4] =	dma.local [hbm:s3], $0xF7A  }
0x26: {  	[smem:$0x3F97] =	sst s1;
	(tag) =	ssettag s2;
	_ =	strace s9  }
0x27: {  	s1 =	sld [smem:$0x3FA7]  }
0x28: {  	s2 =	sld [smem:$0x3FA8]  }
0x29: {  	s4 =	sld [smem:$0x3FAA]  }
0x2a: {  	p0 =	seq.s32 s5, $0x0;
	s5 =	sld [smem:$0x3FAB]  }
0x2b: {  	s6 =	sld [smem:$0x3FAC]  }
0x2c: {  	s7 =	sld [smem:$0x3FAD]  }
0x2d: {  	s3 =	simm.s32 $0x108;
	s8 =	sld [smem:$0x3FAE]  }
0x2e: {  	s3 =	simm.s32 @!p0 $0x1082;
	s9 =	sld [smem:$0x3FAF]  }
0x2f: {  	lr =	sadd.s32 s0, s3;
	s0 =	sld [smem:$0x3FA6]  }
0x30: {  	s3 =	sld [smem:$0x3FA9]  }
0x31: {  	[smem:$0x3FB2] =	sst s10  }
0x32: {  	s10 =	sld [smem:$0x3FB0];
	_ =	sdelay $0x3  }
0x33: {  	p0 =	seq.s32 s10, $0x1;
	s10 =	sld [smem:$0x3FB2];
	_ =	sdelay $0x3  }
0x34: {  	[smem:$0x3FB2] =	sst s10  }
0x35: {  	s10 =	sld [smem:$0x3FB1];
	_ =	sdelay $0x3  }
0x36: {  	p1 =	seq.s32 s10, $0x1;
	s10 =	sld [smem:$0x3FB2];
	_ =	sdelay $0x3  }
0x37: {  	[smem:$0x3FB2] =	sst s10  }
0x38: {  	s10 =	sld [smem:$0x3FB3]  }
0x39: {  	_ = 	snop;
	(pc) =	sbr.ind lr, $3  }
0x3a: {  	_ = 	snop  }
0x3b: {  	_ = 	snop  }
0x3c: {  	p2 =	seq.s32 s10, $0x1;
	s10 =	sld [smem:$0x3FB2]  }
0x3d: {  	_ =	shalt  }
0x3e: {  	_ =	shalt  }
0x3f: {  	_ =	shalt  }
0x40: {  	_ =	shalt  }
0x41: {  	_ =	shalt  }
0x42: {  	_ =	shalt  }
0x43: {  	_ =	shalt  }
0x44: {  	_ =	shalt  }
0x45: {  	_ =	shalt  }
0x46: {  	_ =	shalt  }
0x47: {  	_ =	shalt  }
0x48: {  	_ =	shalt  }
0x49: {  	_ =	shalt  }
0x4a: {  	_ =	shalt  }
0x4b: {  	_ =	shalt  }
0x4c: {  	_ =	shalt  }
0x4d: {  	_ =	shalt  }
0x4e: {  	_ =	shalt  }
0x4f: {  	_ =	shalt  }
0x50: {  	_ =	shalt  }
0x51: {  	_ =	shalt  }
0x52: {  	_ =	shalt  }
0x53: {  	_ =	shalt  }
0x54: {  	_ =	shalt  }
0x55: {  	_ =	shalt  }
0x56: {  	_ =	shalt  }
0x57: {  	_ =	shalt  }
0x58: {  	_ =	shalt  }
0x59: {  	_ =	shalt  }
0x5a: {  	_ =	shalt  }
0x5b: {  	_ =	shalt  }
0x5c: {  	_ =	shalt  }
0x5d: {  	_ =	shalt  }
0x5e: {  	_ =	shalt  }
0x5f: {  	_ =	shalt  }
0x60: {  	_ =	shalt  }
0x61: {  	_ =	shalt  }
0x62: {  	_ =	shalt  }
0x63: {  	_ =	shalt  }
0x64: {  	_ =	shalt  }
0x65: {  	_ =	shalt  }
0x66: {  	_ =	shalt  }
0x67: {  	_ =	shalt  }
0x68: {  	_ =	shalt  }
0x69: {  	_ =	shalt  }
0x6a: {  	_ =	shalt  }
0x6b: {  	_ =	shalt  }
0x6c: {  	_ =	shalt  }
0x6d: {  	_ =	shalt  }
0x6e: {  	_ =	shalt  }
0x6f: {  	_ =	shalt  }
0x70: {  	_ =	shalt  }
0x71: {  	_ =	shalt  }
0x72: {  	_ =	shalt  }
0x73: {  	_ =	shalt  }
0x74: {  	_ =	shalt  }
0x75: {  	_ =	shalt  }
0x76: {  	_ =	shalt  }
0x77: {  	_ =	shalt  }
0x78: {  	_ =	shalt  }
0x79: {  	_ =	shalt  }
0x7a: {  	_ =	shalt  }
0x7b: {  	_ =	shalt  }
0x7c: {  	_ =	shalt  }
0x7d: {  	_ =	shalt  }
0x7e: {  	_ =	shalt  }
0x7f: {  	_ =	shalt  }
0x80: {  	_ =	shalt  }
0x81: {  	_ =	shalt  }
0x82: {  	_ =	shalt  }
0x83: {  	_ =	shalt  }
0x84: {  	_ =	shalt  }
0x85: {  	_ =	shalt  }
0x86: {  	_ =	shalt  }
0x87: {  	_ =	shalt  }
.Lfunc_end0:
.L_simem_size_0:
called_computation.1_lowered:
.L_overlay_start_0:
0x88: {  	s2 =	sld [smem:$0x3FD9]  }
0x89: {  	s3 =	sld [smem:$0x3FFE];
	_ =	sdelay $0x1  }
0x8a: {  	s1 =	srdreg.scid  }
0x8b: {  	s0 =	sand.u32 $0x1, s1  }
0x8c: {  	s17 =	sshll.u32 s0, $0xA;
	s2 =	sadd.s32 s3, s2  }
0x8d: {  	s2 =	sadd.s32 s2, s17  }
0x8e: {  	[smem:$0x3FBE] =	sst s2  }
0x8f: {  	_ = 	snop  }
0x90: {  	s2 =	sld [smem:$0x3FD0];
	(tm) =	ssettm $0x1  }
0x91: {  	s18 =	sld [smem:$0x3FFB];
	_ =	sdelay $0x3  }
0x92: {  	_ =	strace s18  }
0x93: {  	s3 =	sld [smem:$0x3FFC];
	_ =	sdelay $0x3  }
0x94: {  	_ =	strace s3  }
0x95: {  	s3 =	sld [smem:$0x3FFD];
	_ =	sdelay $0x3  }
0x96: {  	_ =	strace s3  }
0x97: {  	_ =	strace $0x8FFFFFFF  }
0x98: {  	s19 =	sld [smem:$0x3FDB];
	_ =	sdelay $0x1  }
0x99: {  	s4 =	simm.s32 $_scs_section_size  }
0x9a: {  	s5 =	simm.s32 $_size__tile_overlayer_lowered;
	s6 =	simm.s32 $_tile_overlayer_lowered  }
0x9b: {  	s22 =	simm.s32 $0x1BFF;
	s21 =	sshll.u32 s6, $0x1;
	s3 =	sadd.s32 s4, s19  }
0x9c: {  	s7 =	simm.s32 $0x0;
	s20 =	sshll.u32 s5, $0x1;
	s5 =	sadd.s32 s21, s3  }
0x9d: {  	[timem:s7], [sflag:s22] =	dma.local [hbm:s5], s20  }
0x9e: {  	_ =	swait.ge [sflag:s22], s20  }
0x9f: {  	s4 =	ssub.s32 $0x0, s20;
	[sflag:s22] =	ssyncset.done $0x0  }
0xa0: {  	[sflag:s22] =	ssyncadd.s32 s4;
	_ =	sdelay $0x1  }
0xa1: {  	s23 =	simm.s32 $0x1B8B  }
0xa2: {  	_ =	swait.ge [sflag:s23], $0x1  }
0xa3: {  	[sflag:s23] =	ssyncset.done $0x0  }
0xa4: {  	s25 =	simm.s32 $0x1B8E;
	s24 =	sld [smem:$0x3FFE];
	[sflag:s23] =	ssyncadd.s32 $0xFFFFFFFF  }
0xa5: {  	s26 =	simm.s32 $execute0_lowered;
	[smem:$0x3FD2] =	sst s25  }
0xa6: {  	s5 =	sshll.u32 s26, $0x1;
	_ =	strace $0x80000049;
	[dreg:$0x1] =	wrdreg $0xFFFFFFFF  }
0xa7: {  	s28 =	simm.s32 $_size_execute0_lowered;
	s3 =	sadd.s32 s3, s5;
	[dreg:$0x0] =	wrdreg $0x0  }
0xa8: {  	s5 =	sshll.u32 s28, $0x1;
	[dreg:$0x2] =	wrdreg s3  }
0xa9: {  	[dreg:$0x3] =	wrdreg s5  }
0xaa: {  	[dreg:$0x4] =	wrdreg $0xC0  }
0xab: {  	_ =	task [dreg:s7], $0x5FFFF  }
0xac: {  	[dreg:$0x1] =	wrdreg $0xFFFFFFFF  }
0xad: {  	[dreg:$0x0] =	wrdreg $0x60  }
0xae: {  	[dreg:$0x2] =	wrdreg s24  }
0xaf: {  	[dreg:$0x3] =	wrdreg s2  }
0xb0: {  	[dreg:$0x4] =	wrdreg $0xD0000  }
0xb1: {  	[dreg:$0x5] =	wrdreg $0x9  }
0xb2: {  	_ =	task.clear_ibuf [dreg:s7], $0x6FFFF;
	_ =	strace $0x90000049  }
0xb3: {  	s29 =	simm.s32 $0x9;
	_ =	strace $0x8000004B  }
0xb4: {  	_ =	swait.ge [sflag:s29], $0x1  }
0xb5: {  	[sflag:s29] =	ssyncadd.s32 $0xFFFFFFFF  }
0xb6: {  	_ =	strace $0x9000004B  }
0xb7: {  	_ =	sfence  }
0xb8: {  	s30 =	sld [smem:$0x0];
	_ =	sdelay $0x2  }
0xb9: {  	s31 =	sshll.u32 s1, $0xD;
	s1 =	sshrl.u32 s1, $0x2  }
0xba: {  	s3 =	sand.u32 $0x4000, s31;
	s1 =	sadd.s32 s1, s30  }
0xbb: {  	s0 =	sor.u32 s3, s0;
	s1 =	sshll.u32 s1, $0x11  }
0xbc: {  	s0 =	sor.u32 s1, s0  }
0xbd: {  	s0 =	sadd.s32 $0x8F2B, s0  }
0xbe: {  	[sflag:s0] =	ssyncadd.remote.s32 $0x1  }
0xbf: {  	_ =	sfence.sel $0xFFFF  }
0xc0: {  	[dreg:$0x0] =	wrdreg $0xFFFFFFFF;
	(pc) =	sbr.abs _section_cstart, $3  }
0xc1: {  	[dreg:$0x1] =	wrdreg $0xFFFFFFFF  }
0xc2: {  	_ =	task.clear_ibuf [dreg:s7], $0x2FFFF;
	_ =	strace $0x9FFFFFFF  }
0xc3: {  	(tm) =	ssettm $0x7FFFFFFF  }
tec
execute0_lowered:
.L_overlay_start_1:
0x0: {  	(tag) =	ssettag $0x1  }
0x1: {  	s0 =	rddreg [dreg:$0x0]  }
0x2: {  	s1 =	rddreg [dreg:$0x1]  }
0x3: {  	s2 =	rddreg [dreg:$0x2]  }
0x4: {  	s3 =	srdreg.scid;
	s8 =	stileid.u32  }
0x5: {  	s4 =	simm.s32 $0x0;
	s13 =	simm.s32 $0x11;
	s14 =	simm.s32 $0x80  }
0x6: {  	s15 =	simm.s32 $0x5000;
	s16 =	simm.s32 $0x6000;
	s18 =	simm.s32 $0x7000  }
0x7: {  	s30 =	simm.s32 $0xA000;
	s31 =	simm.s32 $0x3;
	s29 =	simm.s32 $0x5  }
0x8: {  	s17 =	simm.s32 $0xA;
	s28 =	simm.s32 $0xB;
	s10 =	simm.s32 $0x10  }
0x9: {  	s11 =	simm.s32 $0x0;
	s3 =	sand.u32 $0x1, s3;
	s5 =	smul.u32 $0xA000, s8  }
0xa: {  	[smem:$0x7FF] =	sst s4;
	s4 =	sadd.s32 $0x1400, s0;
	s6 =	smul.u32 $0xA0000, s3  }
0xb: {  	_ =	strace $0x8000004A;
	s7 =	sshll.u32 s3, $0x4;
	s3 =	ssub.s32 $0x2, s3  }
0xc: {  	s7 =	sor.u32 s8, s7;
	s8 =	smul.u32 $0x14000, s8;
	s9 =	sshrl.u32 s3, $0x1  }
0xd: {  	s20 =	sshrl.u32 s5, $0x1;
	s6 =	sadd.s32 s5, s6;
	s7 =	smul.u32 $0xA00, s7  }
0xe: {  	s3 =	ssub.s32 s3, s9;
	s5 =	simm.s32 $0xC;
	s9 =	simm.s32 $0xF  }
0xf: {  	s6 =	sshrl.u32 s6, $0x4;
	s19 =	sshrl.u32 s8, $0x2;
	s26 =	smax.u32 s3, $0x1  }
0x10: {  	s3 =	simm.s32 $0x8;
	s1 =	sadd.s32 s1, s7;
	[dreg:$0xb] =	wrdreg s26  }
0x11: {  	s21 =	sadd.s32 s19, s2;
	[dreg:$0x4] =	wrdreg s1;
	s1 =	sadd.s32 s20, s2  }
0x12: {  	s8 =	simm.s32 $0xE;
	s22 =	sadd.s32 $0x1000, s21;
	[dreg:$0x5] =	wrdreg s1  }
0x13: {  	s0 =	sadd.s32 s6, s0;
	s23 =	sadd.s32 $0x2000, s21;
	[dreg:$0x6] =	wrdreg s22  }
0x14: {  	s26 =	simm.s32 $0x2;
	s24 =	sadd.s32 $0x3000, s21;
	[dreg:$0x7] =	wrdreg s23  }
0x15: {  	s19 =	simm.s32 $0xB000;
	s25 =	sadd.s32 $0x4000, s21;
	[dreg:$0x8] =	wrdreg s24  }
0x16: {  	s7 =	simm.s32 $0xD;
	s0 =	sadd.s32 $0xB200, s0;
	[dreg:$0x9] =	wrdreg s25  }
0x17: {  	s20 =	simm.s32 $0x8000;
	s21 =	simm.s32 $0xC000;
	[dreg:$0xa] =	wrdreg s0  }
0x18: {  	s22 =	simm.s32 $0x1;
	s25 =	simm.s32 $0x9000;
	s23 =	simm.s32 $0x4  }
0x19: {  	v0 =	vimm.bf16 $0.0e+00;
	s1 =	simm.s32 $0x9;
	s0 =	simm.s32 $0x6;
	s24 =	simm.s32 $0x7  }
.LBB2_1:
0x1a: {  	[dreg:$0xc] =	wrdreg s11  }
0x1b: {  	s6 =	simm.s32 $0x0;
	s12 =	rddreg [dreg:$0x4]  }
0x1c: {  	[tilespmem:s6], [sflag:$0x11] =	stream.linear.gather [hbm4b:s12+s6], $0x5000, $0x38;
	[tilespmem:$0x12000] =	vst v63  }
0x1d: {  	_ =	swait.ge [sflag:s13], $0x5000  }
0x1e: {  	[sflag:s13] =	ssyncset.done $0x0  }
0x1f: {  	[sflag:s13] =	ssyncadd.s32 $0xFFFFB000  }
0x20: {  	[tilespmem:s15], [sflag:$0x1] =	stream.indirect.gather [hbm4b:s4+s14], $0x20, s6, s14, $0xb8;
	[tilespmem:$0x12000] =	vst v63  }
0x21: {  	_ = 	snop  }
0x22: {  	[tilespmem:s16], [sflag:$0x2] =	stream.indirect.gather [hbm4b:s4+s14], $0x20, s14, s14, $0xb8;
	[tilespmem:$0x12000] =	vst v63  }
0x23: {  	s11 =	simm.s32 $0x100  }
0x24: {  	[tilespmem:s18], [sflag:$0x3] =	stream.indirect.gather [hbm4b:s4+s14], $0x20, s11, s14, $0xb8;
	[tilespmem:$0x12000] =	vst v63  }
0x25: {  	s12 =	simm.s32 $0x180  }
0x26: {  	[tilespmem:s20], [sflag:$0x4] =	stream.indirect.gather [hbm4b:s4+s14], $0x20, s12, s14, $0xb8;
	[tilespmem:$0x12000] =	vst v63  }
0x27: {  	s6 =	simm.s32 $0x80;
	s12 =	simm.s32 $0x0  }
.LBB2_2:
0x28: {  	p0 =	sne.s32 s6, $0x3F80;
	[tilespmem:s12+$0xC000] =	vst v0;
	s11 =	smov.u32 s6;
	s6 =	sadd.s32 $0x80, s6  }
.Ltmp0:
0x29: {  	[tilespmem:s12+$0xC010] =	vst v0;
	(pc) =	sbr.rel @p0 .LBB2_2-.Ltmp0, $2  }
0x2a: {  	_ =	sdelay $0x2  }
0x2b: {  	s12 =	sshra.s32 s11, $0x2  }
0x2c: {  	[tilespmem:s12+$0xC000] =	vst v0  }
0x2d: {  	[tilespmem:s12+$0xC010] =	vst v0;
	s6 =	rddreg [dreg:$0x5]  }
0x2e: {  	[spmem:s6] =	stream.linear.scatter [tilespmem:s21], [sflag:$0x11], $0x1000, $0x38;
	[tilespmem:$0x12000] =	vst v63  }
0x2f: {  	_ =	swait.ge [sflag:s13], $0x1000  }
0x30: {  	[sflag:s13] =	ssyncset.done $0x0  }
0x31: {  	s12 =	rddreg [dreg:$0x6];
	[sflag:s13] =	ssyncadd.s32 $0xFFFFF000  }
0x32: {  	[spmem:s12] =	stream.linear.scatter [tilespmem:s21], [sflag:$0x11], $0x1000, $0x38;
	[tilespmem:$0x12000] =	vst v63  }
0x33: {  	_ =	swait.ge [sflag:s13], $0x1000  }
0x34: {  	[sflag:s13] =	ssyncset.done $0x0  }
0x35: {  	s11 =	rddreg [dreg:$0x7];
	[sflag:s13] =	ssyncadd.s32 $0xFFFFF000  }
0x36: {  	[spmem:s11] =	stream.linear.scatter [tilespmem:s21], [sflag:$0x11], $0x1000, $0x38;
	[tilespmem:$0x12000] =	vst v63  }
0x37: {  	_ =	swait.ge [sflag:s13], $0x1000  }
0x38: {  	[sflag:s13] =	ssyncset.done $0x0  }
0x39: {  	s12 =	rddreg [dreg:$0x8];
	[sflag:s13] =	ssyncadd.s32 $0xFFFFF000  }
0x3a: {  	[spmem:s12] =	stream.linear.scatter [tilespmem:s21], [sflag:$0x11], $0x1000, $0x38;
	[tilespmem:$0x12000] =	vst v63  }
0x3b: {  	_ =	swait.ge [sflag:s13], $0x1000  }
0x3c: {  	[sflag:s13] =	ssyncset.done $0x0  }
0x3d: {  	s11 =	rddreg [dreg:$0x9];
	[sflag:s13] =	ssyncadd.s32 $0xFFFFF000  }
0x3e: {  	[spmem:s11] =	stream.linear.scatter [tilespmem:s21], [sflag:$0x11], $0x1000, $0x38;
	[tilespmem:$0x12000] =	vst v63  }
0x3f: {  	_ =	swait.ge [sflag:s13], $0x1000  }
0x40: {  	[sflag:s13] =	ssyncset.done $0x0  }
0x41: {  	[sflag:s13] =	ssyncadd.s32 $0xFFFFF000  }
0x42: {  	[bflag:$0x0] =	sbarrier.arrive $0xFFFF  }
0x43: {  	_ =	swait.ge [sflag:s22], $0x1000  }
0x44: {  	[sflag:s22] =	ssyncset.done $0x0  }
0x45: {  	s12 =	simm.s32 $0x2800;
	[sflag:s22] =	ssyncadd.s32 $0xFFFFF000  }
0x46: {  	[spmem:s2] =	stream.indirect.scatter.add.bf16 [tilespmem:s15], [sflag:$0x9], $0x20, s12, s14, $0xb8;
	[tilespmem:$0x12000] =	vst v63  }
0x47: {  	s11 =	simm.s32 $0x200  }
0x48: {  	[tilespmem:s25], [sflag:$0x5] =	stream.indirect.gather [hbm4b:s4+s14], $0x20, s11, s14, $0xb8;
	[tilespmem:$0x12000] =	vst v63  }
0x49: {  	_ =	swait.ge [sflag:s26], $0x1000  }
0x4a: {  	[sflag:s26] =	ssyncset.done $0x0  }
0x4b: {  	s12 =	simm.s32 $0x2880;
	[sflag:s26] =	ssyncadd.s32 $0xFFFFF000  }
0x4c: {  	[spmem:s2] =	stream.indirect.scatter.add.bf16 [tilespmem:s16], [sflag:$0xA], $0x20, s12, s14, $0xb8;
	[tilespmem:$0x12000] =	vst v63  }
0x4d: {  	s11 =	simm.s32 $0x280  }
0x4e: {  	[tilespmem:s30], [sflag:$0x6] =	stream.indirect.gather [hbm4b:s4+s14], $0x20, s11, s14, $0xb8;
	[tilespmem:$0x12000] =	vst v63  }
0x4f: {  	_ =	swait.ge [sflag:s31], $0x1000  }
0x50: {  	[sflag:s31] =	ssyncset.done $0x0  }
0x51: {  	s12 =	simm.s32 $0x2900;
	[sflag:s31] =	ssyncadd.s32 $0xFFFFF000  }
0x52: {  	[spmem:s2] =	stream.indirect.scatter.add.bf16 [tilespmem:s18], [sflag:$0xB], $0x20, s12, s14, $0xb8;
	[tilespmem:$0x12000] =	vst v63  }
0x53: {  	s11 =	simm.s32 $0x300  }
0x54: {  	[tilespmem:s19], [sflag:$0x7] =	stream.indirect.gather [hbm4b:s4+s14], $0x20, s11, s14, $0xb8;
	[tilespmem:$0x12000] =	vst v63  }
0x55: {  	_ =	swait.ge [sflag:s23], $0x1000  }
0x56: {  	[sflag:s23] =	ssyncset.done $0x0  }
0x57: {  	s12 =	simm.s32 $0x2980;
	[sflag:s23] =	ssyncadd.s32 $0xFFFFF000  }
0x58: {  	[spmem:s2] =	stream.indirect.scatter.add.bf16 [tilespmem:s20], [sflag:$0xC], $0x20, s12, s14, $0xb8;
	[tilespmem:$0x12000] =	vst v63  }
0x59: {  	s11 =	simm.s32 $0x380  }
0x5a: {  	[tilespmem:s21], [sflag:$0x8] =	stream.indirect.gather [hbm4b:s4+s14], $0x20, s11, s14, $0xb8;
	[tilespmem:$0x12000] =	vst v63  }
0x5b: {  	_ =	swait.ge [sflag:s29], $0x1000  }
0x5c: {  	[sflag:s29] =	ssyncset.done $0x0  }
0x5d: {  	s12 =	simm.s32 $0x2A00;
	[sflag:s29] =	ssyncadd.s32 $0xFFFFF000  }
0x5e: {  	[spmem:s2] =	stream.indirect.scatter.add.bf16 [tilespmem:s25], [sflag:$0xD], $0x20, s12, s14, $0xb8;
	[tilespmem:$0x12000] =	vst v63  }
0x5f: {  	_ =	swait.ge [sflag:s1], $0x1000  }
0x60: {  	[sflag:s1] =	ssyncset.done $0x0  }
0x61: {  	s11 =	simm.s32 $0x400;
	[sflag:s1] =	ssyncadd.s32 $0xFFFFF000  }
0x62: {  	[tilespmem:s15], [sflag:$0x1] =	stream.indirect.gather [hbm4b:s4+s14], $0x20, s11, s14, $0xb8;
	[tilespmem:$0x12000] =	vst v63  }
0x63: {  	_ =	swait.ge [sflag:s0], $0x1000  }
0x64: {  	[sflag:s0] =	ssyncset.done $0x0  }
0x65: {  	s12 =	simm.s32 $0x2A80;
	[sflag:s0] =	ssyncadd.s32 $0xFFFFF000  }
0x66: {  	[spmem:s2] =	stream.indirect.scatter.add.bf16 [tilespmem:s30], [sflag:$0xE], $0x20, s12, s14, $0xb8;
	[tilespmem:$0x12000] =	vst v63  }
0x67: {  	_ =	swait.ge [sflag:s17], $0x1000  }
0x68: {  	[sflag:s17] =	ssyncset.done $0x0  }
0x69: {  	s11 =	simm.s32 $0x480;
	[sflag:s17] =	ssyncadd.s32 $0xFFFFF000  }
0x6a: {  	[tilespmem:s16], [sflag:$0x2] =	stream.indirect.gather [hbm4b:s4+s14], $0x20, s11, s14, $0xb8;
	[tilespmem:$0x12000] =	vst v63  }
0x6b: {  	_ =	swait.ge [sflag:s24], $0x1000  }
0x6c: {  	[sflag:s24] =	ssyncset.done $0x0  }
0x6d: {  	s12 =	simm.s32 $0x2B00;
	[sflag:s24] =	ssyncadd.s32 $0xFFFFF000  }
0x6e: {  	[spmem:s2] =	stream.indirect.scatter.add.bf16 [tilespmem:s19], [sflag:$0xF], $0x20, s12, s14, $0xb8;
	[tilespmem:$0x12000] =	vst v63  }
0x6f: {  	_ =	swait.ge [sflag:s28], $0x1000  }
0x70: {  	[sflag:s28] =	ssyncset.done $0x0  }
0x71: {  	s11 =	simm.s32 $0x500;
	[sflag:s28] =	ssyncadd.s32 $0xFFFFF000  }
0x72: {  	[tilespmem:s18], [sflag:$0x3] =	stream.indirect.gather [hbm4b:s4+s14], $0x20, s11, s14, $0xb8;
	[tilespmem:$0x12000] =	vst v63  }
0x73: {  	_ =	swait.ge [sflag:s3], $0x1000  }
0x74: {  	[sflag:s3] =	ssyncset.done $0x0  }
0x75: {  	s12 =	simm.s32 $0x2B80;
	[sflag:s3] =	ssyncadd.s32 $0xFFFFF000  }
0x76: {  	[spmem:s2] =	stream.indirect.scatter.add.bf16 [tilespmem:s21], [sflag:$0x10], $0x20, s12, s14, $0xb8;
	[tilespmem:$0x12000] =	vst v63  }
0x77: {  	_ =	swait.ge [sflag:s5], $0x1000  }
0x78: {  	[sflag:s5] =	ssyncset.done $0x0  }
0x79: {  	s11 =	simm.s32 $0x580;
	[sflag:s5] =	ssyncadd.s32 $0xFFFFF000  }
0x7a: {  	[tilespmem:s20], [sflag:$0x4] =	stream.indirect.gather [hbm4b:s4+s14], $0x20, s11, s14, $0xb8;
	[tilespmem:$0x12000] =	vst v63  }
0x7b: {  	_ =	swait.ge [sflag:s22], $0x1000  }
0x7c: {  	[sflag:s22] =	ssyncset.done $0x0  }
0x7d: {  	s12 =	simm.s32 $0x2C00;
	[sflag:s22] =	ssyncadd.s32 $0xFFFFF000  }
0x7e: {  	[spmem:s2] =	stream.indirect.scatter.add.bf16 [tilespmem:s15], [sflag:$0x9], $0x20, s12, s14, $0xb8;
	[tilespmem:$0x12000] =	vst v63  }
0x7f: {  	_ =	swait.ge [sflag:s7], $0x1000  }
0x80: {  	[sflag:s7] =	ssyncset.done $0x0  }
0x81: {  	s11 =	simm.s32 $0x600;
	[sflag:s7] =	ssyncadd.s32 $0xFFFFF000  }
0x82: {  	[tilespmem:s25], [sflag:$0x5] =	stream.indirect.gather [hbm4b:s4+s14], $0x20, s11, s14, $0xb8;
	[tilespmem:$0x12000] =	vst v63  }
0x83: {  	_ =	swait.ge [sflag:s26], $0x1000  }
0x84: {  	[sflag:s26] =	ssyncset.done $0x0  }
0x85: {  	s12 =	simm.s32 $0x2C80;
	[sflag:s26] =	ssyncadd.s32 $0xFFFFF000  }
0x86: {  	[spmem:s2] =	stream.indirect.scatter.add.bf16 [tilespmem:s16], [sflag:$0xA], $0x20, s12, s14, $0xb8;
	[tilespmem:$0x12000] =	vst v63  }
0x87: {  	_ =	swait.ge [sflag:s8], $0x1000  }
0x88: {  	[sflag:s8] =	ssyncset.done $0x0  }
0x89: {  	s11 =	simm.s32 $0x680;
	[sflag:s8] =	ssyncadd.s32 $0xFFFFF000  }
0x8a: {  	[tilespmem:s30], [sflag:$0x6] =	stream.indirect.gather [hbm4b:s4+s14], $0x20, s11, s14, $0xb8;
	[tilespmem:$0x12000] =	vst v63  }
0x8b: {  	_ =	swait.ge [sflag:s31], $0x1000  }
0x8c: {  	[sflag:s31] =	ssyncset.done $0x0  }
0x8d: {  	s12 =	simm.s32 $0x2D00;
	[sflag:s31] =	ssyncadd.s32 $0xFFFFF000  }
0x8e: {  	[spmem:s2] =	stream.indirect.scatter.add.bf16 [tilespmem:s18], [sflag:$0xB], $0x20, s12, s14, $0xb8;
	[tilespmem:$0x12000] =	vst v63  }
0x8f: {  	_ =	swait.ge [sflag:s9], $0x1000  }
0x90: {  	[sflag:s9] =	ssyncset.done $0x0  }
0x91: {  	s11 =	simm.s32 $0x700;
	[sflag:s9] =	ssyncadd.s32 $0xFFFFF000  }
0x92: {  	[tilespmem:s19], [sflag:$0x7] =	stream.indirect.gather [hbm4b:s4+s14], $0x20, s11, s14, $0xb8;
	[tilespmem:$0x12000] =	vst v63  }
0x93: {  	_ =	swait.ge [sflag:s23], $0x1000  }
0x94: {  	[sflag:s23] =	ssyncset.done $0x0  }
0x95: {  	s12 =	simm.s32 $0x2D80;
	[sflag:s23] =	ssyncadd.s32 $0xFFFFF000  }
0x96: {  	[spmem:s2] =	stream.indirect.scatter.add.bf16 [tilespmem:s20], [sflag:$0xC], $0x20, s12, s14, $0xb8;
	[tilespmem:$0x12000] =	vst v63  }
0x97: {  	_ =	swait.ge [sflag:s10], $0x1000  }
0x98: {  	[sflag:s10] =	ssyncset.done $0x0  }
0x99: {  	s6 =	simm.s32 $0x780;
	s12 =	simm.s32 $0x1000;
	[sflag:s10] =	ssyncadd.s32 $0xFFFFF000  }
.LBB2_4:
0x9a: {  	[tilespmem:s21], [sflag:$0x8] =	stream.indirect.gather [hbm4b:s4+s14], $0x20, s6, s14, $0xb8;
	[tilespmem:$0x12000] =	vst v63  }
0x9b: {  	s6 =	smov.u32 s12  }
0x9c: {  	p0 =	sne.s32 s12, $0x8000;
	s12 =	sadd.s32 $0x1000, s12;
	_ =	swait.ge [sflag:s29], $0x1000  }
0x9d: {  	s6 =	sshra.s32 s6, $0x2;
	[sflag:s29] =	ssyncset.done $0x0  }
0x9e: {  	s11 =	sadd.s32 $0x2A00, s6;
	[sflag:s29] =	ssyncadd.s32 $0xFFFFF000  }
0x9f: {  	[spmem:s2] =	stream.indirect.scatter.add.bf16 [tilespmem:s25], [sflag:$0xD], $0x20, s11, s14, $0xb8;
	[tilespmem:$0x12000] =	vst v63  }
0xa0: {  	_ =	swait.ge [sflag:s1], $0x1000  }
0xa1: {  	[sflag:s1] =	ssyncset.done $0x0  }
0xa2: {  	s11 =	sadd.s32 $0x400, s6;
	[sflag:s1] =	ssyncadd.s32 $0xFFFFF000  }
0xa3: {  	[tilespmem:s15], [sflag:$0x1] =	stream.indirect.gather [hbm4b:s4+s14], $0x20, s11, s14, $0xb8;
	[tilespmem:$0x12000] =	vst v63  }
0xa4: {  	_ =	swait.ge [sflag:s0], $0x1000  }
0xa5: {  	[sflag:s0] =	ssyncset.done $0x0  }
0xa6: {  	s11 =	sadd.s32 $0x2A80, s6;
	[sflag:s0] =	ssyncadd.s32 $0xFFFFF000  }
0xa7: {  	[spmem:s2] =	stream.indirect.scatter.add.bf16 [tilespmem:s30], [sflag:$0xE], $0x20, s11, s14, $0xb8;
	[tilespmem:$0x12000] =	vst v63  }
0xa8: {  	_ =	swait.ge [sflag:s17], $0x1000  }
0xa9: {  	[sflag:s17] =	ssyncset.done $0x0  }
0xaa: {  	s11 =	sadd.s32 $0x480, s6;
	[sflag:s17] =	ssyncadd.s32 $0xFFFFF000  }
0xab: {  	[tilespmem:s16], [sflag:$0x2] =	stream.indirect.gather [hbm4b:s4+s14], $0x20, s11, s14, $0xb8;
	[tilespmem:$0x12000] =	vst v63  }
0xac: {  	_ =	swait.ge [sflag:s24], $0x1000  }
0xad: {  	[sflag:s24] =	ssyncset.done $0x0  }
0xae: {  	s11 =	sadd.s32 $0x2B00, s6;
	[sflag:s24] =	ssyncadd.s32 $0xFFFFF000  }
0xaf: {  	[spmem:s2] =	stream.indirect.scatter.add.bf16 [tilespmem:s19], [sflag:$0xF], $0x20, s11, s14, $0xb8;
	[tilespmem:$0x12000] =	vst v63  }
0xb0: {  	_ =	swait.ge [sflag:s28], $0x1000  }
0xb1: {  	[sflag:s28] =	ssyncset.done $0x0  }
0xb2: {  	s11 =	sadd.s32 $0x500, s6;
	[sflag:s28] =	ssyncadd.s32 $0xFFFFF000  }
0xb3: {  	[tilespmem:s18], [sflag:$0x3] =	stream.indirect.gather [hbm4b:s4+s14], $0x20, s11, s14, $0xb8;
	[tilespmem:$0x12000] =	vst v63  }
0xb4: {  	_ =	swait.ge [sflag:s3], $0x1000  }
0xb5: {  	[sflag:s3] =	ssyncset.done $0x0  }
0xb6: {  	s11 =	sadd.s32 $0x2B80, s6;
	[sflag:s3] =	ssyncadd.s32 $0xFFFFF000  }
0xb7: {  	[spmem:s2] =	stream.indirect.scatter.add.bf16 [tilespmem:s21], [sflag:$0x10], $0x20, s11, s14, $0xb8;
	[tilespmem:$0x12000] =	vst v63  }
0xb8: {  	_ =	swait.ge [sflag:s5], $0x1000  }
0xb9: {  	[sflag:s5] =	ssyncset.done $0x0  }
0xba: {  	s11 =	sadd.s32 $0x580, s6;
	[sflag:s5] =	ssyncadd.s32 $0xFFFFF000  }
0xbb: {  	[tilespmem:s20], [sflag:$0x4] =	stream.indirect.gather [hbm4b:s4+s14], $0x20, s11, s14, $0xb8;
	[tilespmem:$0x12000] =	vst v63  }
0xbc: {  	_ =	swait.ge [sflag:s22], $0x1000  }
0xbd: {  	[sflag:s22] =	ssyncset.done $0x0  }
0xbe: {  	s11 =	sadd.s32 $0x2C00, s6;
	[sflag:s22] =	ssyncadd.s32 $0xFFFFF000  }
0xbf: {  	[spmem:s2] =	stream.indirect.scatter.add.bf16 [tilespmem:s15], [sflag:$0x9], $0x20, s11, s14, $0xb8;
	[tilespmem:$0x12000] =	vst v63  }
0xc0: {  	_ =	swait.ge [sflag:s7], $0x1000  }
0xc1: {  	[sflag:s7] =	ssyncset.done $0x0  }
0xc2: {  	s11 =	sadd.s32 $0x600, s6;
	[sflag:s7] =	ssyncadd.s32 $0xFFFFF000  }
0xc3: {  	[tilespmem:s25], [sflag:$0x5] =	stream.indirect.gather [hbm4b:s4+s14], $0x20, s11, s14, $0xb8;
	[tilespmem:$0x12000] =	vst v63  }
0xc4: {  	_ =	swait.ge [sflag:s26], $0x1000  }
0xc5: {  	[sflag:s26] =	ssyncset.done $0x0  }
0xc6: {  	s11 =	sadd.s32 $0x2C80, s6;
	[sflag:s26] =	ssyncadd.s32 $0xFFFFF000  }
0xc7: {  	[spmem:s2] =	stream.indirect.scatter.add.bf16 [tilespmem:s16], [sflag:$0xA], $0x20, s11, s14, $0xb8;
	[tilespmem:$0x12000] =	vst v63  }
0xc8: {  	_ =	swait.ge [sflag:s8], $0x1000  }
0xc9: {  	[sflag:s8] =	ssyncset.done $0x0  }
0xca: {  	s11 =	sadd.s32 $0x680, s6;
	[sflag:s8] =	ssyncadd.s32 $0xFFFFF000  }
0xcb: {  	[tilespmem:s30], [sflag:$0x6] =	stream.indirect.gather [hbm4b:s4+s14], $0x20, s11, s14, $0xb8;
	[tilespmem:$0x12000] =	vst v63  }
0xcc: {  	_ =	swait.ge [sflag:s31], $0x1000  }
0xcd: {  	[sflag:s31] =	ssyncset.done $0x0  }
0xce: {  	s11 =	sadd.s32 $0x2D00, s6;
	[sflag:s31] =	ssyncadd.s32 $0xFFFFF000  }
0xcf: {  	[spmem:s2] =	stream.indirect.scatter.add.bf16 [tilespmem:s18], [sflag:$0xB], $0x20, s11, s14, $0xb8;
	[tilespmem:$0x12000] =	vst v63  }
0xd0: {  	_ =	swait.ge [sflag:s9], $0x1000  }
0xd1: {  	[sflag:s9] =	ssyncset.done $0x0  }
0xd2: {  	s11 =	sadd.s32 $0x700, s6;
	[sflag:s9] =	ssyncadd.s32 $0xFFFFF000  }
0xd3: {  	[tilespmem:s19], [sflag:$0x7] =	stream.indirect.gather [hbm4b:s4+s14], $0x20, s11, s14, $0xb8;
	[tilespmem:$0x12000] =	vst v63  }
0xd4: {  	_ =	swait.ge [sflag:s23], $0x1000  }
0xd5: {  	[sflag:s23] =	ssyncset.done $0x0  }
.Ltmp1:
0xd6: {  	s11 =	sadd.s32 $0x2D80, s6;
	[sflag:s23] =	ssyncadd.s32 $0xFFFFF000;
	(pc) =	sbr.rel @p0 .LBB2_4-.Ltmp1, $4  }
0xd7: {  	[spmem:s2] =	stream.indirect.scatter.add.bf16 [tilespmem:s20], [sflag:$0xC], $0x20, s11, s14, $0xb8;
	[tilespmem:$0x12000] =	vst v63  }
0xd8: {  	_ =	swait.ge [sflag:s10], $0x1000  }
0xd9: {  	[sflag:s10] =	ssyncset.done $0x0  }
0xda: {  	s6 =	sadd.s32 $0x780, s6;
	[sflag:s10] =	ssyncadd.s32 $0xFFFFF000  }
0xdb: {  	[tilespmem:s21], [sflag:$0x8] =	stream.indirect.gather [hbm4b:s4+s14], $0x20, s6, s14, $0xb8;
	[tilespmem:$0x12000] =	vst v63  }
0xdc: {  	_ =	swait.ge [sflag:s29], $0x1000  }
0xdd: {  	[sflag:s29] =	ssyncset.done $0x0  }
0xde: {  	s12 =	simm.s32 $0x4E00;
	[sflag:s29] =	ssyncadd.s32 $0xFFFFF000  }
0xdf: {  	[spmem:s2] =	stream.indirect.scatter.add.bf16 [tilespmem:s25], [sflag:$0xD], $0x20, s12, s14, $0xb8;
	[tilespmem:$0x12000] =	vst v63  }
0xe0: {  	_ =	swait.ge [sflag:s1], $0x1000  }
0xe1: {  	[sflag:s1] =	ssyncset.done $0x0  }
0xe2: {  	[sflag:s1] =	ssyncadd.s32 $0xFFFFF000  }
0xe3: {  	_ =	swait.ge [sflag:s0], $0x1000  }
0xe4: {  	[sflag:s0] =	ssyncset.done $0x0  }
0xe5: {  	s11 =	simm.s32 $0x4E80;
	[sflag:s0] =	ssyncadd.s32 $0xFFFFF000  }
0xe6: {  	[spmem:s2] =	stream.indirect.scatter.add.bf16 [tilespmem:s30], [sflag:$0xE], $0x20, s11, s14, $0xb8;
	[tilespmem:$0x12000] =	vst v63  }
0xe7: {  	_ =	swait.ge [sflag:s17], $0x1000  }
0xe8: {  	[sflag:s17] =	ssyncset.done $0x0  }
0xe9: {  	[sflag:s17] =	ssyncadd.s32 $0xFFFFF000  }
0xea: {  	_ =	swait.ge [sflag:s24], $0x1000  }
0xeb: {  	[sflag:s24] =	ssyncset.done $0x0  }
0xec: {  	s12 =	simm.s32 $0x4F00;
	[sflag:s24] =	ssyncadd.s32 $0xFFFFF000  }
0xed: {  	[spmem:s2] =	stream.indirect.scatter.add.bf16 [tilespmem:s19], [sflag:$0xF], $0x20, s12, s14, $0xb8;
	[tilespmem:$0x12000] =	vst v63  }
0xee: {  	_ =	swait.ge [sflag:s28], $0x1000  }
0xef: {  	[sflag:s28] =	ssyncset.done $0x0  }
0xf0: {  	[sflag:s28] =	ssyncadd.s32 $0xFFFFF000  }
0xf1: {  	_ =	swait.ge [sflag:s3], $0x1000  }
0xf2: {  	[sflag:s3] =	ssyncset.done $0x0  }
0xf3: {  	s11 =	simm.s32 $0x4F80;
	[sflag:s3] =	ssyncadd.s32 $0xFFFFF000  }
0xf4: {  	[spmem:s2] =	stream.indirect.scatter.add.bf16 [tilespmem:s21], [sflag:$0x10], $0x20, s11, s14, $0xb8;
	[tilespmem:$0x12000] =	vst v63  }
0xf5: {  	_ =	swait.ge [sflag:s5], $0x1000  }
0xf6: {  	[sflag:s5] =	ssyncset.done $0x0  }
0xf7: {  	[sflag:s5] =	ssyncadd.s32 $0xFFFFF000  }
0xf8: {  	_ =	swait.ge [sflag:s7], $0x1000  }
0xf9: {  	[sflag:s7] =	ssyncset.done $0x0  }
0xfa: {  	[sflag:s7] =	ssyncadd.s32 $0xFFFFF000  }
0xfb: {  	_ =	swait.ge [sflag:s8], $0x1000  }
0xfc: {  	[sflag:s8] =	ssyncset.done $0x0  }
0xfd: {  	[sflag:s8] =	ssyncadd.s32 $0xFFFFF000  }
0xfe: {  	_ =	swait.ge [sflag:s9], $0x1000  }
0xff: {  	[sflag:s9] =	ssyncset.done $0x0  }
0x100: {  	[sflag:s9] =	ssyncadd.s32 $0xFFFFF000  }
0x101: {  	_ =	swait.ge [sflag:s10], $0x1000  }
0x102: {  	[sflag:s10] =	ssyncset.done $0x0  }
0x103: {  	[sflag:s10] =	ssyncadd.s32 $0xFFFFF000  }
0x104: {  	s12 =	stileid.u32;
	[bflag:$0x0] =	sbarrier.arrive $0xFFFF  }
0x105: {  	s6 =	sshll.u32 s12, $0x6;
	s11 =	rddreg [dreg:$0x5]  }
0x106: {  	s6 =	sor.u32 $0x1C11, s6;
	s12 =	rddreg [dreg:$0xa];
	s11 =	sshrl.u32 s11, $0x3  }
0x107: {  	[hbm:s12], [sflag:s6] =	dma.local [spmem:s11], $0xA00  }
0x108: {  	_ =	swait.ge [sflag:s13], $0xA00  }
0x109: {  	s6 =	rddreg [dreg:$0xc]  }
0x10a: {  	s12 =	rddreg [dreg:$0xb];
	s11 =	sadd.s32 $0x1, s6  }
0x10b: {  	p0 =	sne.s32 s11, s12  }
.Ltmp2:
0x10c: {  	_ = 	snop;
	(pc) =	sbr.rel @p0 .LBB2_1-.Ltmp2, $3  }
0x10d: {  	_ =	sdelay $0x1  }
0x10e: {  	[sflag:s13] =	ssyncset.done $0x0  }
0x10f: {  	[sflag:s13] =	ssyncadd.s32 $0xFFFFF600  }
0x110: {  	_ =	sfence.sel $0x180000  }
0x111: {  	[bflag:$0x0] =	sbarrier.arrive $0xFFFF  }
0x112: {  	_ =	strace $0x9000004A  }
0x113: {  	s0 =	stileid.u32;
	[bflag:$0x2] =	sbarrier.arrive $0xFFFF  }
0x114: {  	p0 =	sne.s32 s0, $0x0;
	s0 =	rddreg [dreg:$0x3]  }
0x115: {  	s0 =	sadd.s32 @!p0 $0x100000, s0  }
0x116: {  	[sflag:s0] =	ssyncadd.tile.s32 @!p0 $0x1;
	_ =	shalt  }
.Lfunc_end2:
_tile_overlayer_lowered:
.L_overlay_start_2:
0x117: {  	(tag) =	ssettag $0x2  }
0x118: {  	s0 =	rddreg [dreg:$0x0];
	s2 =	stileid.u32  }
0x119: {  	s1 =	rddreg [dreg:$0x1];
	p0 =	sne.s32 s2, $0x0  }
0x11a: {  	s3 =	rddreg [dreg:$0x2];
	[bflag:$0x3] =	sbarrier.arrive $0xFFFF;
	s2 =	simm.s32 @!p0 $0x1C11  }
0x11b: {  	[timem:s3], [sflag:s2] =	dma.local @!p0 [hbm:s0], s1  }
0x11c: {  	s0 =	simm.s32 @!p0 $0x11  }
0x11d: {  	_ =	swait.ge @!p0 [sflag:s0], s1  }
0x11e: {  	s1 =	ssub.s32 @!p0 $0x0, s1;
	[sflag:s0] =	ssyncset.done @!p0 $0x0  }
0x11f: {  	[sflag:s0] =	ssyncadd.s32 @!p0 s1  }
0x120: {  	[bflag:$0x3] =	sbarrier.arrive $0xFFFF  }
0x121: {  	_ =	shalt  }

// kernel: kernel.7.cloned.1.call-start
scs
__scs_entry_jumppad:
0x0: {  	(pc) =	sbr.rel $0x88, $3  }
0x1: {  	(tag) =	ssettag $0x0;
	lr =	simm.s32 $0x1  }
0x2: {  	[smem:$0x3F97] =	sst lr;
	_ =	strace $0xD0000000  }
0x3: {  	_ = 	snop  }
0x4: {  	_ = 	snop  }
0x5: {  	_ = 	snop  }
0x6: {  	_ = 	snop  }
0x7: {  	_ = 	snop  }
__scs_overlays_trampoline_lowered:
0x8: {  	[smem:$0x3FA6] =	sst s0  }
0x9: {  	[smem:$0x3FA7] =	sst s1  }
0xa: {  	[smem:$0x3FA8] =	sst s2  }
0xb: {  	[smem:$0x3FA9] =	sst s3  }
0xc: {  	[smem:$0x3FAA] =	sst s4  }
0xd: {  	[smem:$0x3FAB] =	sst s5  }
0xe: {  	[smem:$0x3FAC] =	sst s6  }
0xf: {  	[smem:$0x3FAD] =	sst s7  }
0x10: {  	[smem:$0x3FAE] =	sst s8  }
0x11: {  	[smem:$0x3FAF] =	sst s9;
	s0 =	simm.s32 @!p0 $0x0  }
0x12: {  	s1 =	sld [smem:$0x3F95];
	s0 =	simm.s32 @p0 $0x1  }
0x13: {  	[smem:$0x3FB0] =	sst s0;
	s0 =	simm.s32 @!p1 $0x0  }
0x14: {  	s2 =	sld [smem:$0x3F94];
	s0 =	simm.s32 @p1 $0x1  }
0x15: {  	[smem:$0x3FB1] =	sst s0;
	s0 =	simm.s32 @!p2 $0x0  }
0x16: {  	s3 =	sld [smem:$0x3FDB];
	s0 =	simm.s32 @p2 $0x1  }
0x17: {  	s4 =	simm.s32 $0x1BF5;
	[smem:$0x3FB3] =	sst s0  }
0x18: {  	s0 =	sld [smem:$0x3F96];
	_ =	swait.ge [sflag:s4], $0x0  }
0x19: {  	s7 =	sld [smem:$0x3F97]  }
0x1a: {  	s8 =	sadd.s32 $0xFFFFE003, lr  }
0x1b: {  	s9 =	sadd.s32 $0xFFFFFEF7, lr;
	s5 =	simm.s32 $0xFFFFFFFF;
	p2 =	slt.u32 s8, $0xFFFFF086  }
0x1c: {  	p1 =	slt.u32 s9, $0xF7A;
	s5 =	simm.s32 @!p2 $0x0  }
0x1d: {  	s5 =	simm.s32 @p1 $0x1;
	p0 =	seq.s32 s7, s2  }
0x1e: {  	s7 =	smul.u32 @!p0 $0xF7A, s2;
	p2 =	seq.s32 @!p0 s5, $0x0  }
0x1f: {  	s9 =	smul.u32 $0xF7A, s1;
	s8 =	simm.s32 @!p0 $0x1BF5;
	p2 =	por !p2, p0  }
0x20: {  	[sflag:s8] =	ssyncset.s32 @!p0 $0xFFFFF086;
	s6 =	sadd.s32 @!p0 s3, s7;
	s7 =	simm.s32 @!p0 $0x108  }
0x21: {  	s3 =	sadd.s32 s3, s9;
	s6 =	sadd.s32 @!p0 $0x88, s6;
	s7 =	simm.s32 @p2 $0x1082  }
0x22: {  	[simem:s7], [sflag:s8] =	dma.local @!p0 [hbm:s6], $0xF7A  }
0x23: {  	s9 =	sor.u32 $0xD0000000, s2;
	s6 =	simm.s32 $0x108;
	_ =	swait.ge @!p0 [sflag:s8], $0x0  }
0x24: {  	s3 =	sadd.s32 $0x88, s3;
	s6 =	simm.s32 @!p1 $0x1082;
	[sflag:s4] =	ssyncset.s32 $0xFFFFF086  }
0x25: {  	[simem:s6], [sflag:s4] =	dma.local [hbm:s3], $0xF7A  }
0x26: {  	[smem:$0x3F97] =	sst s1;
	(tag) =	ssettag s2;
	_ =	strace s9  }
0x27: {  	s1 =	sld [smem:$0x3FA7]  }
0x28: {  	s2 =	sld [smem:$0x3FA8]  }
0x29: {  	s4 =	sld [smem:$0x3FAA]  }
0x2a: {  	p0 =	seq.s32 s5, $0x0;
	s5 =	sld [smem:$0x3FAB]  }
0x2b: {  	s6 =	sld [smem:$0x3FAC]  }
0x2c: {  	s7 =	sld [smem:$0x3FAD]  }
0x2d: {  	s3 =	simm.s32 $0x108;
	s8 =	sld [smem:$0x3FAE]  }
0x2e: {  	s3 =	simm.s32 @!p0 $0x1082;
	s9 =	sld [smem:$0x3FAF]  }
0x2f: {  	lr =	sadd.s32 s0, s3;
	s0 =	sld [smem:$0x3FA6]  }
0x30: {  	s3 =	sld [smem:$0x3FA9]  }
0x31: {  	[smem:$0x3FB2] =	sst s10  }
0x32: {  	s10 =	sld [smem:$0x3FB0];
	_ =	sdelay $0x3  }
0x33: {  	p0 =	seq.s32 s10, $0x1;
	s10 =	sld [smem:$0x3FB2];
	_ =	sdelay $0x3  }
0x34: {  	[smem:$0x3FB2] =	sst s10  }
0x35: {  	s10 =	sld [smem:$0x3FB1];
	_ =	sdelay $0x3  }
0x36: {  	p1 =	seq.s32 s10, $0x1;
	s10 =	sld [smem:$0x3FB2];
	_ =	sdelay $0x3  }
0x37: {  	[smem:$0x3FB2] =	sst s10  }
0x38: {  	s10 =	sld [smem:$0x3FB3]  }
0x39: {  	_ = 	snop;
	(pc) =	sbr.ind lr, $3  }
0x3a: {  	_ = 	snop  }
0x3b: {  	_ = 	snop  }
0x3c: {  	p2 =	seq.s32 s10, $0x1;
	s10 =	sld [smem:$0x3FB2]  }
0x3d: {  	_ =	shalt  }
0x3e: {  	_ =	shalt  }
0x3f: {  	_ =	shalt  }
0x40: {  	_ =	shalt  }
0x41: {  	_ =	shalt  }
0x42: {  	_ =	shalt  }
0x43: {  	_ =	shalt  }
0x44: {  	_ =	shalt  }
0x45: {  	_ =	shalt  }
0x46: {  	_ =	shalt  }
0x47: {  	_ =	shalt  }
0x48: {  	_ =	shalt  }
0x49: {  	_ =	shalt  }
0x4a: {  	_ =	shalt  }
0x4b: {  	_ =	shalt  }
0x4c: {  	_ =	shalt  }
0x4d: {  	_ =	shalt  }
0x4e: {  	_ =	shalt  }
0x4f: {  	_ =	shalt  }
0x50: {  	_ =	shalt  }
0x51: {  	_ =	shalt  }
0x52: {  	_ =	shalt  }
0x53: {  	_ =	shalt  }
0x54: {  	_ =	shalt  }
0x55: {  	_ =	shalt  }
0x56: {  	_ =	shalt  }
0x57: {  	_ =	shalt  }
0x58: {  	_ =	shalt  }
0x59: {  	_ =	shalt  }
0x5a: {  	_ =	shalt  }
0x5b: {  	_ =	shalt  }
0x5c: {  	_ =	shalt  }
0x5d: {  	_ =	shalt  }
0x5e: {  	_ =	shalt  }
0x5f: {  	_ =	shalt  }
0x60: {  	_ =	shalt  }
0x61: {  	_ =	shalt  }
0x62: {  	_ =	shalt  }
0x63: {  	_ =	shalt  }
0x64: {  	_ =	shalt  }
0x65: {  	_ =	shalt  }
0x66: {  	_ =	shalt  }
0x67: {  	_ =	shalt  }
0x68: {  	_ =	shalt  }
0x69: {  	_ =	shalt  }
0x6a: {  	_ =	shalt  }
0x6b: {  	_ =	shalt  }
0x6c: {  	_ =	shalt  }
0x6d: {  	_ =	shalt  }
0x6e: {  	_ =	shalt  }
0x6f: {  	_ =	shalt  }
0x70: {  	_ =	shalt  }
0x71: {  	_ =	shalt  }
0x72: {  	_ =	shalt  }
0x73: {  	_ =	shalt  }
0x74: {  	_ =	shalt  }
0x75: {  	_ =	shalt  }
0x76: {  	_ =	shalt  }
0x77: {  	_ =	shalt  }
0x78: {  	_ =	shalt  }
0x79: {  	_ =	shalt  }
0x7a: {  	_ =	shalt  }
0x7b: {  	_ =	shalt  }
0x7c: {  	_ =	shalt  }
0x7d: {  	_ =	shalt  }
0x7e: {  	_ =	shalt  }
0x7f: {  	_ =	shalt  }
0x80: {  	_ =	shalt  }
0x81: {  	_ =	shalt  }
0x82: {  	_ =	shalt  }
0x83: {  	_ =	shalt  }
0x84: {  	_ =	shalt  }
0x85: {  	_ =	shalt  }
0x86: {  	_ =	shalt  }
0x87: {  	_ =	shalt  }
.Lfunc_end0:
.L_simem_size_0:
called_computation_lowered:
.L_overlay_start_0:
0x88: {  	s2 =	sld [smem:$0x3FD9]  }
0x89: {  	s3 =	sld [smem:$0x3FFE];
	_ =	sdelay $0x1  }
0x8a: {  	s1 =	srdreg.scid  }
0x8b: {  	s0 =	sand.u32 $0x1, s1  }
0x8c: {  	s17 =	sshll.u32 s0, $0xA;
	s2 =	sadd.s32 s3, s2  }
0x8d: {  	s2 =	sadd.s32 s2, s17  }
0x8e: {  	[smem:$0x3FBE] =	sst s2  }
0x8f: {  	_ = 	snop  }
0x90: {  	s2 =	sld [smem:$0x3FD0];
	(tm) =	ssettm $0x1  }
0x91: {  	s18 =	sld [smem:$0x3FFB];
	_ =	sdelay $0x3  }
0x92: {  	_ =	strace s18  }
0x93: {  	s3 =	sld [smem:$0x3FFC];
	_ =	sdelay $0x3  }
0x94: {  	_ =	strace s3  }
0x95: {  	s3 =	sld [smem:$0x3FFD];
	_ =	sdelay $0x3  }
0x96: {  	_ =	strace s3  }
0x97: {  	_ =	strace $0x8FFFFFFF  }
0x98: {  	s19 =	sld [smem:$0x3FDB];
	_ =	sdelay $0x1  }
0x99: {  	s4 =	simm.s32 $_scs_section_size  }
0x9a: {  	s5 =	simm.s32 $_size__tile_overlayer_lowered;
	s6 =	simm.s32 $_tile_overlayer_lowered  }
0x9b: {  	s22 =	simm.s32 $0x1BFF;
	s21 =	sshll.u32 s6, $0x1;
	s3 =	sadd.s32 s4, s19  }
0x9c: {  	s7 =	simm.s32 $0x0;
	s20 =	sshll.u32 s5, $0x1;
	s5 =	sadd.s32 s21, s3  }
0x9d: {  	[timem:s7], [sflag:s22] =	dma.local [hbm:s5], s20  }
0x9e: {  	_ =	swait.ge [sflag:s22], s20  }
0x9f: {  	s4 =	ssub.s32 $0x0, s20;
	[sflag:s22] =	ssyncset.done $0x0  }
0xa0: {  	[sflag:s22] =	ssyncadd.s32 s4;
	_ =	sdelay $0x1  }
0xa1: {  	s23 =	simm.s32 $0x1B8B  }
0xa2: {  	_ =	swait.ge [sflag:s23], $0x1  }
0xa3: {  	[sflag:s23] =	ssyncset.done $0x0  }
0xa4: {  	s25 =	simm.s32 $0x1B8E;
	s24 =	sld [smem:$0x3FFE];
	[sflag:s23] =	ssyncadd.s32 $0xFFFFFFFF  }
0xa5: {  	s26 =	simm.s32 $execute0_lowered;
	[smem:$0x3FD2] =	sst s25  }
0xa6: {  	s5 =	sshll.u32 s26, $0x1;
	_ =	strace $0x80000046;
	[dreg:$0x1] =	wrdreg $0xFFFFFFFF  }
0xa7: {  	s28 =	simm.s32 $_size_execute0_lowered;
	s3 =	sadd.s32 s3, s5;
	[dreg:$0x0] =	wrdreg $0x0  }
0xa8: {  	s5 =	sshll.u32 s28, $0x1;
	[dreg:$0x2] =	wrdreg s3  }
0xa9: {  	[dreg:$0x3] =	wrdreg s5  }
0xaa: {  	[dreg:$0x4] =	wrdreg $0xC0  }
0xab: {  	_ =	task [dreg:s7], $0x5FFFF  }
0xac: {  	[dreg:$0x1] =	wrdreg $0xFFFFFFFF  }
0xad: {  	[dreg:$0x0] =	wrdreg $0x60  }
0xae: {  	[dreg:$0x2] =	wrdreg s24  }
0xaf: {  	[dreg:$0x3] =	wrdreg s2  }
0xb0: {  	[dreg:$0x4] =	wrdreg $0xD0000  }
0xb1: {  	[dreg:$0x5] =	wrdreg $0x9  }
0xb2: {  	_ =	task.clear_ibuf [dreg:s7], $0x6FFFF;
	_ =	strace $0x90000046  }
0xb3: {  	s29 =	simm.s32 $0x9;
	_ =	strace $0x80000048  }
0xb4: {  	_ =	swait.ge [sflag:s29], $0x1  }
0xb5: {  	[sflag:s29] =	ssyncadd.s32 $0xFFFFFFFF  }
0xb6: {  	_ =	strace $0x90000048  }
0xb7: {  	_ =	sfence  }
0xb8: {  	s30 =	sld [smem:$0x0];
	_ =	sdelay $0x2  }
0xb9: {  	s31 =	sshll.u32 s1, $0xD;
	s1 =	sshrl.u32 s1, $0x2  }
0xba: {  	s3 =	sand.u32 $0x4000, s31;
	s1 =	sadd.s32 s1, s30  }
0xbb: {  	s0 =	sor.u32 s3, s0;
	s1 =	sshll.u32 s1, $0x11  }
0xbc: {  	s0 =	sor.u32 s1, s0  }
0xbd: {  	s0 =	sadd.s32 $0x8F2B, s0  }
0xbe: {  	[sflag:s0] =	ssyncadd.remote.s32 $0x1  }
0xbf: {  	_ =	sfence.sel $0xFFFF  }
0xc0: {  	[dreg:$0x0] =	wrdreg $0xFFFFFFFF;
	(pc) =	sbr.abs _section_cstart, $3  }
0xc1: {  	[dreg:$0x1] =	wrdreg $0xFFFFFFFF  }
0xc2: {  	_ =	task.clear_ibuf [dreg:s7], $0x2FFFF;
	_ =	strace $0x9FFFFFFF  }
0xc3: {  	(tm) =	ssettm $0x7FFFFFFF  }
tec
execute0_lowered:
.L_overlay_start_1:
0x0: {  	(tag) =	ssettag $0x1  }
0x1: {  	s0 =	rddreg [dreg:$0x0]  }
0x2: {  	s1 =	rddreg [dreg:$0x1]  }
0x3: {  	s2 =	rddreg [dreg:$0x2]  }
0x4: {  	s3 =	srdreg.scid;
	s8 =	stileid.u32  }
0x5: {  	s4 =	simm.s32 $0x0;
	s13 =	simm.s32 $0x11;
	s14 =	simm.s32 $0x80  }
0x6: {  	s15 =	simm.s32 $0x5000;
	s16 =	simm.s32 $0x6000;
	s18 =	simm.s32 $0x7000  }
0x7: {  	s30 =	simm.s32 $0xA000;
	s31 =	simm.s32 $0x3;
	s29 =	simm.s32 $0x5  }
0x8: {  	s17 =	simm.s32 $0xA;
	s28 =	simm.s32 $0xB;
	s10 =	simm.s32 $0x10  }
0x9: {  	s11 =	simm.s32 $0x0;
	s3 =	sand.u32 $0x1, s3;
	s5 =	smul.u32 $0xA000, s8  }
0xa: {  	[smem:$0x7FF] =	sst s4;
	s4 =	sadd.s32 $0x1400, s0;
	s6 =	smul.u32 $0xA0000, s3  }
0xb: {  	_ =	strace $0x80000047;
	s7 =	sshll.u32 s3, $0x4;
	s3 =	ssub.s32 $0x2, s3  }
0xc: {  	s7 =	sor.u32 s8, s7;
	s8 =	smul.u32 $0x14000, s8;
	s9 =	sshrl.u32 s3, $0x1  }
0xd: {  	s20 =	sshrl.u32 s5, $0x1;
	s6 =	sadd.s32 s5, s6;
	s7 =	smul.u32 $0xA00, s7  }
0xe: {  	s3 =	ssub.s32 s3, s9;
	s5 =	simm.s32 $0xC;
	s9 =	simm.s32 $0xF  }
0xf: {  	s6 =	sshrl.u32 s6, $0x4;
	s19 =	sshrl.u32 s8, $0x2;
	s26 =	smax.u32 s3, $0x1  }
0x10: {  	s3 =	simm.s32 $0x8;
	s1 =	sadd.s32 s1, s7;
	[dreg:$0xb] =	wrdreg s26  }
0x11: {  	s21 =	sadd.s32 s19, s2;
	[dreg:$0x4] =	wrdreg s1;
	s1 =	sadd.s32 s20, s2  }
0x12: {  	s8 =	simm.s32 $0xE;
	s22 =	sadd.s32 $0x1000, s21;
	[dreg:$0x5] =	wrdreg s1  }
0x13: {  	s0 =	sadd.s32 s6, s0;
	s23 =	sadd.s32 $0x2000, s21;
	[dreg:$0x6] =	wrdreg s22  }
0x14: {  	s26 =	simm.s32 $0x2;
	s24 =	sadd.s32 $0x3000, s21;
	[dreg:$0x7] =	wrdreg s23  }
0x15: {  	s19 =	simm.s32 $0xB000;
	s25 =	sadd.s32 $0x4000, s21;
	[dreg:$0x8] =	wrdreg s24  }
0x16: {  	s7 =	simm.s32 $0xD;
	s0 =	sadd.s32 $0xB200, s0;
	[dreg:$0x9] =	wrdreg s25  }
0x17: {  	s20 =	simm.s32 $0x8000;
	s21 =	simm.s32 $0xC000;
	[dreg:$0xa] =	wrdreg s0  }
0x18: {  	s22 =	simm.s32 $0x1;
	s25 =	simm.s32 $0x9000;
	s23 =	simm.s32 $0x4  }
0x19: {  	v0 =	vimm.bf16 $0.0e+00;
	s1 =	simm.s32 $0x9;
	s0 =	simm.s32 $0x6;
	s24 =	simm.s32 $0x7  }
.LBB2_1:
0x1a: {  	[dreg:$0xc] =	wrdreg s11  }
0x1b: {  	s6 =	simm.s32 $0x0;
	s12 =	rddreg [dreg:$0x4]  }
0x1c: {  	[tilespmem:s6], [sflag:$0x11] =	stream.linear.gather [hbm4b:s12+s6], $0x5000, $0x38;
	[tilespmem:$0x12000] =	vst v63  }
0x1d: {  	_ =	swait.ge [sflag:s13], $0x5000  }
0x1e: {  	[sflag:s13] =	ssyncset.done $0x0  }
0x1f: {  	[sflag:s13] =	ssyncadd.s32 $0xFFFFB000  }
0x20: {  	[tilespmem:s15], [sflag:$0x1] =	stream.indirect.gather [hbm4b:s4+s14], $0x20, s6, s14, $0xb8;
	[tilespmem:$0x12000] =	vst v63  }
0x21: {  	_ = 	snop  }
0x22: {  	[tilespmem:s16], [sflag:$0x2] =	stream.indirect.gather [hbm4b:s4+s14], $0x20, s14, s14, $0xb8;
	[tilespmem:$0x12000] =	vst v63  }
0x23: {  	s11 =	simm.s32 $0x100  }
0x24: {  	[tilespmem:s18], [sflag:$0x3] =	stream.indirect.gather [hbm4b:s4+s14], $0x20, s11, s14, $0xb8;
	[tilespmem:$0x12000] =	vst v63  }
0x25: {  	s12 =	simm.s32 $0x180  }
0x26: {  	[tilespmem:s20], [sflag:$0x4] =	stream.indirect.gather [hbm4b:s4+s14], $0x20, s12, s14, $0xb8;
	[tilespmem:$0x12000] =	vst v63  }
0x27: {  	s6 =	simm.s32 $0x80;
	s12 =	simm.s32 $0x0  }
.LBB2_2:
0x28: {  	p0 =	sne.s32 s6, $0x3F80;
	[tilespmem:s12+$0xC000] =	vst v0;
	s11 =	smov.u32 s6;
	s6 =	sadd.s32 $0x80, s6  }
.Ltmp0:
0x29: {  	[tilespmem:s12+$0xC010] =	vst v0;
	(pc) =	sbr.rel @p0 .LBB2_2-.Ltmp0, $2  }
0x2a: {  	_ =	sdelay $0x2  }
0x2b: {  	s12 =	sshra.s32 s11, $0x2  }
0x2c: {  	[tilespmem:s12+$0xC000] =	vst v0  }
0x2d: {  	[tilespmem:s12+$0xC010] =	vst v0;
	s6 =	rddreg [dreg:$0x5]  }
0x2e: {  	[spmem:s6] =	stream.linear.scatter [tilespmem:s21], [sflag:$0x11], $0x1000, $0x38;
	[tilespmem:$0x12000] =	vst v63  }
0x2f: {  	_ =	swait.ge [sflag:s13], $0x1000  }
0x30: {  	[sflag:s13] =	ssyncset.done $0x0  }
0x31: {  	s12 =	rddreg [dreg:$0x6];
	[sflag:s13] =	ssyncadd.s32 $0xFFFFF000  }
0x32: {  	[spmem:s12] =	stream.linear.scatter [tilespmem:s21], [sflag:$0x11], $0x1000, $0x38;
	[tilespmem:$0x12000] =	vst v63  }
0x33: {  	_ =	swait.ge [sflag:s13], $0x1000  }
0x34: {  	[sflag:s13] =	ssyncset.done $0x0  }
0x35: {  	s11 =	rddreg [dreg:$0x7];
	[sflag:s13] =	ssyncadd.s32 $0xFFFFF000  }
0x36: {  	[spmem:s11] =	stream.linear.scatter [tilespmem:s21], [sflag:$0x11], $0x1000, $0x38;
	[tilespmem:$0x12000] =	vst v63  }
0x37: {  	_ =	swait.ge [sflag:s13], $0x1000  }
0x38: {  	[sflag:s13] =	ssyncset.done $0x0  }
0x39: {  	s12 =	rddreg [dreg:$0x8];
	[sflag:s13] =	ssyncadd.s32 $0xFFFFF000  }
0x3a: {  	[spmem:s12] =	stream.linear.scatter [tilespmem:s21], [sflag:$0x11], $0x1000, $0x38;
	[tilespmem:$0x12000] =	vst v63  }
0x3b: {  	_ =	swait.ge [sflag:s13], $0x1000  }
0x3c: {  	[sflag:s13] =	ssyncset.done $0x0  }
0x3d: {  	s11 =	rddreg [dreg:$0x9];
	[sflag:s13] =	ssyncadd.s32 $0xFFFFF000  }
0x3e: {  	[spmem:s11] =	stream.linear.scatter [tilespmem:s21], [sflag:$0x11], $0x1000, $0x38;
	[tilespmem:$0x12000] =	vst v63  }
0x3f: {  	_ =	swait.ge [sflag:s13], $0x1000  }
0x40: {  	[sflag:s13] =	ssyncset.done $0x0  }
0x41: {  	[sflag:s13] =	ssyncadd.s32 $0xFFFFF000  }
0x42: {  	[bflag:$0x0] =	sbarrier.arrive $0xFFFF  }
0x43: {  	_ =	swait.ge [sflag:s22], $0x1000  }
0x44: {  	[sflag:s22] =	ssyncset.done $0x0  }
0x45: {  	s12 =	simm.s32 $0x2800;
	[sflag:s22] =	ssyncadd.s32 $0xFFFFF000  }
0x46: {  	[spmem:s2] =	stream.indirect.scatter.add.bf16 [tilespmem:s15], [sflag:$0x9], $0x20, s12, s14, $0xb8;
	[tilespmem:$0x12000] =	vst v63  }
0x47: {  	s11 =	simm.s32 $0x200  }
0x48: {  	[tilespmem:s25], [sflag:$0x5] =	stream.indirect.gather [hbm4b:s4+s14], $0x20, s11, s14, $0xb8;
	[tilespmem:$0x12000] =	vst v63  }
0x49: {  	_ =	swait.ge [sflag:s26], $0x1000  }
0x4a: {  	[sflag:s26] =	ssyncset.done $0x0  }
0x4b: {  	s12 =	simm.s32 $0x2880;
	[sflag:s26] =	ssyncadd.s32 $0xFFFFF000  }
0x4c: {  	[spmem:s2] =	stream.indirect.scatter.add.bf16 [tilespmem:s16], [sflag:$0xA], $0x20, s12, s14, $0xb8;
	[tilespmem:$0x12000] =	vst v63  }
0x4d: {  	s11 =	simm.s32 $0x280  }
0x4e: {  	[tilespmem:s30], [sflag:$0x6] =	stream.indirect.gather [hbm4b:s4+s14], $0x20, s11, s14, $0xb8;
	[tilespmem:$0x12000] =	vst v63  }
0x4f: {  	_ =	swait.ge [sflag:s31], $0x1000  }
0x50: {  	[sflag:s31] =	ssyncset.done $0x0  }
0x51: {  	s12 =	simm.s32 $0x2900;
	[sflag:s31] =	ssyncadd.s32 $0xFFFFF000  }
0x52: {  	[spmem:s2] =	stream.indirect.scatter.add.bf16 [tilespmem:s18], [sflag:$0xB], $0x20, s12, s14, $0xb8;
	[tilespmem:$0x12000] =	vst v63  }
0x53: {  	s11 =	simm.s32 $0x300  }
0x54: {  	[tilespmem:s19], [sflag:$0x7] =	stream.indirect.gather [hbm4b:s4+s14], $0x20, s11, s14, $0xb8;
	[tilespmem:$0x12000] =	vst v63  }
0x55: {  	_ =	swait.ge [sflag:s23], $0x1000  }
0x56: {  	[sflag:s23] =	ssyncset.done $0x0  }
0x57: {  	s12 =	simm.s32 $0x2980;
	[sflag:s23] =	ssyncadd.s32 $0xFFFFF000  }
0x58: {  	[spmem:s2] =	stream.indirect.scatter.add.bf16 [tilespmem:s20], [sflag:$0xC], $0x20, s12, s14, $0xb8;
	[tilespmem:$0x12000] =	vst v63  }
0x59: {  	s11 =	simm.s32 $0x380  }
0x5a: {  	[tilespmem:s21], [sflag:$0x8] =	stream.indirect.gather [hbm4b:s4+s14], $0x20, s11, s14, $0xb8;
	[tilespmem:$0x12000] =	vst v63  }
0x5b: {  	_ =	swait.ge [sflag:s29], $0x1000  }
0x5c: {  	[sflag:s29] =	ssyncset.done $0x0  }
0x5d: {  	s12 =	simm.s32 $0x2A00;
	[sflag:s29] =	ssyncadd.s32 $0xFFFFF000  }
0x5e: {  	[spmem:s2] =	stream.indirect.scatter.add.bf16 [tilespmem:s25], [sflag:$0xD], $0x20, s12, s14, $0xb8;
	[tilespmem:$0x12000] =	vst v63  }
0x5f: {  	_ =	swait.ge [sflag:s1], $0x1000  }
0x60: {  	[sflag:s1] =	ssyncset.done $0x0  }
0x61: {  	s11 =	simm.s32 $0x400;
	[sflag:s1] =	ssyncadd.s32 $0xFFFFF000  }
0x62: {  	[tilespmem:s15], [sflag:$0x1] =	stream.indirect.gather [hbm4b:s4+s14], $0x20, s11, s14, $0xb8;
	[tilespmem:$0x12000] =	vst v63  }
0x63: {  	_ =	swait.ge [sflag:s0], $0x1000  }
0x64: {  	[sflag:s0] =	ssyncset.done $0x0  }
0x65: {  	s12 =	simm.s32 $0x2A80;
	[sflag:s0] =	ssyncadd.s32 $0xFFFFF000  }
0x66: {  	[spmem:s2] =	stream.indirect.scatter.add.bf16 [tilespmem:s30], [sflag:$0xE], $0x20, s12, s14, $0xb8;
	[tilespmem:$0x12000] =	vst v63  }
0x67: {  	_ =	swait.ge [sflag:s17], $0x1000  }
0x68: {  	[sflag:s17] =	ssyncset.done $0x0  }
0x69: {  	s11 =	simm.s32 $0x480;
	[sflag:s17] =	ssyncadd.s32 $0xFFFFF000  }
0x6a: {  	[tilespmem:s16], [sflag:$0x2] =	stream.indirect.gather [hbm4b:s4+s14], $0x20, s11, s14, $0xb8;
	[tilespmem:$0x12000] =	vst v63  }
0x6b: {  	_ =	swait.ge [sflag:s24], $0x1000  }
0x6c: {  	[sflag:s24] =	ssyncset.done $0x0  }
0x6d: {  	s12 =	simm.s32 $0x2B00;
	[sflag:s24] =	ssyncadd.s32 $0xFFFFF000  }
0x6e: {  	[spmem:s2] =	stream.indirect.scatter.add.bf16 [tilespmem:s19], [sflag:$0xF], $0x20, s12, s14, $0xb8;
	[tilespmem:$0x12000] =	vst v63  }
0x6f: {  	_ =	swait.ge [sflag:s28], $0x1000  }
0x70: {  	[sflag:s28] =	ssyncset.done $0x0  }
0x71: {  	s11 =	simm.s32 $0x500;
	[sflag:s28] =	ssyncadd.s32 $0xFFFFF000  }
0x72: {  	[tilespmem:s18], [sflag:$0x3] =	stream.indirect.gather [hbm4b:s4+s14], $0x20, s11, s14, $0xb8;
	[tilespmem:$0x12000] =	vst v63  }
0x73: {  	_ =	swait.ge [sflag:s3], $0x1000  }
0x74: {  	[sflag:s3] =	ssyncset.done $0x0  }
0x75: {  	s12 =	simm.s32 $0x2B80;
	[sflag:s3] =	ssyncadd.s32 $0xFFFFF000  }
0x76: {  	[spmem:s2] =	stream.indirect.scatter.add.bf16 [tilespmem:s21], [sflag:$0x10], $0x20, s12, s14, $0xb8;
	[tilespmem:$0x12000] =	vst v63  }
0x77: {  	_ =	swait.ge [sflag:s5], $0x1000  }
0x78: {  	[sflag:s5] =	ssyncset.done $0x0  }
0x79: {  	s11 =	simm.s32 $0x580;
	[sflag:s5] =	ssyncadd.s32 $0xFFFFF000  }
0x7a: {  	[tilespmem:s20], [sflag:$0x4] =	stream.indirect.gather [hbm4b:s4+s14], $0x20, s11, s14, $0xb8;
	[tilespmem:$0x12000] =	vst v63  }
0x7b: {  	_ =	swait.ge [sflag:s22], $0x1000  }
0x7c: {  	[sflag:s22] =	ssyncset.done $0x0  }
0x7d: {  	s12 =	simm.s32 $0x2C00;
	[sflag:s22] =	ssyncadd.s32 $0xFFFFF000  }
0x7e: {  	[spmem:s2] =	stream.indirect.scatter.add.bf16 [tilespmem:s15], [sflag:$0x9], $0x20, s12, s14, $0xb8;
	[tilespmem:$0x12000] =	vst v63  }
0x7f: {  	_ =	swait.ge [sflag:s7], $0x1000  }
0x80: {  	[sflag:s7] =	ssyncset.done $0x0  }
0x81: {  	s11 =	simm.s32 $0x600;
	[sflag:s7] =	ssyncadd.s32 $0xFFFFF000  }
0x82: {  	[tilespmem:s25], [sflag:$0x5] =	stream.indirect.gather [hbm4b:s4+s14], $0x20, s11, s14, $0xb8;
	[tilespmem:$0x12000] =	vst v63  }
0x83: {  	_ =	swait.ge [sflag:s26], $0x1000  }
0x84: {  	[sflag:s26] =	ssyncset.done $0x0  }
0x85: {  	s12 =	simm.s32 $0x2C80;
	[sflag:s26] =	ssyncadd.s32 $0xFFFFF000  }
0x86: {  	[spmem:s2] =	stream.indirect.scatter.add.bf16 [tilespmem:s16], [sflag:$0xA], $0x20, s12, s14, $0xb8;
	[tilespmem:$0x12000] =	vst v63  }
0x87: {  	_ =	swait.ge [sflag:s8], $0x1000  }
0x88: {  	[sflag:s8] =	ssyncset.done $0x0  }
0x89: {  	s11 =	simm.s32 $0x680;
	[sflag:s8] =	ssyncadd.s32 $0xFFFFF000  }
0x8a: {  	[tilespmem:s30], [sflag:$0x6] =	stream.indirect.gather [hbm4b:s4+s14], $0x20, s11, s14, $0xb8;
	[tilespmem:$0x12000] =	vst v63  }
0x8b: {  	_ =	swait.ge [sflag:s31], $0x1000  }
0x8c: {  	[sflag:s31] =	ssyncset.done $0x0  }
0x8d: {  	s12 =	simm.s32 $0x2D00;
	[sflag:s31] =	ssyncadd.s32 $0xFFFFF000  }
0x8e: {  	[spmem:s2] =	stream.indirect.scatter.add.bf16 [tilespmem:s18], [sflag:$0xB], $0x20, s12, s14, $0xb8;
	[tilespmem:$0x12000] =	vst v63  }
0x8f: {  	_ =	swait.ge [sflag:s9], $0x1000  }
0x90: {  	[sflag:s9] =	ssyncset.done $0x0  }
0x91: {  	s11 =	simm.s32 $0x700;
	[sflag:s9] =	ssyncadd.s32 $0xFFFFF000  }
0x92: {  	[tilespmem:s19], [sflag:$0x7] =	stream.indirect.gather [hbm4b:s4+s14], $0x20, s11, s14, $0xb8;
	[tilespmem:$0x12000] =	vst v63  }
0x93: {  	_ =	swait.ge [sflag:s23], $0x1000  }
0x94: {  	[sflag:s23] =	ssyncset.done $0x0  }
0x95: {  	s12 =	simm.s32 $0x2D80;
	[sflag:s23] =	ssyncadd.s32 $0xFFFFF000  }
0x96: {  	[spmem:s2] =	stream.indirect.scatter.add.bf16 [tilespmem:s20], [sflag:$0xC], $0x20, s12, s14, $0xb8;
	[tilespmem:$0x12000] =	vst v63  }
0x97: {  	_ =	swait.ge [sflag:s10], $0x1000  }
0x98: {  	[sflag:s10] =	ssyncset.done $0x0  }
0x99: {  	s6 =	simm.s32 $0x780;
	s12 =	simm.s32 $0x1000;
	[sflag:s10] =	ssyncadd.s32 $0xFFFFF000  }
.LBB2_4:
0x9a: {  	[tilespmem:s21], [sflag:$0x8] =	stream.indirect.gather [hbm4b:s4+s14], $0x20, s6, s14, $0xb8;
	[tilespmem:$0x12000] =	vst v63  }
0x9b: {  	s6 =	smov.u32 s12  }
0x9c: {  	p0 =	sne.s32 s12, $0x8000;
	s12 =	sadd.s32 $0x1000, s12;
	_ =	swait.ge [sflag:s29], $0x1000  }
0x9d: {  	s6 =	sshra.s32 s6, $0x2;
	[sflag:s29] =	ssyncset.done $0x0  }
0x9e: {  	s11 =	sadd.s32 $0x2A00, s6;
	[sflag:s29] =	ssyncadd.s32 $0xFFFFF000  }
0x9f: {  	[spmem:s2] =	stream.indirect.scatter.add.bf16 [tilespmem:s25], [sflag:$0xD], $0x20, s11, s14, $0xb8;
	[tilespmem:$0x12000] =	vst v63  }
0xa0: {  	_ =	swait.ge [sflag:s1], $0x1000  }
0xa1: {  	[sflag:s1] =	ssyncset.done $0x0  }
0xa2: {  	s11 =	sadd.s32 $0x400, s6;
	[sflag:s1] =	ssyncadd.s32 $0xFFFFF000  }
0xa3: {  	[tilespmem:s15], [sflag:$0x1] =	stream.indirect.gather [hbm4b:s4+s14], $0x20, s11, s14, $0xb8;
	[tilespmem:$0x12000] =	vst v63  }
0xa4: {  	_ =	swait.ge [sflag:s0], $0x1000  }
0xa5: {  	[sflag:s0] =	ssyncset.done $0x0  }
0xa6: {  	s11 =	sadd.s32 $0x2A80, s6;
	[sflag:s0] =	ssyncadd.s32 $0xFFFFF000  }
0xa7: {  	[spmem:s2] =	stream.indirect.scatter.add.bf16 [tilespmem:s30], [sflag:$0xE], $0x20, s11, s14, $0xb8;
	[tilespmem:$0x12000] =	vst v63  }
0xa8: {  	_ =	swait.ge [sflag:s17], $0x1000  }
0xa9: {  	[sflag:s17] =	ssyncset.done $0x0  }
0xaa: {  	s11 =	sadd.s32 $0x480, s6;
	[sflag:s17] =	ssyncadd.s32 $0xFFFFF000  }
0xab: {  	[tilespmem:s16], [sflag:$0x2] =	stream.indirect.gather [hbm4b:s4+s14], $0x20, s11, s14, $0xb8;
	[tilespmem:$0x12000] =	vst v63  }
0xac: {  	_ =	swait.ge [sflag:s24], $0x1000  }
0xad: {  	[sflag:s24] =	ssyncset.done $0x0  }
0xae: {  	s11 =	sadd.s32 $0x2B00, s6;
	[sflag:s24] =	ssyncadd.s32 $0xFFFFF000  }
0xaf: {  	[spmem:s2] =	stream.indirect.scatter.add.bf16 [tilespmem:s19], [sflag:$0xF], $0x20, s11, s14, $0xb8;
	[tilespmem:$0x12000] =	vst v63  }
0xb0: {  	_ =	swait.ge [sflag:s28], $0x1000  }
0xb1: {  	[sflag:s28] =	ssyncset.done $0x0  }
0xb2: {  	s11 =	sadd.s32 $0x500, s6;
	[sflag:s28] =	ssyncadd.s32 $0xFFFFF000  }
0xb3: {  	[tilespmem:s18], [sflag:$0x3] =	stream.indirect.gather [hbm4b:s4+s14], $0x20, s11, s14, $0xb8;
	[tilespmem:$0x12000] =	vst v63  }
0xb4: {  	_ =	swait.ge [sflag:s3], $0x1000  }
0xb5: {  	[sflag:s3] =	ssyncset.done $0x0  }
0xb6: {  	s11 =	sadd.s32 $0x2B80, s6;
	[sflag:s3] =	ssyncadd.s32 $0xFFFFF000  }
0xb7: {  	[spmem:s2] =	stream.indirect.scatter.add.bf16 [tilespmem:s21], [sflag:$0x10], $0x20, s11, s14, $0xb8;
	[tilespmem:$0x12000] =	vst v63  }
0xb8: {  	_ =	swait.ge [sflag:s5], $0x1000  }
0xb9: {  	[sflag:s5] =	ssyncset.done $0x0  }
0xba: {  	s11 =	sadd.s32 $0x580, s6;
	[sflag:s5] =	ssyncadd.s32 $0xFFFFF000  }
0xbb: {  	[tilespmem:s20], [sflag:$0x4] =	stream.indirect.gather [hbm4b:s4+s14], $0x20, s11, s14, $0xb8;
	[tilespmem:$0x12000] =	vst v63  }
0xbc: {  	_ =	swait.ge [sflag:s22], $0x1000  }
0xbd: {  	[sflag:s22] =	ssyncset.done $0x0  }
0xbe: {  	s11 =	sadd.s32 $0x2C00, s6;
	[sflag:s22] =	ssyncadd.s32 $0xFFFFF000  }
0xbf: {  	[spmem:s2] =	stream.indirect.scatter.add.bf16 [tilespmem:s15], [sflag:$0x9], $0x20, s11, s14, $0xb8;
	[tilespmem:$0x12000] =	vst v63  }
0xc0: {  	_ =	swait.ge [sflag:s7], $0x1000  }
0xc1: {  	[sflag:s7] =	ssyncset.done $0x0  }
0xc2: {  	s11 =	sadd.s32 $0x600, s6;
	[sflag:s7] =	ssyncadd.s32 $0xFFFFF000  }
0xc3: {  	[tilespmem:s25], [sflag:$0x5] =	stream.indirect.gather [hbm4b:s4+s14], $0x20, s11, s14, $0xb8;
	[tilespmem:$0x12000] =	vst v63  }
0xc4: {  	_ =	swait.ge [sflag:s26], $0x1000  }
0xc5: {  	[sflag:s26] =	ssyncset.done $0x0  }
0xc6: {  	s11 =	sadd.s32 $0x2C80, s6;
	[sflag:s26] =	ssyncadd.s32 $0xFFFFF000  }
0xc7: {  	[spmem:s2] =	stream.indirect.scatter.add.bf16 [tilespmem:s16], [sflag:$0xA], $0x20, s11, s14, $0xb8;
	[tilespmem:$0x12000] =	vst v63  }
0xc8: {  	_ =	swait.ge [sflag:s8], $0x1000  }
0xc9: {  	[sflag:s8] =	ssyncset.done $0x0  }
0xca: {  	s11 =	sadd.s32 $0x680, s6;
	[sflag:s8] =	ssyncadd.s32 $0xFFFFF000  }
0xcb: {  	[tilespmem:s30], [sflag:$0x6] =	stream.indirect.gather [hbm4b:s4+s14], $0x20, s11, s14, $0xb8;
	[tilespmem:$0x12000] =	vst v63  }
0xcc: {  	_ =	swait.ge [sflag:s31], $0x1000  }
0xcd: {  	[sflag:s31] =	ssyncset.done $0x0  }
0xce: {  	s11 =	sadd.s32 $0x2D00, s6;
	[sflag:s31] =	ssyncadd.s32 $0xFFFFF000  }
0xcf: {  	[spmem:s2] =	stream.indirect.scatter.add.bf16 [tilespmem:s18], [sflag:$0xB], $0x20, s11, s14, $0xb8;
	[tilespmem:$0x12000] =	vst v63  }
0xd0: {  	_ =	swait.ge [sflag:s9], $0x1000  }
0xd1: {  	[sflag:s9] =	ssyncset.done $0x0  }
0xd2: {  	s11 =	sadd.s32 $0x700, s6;
	[sflag:s9] =	ssyncadd.s32 $0xFFFFF000  }
0xd3: {  	[tilespmem:s19], [sflag:$0x7] =	stream.indirect.gather [hbm4b:s4+s14], $0x20, s11, s14, $0xb8;
	[tilespmem:$0x12000] =	vst v63  }
0xd4: {  	_ =	swait.ge [sflag:s23], $0x1000  }
0xd5: {  	[sflag:s23] =	ssyncset.done $0x0  }
.Ltmp1:
0xd6: {  	s11 =	sadd.s32 $0x2D80, s6;
	[sflag:s23] =	ssyncadd.s32 $0xFFFFF000;
	(pc) =	sbr.rel @p0 .LBB2_4-.Ltmp1, $4  }
0xd7: {  	[spmem:s2] =	stream.indirect.scatter.add.bf16 [tilespmem:s20], [sflag:$0xC], $0x20, s11, s14, $0xb8;
	[tilespmem:$0x12000] =	vst v63  }
0xd8: {  	_ =	swait.ge [sflag:s10], $0x1000  }
0xd9: {  	[sflag:s10] =	ssyncset.done $0x0  }
0xda: {  	s6 =	sadd.s32 $0x780, s6;
	[sflag:s10] =	ssyncadd.s32 $0xFFFFF000  }
0xdb: {  	[tilespmem:s21], [sflag:$0x8] =	stream.indirect.gather [hbm4b:s4+s14], $0x20, s6, s14, $0xb8;
	[tilespmem:$0x12000] =	vst v63  }
0xdc: {  	_ =	swait.ge [sflag:s29], $0x1000  }
0xdd: {  	[sflag:s29] =	ssyncset.done $0x0  }
0xde: {  	s12 =	simm.s32 $0x4E00;
	[sflag:s29] =	ssyncadd.s32 $0xFFFFF000  }
0xdf: {  	[spmem:s2] =	stream.indirect.scatter.add.bf16 [tilespmem:s25], [sflag:$0xD], $0x20, s12, s14, $0xb8;
	[tilespmem:$0x12000] =	vst v63  }
0xe0: {  	_ =	swait.ge [sflag:s1], $0x1000  }
0xe1: {  	[sflag:s1] =	ssyncset.done $0x0  }
0xe2: {  	[sflag:s1] =	ssyncadd.s32 $0xFFFFF000  }
0xe3: {  	_ =	swait.ge [sflag:s0], $0x1000  }
0xe4: {  	[sflag:s0] =	ssyncset.done $0x0  }
0xe5: {  	s11 =	simm.s32 $0x4E80;
	[sflag:s0] =	ssyncadd.s32 $0xFFFFF000  }
0xe6: {  	[spmem:s2] =	stream.indirect.scatter.add.bf16 [tilespmem:s30], [sflag:$0xE], $0x20, s11, s14, $0xb8;
	[tilespmem:$0x12000] =	vst v63  }
0xe7: {  	_ =	swait.ge [sflag:s17], $0x1000  }
0xe8: {  	[sflag:s17] =	ssyncset.done $0x0  }
0xe9: {  	[sflag:s17] =	ssyncadd.s32 $0xFFFFF000  }
0xea: {  	_ =	swait.ge [sflag:s24], $0x1000  }
0xeb: {  	[sflag:s24] =	ssyncset.done $0x0  }
0xec: {  	s12 =	simm.s32 $0x4F00;
	[sflag:s24] =	ssyncadd.s32 $0xFFFFF000  }
0xed: {  	[spmem:s2] =	stream.indirect.scatter.add.bf16 [tilespmem:s19], [sflag:$0xF], $0x20, s12, s14, $0xb8;
	[tilespmem:$0x12000] =	vst v63  }
0xee: {  	_ =	swait.ge [sflag:s28], $0x1000  }
0xef: {  	[sflag:s28] =	ssyncset.done $0x0  }
0xf0: {  	[sflag:s28] =	ssyncadd.s32 $0xFFFFF000  }
0xf1: {  	_ =	swait.ge [sflag:s3], $0x1000  }
0xf2: {  	[sflag:s3] =	ssyncset.done $0x0  }
0xf3: {  	s11 =	simm.s32 $0x4F80;
	[sflag:s3] =	ssyncadd.s32 $0xFFFFF000  }
0xf4: {  	[spmem:s2] =	stream.indirect.scatter.add.bf16 [tilespmem:s21], [sflag:$0x10], $0x20, s11, s14, $0xb8;
	[tilespmem:$0x12000] =	vst v63  }
0xf5: {  	_ =	swait.ge [sflag:s5], $0x1000  }
0xf6: {  	[sflag:s5] =	ssyncset.done $0x0  }
0xf7: {  	[sflag:s5] =	ssyncadd.s32 $0xFFFFF000  }
0xf8: {  	_ =	swait.ge [sflag:s7], $0x1000  }
0xf9: {  	[sflag:s7] =	ssyncset.done $0x0  }
0xfa: {  	[sflag:s7] =	ssyncadd.s32 $0xFFFFF000  }
0xfb: {  	_ =	swait.ge [sflag:s8], $0x1000  }
0xfc: {  	[sflag:s8] =	ssyncset.done $0x0  }
0xfd: {  	[sflag:s8] =	ssyncadd.s32 $0xFFFFF000  }
0xfe: {  	_ =	swait.ge [sflag:s9], $0x1000  }
0xff: {  	[sflag:s9] =	ssyncset.done $0x0  }
0x100: {  	[sflag:s9] =	ssyncadd.s32 $0xFFFFF000  }
0x101: {  	_ =	swait.ge [sflag:s10], $0x1000  }
0x102: {  	[sflag:s10] =	ssyncset.done $0x0  }
0x103: {  	[sflag:s10] =	ssyncadd.s32 $0xFFFFF000  }
0x104: {  	s12 =	stileid.u32;
	[bflag:$0x0] =	sbarrier.arrive $0xFFFF  }
0x105: {  	s6 =	sshll.u32 s12, $0x6;
	s11 =	rddreg [dreg:$0x5]  }
0x106: {  	s6 =	sor.u32 $0x1C11, s6;
	s12 =	rddreg [dreg:$0xa];
	s11 =	sshrl.u32 s11, $0x3  }
0x107: {  	[hbm:s12], [sflag:s6] =	dma.local [spmem:s11], $0xA00  }
0x108: {  	_ =	swait.ge [sflag:s13], $0xA00  }
0x109: {  	s6 =	rddreg [dreg:$0xc]  }
0x10a: {  	s12 =	rddreg [dreg:$0xb];
	s11 =	sadd.s32 $0x1, s6  }
0x10b: {  	p0 =	sne.s32 s11, s12  }
.Ltmp2:
0x10c: {  	_ = 	snop;
	(pc) =	sbr.rel @p0 .LBB2_1-.Ltmp2, $3  }
0x10d: {  	_ =	sdelay $0x1  }
0x10e: {  	[sflag:s13] =	ssyncset.done $0x0  }
0x10f: {  	[sflag:s13] =	ssyncadd.s32 $0xFFFFF600  }
0x110: {  	_ =	sfence.sel $0x180000  }
0x111: {  	[bflag:$0x0] =	sbarrier.arrive $0xFFFF  }
0x112: {  	_ =	strace $0x90000047  }
0x113: {  	s0 =	stileid.u32;
	[bflag:$0x2] =	sbarrier.arrive $0xFFFF  }
0x114: {  	p0 =	sne.s32 s0, $0x0;
	s0 =	rddreg [dreg:$0x3]  }
0x115: {  	s0 =	sadd.s32 @!p0 $0x100000, s0  }
0x116: {  	[sflag:s0] =	ssyncadd.tile.s32 @!p0 $0x1;
	_ =	shalt  }
.Lfunc_end2:
_tile_overlayer_lowered:
.L_overlay_start_2:
0x117: {  	(tag) =	ssettag $0x2  }
0x118: {  	s0 =	rddreg [dreg:$0x0];
	s2 =	stileid.u32  }
0x119: {  	s1 =	rddreg [dreg:$0x1];
	p0 =	sne.s32 s2, $0x0  }
0x11a: {  	s3 =	rddreg [dreg:$0x2];
	[bflag:$0x3] =	sbarrier.arrive $0xFFFF;
	s2 =	simm.s32 @!p0 $0x1C11  }
0x11b: {  	[timem:s3], [sflag:s2] =	dma.local @!p0 [hbm:s0], s1  }
0x11c: {  	s0 =	simm.s32 @!p0 $0x11  }
0x11d: {  	_ =	swait.ge @!p0 [sflag:s0], s1  }
0x11e: {  	s1 =	ssub.s32 @!p0 $0x0, s1;
	[sflag:s0] =	ssyncset.done @!p0 $0x0  }
0x11f: {  	[sflag:s0] =	ssyncadd.s32 @!p0 s1  }
0x120: {  	[bflag:$0x3] =	sbarrier.arrive $0xFFFF  }
0x121: {  	_ =	shalt  }

</sc_bundles>
